<compile_context>
chip_gen: v7x
topology: tpu7x:2x2x1
jax: 0.10.2.dev20260603
libtpu: 0.0.44.dev20260713+nightly
codegen_flags: <defaults>
</compile_context>

<pallas_src>
import jax
import jax.numpy as jnp
from jax import lax
from jax.experimental import pallas as pl
from jax.experimental.pallas import tpu as pltpu
from jax.experimental.pallas import tpu_sc as plsc

B = 64
N = 32768
D = 8
KTOP = 3
NC, NS, L = 2, 16, 16
NW = NC * NS
SC_B = 32
TC_B = B - SC_B
ROW = N * D
RUN = 128
GROUP = RUN * D
CHUNK = 16384
GROUPS_PER_CHUNK = CHUNK // GROUP
NCHUNK = ROW // CHUNK
PAIRS = NCHUNK // 2
NBLK = N // RUN


def _insert3(m1, m2, m3, v):
    t1 = jnp.minimum(m1, v)
    m1 = jnp.maximum(m1, v)
    t2 = jnp.minimum(m2, t1)
    m2 = jnp.maximum(m2, t1)
    m3 = jnp.maximum(m3, t2)
    return m1, m2, m3


def _merge_triples(m1, m2, m3, h1, h2, h3):
    t1 = jnp.minimum(m1, h1)
    m1 = jnp.maximum(m1, h1)
    t2 = jnp.minimum(m2, t1)
    m2 = jnp.maximum(m2, t1)
    m3 = jnp.maximum(m3, t2)
    t = jnp.minimum(m2, h2)
    m2 = jnp.maximum(m2, h2)
    m3 = jnp.maximum(m3, jnp.maximum(t, h3))
    return m1, m2, m3


def _bf16_rne(x):
    u = lax.bitcast_convert_type(x, jnp.int32)
    lsb = jnp.bitwise_and(jnp.right_shift(u, 16), 1)
    r = jnp.bitwise_and(u + 32767 + lsb, jnp.int32(-65536))
    return lax.bitcast_convert_type(r, jnp.float32)


def _worker_id():
    return lax.axis_index("s") * NC + lax.axis_index("c")



def _sc_body(x_hbm, coef_hbm, out_hbm, buf_a, buf_b, coef_v, out_v,
             sem_a, sem_b, sem_c):
    wid = _worker_id()
    base = wid * ROW

    pltpu.async_copy(coef_hbm, coef_v, sem_c).wait()

    def dma_start(ci, buf, sem):
        pltpu.make_async_copy(
            x_hbm.at[pl.ds(base + ci * CHUNK, CHUNK)], buf, sem).start()

    def dma_wait(buf, sem):
        pltpu.make_async_copy(
            x_hbm.at[pl.ds(0, CHUNK)], buf, sem).wait()

    dma_start(0, buf_a, sem_a)
    dma_start(1, buf_b, sem_b)

    neg_inf = jnp.full((L,), -jnp.inf, dtype=jnp.float32)
    acc0 = tuple(neg_inf for _ in range(3 * D))

    def process(buf, acc):
        def gbody(i, acc):
            accl = list(acc)
            off = i * GROUP
            for c in range(D):
                m1, m2, m3 = accl[3 * c], accl[3 * c + 1], accl[3 * c + 2]
                for u in range(RUN // L):
                    v = buf[pl.ds(off + c * RUN + u * L, L)]
                    m1, m2, m3 = _insert3(m1, m2, m3, v)
                accl[3 * c], accl[3 * c + 1], accl[3 * c + 2] = m1, m2, m3
            return tuple(accl)
        return lax.fori_loop(0, GROUPS_PER_CHUNK, gbody, acc)

    def pair_body(p, acc):
        ci = p * 2
        dma_wait(buf_a, sem_a)
        acc = process(buf_a, acc)

        @pl.when(ci + 2 < NCHUNK)
        def _():
            dma_start(ci + 2, buf_a, sem_a)

        dma_wait(buf_b, sem_b)
        acc = process(buf_b, acc)

        @pl.when(ci + 3 < NCHUNK)
        def _():
            dma_start(ci + 3, buf_b, sem_b)

        return acc

    acc = lax.fori_loop(0, PAIRS, pair_body, acc0)

    lanes = lax.iota(jnp.int32, L)

    def top3_all_lanes(m1, m2, m3):
        for sh in (8, 4, 2, 1):
            idx = jnp.bitwise_xor(lanes, sh)
            h1 = jnp.take_along_axis(m1, idx, axis=0)
            h2 = jnp.take_along_axis(m2, idx, axis=0)
            h3 = jnp.take_along_axis(m3, idx, axis=0)
            m1, m2, m3 = _merge_triples(m1, m2, m3, h1, h2, h3)
        return m1, m2, m3

    zero = jnp.zeros((L,), jnp.float32)
    M1 = M2 = M3 = zero
    for c in range(D):
        m1, m2, m3 = top3_all_lanes(acc[3 * c], acc[3 * c + 1],
                                    acc[3 * c + 2])
        sel = lanes == c
        M1 = jnp.where(sel, m1, M1)
        M2 = jnp.where(sel, m2, M2)
        M3 = jnp.where(sel, m3, M3)

    Fm = ((M1 + M2) + M3) / 3.0
    s = _bf16_rne(M1) * _bf16_rne(coef_v[0]) + \
        _bf16_rne(M2) * _bf16_rne(coef_v[1]) + \
        _bf16_rne(M3) * _bf16_rne(coef_v[2]) + \
        _bf16_rne(Fm) * _bf16_rne(coef_v[3])
    for sh in (4, 2, 1):
        s = s + jnp.take_along_axis(s, jnp.bitwise_xor(lanes, sh), axis=0)

    ov = jnp.where(lanes == 0, s, zero) + coef_v[4]
    out_v[:] = ov
    pltpu.async_copy(out_v, out_hbm.at[wid], sem_c).wait()


def _launch_sc(x_flat, coef):
    mesh = plsc.VectorSubcoreMesh(core_axis_name="c", subcore_axis_name="s",
                                  num_cores=NC, num_subcores=NS)
    return pl.kernel(
        _sc_body,
        out_type=jax.ShapeDtypeStruct((NW, L), jnp.float32),
        mesh=mesh,
        scratch_types=[
            pltpu.VMEM((CHUNK,), jnp.float32),
            pltpu.VMEM((CHUNK,), jnp.float32),
            pltpu.VMEM((5, L), jnp.float32),
            pltpu.VMEM((L,), jnp.float32),
            pltpu.SemaphoreType.DMA,
            pltpu.SemaphoreType.DMA,
            pltpu.SemaphoreType.DMA,
        ],
    )(x_flat, coef)



def _tc_body(xv_ref, coef_ref, out_ref):
    TUF = 8
    neg_inf = jnp.full((TUF, D, RUN), -jnp.inf, dtype=jnp.float32)

    def tbody(t, carry):
        return _insert3(*carry, xv_ref[0, pl.ds(t * TUF, TUF)])

    m1, m2, m3 = lax.fori_loop(0, NBLK // TUF, tbody,
                               (neg_inf, neg_inf, neg_inf))

    trips = [(m1[j], m2[j], m3[j]) for j in range(TUF)]
    while len(trips) > 1:
        trips = [_merge_triples(*a, *b)
                 for a, b in zip(trips[::2], trips[1::2])]
    m1, m2, m3 = trips[0]

    for sh in (64, 32, 16, 8, 4, 2, 1):
        h1 = pltpu.roll(m1, sh, 1)
        h2 = pltpu.roll(m2, sh, 1)
        h3 = pltpu.roll(m3, sh, 1)
        m1, m2, m3 = _merge_triples(m1, m2, m3, h1, h2, h3)

    t1 = m1[:, 0:1]
    t2 = m2[:, 0:1]
    t3 = m3[:, 0:1]
    mean = ((t1 + t2) + t3) / 3.0

    s8 = _bf16_rne(t1) * _bf16_rne(coef_ref[:, 0:1]) + \
         _bf16_rne(t2) * _bf16_rne(coef_ref[:, 1:2]) + \
         _bf16_rne(t3) * _bf16_rne(coef_ref[:, 2:3]) + \
         _bf16_rne(mean) * _bf16_rne(coef_ref[:, 3:4])
    out_ref[0, 0, :] = jnp.full((RUN,), jnp.sum(s8) + coef_ref[0, 4],
                                jnp.float32)


def _launch_tc(xv4, coef_tc):
    return pl.pallas_call(
        _tc_body,
        grid=(TC_B,),
        in_specs=[
            pl.BlockSpec((1, NBLK, D, RUN), lambda i: (i + SC_B, 0, 0, 0)),
            pl.BlockSpec((D, 5), lambda i: (0, 0)),
        ],
        out_specs=pl.BlockSpec((1, 1, RUN), lambda i: (i, 0, 0)),
        out_shape=jax.ShapeDtypeStruct((TC_B, 1, RUN), jnp.float32),
    )(xv4, coef_tc)



def _view4(x):
    return x.reshape(B, NBLK, RUN, D).transpose(0, 1, 3, 2)


def _make_coefs(W, b):
    Wt = W.reshape(D, KTOP + 1)
    w_pad = jnp.concatenate([Wt, jnp.zeros_like(Wt)], axis=0)
    coef_sc = jnp.concatenate(
        [w_pad.T, jnp.full((1, L), b[0], jnp.float32)], axis=0)
    coef_tc = jnp.concatenate(
        [Wt, jnp.full((D, 1), b[0], jnp.float32)], axis=1)
    return coef_sc, coef_tc


@jax.jit
def _run(x, W, b):
    xv4 = _view4(x)
    coef_sc, coef_tc = _make_coefs(W, b)
    out_sc = _launch_sc(xv4.reshape(-1), coef_sc)
    out_tc = _launch_tc(xv4, coef_tc)
    return jnp.concatenate([out_sc[:, 0], out_tc[:, 0, 0]]).reshape(B, 1)


def kernel(x, W, b):
    return _run(x, W, b)

# --- scband reference (transcript-rebuilt; emitter-appended) ---
"""Pipeline reference for scband-probe-12790412607932 (READ-ONLY COPY).

The authoritative reference and input builder live on the scoring server;
editing this copy changes nothing except your own understanding.
"""

import jax, jax.numpy as jnp
import numpy as np

INPUT_DIM = 8
K = 3

def setup_inputs(seed: int = 0) -> dict:
    key = jax.random.key(seed)
    k1, k2, k3 = jax.random.split(key, 3)
    x = jax.random.normal(k1, (64, 32768, INPUT_DIM), dtype=jnp.float32)
    # nn.Linear(input_dim*(k+1), 1): weight [1, 32], bias [1]
    fan_in = INPUT_DIM * (K + 1)
    bound = 1.0 / np.sqrt(fan_in)
    W = jax.random.uniform(k2, (1, fan_in), dtype=jnp.float32, minval=-bound, maxval=bound)
    b = jax.random.uniform(k3, (1,), dtype=jnp.float32, minval=-bound, maxval=bound)
    return {"x": x, "W": W, "b": b}

def reference(x, W, b):
    B, N, D = x.shape
    kk = min(K, N)
    features = []
    for i in range(INPUT_DIM):
        feat = x[:, :, i]                      # [B, N]
        topk_vals = jax.lax.top_k(feat, kk)[0]  # [B, kk], sorted descending like torch.topk
        for j in range(kk):
            features.append(topk_vals[:, j])
        for _ in range(K - kk):
            features.append(jnp.zeros_like(topk_vals[:, 0]))
        features.append(topk_vals.mean(axis=1))
    feature_vec = jnp.stack(features, axis=1)   # [B, INPUT_DIM*(K+1)]
    return feature_vec @ W.T + b

if __name__ == "__main__":
    import jax
    _d = setup_inputs()
    print(jax.jit(kernel)(*tuple(_d.values())))

</pallas_src>

<mosaic_0001>
#map = affine_map<(d0, d1) -> (0)>
#map1 = affine_map<(d0, d1) -> (0, 0)>
module attributes {stable_mosaic.version = 14 : i64} {
  func.func @_sc_body(%arg0: i32, %arg1: i32, %arg2: memref<16777216xf32, #tpu.memory_space<hbm>>, %arg3: memref<5x16xf32, #tpu.memory_space<hbm>>, %arg4: memref<32x16xf32, #tpu.memory_space<hbm>>, %arg5: memref<16384xf32, #tpu.memory_space<vmem>>, %arg6: memref<16384xf32, #tpu.memory_space<vmem>>, %arg7: memref<5x16xf32, #tpu.memory_space<vmem>>, %arg8: memref<16xf32, #tpu.memory_space<vmem>>, %arg9: memref<!tpu.dma_semaphore, #tpu.memory_space<semaphore_mem>>, %arg10: memref<!tpu.dma_semaphore, #tpu.memory_space<semaphore_mem>>, %arg11: memref<!tpu.dma_semaphore, #tpu.memory_space<semaphore_mem>>) attributes {dimension_semantics = [#tpu.dimension_semantics<core_parallel>, #tpu.dimension_semantics<subcore_parallel>], iteration_bounds = array<i64: 2, 16>, scalar_prefetch = 0 : i64, scratch_operands = 7 : i64, tpu.core_type = #tpu.core_type<sc_vector_subcore>, window_params = [{transform_indices = #map}, {transform_indices = #map1}, {transform_indices = #map1}]} {
    %mul3A = arith.constant 2 : i32
    %mul3A_0 = arith.muli %arg1, %mul3A : i32
    %add3A = arith.addi %mul3A_0, %arg0 : i32
    %mul3A_1 = arith.constant 262144 : i32
    %mul3A_2 = arith.muli %add3A, %mul3A_1 : i32
    tpu.enqueue_dma source(%arg3 : memref<5x16xf32, #tpu.memory_space<hbm>>) target(%arg7 : memref<5x16xf32, #tpu.memory_space<vmem>>) target_semaphore(%arg11 : memref<!tpu.dma_semaphore, #tpu.memory_space<semaphore_mem>>)
    tpu.wait_dma2 semaphore(%arg11 : memref<!tpu.dma_semaphore, #tpu.memory_space<semaphore_mem>>) src(%arg3 : memref<5x16xf32, #tpu.memory_space<hbm>>) dst(%arg7 : memref<5x16xf32, #tpu.memory_space<vmem>>)
    %add3A_3 = arith.constant 0 : i32
    %add3A_4 = arith.addi %mul3A_2, %add3A_3 : i32
    %dma_start3A = tpu.memref_slice %arg2[%add3A_4] : memref<16777216xf32, #tpu.memory_space<hbm>> -> memref<16384xf32, #tpu.memory_space<hbm>>
    %dma_start3A_5 = tpu.memref_slice %arg2[%add3A_4] : memref<16777216xf32, #tpu.memory_space<hbm>> -> memref<16384xf32, #tpu.memory_space<hbm>>
    tpu.enqueue_dma source(%dma_start3A_5 : memref<16384xf32, #tpu.memory_space<hbm>>) target(%arg5 : memref<16384xf32, #tpu.memory_space<vmem>>) target_semaphore(%arg9 : memref<!tpu.dma_semaphore, #tpu.memory_space<semaphore_mem>>)
    %add3A_6 = arith.constant 16384 : i32
    %add3A_7 = arith.addi %mul3A_2, %add3A_6 : i32
    %dma_start3A_8 = tpu.memref_slice %arg2[%add3A_7] : memref<16777216xf32, #tpu.memory_space<hbm>> -> memref<16384xf32, #tpu.memory_space<hbm>>
    %dma_start3A_9 = tpu.memref_slice %arg2[%add3A_7] : memref<16777216xf32, #tpu.memory_space<hbm>> -> memref<16384xf32, #tpu.memory_space<hbm>>
    tpu.enqueue_dma source(%dma_start3A_9 : memref<16384xf32, #tpu.memory_space<hbm>>) target(%arg6 : memref<16384xf32, #tpu.memory_space<vmem>>) target_semaphore(%arg10 : memref<!tpu.dma_semaphore, #tpu.memory_space<semaphore_mem>>)
    %broadcast_in_dim3A = arith.constant 0xFF800000 : f32
    %broadcast_in_dim3A_10 = vector.broadcast %broadcast_in_dim3A : f32 to vector<16xf32>
    %scan3A = arith.constant 0 : i32
    %scan3A_11 = arith.constant 8 : i32
    %scan3A_12 = arith.addi %scan3A, %scan3A_11 : i32
    %scan3A_13 = arith.constant 1 : i32
    %scan3A_14:24 = scf.for %scan3A_1615 = %scan3A to %scan3A_12 step %scan3A_13 iter_args(%scan3A_1616 = %broadcast_in_dim3A_10, %scan3A_1617 = %broadcast_in_dim3A_10, %scan3A_1618 = %broadcast_in_dim3A_10, %scan3A_1619 = %broadcast_in_dim3A_10, %scan3A_1620 = %broadcast_in_dim3A_10, %scan3A_1621 = %broadcast_in_dim3A_10, %scan3A_1622 = %broadcast_in_dim3A_10, %scan3A_1623 = %broadcast_in_dim3A_10, %scan3A_1624 = %broadcast_in_dim3A_10, %scan3A_1625 = %broadcast_in_dim3A_10, %scan3A_1626 = %broadcast_in_dim3A_10, %scan3A_1627 = %broadcast_in_dim3A_10, %scan3A_1628 = %broadcast_in_dim3A_10, %scan3A_1629 = %broadcast_in_dim3A_10, %scan3A_1630 = %broadcast_in_dim3A_10, %scan3A_1631 = %broadcast_in_dim3A_10, %scan3A_1632 = %broadcast_in_dim3A_10, %scan3A_1633 = %broadcast_in_dim3A_10, %scan3A_1634 = %broadcast_in_dim3A_10, %scan3A_1635 = %broadcast_in_dim3A_10, %scan3A_1636 = %broadcast_in_dim3A_10, %scan3A_1637 = %broadcast_in_dim3A_10, %scan3A_1638 = %broadcast_in_dim3A_10, %scan3A_1639 = %broadcast_in_dim3A_10) -> (vector<16xf32>, vector<16xf32>, vector<16xf32>, vector<16xf32>, vector<16xf32>, vector<16xf32>, vector<16xf32>, vector<16xf32>, vector<16xf32>, vector<16xf32>, vector<16xf32>, vector<16xf32>, vector<16xf32>, vector<16xf32>, vector<16xf32>, vector<16xf32>, vector<16xf32>, vector<16xf32>, vector<16xf32>, vector<16xf32>, vector<16xf32>, vector<16xf32>, vector<16xf32>, vector<16xf32>)  : i32 {
      %mul3A_1640 = arith.constant 2 : i32
      %mul3A_1641 = arith.muli %scan3A_1615, %mul3A_1640 : i32
      %dma_wait3A_1642 = arith.constant 0 : i32
      %dma_wait3A_1643 = tpu.memref_slice %arg2[%dma_wait3A_1642] : memref<16777216xf32, #tpu.memory_space<hbm>> -> memref<16384xf32, #tpu.memory_space<hbm>>
      %dma_wait3A_1644 = arith.constant 0 : i32
      %dma_wait3A_1645 = tpu.memref_slice %arg2[%dma_wait3A_1644] : memref<16777216xf32, #tpu.memory_space<hbm>> -> memref<16384xf32, #tpu.memory_space<hbm>>
      tpu.wait_dma2 semaphore(%arg9 : memref<!tpu.dma_semaphore, #tpu.memory_space<semaphore_mem>>) src(%dma_wait3A_1645 : memref<16384xf32, #tpu.memory_space<hbm>>) dst(%arg5 : memref<16384xf32, #tpu.memory_space<vmem>>)
      %scan3A_1646 = arith.constant 0 : i32
      %scan3A_1647 = arith.constant 16 : i32
      %scan3A_1648 = arith.addi %scan3A_1646, %scan3A_1647 : i32
      %scan3A_1649 = arith.constant 1 : i32
      %scan3A_1650:24 = scf.for %scan3A_1674 = %scan3A_1646 to %scan3A_1648 step %scan3A_1649 iter_args(%scan3A_1675 = %scan3A_1616, %scan3A_1676 = %scan3A_1617, %scan3A_1677 = %scan3A_1618, %scan3A_1678 = %scan3A_1619, %scan3A_1679 = %scan3A_1620, %scan3A_1680 = %scan3A_1621, %scan3A_1681 = %scan3A_1622, %scan3A_1682 = %scan3A_1623, %scan3A_1683 = %scan3A_1624, %scan3A_1684 = %scan3A_1625, %scan3A_1685 = %scan3A_1626, %scan3A_1686 = %scan3A_1627, %scan3A_1687 = %scan3A_1628, %scan3A_1688 = %scan3A_1629, %scan3A_1689 = %scan3A_1630, %scan3A_1690 = %scan3A_1631, %scan3A_1691 = %scan3A_1632, %scan3A_1692 = %scan3A_1633, %scan3A_1693 = %scan3A_1634, %scan3A_1694 = %scan3A_1635, %scan3A_1695 = %scan3A_1636, %scan3A_1696 = %scan3A_1637, %scan3A_1697 = %scan3A_1638, %scan3A_1698 = %scan3A_1639) -> (vector<16xf32>, vector<16xf32>, vector<16xf32>, vector<16xf32>, vector<16xf32>, vector<16xf32>, vector<16xf32>, vector<16xf32>, vector<16xf32>, vector<16xf32>, vector<16xf32>, vector<16xf32>, vector<16xf32>, vector<16xf32>, vector<16xf32>, vector<16xf32>, vector<16xf32>, vector<16xf32>, vector<16xf32>, vector<16xf32>, vector<16xf32>, vector<16xf32>, vector<16xf32>, vector<16xf32>)  : i32 {
        %mul3A_1699 = arith.constant 1024 : i32
        %mul3A_1700 = arith.muli %scan3A_1674, %mul3A_1699 : i32
        %add3A_1701 = arith.constant 0 : i32
        %add3A_1702 = arith.addi %mul3A_1700, %add3A_1701 : i32
        %add3A_1703 = arith.constant 0 : i32
        %add3A_1704 = arith.addi %add3A_1702, %add3A_1703 : i32
        %get3A_1705 = arith.index_cast %add3A_1704 : i32 to index
        %get3A_1706 = tpu.vector_load %arg5[%get3A_1705] {strides = array<i32>} : memref<16384xf32, #tpu.memory_space<vmem>>, vector<16xf32>,
        %get3A_1707 = vector.shape_cast %get3A_1706 : vector<16xf32> to vector<16xf32>
        %min3A_1708 = arith.minimumf %scan3A_1675, %get3A_1707 : vector<16xf32>
        %max3A_1709 = arith.maximumf %scan3A_1675, %get3A_1707 : vector<16xf32>
        %min3A_1710 = arith.minimumf %scan3A_1676, %min3A_1708 : vector<16xf32>
        %max3A_1711 = arith.maximumf %scan3A_1676, %min3A_1708 : vector<16xf32>
        %max3A_1712 = arith.maximumf %scan3A_1677, %min3A_1710 : vector<16xf32>
        %add3A_1713 = arith.constant 0 : i32
        %add3A_1714 = arith.addi %mul3A_1700, %add3A_1713 : i32
        %add3A_1715 = arith.constant 16 : i32
        %add3A_1716 = arith.addi %add3A_1714, %add3A_1715 : i32
        %get3A_1717 = arith.index_cast %add3A_1716 : i32 to index
        %get3A_1718 = tpu.vector_load %arg5[%get3A_1717] {strides = array<i32>} : memref<16384xf32, #tpu.memory_space<vmem>>, vector<16xf32>,
        %get3A_1719 = vector.shape_cast %get3A_1718 : vector<16xf32> to vector<16xf32>
        %min3A_1720 = arith.minimumf %max3A_1709, %get3A_1719 : vector<16xf32>
        %max3A_1721 = arith.maximumf %max3A_1709, %get3A_1719 : vector<16xf32>
        %min3A_1722 = arith.minimumf %max3A_1711, %min3A_1720 : vector<16xf32>
        %max3A_1723 = arith.maximumf %max3A_1711, %min3A_1720 : vector<16xf32>
        %max3A_1724 = arith.maximumf %max3A_1712, %min3A_1722 : vector<16xf32>
        %add3A_1725 = arith.constant 0 : i32
        %add3A_1726 = arith.addi %mul3A_1700, %add3A_1725 : i32
        %add3A_1727 = arith.constant 32 : i32
        %add3A_1728 = arith.addi %add3A_1726, %add3A_1727 : i32
        %get3A_1729 = arith.index_cast %add3A_1728 : i32 to index
        %get3A_1730 = tpu.vector_load %arg5[%get3A_1729] {strides = array<i32>} : memref<16384xf32, #tpu.memory_space<vmem>>, vector<16xf32>,
        %get3A_1731 = vector.shape_cast %get3A_1730 : vector<16xf32> to vector<16xf32>
        %min3A_1732 = arith.minimumf %max3A_1721, %get3A_1731 : vector<16xf32>
        %max3A_1733 = arith.maximumf %max3A_1721, %get3A_1731 : vector<16xf32>
        %min3A_1734 = arith.minimumf %max3A_1723, %min3A_1732 : vector<16xf32>
        %max3A_1735 = arith.maximumf %max3A_1723, %min3A_1732 : vector<16xf32>
        %max3A_1736 = arith.maximumf %max3A_1724, %min3A_1734 : vector<16xf32>
        %add3A_1737 = arith.constant 0 : i32
        %add3A_1738 = arith.addi %mul3A_1700, %add3A_1737 : i32
        %add3A_1739 = arith.constant 48 : i32
        %add3A_1740 = arith.addi %add3A_1738, %add3A_1739 : i32
        %get3A_1741 = arith.index_cast %add3A_1740 : i32 to index
        %get3A_1742 = tpu.vector_load %arg5[%get3A_1741] {strides = array<i32>} : memref<16384xf32, #tpu.memory_space<vmem>>, vector<16xf32>,
        %get3A_1743 = vector.shape_cast %get3A_1742 : vector<16xf32> to vector<16xf32>
        %min3A_1744 = arith.minimumf %max3A_1733, %get3A_1743 : vector<16xf32>
        %max3A_1745 = arith.maximumf %max3A_1733, %get3A_1743 : vector<16xf32>
        %min3A_1746 = arith.minimumf %max3A_1735, %min3A_1744 : vector<16xf32>
        %max3A_1747 = arith.maximumf %max3A_1735, %min3A_1744 : vector<16xf32>
        %max3A_1748 = arith.maximumf %max3A_1736, %min3A_1746 : vector<16xf32>
        %add3A_1749 = arith.constant 0 : i32
        %add3A_1750 = arith.addi %mul3A_1700, %add3A_1749 : i32
        %add3A_1751 = arith.constant 64 : i32
        %add3A_1752 = arith.addi %add3A_1750, %add3A_1751 : i32
        %get3A_1753 = arith.index_cast %add3A_1752 : i32 to index
        %get3A_1754 = tpu.vector_load %arg5[%get3A_1753] {strides = array<i32>} : memref<16384xf32, #tpu.memory_space<vmem>>, vector<16xf32>,
        %get3A_1755 = vector.shape_cast %get3A_1754 : vector<16xf32> to vector<16xf32>
        %min3A_1756 = arith.minimumf %max3A_1745, %get3A_1755 : vector<16xf32>
        %max3A_1757 = arith.maximumf %max3A_1745, %get3A_1755 : vector<16xf32>
        %min3A_1758 = arith.minimumf %max3A_1747, %min3A_1756 : vector<16xf32>
        %max3A_1759 = arith.maximumf %max3A_1747, %min3A_1756 : vector<16xf32>
        %max3A_1760 = arith.maximumf %max3A_1748, %min3A_1758 : vector<16xf32>
        %add3A_1761 = arith.constant 0 : i32
        %add3A_1762 = arith.addi %mul3A_1700, %add3A_1761 : i32
        %add3A_1763 = arith.constant 80 : i32
        %add3A_1764 = arith.addi %add3A_1762, %add3A_1763 : i32
        %get3A_1765 = arith.index_cast %add3A_1764 : i32 to index
        %get3A_1766 = tpu.vector_load %arg5[%get3A_1765] {strides = array<i32>} : memref<16384xf32, #tpu.memory_space<vmem>>, vector<16xf32>,
        %get3A_1767 = vector.shape_cast %get3A_1766 : vector<16xf32> to vector<16xf32>
        %min3A_1768 = arith.minimumf %max3A_1757, %get3A_1767 : vector<16xf32>
        %max3A_1769 = arith.maximumf %max3A_1757, %get3A_1767 : vector<16xf32>
        %min3A_1770 = arith.minimumf %max3A_1759, %min3A_1768 : vector<16xf32>
        %max3A_1771 = arith.maximumf %max3A_1759, %min3A_1768 : vector<16xf32>
        %max3A_1772 = arith.maximumf %max3A_1760, %min3A_1770 : vector<16xf32>
        %add3A_1773 = arith.constant 0 : i32
        %add3A_1774 = arith.addi %mul3A_1700, %add3A_1773 : i32
        %add3A_1775 = arith.constant 96 : i32
        %add3A_1776 = arith.addi %add3A_1774, %add3A_1775 : i32
        %get3A_1777 = arith.index_cast %add3A_1776 : i32 to index
        %get3A_1778 = tpu.vector_load %arg5[%get3A_1777] {strides = array<i32>} : memref<16384xf32, #tpu.memory_space<vmem>>, vector<16xf32>,
        %get3A_1779 = vector.shape_cast %get3A_1778 : vector<16xf32> to vector<16xf32>
        %min3A_1780 = arith.minimumf %max3A_1769, %get3A_1779 : vector<16xf32>
        %max3A_1781 = arith.maximumf %max3A_1769, %get3A_1779 : vector<16xf32>
        %min3A_1782 = arith.minimumf %max3A_1771, %min3A_1780 : vector<16xf32>
        %max3A_1783 = arith.maximumf %max3A_1771, %min3A_1780 : vector<16xf32>
        %max3A_1784 = arith.maximumf %max3A_1772, %min3A_1782 : vector<16xf32>
        %add3A_1785 = arith.constant 0 : i32
        %add3A_1786 = arith.addi %mul3A_1700, %add3A_1785 : i32
        %add3A_1787 = arith.constant 112 : i32
        %add3A_1788 = arith.addi %add3A_1786, %add3A_1787 : i32
        %get3A_1789 = arith.index_cast %add3A_1788 : i32 to index
        %get3A_1790 = tpu.vector_load %arg5[%get3A_1789] {strides = array<i32>} : memref<16384xf32, #tpu.memory_space<vmem>>, vector<16xf32>,
        %get3A_1791 = vector.shape_cast %get3A_1790 : vector<16xf32> to vector<16xf32>
        %min3A_1792 = arith.minimumf %max3A_1781, %get3A_1791 : vector<16xf32>
        %max3A_1793 = arith.maximumf %max3A_1781, %get3A_1791 : vector<16xf32>
        %min3A_1794 = arith.minimumf %max3A_1783, %min3A_1792 : vector<16xf32>
        %max3A_1795 = arith.maximumf %max3A_1783, %min3A_1792 : vector<16xf32>
        %max3A_1796 = arith.maximumf %max3A_1784, %min3A_1794 : vector<16xf32>
        %add3A_1797 = arith.constant 128 : i32
        %add3A_1798 = arith.addi %mul3A_1700, %add3A_1797 : i32
        %add3A_1799 = arith.constant 0 : i32
        %add3A_1800 = arith.addi %add3A_1798, %add3A_1799 : i32
        %get3A_1801 = arith.index_cast %add3A_1800 : i32 to index
        %get3A_1802 = tpu.vector_load %arg5[%get3A_1801] {strides = array<i32>} : memref<16384xf32, #tpu.memory_space<vmem>>, vector<16xf32>,
        %get3A_1803 = vector.shape_cast %get3A_1802 : vector<16xf32> to vector<16xf32>
        %min3A_1804 = arith.minimumf %scan3A_1678, %get3A_1803 : vector<16xf32>
        %max3A_1805 = arith.maximumf %scan3A_1678, %get3A_1803 : vector<16xf32>
        %min3A_1806 = arith.minimumf %scan3A_1679, %min3A_1804 : vector<16xf32>
        %max3A_1807 = arith.maximumf %scan3A_1679, %min3A_1804 : vector<16xf32>
        %max3A_1808 = arith.maximumf %scan3A_1680, %min3A_1806 : vector<16xf32>
        %add3A_1809 = arith.constant 128 : i32
        %add3A_1810 = arith.addi %mul3A_1700, %add3A_1809 : i32
        %add3A_1811 = arith.constant 16 : i32
        %add3A_1812 = arith.addi %add3A_1810, %add3A_1811 : i32
        %get3A_1813 = arith.index_cast %add3A_1812 : i32 to index
        %get3A_1814 = tpu.vector_load %arg5[%get3A_1813] {strides = array<i32>} : memref<16384xf32, #tpu.memory_space<vmem>>, vector<16xf32>,
        %get3A_1815 = vector.shape_cast %get3A_1814 : vector<16xf32> to vector<16xf32>
        %min3A_1816 = arith.minimumf %max3A_1805, %get3A_1815 : vector<16xf32>
        %max3A_1817 = arith.maximumf %max3A_1805, %get3A_1815 : vector<16xf32>
        %min3A_1818 = arith.minimumf %max3A_1807, %min3A_1816 : vector<16xf32>
        %max3A_1819 = arith.maximumf %max3A_1807, %min3A_1816 : vector<16xf32>
        %max3A_1820 = arith.maximumf %max3A_1808, %min3A_1818 : vector<16xf32>
        %add3A_1821 = arith.constant 128 : i32
        %add3A_1822 = arith.addi %mul3A_1700, %add3A_1821 : i32
        %add3A_1823 = arith.constant 32 : i32
        %add3A_1824 = arith.addi %add3A_1822, %add3A_1823 : i32
        %get3A_1825 = arith.index_cast %add3A_1824 : i32 to index
        %get3A_1826 = tpu.vector_load %arg5[%get3A_1825] {strides = array<i32>} : memref<16384xf32, #tpu.memory_space<vmem>>, vector<16xf32>,
        %get3A_1827 = vector.shape_cast %get3A_1826 : vector<16xf32> to vector<16xf32>
        %min3A_1828 = arith.minimumf %max3A_1817, %get3A_1827 : vector<16xf32>
        %max3A_1829 = arith.maximumf %max3A_1817, %get3A_1827 : vector<16xf32>
        %min3A_1830 = arith.minimumf %max3A_1819, %min3A_1828 : vector<16xf32>
        %max3A_1831 = arith.maximumf %max3A_1819, %min3A_1828 : vector<16xf32>
        %max3A_1832 = arith.maximumf %max3A_1820, %min3A_1830 : vector<16xf32>
        %add3A_1833 = arith.constant 128 : i32
        %add3A_1834 = arith.addi %mul3A_1700, %add3A_1833 : i32
        %add3A_1835 = arith.constant 48 : i32
        %add3A_1836 = arith.addi %add3A_1834, %add3A_1835 : i32
        %get3A_1837 = arith.index_cast %add3A_1836 : i32 to index
        %get3A_1838 = tpu.vector_load %arg5[%get3A_1837] {strides = array<i32>} : memref<16384xf32, #tpu.memory_space<vmem>>, vector<16xf32>,
        %get3A_1839 = vector.shape_cast %get3A_1838 : vector<16xf32> to vector<16xf32>
        %min3A_1840 = arith.minimumf %max3A_1829, %get3A_1839 : vector<16xf32>
        %max3A_1841 = arith.maximumf %max3A_1829, %get3A_1839 : vector<16xf32>
        %min3A_1842 = arith.minimumf %max3A_1831, %min3A_1840 : vector<16xf32>
        %max3A_1843 = arith.maximumf %max3A_1831, %min3A_1840 : vector<16xf32>
        %max3A_1844 = arith.maximumf %max3A_1832, %min3A_1842 : vector<16xf32>
        %add3A_1845 = arith.constant 128 : i32
        %add3A_1846 = arith.addi %mul3A_1700, %add3A_1845 : i32
        %add3A_1847 = arith.constant 64 : i32
        %add3A_1848 = arith.addi %add3A_1846, %add3A_1847 : i32
        %get3A_1849 = arith.index_cast %add3A_1848 : i32 to index
        %get3A_1850 = tpu.vector_load %arg5[%get3A_1849] {strides = array<i32>} : memref<16384xf32, #tpu.memory_space<vmem>>, vector<16xf32>,
        %get3A_1851 = vector.shape_cast %get3A_1850 : vector<16xf32> to vector<16xf32>
        %min3A_1852 = arith.minimumf %max3A_1841, %get3A_1851 : vector<16xf32>
        %max3A_1853 = arith.maximumf %max3A_1841, %get3A_1851 : vector<16xf32>
        %min3A_1854 = arith.minimumf %max3A_1843, %min3A_1852 : vector<16xf32>
        %max3A_1855 = arith.maximumf %max3A_1843, %min3A_1852 : vector<16xf32>
        %max3A_1856 = arith.maximumf %max3A_1844, %min3A_1854 : vector<16xf32>
        %add3A_1857 = arith.constant 128 : i32
        %add3A_1858 = arith.addi %mul3A_1700, %add3A_1857 : i32
        %add3A_1859 = arith.constant 80 : i32
        %add3A_1860 = arith.addi %add3A_1858, %add3A_1859 : i32
        %get3A_1861 = arith.index_cast %add3A_1860 : i32 to index
        %get3A_1862 = tpu.vector_load %arg5[%get3A_1861] {strides = array<i32>} : memref<16384xf32, #tpu.memory_space<vmem>>, vector<16xf32>,
        %get3A_1863 = vector.shape_cast %get3A_1862 : vector<16xf32> to vector<16xf32>
        %min3A_1864 = arith.minimumf %max3A_1853, %get3A_1863 : vector<16xf32>
        %max3A_1865 = arith.maximumf %max3A_1853, %get3A_1863 : vector<16xf32>
        %min3A_1866 = arith.minimumf %max3A_1855, %min3A_1864 : vector<16xf32>
        %max3A_1867 = arith.maximumf %max3A_1855, %min3A_1864 : vector<16xf32>
        %max3A_1868 = arith.maximumf %max3A_1856, %min3A_1866 : vector<16xf32>
        %add3A_1869 = arith.constant 128 : i32
        %add3A_1870 = arith.addi %mul3A_1700, %add3A_1869 : i32
        %add3A_1871 = arith.constant 96 : i32
        %add3A_1872 = arith.addi %add3A_1870, %add3A_1871 : i32
        %get3A_1873 = arith.index_cast %add3A_1872 : i32 to index
        %get3A_1874 = tpu.vector_load %arg5[%get3A_1873] {strides = array<i32>} : memref<16384xf32, #tpu.memory_space<vmem>>, vector<16xf32>,
        %get3A_1875 = vector.shape_cast %get3A_1874 : vector<16xf32> to vector<16xf32>
        %min3A_1876 = arith.minimumf %max3A_1865, %get3A_1875 : vector<16xf32>
        %max3A_1877 = arith.maximumf %max3A_1865, %get3A_1875 : vector<16xf32>
        %min3A_1878 = arith.minimumf %max3A_1867, %min3A_1876 : vector<16xf32>
        %max3A_1879 = arith.maximumf %max3A_1867, %min3A_1876 : vector<16xf32>
        %max3A_1880 = arith.maximumf %max3A_1868, %min3A_1878 : vector<16xf32>
        %add3A_1881 = arith.constant 128 : i32
        %add3A_1882 = arith.addi %mul3A_1700, %add3A_1881 : i32
        %add3A_1883 = arith.constant 112 : i32
        %add3A_1884 = arith.addi %add3A_1882, %add3A_1883 : i32
        %get3A_1885 = arith.index_cast %add3A_1884 : i32 to index
        %get3A_1886 = tpu.vector_load %arg5[%get3A_1885] {strides = array<i32>} : memref<16384xf32, #tpu.memory_space<vmem>>, vector<16xf32>,
        %get3A_1887 = vector.shape_cast %get3A_1886 : vector<16xf32> to vector<16xf32>
        %min3A_1888 = arith.minimumf %max3A_1877, %get3A_1887 : vector<16xf32>
        %max3A_1889 = arith.maximumf %max3A_1877, %get3A_1887 : vector<16xf32>
        %min3A_1890 = arith.minimumf %max3A_1879, %min3A_1888 : vector<16xf32>
        %max3A_1891 = arith.maximumf %max3A_1879, %min3A_1888 : vector<16xf32>
        %max3A_1892 = arith.maximumf %max3A_1880, %min3A_1890 : vector<16xf32>
        %add3A_1893 = arith.constant 256 : i32
        %add3A_1894 = arith.addi %mul3A_1700, %add3A_1893 : i32
        %add3A_1895 = arith.constant 0 : i32
        %add3A_1896 = arith.addi %add3A_1894, %add3A_1895 : i32
        %get3A_1897 = arith.index_cast %add3A_1896 : i32 to index
        %get3A_1898 = tpu.vector_load %arg5[%get3A_1897] {strides = array<i32>} : memref<16384xf32, #tpu.memory_space<vmem>>, vector<16xf32>,
        %get3A_1899 = vector.shape_cast %get3A_1898 : vector<16xf32> to vector<16xf32>
        %min3A_1900 = arith.minimumf %scan3A_1681, %get3A_1899 : vector<16xf32>
        %max3A_1901 = arith.maximumf %scan3A_1681, %get3A_1899 : vector<16xf32>
        %min3A_1902 = arith.minimumf %scan3A_1682, %min3A_1900 : vector<16xf32>
        %max3A_1903 = arith.maximumf %scan3A_1682, %min3A_1900 : vector<16xf32>
        %max3A_1904 = arith.maximumf %scan3A_1683, %min3A_1902 : vector<16xf32>
        %add3A_1905 = arith.constant 256 : i32
        %add3A_1906 = arith.addi %mul3A_1700, %add3A_1905 : i32
        %add3A_1907 = arith.constant 16 : i32
        %add3A_1908 = arith.addi %add3A_1906, %add3A_1907 : i32
        %get3A_1909 = arith.index_cast %add3A_1908 : i32 to index
        %get3A_1910 = tpu.vector_load %arg5[%get3A_1909] {strides = array<i32>} : memref<16384xf32, #tpu.memory_space<vmem>>, vector<16xf32>,
        %get3A_1911 = vector.shape_cast %get3A_1910 : vector<16xf32> to vector<16xf32>
        %min3A_1912 = arith.minimumf %max3A_1901, %get3A_1911 : vector<16xf32>
        %max3A_1913 = arith.maximumf %max3A_1901, %get3A_1911 : vector<16xf32>
        %min3A_1914 = arith.minimumf %max3A_1903, %min3A_1912 : vector<16xf32>
        %max3A_1915 = arith.maximumf %max3A_1903, %min3A_1912 : vector<16xf32>
        %max3A_1916 = arith.maximumf %max3A_1904, %min3A_1914 : vector<16xf32>
        %add3A_1917 = arith.constant 256 : i32
        %add3A_1918 = arith.addi %mul3A_1700, %add3A_1917 : i32
        %add3A_1919 = arith.constant 32 : i32
        %add3A_1920 = arith.addi %add3A_1918, %add3A_1919 : i32
        %get3A_1921 = arith.index_cast %add3A_1920 : i32 to index
        %get3A_1922 = tpu.vector_load %arg5[%get3A_1921] {strides = array<i32>} : memref<16384xf32, #tpu.memory_space<vmem>>, vector<16xf32>,
        %get3A_1923 = vector.shape_cast %get3A_1922 : vector<16xf32> to vector<16xf32>
        %min3A_1924 = arith.minimumf %max3A_1913, %get3A_1923 : vector<16xf32>
        %max3A_1925 = arith.maximumf %max3A_1913, %get3A_1923 : vector<16xf32>
        %min3A_1926 = arith.minimumf %max3A_1915, %min3A_1924 : vector<16xf32>
        %max3A_1927 = arith.maximumf %max3A_1915, %min3A_1924 : vector<16xf32>
        %max3A_1928 = arith.maximumf %max3A_1916, %min3A_1926 : vector<16xf32>
        %add3A_1929 = arith.constant 256 : i32
        %add3A_1930 = arith.addi %mul3A_1700, %add3A_1929 : i32
        %add3A_1931 = arith.constant 48 : i32
        %add3A_1932 = arith.addi %add3A_1930, %add3A_1931 : i32
        %get3A_1933 = arith.index_cast %add3A_1932 : i32 to index
        %get3A_1934 = tpu.vector_load %arg5[%get3A_1933] {strides = array<i32>} : memref<16384xf32, #tpu.memory_space<vmem>>, vector<16xf32>,
        %get3A_1935 = vector.shape_cast %get3A_1934 : vector<16xf32> to vector<16xf32>
        %min3A_1936 = arith.minimumf %max3A_1925, %get3A_1935 : vector<16xf32>
        %max3A_1937 = arith.maximumf %max3A_1925, %get3A_1935 : vector<16xf32>
        %min3A_1938 = arith.minimumf %max3A_1927, %min3A_1936 : vector<16xf32>
        %max3A_1939 = arith.maximumf %max3A_1927, %min3A_1936 : vector<16xf32>
        %max3A_1940 = arith.maximumf %max3A_1928, %min3A_1938 : vector<16xf32>
        %add3A_1941 = arith.constant 256 : i32
        %add3A_1942 = arith.addi %mul3A_1700, %add3A_1941 : i32
        %add3A_1943 = arith.constant 64 : i32
        %add3A_1944 = arith.addi %add3A_1942, %add3A_1943 : i32
        %get3A_1945 = arith.index_cast %add3A_1944 : i32 to index
        %get3A_1946 = tpu.vector_load %arg5[%get3A_1945] {strides = array<i32>} : memref<16384xf32, #tpu.memory_space<vmem>>, vector<16xf32>,
        %get3A_1947 = vector.shape_cast %get3A_1946 : vector<16xf32> to vector<16xf32>
        %min3A_1948 = arith.minimumf %max3A_1937, %get3A_1947 : vector<16xf32>
        %max3A_1949 = arith.maximumf %max3A_1937, %get3A_1947 : vector<16xf32>
        %min3A_1950 = arith.minimumf %max3A_1939, %min3A_1948 : vector<16xf32>
        %max3A_1951 = arith.maximumf %max3A_1939, %min3A_1948 : vector<16xf32>
        %max3A_1952 = arith.maximumf %max3A_1940, %min3A_1950 : vector<16xf32>
        %add3A_1953 = arith.constant 256 : i32
        %add3A_1954 = arith.addi %mul3A_1700, %add3A_1953 : i32
        %add3A_1955 = arith.constant 80 : i32
        %add3A_1956 = arith.addi %add3A_1954, %add3A_1955 : i32
        %get3A_1957 = arith.index_cast %add3A_1956 : i32 to index
        %get3A_1958 = tpu.vector_load %arg5[%get3A_1957] {strides = array<i32>} : memref<16384xf32, #tpu.memory_space<vmem>>, vector<16xf32>,
        %get3A_1959 = vector.shape_cast %get3A_1958 : vector<16xf32> to vector<16xf32>
        %min3A_1960 = arith.minimumf %max3A_1949, %get3A_1959 : vector<16xf32>
        %max3A_1961 = arith.maximumf %max3A_1949, %get3A_1959 : vector<16xf32>
        %min3A_1962 = arith.minimumf %max3A_1951, %min3A_1960 : vector<16xf32>
        %max3A_1963 = arith.maximumf %max3A_1951, %min3A_1960 : vector<16xf32>
        %max3A_1964 = arith.maximumf %max3A_1952, %min3A_1962 : vector<16xf32>
        %add3A_1965 = arith.constant 256 : i32
        %add3A_1966 = arith.addi %mul3A_1700, %add3A_1965 : i32
        %add3A_1967 = arith.constant 96 : i32
        %add3A_1968 = arith.addi %add3A_1966, %add3A_1967 : i32
        %get3A_1969 = arith.index_cast %add3A_1968 : i32 to index
        %get3A_1970 = tpu.vector_load %arg5[%get3A_1969] {strides = array<i32>} : memref<16384xf32, #tpu.memory_space<vmem>>, vector<16xf32>,
        %get3A_1971 = vector.shape_cast %get3A_1970 : vector<16xf32> to vector<16xf32>
        %min3A_1972 = arith.minimumf %max3A_1961, %get3A_1971 : vector<16xf32>
        %max3A_1973 = arith.maximumf %max3A_1961, %get3A_1971 : vector<16xf32>
        %min3A_1974 = arith.minimumf %max3A_1963, %min3A_1972 : vector<16xf32>
        %max3A_1975 = arith.maximumf %max3A_1963, %min3A_1972 : vector<16xf32>
        %max3A_1976 = arith.maximumf %max3A_1964, %min3A_1974 : vector<16xf32>
        %add3A_1977 = arith.constant 256 : i32
        %add3A_1978 = arith.addi %mul3A_1700, %add3A_1977 : i32
        %add3A_1979 = arith.constant 112 : i32
        %add3A_1980 = arith.addi %add3A_1978, %add3A_1979 : i32
        %get3A_1981 = arith.index_cast %add3A_1980 : i32 to index
        %get3A_1982 = tpu.vector_load %arg5[%get3A_1981] {strides = array<i32>} : memref<16384xf32, #tpu.memory_space<vmem>>, vector<16xf32>,
        %get3A_1983 = vector.shape_cast %get3A_1982 : vector<16xf32> to vector<16xf32>
        %min3A_1984 = arith.minimumf %max3A_1973, %get3A_1983 : vector<16xf32>
        %max3A_1985 = arith.maximumf %max3A_1973, %get3A_1983 : vector<16xf32>
        %min3A_1986 = arith.minimumf %max3A_1975, %min3A_1984 : vector<16xf32>
        %max3A_1987 = arith.maximumf %max3A_1975, %min3A_1984 : vector<16xf32>
        %max3A_1988 = arith.maximumf %max3A_1976, %min3A_1986 : vector<16xf32>
        %add3A_1989 = arith.constant 384 : i32
        %add3A_1990 = arith.addi %mul3A_1700, %add3A_1989 : i32
        %add3A_1991 = arith.constant 0 : i32
        %add3A_1992 = arith.addi %add3A_1990, %add3A_1991 : i32
        %get3A_1993 = arith.index_cast %add3A_1992 : i32 to index
        %get3A_1994 = tpu.vector_load %arg5[%get3A_1993] {strides = array<i32>} : memref<16384xf32, #tpu.memory_space<vmem>>, vector<16xf32>,
        %get3A_1995 = vector.shape_cast %get3A_1994 : vector<16xf32> to vector<16xf32>
        %min3A_1996 = arith.minimumf %scan3A_1684, %get3A_1995 : vector<16xf32>
        %max3A_1997 = arith.maximumf %scan3A_1684, %get3A_1995 : vector<16xf32>
        %min3A_1998 = arith.minimumf %scan3A_1685, %min3A_1996 : vector<16xf32>
        %max3A_1999 = arith.maximumf %scan3A_1685, %min3A_1996 : vector<16xf32>
        %max3A_2000 = arith.maximumf %scan3A_1686, %min3A_1998 : vector<16xf32>
        %add3A_2001 = arith.constant 384 : i32
        %add3A_2002 = arith.addi %mul3A_1700, %add3A_2001 : i32
        %add3A_2003 = arith.constant 16 : i32
        %add3A_2004 = arith.addi %add3A_2002, %add3A_2003 : i32
        %get3A_2005 = arith.index_cast %add3A_2004 : i32 to index
        %get3A_2006 = tpu.vector_load %arg5[%get3A_2005] {strides = array<i32>} : memref<16384xf32, #tpu.memory_space<vmem>>, vector<16xf32>,
        %get3A_2007 = vector.shape_cast %get3A_2006 : vector<16xf32> to vector<16xf32>
        %min3A_2008 = arith.minimumf %max3A_1997, %get3A_2007 : vector<16xf32>
        %max3A_2009 = arith.maximumf %max3A_1997, %get3A_2007 : vector<16xf32>
        %min3A_2010 = arith.minimumf %max3A_1999, %min3A_2008 : vector<16xf32>
        %max3A_2011 = arith.maximumf %max3A_1999, %min3A_2008 : vector<16xf32>
        %max3A_2012 = arith.maximumf %max3A_2000, %min3A_2010 : vector<16xf32>
        %add3A_2013 = arith.constant 384 : i32
        %add3A_2014 = arith.addi %mul3A_1700, %add3A_2013 : i32
        %add3A_2015 = arith.constant 32 : i32
        %add3A_2016 = arith.addi %add3A_2014, %add3A_2015 : i32
        %get3A_2017 = arith.index_cast %add3A_2016 : i32 to index
        %get3A_2018 = tpu.vector_load %arg5[%get3A_2017] {strides = array<i32>} : memref<16384xf32, #tpu.memory_space<vmem>>, vector<16xf32>,
        %get3A_2019 = vector.shape_cast %get3A_2018 : vector<16xf32> to vector<16xf32>
        %min3A_2020 = arith.minimumf %max3A_2009, %get3A_2019 : vector<16xf32>
        %max3A_2021 = arith.maximumf %max3A_2009, %get3A_2019 : vector<16xf32>
        %min3A_2022 = arith.minimumf %max3A_2011, %min3A_2020 : vector<16xf32>
        %max3A_2023 = arith.maximumf %max3A_2011, %min3A_2020 : vector<16xf32>
        %max3A_2024 = arith.maximumf %max3A_2012, %min3A_2022 : vector<16xf32>
        %add3A_2025 = arith.constant 384 : i32
        %add3A_2026 = arith.addi %mul3A_1700, %add3A_2025 : i32
        %add3A_2027 = arith.constant 48 : i32
        %add3A_2028 = arith.addi %add3A_2026, %add3A_2027 : i32
        %get3A_2029 = arith.index_cast %add3A_2028 : i32 to index
        %get3A_2030 = tpu.vector_load %arg5[%get3A_2029] {strides = array<i32>} : memref<16384xf32, #tpu.memory_space<vmem>>, vector<16xf32>,
        %get3A_2031 = vector.shape_cast %get3A_2030 : vector<16xf32> to vector<16xf32>
        %min3A_2032 = arith.minimumf %max3A_2021, %get3A_2031 : vector<16xf32>
        %max3A_2033 = arith.maximumf %max3A_2021, %get3A_2031 : vector<16xf32>
        %min3A_2034 = arith.minimumf %max3A_2023, %min3A_2032 : vector<16xf32>
        %max3A_2035 = arith.maximumf %max3A_2023, %min3A_2032 : vector<16xf32>
        %max3A_2036 = arith.maximumf %max3A_2024, %min3A_2034 : vector<16xf32>
        %add3A_2037 = arith.constant 384 : i32
        %add3A_2038 = arith.addi %mul3A_1700, %add3A_2037 : i32
        %add3A_2039 = arith.constant 64 : i32
        %add3A_2040 = arith.addi %add3A_2038, %add3A_2039 : i32
        %get3A_2041 = arith.index_cast %add3A_2040 : i32 to index
        %get3A_2042 = tpu.vector_load %arg5[%get3A_2041] {strides = array<i32>} : memref<16384xf32, #tpu.memory_space<vmem>>, vector<16xf32>,
        %get3A_2043 = vector.shape_cast %get3A_2042 : vector<16xf32> to vector<16xf32>
        %min3A_2044 = arith.minimumf %max3A_2033, %get3A_2043 : vector<16xf32>
        %max3A_2045 = arith.maximumf %max3A_2033, %get3A_2043 : vector<16xf32>
        %min3A_2046 = arith.minimumf %max3A_2035, %min3A_2044 : vector<16xf32>
        %max3A_2047 = arith.maximumf %max3A_2035, %min3A_2044 : vector<16xf32>
        %max3A_2048 = arith.maximumf %max3A_2036, %min3A_2046 : vector<16xf32>
        %add3A_2049 = arith.constant 384 : i32
        %add3A_2050 = arith.addi %mul3A_1700, %add3A_2049 : i32
        %add3A_2051 = arith.constant 80 : i32
        %add3A_2052 = arith.addi %add3A_2050, %add3A_2051 : i32
        %get3A_2053 = arith.index_cast %add3A_2052 : i32 to index
        %get3A_2054 = tpu.vector_load %arg5[%get3A_2053] {strides = array<i32>} : memref<16384xf32, #tpu.memory_space<vmem>>, vector<16xf32>,
        %get3A_2055 = vector.shape_cast %get3A_2054 : vector<16xf32> to vector<16xf32>
        %min3A_2056 = arith.minimumf %max3A_2045, %get3A_2055 : vector<16xf32>
        %max3A_2057 = arith.maximumf %max3A_2045, %get3A_2055 : vector<16xf32>
        %min3A_2058 = arith.minimumf %max3A_2047, %min3A_2056 : vector<16xf32>
        %max3A_2059 = arith.maximumf %max3A_2047, %min3A_2056 : vector<16xf32>
        %max3A_2060 = arith.maximumf %max3A_2048, %min3A_2058 : vector<16xf32>
        %add3A_2061 = arith.constant 384 : i32
        %add3A_2062 = arith.addi %mul3A_1700, %add3A_2061 : i32
        %add3A_2063 = arith.constant 96 : i32
        %add3A_2064 = arith.addi %add3A_2062, %add3A_2063 : i32
        %get3A_2065 = arith.index_cast %add3A_2064 : i32 to index
        %get3A_2066 = tpu.vector_load %arg5[%get3A_2065] {strides = array<i32>} : memref<16384xf32, #tpu.memory_space<vmem>>, vector<16xf32>,
        %get3A_2067 = vector.shape_cast %get3A_2066 : vector<16xf32> to vector<16xf32>
        %min3A_2068 = arith.minimumf %max3A_2057, %get3A_2067 : vector<16xf32>
        %max3A_2069 = arith.maximumf %max3A_2057, %get3A_2067 : vector<16xf32>
        %min3A_2070 = arith.minimumf %max3A_2059, %min3A_2068 : vector<16xf32>
        %max3A_2071 = arith.maximumf %max3A_2059, %min3A_2068 : vector<16xf32>
        %max3A_2072 = arith.maximumf %max3A_2060, %min3A_2070 : vector<16xf32>
        %add3A_2073 = arith.constant 384 : i32
        %add3A_2074 = arith.addi %mul3A_1700, %add3A_2073 : i32
        %add3A_2075 = arith.constant 112 : i32
        %add3A_2076 = arith.addi %add3A_2074, %add3A_2075 : i32
        %get3A_2077 = arith.index_cast %add3A_2076 : i32 to index
        %get3A_2078 = tpu.vector_load %arg5[%get3A_2077] {strides = array<i32>} : memref<16384xf32, #tpu.memory_space<vmem>>, vector<16xf32>,
        %get3A_2079 = vector.shape_cast %get3A_2078 : vector<16xf32> to vector<16xf32>
        %min3A_2080 = arith.minimumf %max3A_2069, %get3A_2079 : vector<16xf32>
        %max3A_2081 = arith.maximumf %max3A_2069, %get3A_2079 : vector<16xf32>
        %min3A_2082 = arith.minimumf %max3A_2071, %min3A_2080 : vector<16xf32>
        %max3A_2083 = arith.maximumf %max3A_2071, %min3A_2080 : vector<16xf32>
        %max3A_2084 = arith.maximumf %max3A_2072, %min3A_2082 : vector<16xf32>
        %add3A_2085 = arith.constant 512 : i32
        %add3A_2086 = arith.addi %mul3A_1700, %add3A_2085 : i32
        %add3A_2087 = arith.constant 0 : i32
        %add3A_2088 = arith.addi %add3A_2086, %add3A_2087 : i32
        %get3A_2089 = arith.index_cast %add3A_2088 : i32 to index
        %get3A_2090 = tpu.vector_load %arg5[%get3A_2089] {strides = array<i32>} : memref<16384xf32, #tpu.memory_space<vmem>>, vector<16xf32>,
        %get3A_2091 = vector.shape_cast %get3A_2090 : vector<16xf32> to vector<16xf32>
        %min3A_2092 = arith.minimumf %scan3A_1687, %get3A_2091 : vector<16xf32>
        %max3A_2093 = arith.maximumf %scan3A_1687, %get3A_2091 : vector<16xf32>
        %min3A_2094 = arith.minimumf %scan3A_1688, %min3A_2092 : vector<16xf32>
        %max3A_2095 = arith.maximumf %scan3A_1688, %min3A_2092 : vector<16xf32>
        %max3A_2096 = arith.maximumf %scan3A_1689, %min3A_2094 : vector<16xf32>
        %add3A_2097 = arith.constant 512 : i32
        %add3A_2098 = arith.addi %mul3A_1700, %add3A_2097 : i32
        %add3A_2099 = arith.constant 16 : i32
        %add3A_2100 = arith.addi %add3A_2098, %add3A_2099 : i32
        %get3A_2101 = arith.index_cast %add3A_2100 : i32 to index
        %get3A_2102 = tpu.vector_load %arg5[%get3A_2101] {strides = array<i32>} : memref<16384xf32, #tpu.memory_space<vmem>>, vector<16xf32>,
        %get3A_2103 = vector.shape_cast %get3A_2102 : vector<16xf32> to vector<16xf32>
        %min3A_2104 = arith.minimumf %max3A_2093, %get3A_2103 : vector<16xf32>
        %max3A_2105 = arith.maximumf %max3A_2093, %get3A_2103 : vector<16xf32>
        %min3A_2106 = arith.minimumf %max3A_2095, %min3A_2104 : vector<16xf32>
        %max3A_2107 = arith.maximumf %max3A_2095, %min3A_2104 : vector<16xf32>
        %max3A_2108 = arith.maximumf %max3A_2096, %min3A_2106 : vector<16xf32>
        %add3A_2109 = arith.constant 512 : i32
        %add3A_2110 = arith.addi %mul3A_1700, %add3A_2109 : i32
        %add3A_2111 = arith.constant 32 : i32
        %add3A_2112 = arith.addi %add3A_2110, %add3A_2111 : i32
        %get3A_2113 = arith.index_cast %add3A_2112 : i32 to index
        %get3A_2114 = tpu.vector_load %arg5[%get3A_2113] {strides = array<i32>} : memref<16384xf32, #tpu.memory_space<vmem>>, vector<16xf32>,
        %get3A_2115 = vector.shape_cast %get3A_2114 : vector<16xf32> to vector<16xf32>
        %min3A_2116 = arith.minimumf %max3A_2105, %get3A_2115 : vector<16xf32>
        %max3A_2117 = arith.maximumf %max3A_2105, %get3A_2115 : vector<16xf32>
        %min3A_2118 = arith.minimumf %max3A_2107, %min3A_2116 : vector<16xf32>
        %max3A_2119 = arith.maximumf %max3A_2107, %min3A_2116 : vector<16xf32>
        %max3A_2120 = arith.maximumf %max3A_2108, %min3A_2118 : vector<16xf32>
        %add3A_2121 = arith.constant 512 : i32
        %add3A_2122 = arith.addi %mul3A_1700, %add3A_2121 : i32
        %add3A_2123 = arith.constant 48 : i32
        %add3A_2124 = arith.addi %add3A_2122, %add3A_2123 : i32
        %get3A_2125 = arith.index_cast %add3A_2124 : i32 to index
        %get3A_2126 = tpu.vector_load %arg5[%get3A_2125] {strides = array<i32>} : memref<16384xf32, #tpu.memory_space<vmem>>, vector<16xf32>,
        %get3A_2127 = vector.shape_cast %get3A_2126 : vector<16xf32> to vector<16xf32>
        %min3A_2128 = arith.minimumf %max3A_2117, %get3A_2127 : vector<16xf32>
        %max3A_2129 = arith.maximumf %max3A_2117, %get3A_2127 : vector<16xf32>
        %min3A_2130 = arith.minimumf %max3A_2119, %min3A_2128 : vector<16xf32>
        %max3A_2131 = arith.maximumf %max3A_2119, %min3A_2128 : vector<16xf32>
        %max3A_2132 = arith.maximumf %max3A_2120, %min3A_2130 : vector<16xf32>
        %add3A_2133 = arith.constant 512 : i32
        %add3A_2134 = arith.addi %mul3A_1700, %add3A_2133 : i32
        %add3A_2135 = arith.constant 64 : i32
        %add3A_2136 = arith.addi %add3A_2134, %add3A_2135 : i32
        %get3A_2137 = arith.index_cast %add3A_2136 : i32 to index
        %get3A_2138 = tpu.vector_load %arg5[%get3A_2137] {strides = array<i32>} : memref<16384xf32, #tpu.memory_space<vmem>>, vector<16xf32>,
        %get3A_2139 = vector.shape_cast %get3A_2138 : vector<16xf32> to vector<16xf32>
        %min3A_2140 = arith.minimumf %max3A_2129, %get3A_2139 : vector<16xf32>
        %max3A_2141 = arith.maximumf %max3A_2129, %get3A_2139 : vector<16xf32>
        %min3A_2142 = arith.minimumf %max3A_2131, %min3A_2140 : vector<16xf32>
        %max3A_2143 = arith.maximumf %max3A_2131, %min3A_2140 : vector<16xf32>
        %max3A_2144 = arith.maximumf %max3A_2132, %min3A_2142 : vector<16xf32>
        %add3A_2145 = arith.constant 512 : i32
        %add3A_2146 = arith.addi %mul3A_1700, %add3A_2145 : i32
        %add3A_2147 = arith.constant 80 : i32
        %add3A_2148 = arith.addi %add3A_2146, %add3A_2147 : i32
        %get3A_2149 = arith.index_cast %add3A_2148 : i32 to index
        %get3A_2150 = tpu.vector_load %arg5[%get3A_2149] {strides = array<i32>} : memref<16384xf32, #tpu.memory_space<vmem>>, vector<16xf32>,
        %get3A_2151 = vector.shape_cast %get3A_2150 : vector<16xf32> to vector<16xf32>
        %min3A_2152 = arith.minimumf %max3A_2141, %get3A_2151 : vector<16xf32>
        %max3A_2153 = arith.maximumf %max3A_2141, %get3A_2151 : vector<16xf32>
        %min3A_2154 = arith.minimumf %max3A_2143, %min3A_2152 : vector<16xf32>
        %max3A_2155 = arith.maximumf %max3A_2143, %min3A_2152 : vector<16xf32>
        %max3A_2156 = arith.maximumf %max3A_2144, %min3A_2154 : vector<16xf32>
        %add3A_2157 = arith.constant 512 : i32
        %add3A_2158 = arith.addi %mul3A_1700, %add3A_2157 : i32
        %add3A_2159 = arith.constant 96 : i32
        %add3A_2160 = arith.addi %add3A_2158, %add3A_2159 : i32
        %get3A_2161 = arith.index_cast %add3A_2160 : i32 to index
        %get3A_2162 = tpu.vector_load %arg5[%get3A_2161] {strides = array<i32>} : memref<16384xf32, #tpu.memory_space<vmem>>, vector<16xf32>,
        %get3A_2163 = vector.shape_cast %get3A_2162 : vector<16xf32> to vector<16xf32>
        %min3A_2164 = arith.minimumf %max3A_2153, %get3A_2163 : vector<16xf32>
        %max3A_2165 = arith.maximumf %max3A_2153, %get3A_2163 : vector<16xf32>
        %min3A_2166 = arith.minimumf %max3A_2155, %min3A_2164 : vector<16xf32>
        %max3A_2167 = arith.maximumf %max3A_2155, %min3A_2164 : vector<16xf32>
        %max3A_2168 = arith.maximumf %max3A_2156, %min3A_2166 : vector<16xf32>
        %add3A_2169 = arith.constant 512 : i32
        %add3A_2170 = arith.addi %mul3A_1700, %add3A_2169 : i32
        %add3A_2171 = arith.constant 112 : i32
        %add3A_2172 = arith.addi %add3A_2170, %add3A_2171 : i32
        %get3A_2173 = arith.index_cast %add3A_2172 : i32 to index
        %get3A_2174 = tpu.vector_load %arg5[%get3A_2173] {strides = array<i32>} : memref<16384xf32, #tpu.memory_space<vmem>>, vector<16xf32>,
        %get3A_2175 = vector.shape_cast %get3A_2174 : vector<16xf32> to vector<16xf32>
        %min3A_2176 = arith.minimumf %max3A_2165, %get3A_2175 : vector<16xf32>
        %max3A_2177 = arith.maximumf %max3A_2165, %get3A_2175 : vector<16xf32>
        %min3A_2178 = arith.minimumf %max3A_2167, %min3A_2176 : vector<16xf32>
        %max3A_2179 = arith.maximumf %max3A_2167, %min3A_2176 : vector<16xf32>
        %max3A_2180 = arith.maximumf %max3A_2168, %min3A_2178 : vector<16xf32>
        %add3A_2181 = arith.constant 640 : i32
        %add3A_2182 = arith.addi %mul3A_1700, %add3A_2181 : i32
        %add3A_2183 = arith.constant 0 : i32
        %add3A_2184 = arith.addi %add3A_2182, %add3A_2183 : i32
        %get3A_2185 = arith.index_cast %add3A_2184 : i32 to index
        %get3A_2186 = tpu.vector_load %arg5[%get3A_2185] {strides = array<i32>} : memref<16384xf32, #tpu.memory_space<vmem>>, vector<16xf32>,
        %get3A_2187 = vector.shape_cast %get3A_2186 : vector<16xf32> to vector<16xf32>
        %min3A_2188 = arith.minimumf %scan3A_1690, %get3A_2187 : vector<16xf32>
        %max3A_2189 = arith.maximumf %scan3A_1690, %get3A_2187 : vector<16xf32>
        %min3A_2190 = arith.minimumf %scan3A_1691, %min3A_2188 : vector<16xf32>
        %max3A_2191 = arith.maximumf %scan3A_1691, %min3A_2188 : vector<16xf32>
        %max3A_2192 = arith.maximumf %scan3A_1692, %min3A_2190 : vector<16xf32>
        %add3A_2193 = arith.constant 640 : i32
        %add3A_2194 = arith.addi %mul3A_1700, %add3A_2193 : i32
        %add3A_2195 = arith.constant 16 : i32
        %add3A_2196 = arith.addi %add3A_2194, %add3A_2195 : i32
        %get3A_2197 = arith.index_cast %add3A_2196 : i32 to index
        %get3A_2198 = tpu.vector_load %arg5[%get3A_2197] {strides = array<i32>} : memref<16384xf32, #tpu.memory_space<vmem>>, vector<16xf32>,
        %get3A_2199 = vector.shape_cast %get3A_2198 : vector<16xf32> to vector<16xf32>
        %min3A_2200 = arith.minimumf %max3A_2189, %get3A_2199 : vector<16xf32>
        %max3A_2201 = arith.maximumf %max3A_2189, %get3A_2199 : vector<16xf32>
        %min3A_2202 = arith.minimumf %max3A_2191, %min3A_2200 : vector<16xf32>
        %max3A_2203 = arith.maximumf %max3A_2191, %min3A_2200 : vector<16xf32>
        %max3A_2204 = arith.maximumf %max3A_2192, %min3A_2202 : vector<16xf32>
        %add3A_2205 = arith.constant 640 : i32
        %add3A_2206 = arith.addi %mul3A_1700, %add3A_2205 : i32
        %add3A_2207 = arith.constant 32 : i32
        %add3A_2208 = arith.addi %add3A_2206, %add3A_2207 : i32
        %get3A_2209 = arith.index_cast %add3A_2208 : i32 to index
        %get3A_2210 = tpu.vector_load %arg5[%get3A_2209] {strides = array<i32>} : memref<16384xf32, #tpu.memory_space<vmem>>, vector<16xf32>,
        %get3A_2211 = vector.shape_cast %get3A_2210 : vector<16xf32> to vector<16xf32>
        %min3A_2212 = arith.minimumf %max3A_2201, %get3A_2211 : vector<16xf32>
        %max3A_2213 = arith.maximumf %max3A_2201, %get3A_2211 : vector<16xf32>
        %min3A_2214 = arith.minimumf %max3A_2203, %min3A_2212 : vector<16xf32>
        %max3A_2215 = arith.maximumf %max3A_2203, %min3A_2212 : vector<16xf32>
        %max3A_2216 = arith.maximumf %max3A_2204, %min3A_2214 : vector<16xf32>
        %add3A_2217 = arith.constant 640 : i32
        %add3A_2218 = arith.addi %mul3A_1700, %add3A_2217 : i32
        %add3A_2219 = arith.constant 48 : i32
        %add3A_2220 = arith.addi %add3A_2218, %add3A_2219 : i32
        %get3A_2221 = arith.index_cast %add3A_2220 : i32 to index
        %get3A_2222 = tpu.vector_load %arg5[%get3A_2221] {strides = array<i32>} : memref<16384xf32, #tpu.memory_space<vmem>>, vector<16xf32>,
        %get3A_2223 = vector.shape_cast %get3A_2222 : vector<16xf32> to vector<16xf32>
        %min3A_2224 = arith.minimumf %max3A_2213, %get3A_2223 : vector<16xf32>
        %max3A_2225 = arith.maximumf %max3A_2213, %get3A_2223 : vector<16xf32>
        %min3A_2226 = arith.minimumf %max3A_2215, %min3A_2224 : vector<16xf32>
        %max3A_2227 = arith.maximumf %max3A_2215, %min3A_2224 : vector<16xf32>
        %max3A_2228 = arith.maximumf %max3A_2216, %min3A_2226 : vector<16xf32>
        %add3A_2229 = arith.constant 640 : i32
        %add3A_2230 = arith.addi %mul3A_1700, %add3A_2229 : i32
        %add3A_2231 = arith.constant 64 : i32
        %add3A_2232 = arith.addi %add3A_2230, %add3A_2231 : i32
        %get3A_2233 = arith.index_cast %add3A_2232 : i32 to index
        %get3A_2234 = tpu.vector_load %arg5[%get3A_2233] {strides = array<i32>} : memref<16384xf32, #tpu.memory_space<vmem>>, vector<16xf32>,
        %get3A_2235 = vector.shape_cast %get3A_2234 : vector<16xf32> to vector<16xf32>
        %min3A_2236 = arith.minimumf %max3A_2225, %get3A_2235 : vector<16xf32>
        %max3A_2237 = arith.maximumf %max3A_2225, %get3A_2235 : vector<16xf32>
        %min3A_2238 = arith.minimumf %max3A_2227, %min3A_2236 : vector<16xf32>
        %max3A_2239 = arith.maximumf %max3A_2227, %min3A_2236 : vector<16xf32>
        %max3A_2240 = arith.maximumf %max3A_2228, %min3A_2238 : vector<16xf32>
        %add3A_2241 = arith.constant 640 : i32
        %add3A_2242 = arith.addi %mul3A_1700, %add3A_2241 : i32
        %add3A_2243 = arith.constant 80 : i32
        %add3A_2244 = arith.addi %add3A_2242, %add3A_2243 : i32
        %get3A_2245 = arith.index_cast %add3A_2244 : i32 to index
        %get3A_2246 = tpu.vector_load %arg5[%get3A_2245] {strides = array<i32>} : memref<16384xf32, #tpu.memory_space<vmem>>, vector<16xf32>,
        %get3A_2247 = vector.shape_cast %get3A_2246 : vector<16xf32> to vector<16xf32>
        %min3A_2248 = arith.minimumf %max3A_2237, %get3A_2247 : vector<16xf32>
        %max3A_2249 = arith.maximumf %max3A_2237, %get3A_2247 : vector<16xf32>
        %min3A_2250 = arith.minimumf %max3A_2239, %min3A_2248 : vector<16xf32>
        %max3A_2251 = arith.maximumf %max3A_2239, %min3A_2248 : vector<16xf32>
        %max3A_2252 = arith.maximumf %max3A_2240, %min3A_2250 : vector<16xf32>
        %add3A_2253 = arith.constant 640 : i32
        %add3A_2254 = arith.addi %mul3A_1700, %add3A_2253 : i32
        %add3A_2255 = arith.constant 96 : i32
        %add3A_2256 = arith.addi %add3A_2254, %add3A_2255 : i32
        %get3A_2257 = arith.index_cast %add3A_2256 : i32 to index
        %get3A_2258 = tpu.vector_load %arg5[%get3A_2257] {strides = array<i32>} : memref<16384xf32, #tpu.memory_space<vmem>>, vector<16xf32>,
        %get3A_2259 = vector.shape_cast %get3A_2258 : vector<16xf32> to vector<16xf32>
        %min3A_2260 = arith.minimumf %max3A_2249, %get3A_2259 : vector<16xf32>
        %max3A_2261 = arith.maximumf %max3A_2249, %get3A_2259 : vector<16xf32>
        %min3A_2262 = arith.minimumf %max3A_2251, %min3A_2260 : vector<16xf32>
        %max3A_2263 = arith.maximumf %max3A_2251, %min3A_2260 : vector<16xf32>
        %max3A_2264 = arith.maximumf %max3A_2252, %min3A_2262 : vector<16xf32>
        %add3A_2265 = arith.constant 640 : i32
        %add3A_2266 = arith.addi %mul3A_1700, %add3A_2265 : i32
        %add3A_2267 = arith.constant 112 : i32
        %add3A_2268 = arith.addi %add3A_2266, %add3A_2267 : i32
        %get3A_2269 = arith.index_cast %add3A_2268 : i32 to index
        %get3A_2270 = tpu.vector_load %arg5[%get3A_2269] {strides = array<i32>} : memref<16384xf32, #tpu.memory_space<vmem>>, vector<16xf32>,
        %get3A_2271 = vector.shape_cast %get3A_2270 : vector<16xf32> to vector<16xf32>
        %min3A_2272 = arith.minimumf %max3A_2261, %get3A_2271 : vector<16xf32>
        %max3A_2273 = arith.maximumf %max3A_2261, %get3A_2271 : vector<16xf32>
        %min3A_2274 = arith.minimumf %max3A_2263, %min3A_2272 : vector<16xf32>
        %max3A_2275 = arith.maximumf %max3A_2263, %min3A_2272 : vector<16xf32>
        %max3A_2276 = arith.maximumf %max3A_2264, %min3A_2274 : vector<16xf32>
        %add3A_2277 = arith.constant 768 : i32
        %add3A_2278 = arith.addi %mul3A_1700, %add3A_2277 : i32
        %add3A_2279 = arith.constant 0 : i32
        %add3A_2280 = arith.addi %add3A_2278, %add3A_2279 : i32
        %get3A_2281 = arith.index_cast %add3A_2280 : i32 to index
        %get3A_2282 = tpu.vector_load %arg5[%get3A_2281] {strides = array<i32>} : memref<16384xf32, #tpu.memory_space<vmem>>, vector<16xf32>,
        %get3A_2283 = vector.shape_cast %get3A_2282 : vector<16xf32> to vector<16xf32>
        %min3A_2284 = arith.minimumf %scan3A_1693, %get3A_2283 : vector<16xf32>
        %max3A_2285 = arith.maximumf %scan3A_1693, %get3A_2283 : vector<16xf32>
        %min3A_2286 = arith.minimumf %scan3A_1694, %min3A_2284 : vector<16xf32>
        %max3A_2287 = arith.maximumf %scan3A_1694, %min3A_2284 : vector<16xf32>
        %max3A_2288 = arith.maximumf %scan3A_1695, %min3A_2286 : vector<16xf32>
        %add3A_2289 = arith.constant 768 : i32
        %add3A_2290 = arith.addi %mul3A_1700, %add3A_2289 : i32
        %add3A_2291 = arith.constant 16 : i32
        %add3A_2292 = arith.addi %add3A_2290, %add3A_2291 : i32
        %get3A_2293 = arith.index_cast %add3A_2292 : i32 to index
        %get3A_2294 = tpu.vector_load %arg5[%get3A_2293] {strides = array<i32>} : memref<16384xf32, #tpu.memory_space<vmem>>, vector<16xf32>,
        %get3A_2295 = vector.shape_cast %get3A_2294 : vector<16xf32> to vector<16xf32>
        %min3A_2296 = arith.minimumf %max3A_2285, %get3A_2295 : vector<16xf32>
        %max3A_2297 = arith.maximumf %max3A_2285, %get3A_2295 : vector<16xf32>
        %min3A_2298 = arith.minimumf %max3A_2287, %min3A_2296 : vector<16xf32>
        %max3A_2299 = arith.maximumf %max3A_2287, %min3A_2296 : vector<16xf32>
        %max3A_2300 = arith.maximumf %max3A_2288, %min3A_2298 : vector<16xf32>
        %add3A_2301 = arith.constant 768 : i32
        %add3A_2302 = arith.addi %mul3A_1700, %add3A_2301 : i32
        %add3A_2303 = arith.constant 32 : i32
        %add3A_2304 = arith.addi %add3A_2302, %add3A_2303 : i32
        %get3A_2305 = arith.index_cast %add3A_2304 : i32 to index
        %get3A_2306 = tpu.vector_load %arg5[%get3A_2305] {strides = array<i32>} : memref<16384xf32, #tpu.memory_space<vmem>>, vector<16xf32>,
        %get3A_2307 = vector.shape_cast %get3A_2306 : vector<16xf32> to vector<16xf32>
        %min3A_2308 = arith.minimumf %max3A_2297, %get3A_2307 : vector<16xf32>
        %max3A_2309 = arith.maximumf %max3A_2297, %get3A_2307 : vector<16xf32>
        %min3A_2310 = arith.minimumf %max3A_2299, %min3A_2308 : vector<16xf32>
        %max3A_2311 = arith.maximumf %max3A_2299, %min3A_2308 : vector<16xf32>
        %max3A_2312 = arith.maximumf %max3A_2300, %min3A_2310 : vector<16xf32>
        %add3A_2313 = arith.constant 768 : i32
        %add3A_2314 = arith.addi %mul3A_1700, %add3A_2313 : i32
        %add3A_2315 = arith.constant 48 : i32
        %add3A_2316 = arith.addi %add3A_2314, %add3A_2315 : i32
        %get3A_2317 = arith.index_cast %add3A_2316 : i32 to index
        %get3A_2318 = tpu.vector_load %arg5[%get3A_2317] {strides = array<i32>} : memref<16384xf32, #tpu.memory_space<vmem>>, vector<16xf32>,
        %get3A_2319 = vector.shape_cast %get3A_2318 : vector<16xf32> to vector<16xf32>
        %min3A_2320 = arith.minimumf %max3A_2309, %get3A_2319 : vector<16xf32>
        %max3A_2321 = arith.maximumf %max3A_2309, %get3A_2319 : vector<16xf32>
        %min3A_2322 = arith.minimumf %max3A_2311, %min3A_2320 : vector<16xf32>
        %max3A_2323 = arith.maximumf %max3A_2311, %min3A_2320 : vector<16xf32>
        %max3A_2324 = arith.maximumf %max3A_2312, %min3A_2322 : vector<16xf32>
        %add3A_2325 = arith.constant 768 : i32
        %add3A_2326 = arith.addi %mul3A_1700, %add3A_2325 : i32
        %add3A_2327 = arith.constant 64 : i32
        %add3A_2328 = arith.addi %add3A_2326, %add3A_2327 : i32
        %get3A_2329 = arith.index_cast %add3A_2328 : i32 to index
        %get3A_2330 = tpu.vector_load %arg5[%get3A_2329] {strides = array<i32>} : memref<16384xf32, #tpu.memory_space<vmem>>, vector<16xf32>,
        %get3A_2331 = vector.shape_cast %get3A_2330 : vector<16xf32> to vector<16xf32>
        %min3A_2332 = arith.minimumf %max3A_2321, %get3A_2331 : vector<16xf32>
        %max3A_2333 = arith.maximumf %max3A_2321, %get3A_2331 : vector<16xf32>
        %min3A_2334 = arith.minimumf %max3A_2323, %min3A_2332 : vector<16xf32>
        %max3A_2335 = arith.maximumf %max3A_2323, %min3A_2332 : vector<16xf32>
        %max3A_2336 = arith.maximumf %max3A_2324, %min3A_2334 : vector<16xf32>
        %add3A_2337 = arith.constant 768 : i32
        %add3A_2338 = arith.addi %mul3A_1700, %add3A_2337 : i32
        %add3A_2339 = arith.constant 80 : i32
        %add3A_2340 = arith.addi %add3A_2338, %add3A_2339 : i32
        %get3A_2341 = arith.index_cast %add3A_2340 : i32 to index
        %get3A_2342 = tpu.vector_load %arg5[%get3A_2341] {strides = array<i32>} : memref<16384xf32, #tpu.memory_space<vmem>>, vector<16xf32>,
        %get3A_2343 = vector.shape_cast %get3A_2342 : vector<16xf32> to vector<16xf32>
        %min3A_2344 = arith.minimumf %max3A_2333, %get3A_2343 : vector<16xf32>
        %max3A_2345 = arith.maximumf %max3A_2333, %get3A_2343 : vector<16xf32>
        %min3A_2346 = arith.minimumf %max3A_2335, %min3A_2344 : vector<16xf32>
        %max3A_2347 = arith.maximumf %max3A_2335, %min3A_2344 : vector<16xf32>
        %max3A_2348 = arith.maximumf %max3A_2336, %min3A_2346 : vector<16xf32>
        %add3A_2349 = arith.constant 768 : i32
        %add3A_2350 = arith.addi %mul3A_1700, %add3A_2349 : i32
        %add3A_2351 = arith.constant 96 : i32
        %add3A_2352 = arith.addi %add3A_2350, %add3A_2351 : i32
        %get3A_2353 = arith.index_cast %add3A_2352 : i32 to index
        %get3A_2354 = tpu.vector_load %arg5[%get3A_2353] {strides = array<i32>} : memref<16384xf32, #tpu.memory_space<vmem>>, vector<16xf32>,
        %get3A_2355 = vector.shape_cast %get3A_2354 : vector<16xf32> to vector<16xf32>
        %min3A_2356 = arith.minimumf %max3A_2345, %get3A_2355 : vector<16xf32>
        %max3A_2357 = arith.maximumf %max3A_2345, %get3A_2355 : vector<16xf32>
        %min3A_2358 = arith.minimumf %max3A_2347, %min3A_2356 : vector<16xf32>
        %max3A_2359 = arith.maximumf %max3A_2347, %min3A_2356 : vector<16xf32>
        %max3A_2360 = arith.maximumf %max3A_2348, %min3A_2358 : vector<16xf32>
        %add3A_2361 = arith.constant 768 : i32
        %add3A_2362 = arith.addi %mul3A_1700, %add3A_2361 : i32
        %add3A_2363 = arith.constant 112 : i32
        %add3A_2364 = arith.addi %add3A_2362, %add3A_2363 : i32
        %get3A_2365 = arith.index_cast %add3A_2364 : i32 to index
        %get3A_2366 = tpu.vector_load %arg5[%get3A_2365] {strides = array<i32>} : memref<16384xf32, #tpu.memory_space<vmem>>, vector<16xf32>,
        %get3A_2367 = vector.shape_cast %get3A_2366 : vector<16xf32> to vector<16xf32>
        %min3A_2368 = arith.minimumf %max3A_2357, %get3A_2367 : vector<16xf32>
        %max3A_2369 = arith.maximumf %max3A_2357, %get3A_2367 : vector<16xf32>
        %min3A_2370 = arith.minimumf %max3A_2359, %min3A_2368 : vector<16xf32>
        %max3A_2371 = arith.maximumf %max3A_2359, %min3A_2368 : vector<16xf32>
        %max3A_2372 = arith.maximumf %max3A_2360, %min3A_2370 : vector<16xf32>
        %add3A_2373 = arith.constant 896 : i32
        %add3A_2374 = arith.addi %mul3A_1700, %add3A_2373 : i32
        %add3A_2375 = arith.constant 0 : i32
        %add3A_2376 = arith.addi %add3A_2374, %add3A_2375 : i32
        %get3A_2377 = arith.index_cast %add3A_2376 : i32 to index
        %get3A_2378 = tpu.vector_load %arg5[%get3A_2377] {strides = array<i32>} : memref<16384xf32, #tpu.memory_space<vmem>>, vector<16xf32>,
        %get3A_2379 = vector.shape_cast %get3A_2378 : vector<16xf32> to vector<16xf32>
        %min3A_2380 = arith.minimumf %scan3A_1696, %get3A_2379 : vector<16xf32>
        %max3A_2381 = arith.maximumf %scan3A_1696, %get3A_2379 : vector<16xf32>
        %min3A_2382 = arith.minimumf %scan3A_1697, %min3A_2380 : vector<16xf32>
        %max3A_2383 = arith.maximumf %scan3A_1697, %min3A_2380 : vector<16xf32>
        %max3A_2384 = arith.maximumf %scan3A_1698, %min3A_2382 : vector<16xf32>
        %add3A_2385 = arith.constant 896 : i32
        %add3A_2386 = arith.addi %mul3A_1700, %add3A_2385 : i32
        %add3A_2387 = arith.constant 16 : i32
        %add3A_2388 = arith.addi %add3A_2386, %add3A_2387 : i32
        %get3A_2389 = arith.index_cast %add3A_2388 : i32 to index
        %get3A_2390 = tpu.vector_load %arg5[%get3A_2389] {strides = array<i32>} : memref<16384xf32, #tpu.memory_space<vmem>>, vector<16xf32>,
        %get3A_2391 = vector.shape_cast %get3A_2390 : vector<16xf32> to vector<16xf32>
        %min3A_2392 = arith.minimumf %max3A_2381, %get3A_2391 : vector<16xf32>
        %max3A_2393 = arith.maximumf %max3A_2381, %get3A_2391 : vector<16xf32>
        %min3A_2394 = arith.minimumf %max3A_2383, %min3A_2392 : vector<16xf32>
        %max3A_2395 = arith.maximumf %max3A_2383, %min3A_2392 : vector<16xf32>
        %max3A_2396 = arith.maximumf %max3A_2384, %min3A_2394 : vector<16xf32>
        %add3A_2397 = arith.constant 896 : i32
        %add3A_2398 = arith.addi %mul3A_1700, %add3A_2397 : i32
        %add3A_2399 = arith.constant 32 : i32
        %add3A_2400 = arith.addi %add3A_2398, %add3A_2399 : i32
        %get3A_2401 = arith.index_cast %add3A_2400 : i32 to index
        %get3A_2402 = tpu.vector_load %arg5[%get3A_2401] {strides = array<i32>} : memref<16384xf32, #tpu.memory_space<vmem>>, vector<16xf32>,
        %get3A_2403 = vector.shape_cast %get3A_2402 : vector<16xf32> to vector<16xf32>
        %min3A_2404 = arith.minimumf %max3A_2393, %get3A_2403 : vector<16xf32>
        %max3A_2405 = arith.maximumf %max3A_2393, %get3A_2403 : vector<16xf32>
        %min3A_2406 = arith.minimumf %max3A_2395, %min3A_2404 : vector<16xf32>
        %max3A_2407 = arith.maximumf %max3A_2395, %min3A_2404 : vector<16xf32>
        %max3A_2408 = arith.maximumf %max3A_2396, %min3A_2406 : vector<16xf32>
        %add3A_2409 = arith.constant 896 : i32
        %add3A_2410 = arith.addi %mul3A_1700, %add3A_2409 : i32
        %add3A_2411 = arith.constant 48 : i32
        %add3A_2412 = arith.addi %add3A_2410, %add3A_2411 : i32
        %get3A_2413 = arith.index_cast %add3A_2412 : i32 to index
        %get3A_2414 = tpu.vector_load %arg5[%get3A_2413] {strides = array<i32>} : memref<16384xf32, #tpu.memory_space<vmem>>, vector<16xf32>,
        %get3A_2415 = vector.shape_cast %get3A_2414 : vector<16xf32> to vector<16xf32>
        %min3A_2416 = arith.minimumf %max3A_2405, %get3A_2415 : vector<16xf32>
        %max3A_2417 = arith.maximumf %max3A_2405, %get3A_2415 : vector<16xf32>
        %min3A_2418 = arith.minimumf %max3A_2407, %min3A_2416 : vector<16xf32>
        %max3A_2419 = arith.maximumf %max3A_2407, %min3A_2416 : vector<16xf32>
        %max3A_2420 = arith.maximumf %max3A_2408, %min3A_2418 : vector<16xf32>
        %add3A_2421 = arith.constant 896 : i32
        %add3A_2422 = arith.addi %mul3A_1700, %add3A_2421 : i32
        %add3A_2423 = arith.constant 64 : i32
        %add3A_2424 = arith.addi %add3A_2422, %add3A_2423 : i32
        %get3A_2425 = arith.index_cast %add3A_2424 : i32 to index
        %get3A_2426 = tpu.vector_load %arg5[%get3A_2425] {strides = array<i32>} : memref<16384xf32, #tpu.memory_space<vmem>>, vector<16xf32>,
        %get3A_2427 = vector.shape_cast %get3A_2426 : vector<16xf32> to vector<16xf32>
        %min3A_2428 = arith.minimumf %max3A_2417, %get3A_2427 : vector<16xf32>
        %max3A_2429 = arith.maximumf %max3A_2417, %get3A_2427 : vector<16xf32>
        %min3A_2430 = arith.minimumf %max3A_2419, %min3A_2428 : vector<16xf32>
        %max3A_2431 = arith.maximumf %max3A_2419, %min3A_2428 : vector<16xf32>
        %max3A_2432 = arith.maximumf %max3A_2420, %min3A_2430 : vector<16xf32>
        %add3A_2433 = arith.constant 896 : i32
        %add3A_2434 = arith.addi %mul3A_1700, %add3A_2433 : i32
        %add3A_2435 = arith.constant 80 : i32
        %add3A_2436 = arith.addi %add3A_2434, %add3A_2435 : i32
        %get3A_2437 = arith.index_cast %add3A_2436 : i32 to index
        %get3A_2438 = tpu.vector_load %arg5[%get3A_2437] {strides = array<i32>} : memref<16384xf32, #tpu.memory_space<vmem>>, vector<16xf32>,
        %get3A_2439 = vector.shape_cast %get3A_2438 : vector<16xf32> to vector<16xf32>
        %min3A_2440 = arith.minimumf %max3A_2429, %get3A_2439 : vector<16xf32>
        %max3A_2441 = arith.maximumf %max3A_2429, %get3A_2439 : vector<16xf32>
        %min3A_2442 = arith.minimumf %max3A_2431, %min3A_2440 : vector<16xf32>
        %max3A_2443 = arith.maximumf %max3A_2431, %min3A_2440 : vector<16xf32>
        %max3A_2444 = arith.maximumf %max3A_2432, %min3A_2442 : vector<16xf32>
        %add3A_2445 = arith.constant 896 : i32
        %add3A_2446 = arith.addi %mul3A_1700, %add3A_2445 : i32
        %add3A_2447 = arith.constant 96 : i32
        %add3A_2448 = arith.addi %add3A_2446, %add3A_2447 : i32
        %get3A_2449 = arith.index_cast %add3A_2448 : i32 to index
        %get3A_2450 = tpu.vector_load %arg5[%get3A_2449] {strides = array<i32>} : memref<16384xf32, #tpu.memory_space<vmem>>, vector<16xf32>,
        %get3A_2451 = vector.shape_cast %get3A_2450 : vector<16xf32> to vector<16xf32>
        %min3A_2452 = arith.minimumf %max3A_2441, %get3A_2451 : vector<16xf32>
        %max3A_2453 = arith.maximumf %max3A_2441, %get3A_2451 : vector<16xf32>
        %min3A_2454 = arith.minimumf %max3A_2443, %min3A_2452 : vector<16xf32>
        %max3A_2455 = arith.maximumf %max3A_2443, %min3A_2452 : vector<16xf32>
        %max3A_2456 = arith.maximumf %max3A_2444, %min3A_2454 : vector<16xf32>
        %add3A_2457 = arith.constant 896 : i32
        %add3A_2458 = arith.addi %mul3A_1700, %add3A_2457 : i32
        %add3A_2459 = arith.constant 112 : i32
        %add3A_2460 = arith.addi %add3A_2458, %add3A_2459 : i32
        %get3A_2461 = arith.index_cast %add3A_2460 : i32 to index
        %get3A_2462 = tpu.vector_load %arg5[%get3A_2461] {strides = array<i32>} : memref<16384xf32, #tpu.memory_space<vmem>>, vector<16xf32>,
        %get3A_2463 = vector.shape_cast %get3A_2462 : vector<16xf32> to vector<16xf32>
        %min3A_2464 = arith.minimumf %max3A_2453, %get3A_2463 : vector<16xf32>
        %max3A_2465 = arith.maximumf %max3A_2453, %get3A_2463 : vector<16xf32>
        %min3A_2466 = arith.minimumf %max3A_2455, %min3A_2464 : vector<16xf32>
        %max3A_2467 = arith.maximumf %max3A_2455, %min3A_2464 : vector<16xf32>
        %max3A_2468 = arith.maximumf %max3A_2456, %min3A_2466 : vector<16xf32>
        scf.yield %max3A_1793, %max3A_1795, %max3A_1796, %max3A_1889, %max3A_1891, %max3A_1892, %max3A_1985, %max3A_1987, %max3A_1988, %max3A_2081, %max3A_2083, %max3A_2084, %max3A_2177, %max3A_2179, %max3A_2180, %max3A_2273, %max3A_2275, %max3A_2276, %max3A_2369, %max3A_2371, %max3A_2372, %max3A_2465, %max3A_2467, %max3A_2468 : vector<16xf32>, vector<16xf32>, vector<16xf32>, vector<16xf32>, vector<16xf32>, vector<16xf32>, vector<16xf32>, vector<16xf32>, vector<16xf32>, vector<16xf32>, vector<16xf32>, vector<16xf32>, vector<16xf32>, vector<16xf32>, vector<16xf32>, vector<16xf32>, vector<16xf32>, vector<16xf32>, vector<16xf32>, vector<16xf32>, vector<16xf32>, vector<16xf32>, vector<16xf32>, vector<16xf32>
      }
      %scan3A_1651 = arith.constant 16 : i32
      %add3A_1652 = arith.constant 2 : i32
      %add3A_1653 = arith.addi %mul3A_1641, %add3A_1652 : i32
      %lt3A_1654 = arith.constant 16 : i32
      %lt3A_1655 = arith.cmpi slt, %add3A_1653, %lt3A_1654 : i32
      %convert_element_type3A = arith.extui %lt3A_1655 : i1 to i32
      %cond3A = arith.constant 0 : i32
      %cond3A_1656 = arith.cmpi ne, %convert_element_type3A, %cond3A : i32
      scf.if %cond3A_1656 {
        %add3A_1674 = arith.constant 2 : i32
        %add3A_1675 = arith.addi %mul3A_1641, %add3A_1674 : i32
        %mul3A_1676 = arith.constant 16384 : i32
        %mul3A_1677 = arith.muli %add3A_1675, %mul3A_1676 : i32
        %add3A_1678 = arith.addi %mul3A_2, %mul3A_1677 : i32
        %dma_start3A_1679 = tpu.memref_slice %arg2[%add3A_1678] : memref<16777216xf32, #tpu.memory_space<hbm>> -> memref<16384xf32, #tpu.memory_space<hbm>>
        %dma_start3A_1680 = tpu.memref_slice %arg2[%add3A_1678] : memref<16777216xf32, #tpu.memory_space<hbm>> -> memref<16384xf32, #tpu.memory_space<hbm>>
        tpu.enqueue_dma source(%dma_start3A_1680 : memref<16384xf32, #tpu.memory_space<hbm>>) target(%arg5 : memref<16384xf32, #tpu.memory_space<vmem>>) target_semaphore(%arg9 : memref<!tpu.dma_semaphore, #tpu.memory_space<semaphore_mem>>)
      } else {
      }
      %dma_wait3A_1657 = arith.constant 0 : i32
      %dma_wait3A_1658 = tpu.memref_slice %arg2[%dma_wait3A_1657] : memref<16777216xf32, #tpu.memory_space<hbm>> -> memref<16384xf32, #tpu.memory_space<hbm>>
      %dma_wait3A_1659 = arith.constant 0 : i32
      %dma_wait3A_1660 = tpu.memref_slice %arg2[%dma_wait3A_1659] : memref<16777216xf32, #tpu.memory_space<hbm>> -> memref<16384xf32, #tpu.memory_space<hbm>>
      tpu.wait_dma2 semaphore(%arg10 : memref<!tpu.dma_semaphore, #tpu.memory_space<semaphore_mem>>) src(%dma_wait3A_1660 : memref<16384xf32, #tpu.memory_space<hbm>>) dst(%arg6 : memref<16384xf32, #tpu.memory_space<vmem>>)
      %scan3A_1661 = arith.constant 0 : i32
      %scan3A_1662 = arith.constant 16 : i32
      %scan3A_1663 = arith.addi %scan3A_1661, %scan3A_1662 : i32
      %scan3A_1664 = arith.constant 1 : i32
      %scan3A_1665:24 = scf.for %scan3A_1674 = %scan3A_1661 to %scan3A_1663 step %scan3A_1664 iter_args(%scan3A_1675 = %scan3A_1650#0, %scan3A_1676 = %scan3A_1650#1, %scan3A_1677 = %scan3A_1650#2, %scan3A_1678 = %scan3A_1650#3, %scan3A_1679 = %scan3A_1650#4, %scan3A_1680 = %scan3A_1650#5, %scan3A_1681 = %scan3A_1650#6, %scan3A_1682 = %scan3A_1650#7, %scan3A_1683 = %scan3A_1650#8, %scan3A_1684 = %scan3A_1650#9, %scan3A_1685 = %scan3A_1650#10, %scan3A_1686 = %scan3A_1650#11, %scan3A_1687 = %scan3A_1650#12, %scan3A_1688 = %scan3A_1650#13, %scan3A_1689 = %scan3A_1650#14, %scan3A_1690 = %scan3A_1650#15, %scan3A_1691 = %scan3A_1650#16, %scan3A_1692 = %scan3A_1650#17, %scan3A_1693 = %scan3A_1650#18, %scan3A_1694 = %scan3A_1650#19, %scan3A_1695 = %scan3A_1650#20, %scan3A_1696 = %scan3A_1650#21, %scan3A_1697 = %scan3A_1650#22, %scan3A_1698 = %scan3A_1650#23) -> (vector<16xf32>, vector<16xf32>, vector<16xf32>, vector<16xf32>, vector<16xf32>, vector<16xf32>, vector<16xf32>, vector<16xf32>, vector<16xf32>, vector<16xf32>, vector<16xf32>, vector<16xf32>, vector<16xf32>, vector<16xf32>, vector<16xf32>, vector<16xf32>, vector<16xf32>, vector<16xf32>, vector<16xf32>, vector<16xf32>, vector<16xf32>, vector<16xf32>, vector<16xf32>, vector<16xf32>)  : i32 {
        %mul3A_1699 = arith.constant 1024 : i32
        %mul3A_1700 = arith.muli %scan3A_1674, %mul3A_1699 : i32
        %add3A_1701 = arith.constant 0 : i32
        %add3A_1702 = arith.addi %mul3A_1700, %add3A_1701 : i32
        %add3A_1703 = arith.constant 0 : i32
        %add3A_1704 = arith.addi %add3A_1702, %add3A_1703 : i32
        %get3A_1705 = arith.index_cast %add3A_1704 : i32 to index
        %get3A_1706 = tpu.vector_load %arg6[%get3A_1705] {strides = array<i32>} : memref<16384xf32, #tpu.memory_space<vmem>>, vector<16xf32>,
        %get3A_1707 = vector.shape_cast %get3A_1706 : vector<16xf32> to vector<16xf32>
        %min3A_1708 = arith.minimumf %scan3A_1675, %get3A_1707 : vector<16xf32>
        %max3A_1709 = arith.maximumf %scan3A_1675, %get3A_1707 : vector<16xf32>
        %min3A_1710 = arith.minimumf %scan3A_1676, %min3A_1708 : vector<16xf32>
        %max3A_1711 = arith.maximumf %scan3A_1676, %min3A_1708 : vector<16xf32>
        %max3A_1712 = arith.maximumf %scan3A_1677, %min3A_1710 : vector<16xf32>
        %add3A_1713 = arith.constant 0 : i32
        %add3A_1714 = arith.addi %mul3A_1700, %add3A_1713 : i32
        %add3A_1715 = arith.constant 16 : i32
        %add3A_1716 = arith.addi %add3A_1714, %add3A_1715 : i32
        %get3A_1717 = arith.index_cast %add3A_1716 : i32 to index
        %get3A_1718 = tpu.vector_load %arg6[%get3A_1717] {strides = array<i32>} : memref<16384xf32, #tpu.memory_space<vmem>>, vector<16xf32>,
        %get3A_1719 = vector.shape_cast %get3A_1718 : vector<16xf32> to vector<16xf32>
        %min3A_1720 = arith.minimumf %max3A_1709, %get3A_1719 : vector<16xf32>
        %max3A_1721 = arith.maximumf %max3A_1709, %get3A_1719 : vector<16xf32>
        %min3A_1722 = arith.minimumf %max3A_1711, %min3A_1720 : vector<16xf32>
        %max3A_1723 = arith.maximumf %max3A_1711, %min3A_1720 : vector<16xf32>
        %max3A_1724 = arith.maximumf %max3A_1712, %min3A_1722 : vector<16xf32>
        %add3A_1725 = arith.constant 0 : i32
        %add3A_1726 = arith.addi %mul3A_1700, %add3A_1725 : i32
        %add3A_1727 = arith.constant 32 : i32
        %add3A_1728 = arith.addi %add3A_1726, %add3A_1727 : i32
        %get3A_1729 = arith.index_cast %add3A_1728 : i32 to index
        %get3A_1730 = tpu.vector_load %arg6[%get3A_1729] {strides = array<i32>} : memref<16384xf32, #tpu.memory_space<vmem>>, vector<16xf32>,
        %get3A_1731 = vector.shape_cast %get3A_1730 : vector<16xf32> to vector<16xf32>
        %min3A_1732 = arith.minimumf %max3A_1721, %get3A_1731 : vector<16xf32>
        %max3A_1733 = arith.maximumf %max3A_1721, %get3A_1731 : vector<16xf32>
        %min3A_1734 = arith.minimumf %max3A_1723, %min3A_1732 : vector<16xf32>
        %max3A_1735 = arith.maximumf %max3A_1723, %min3A_1732 : vector<16xf32>
        %max3A_1736 = arith.maximumf %max3A_1724, %min3A_1734 : vector<16xf32>
        %add3A_1737 = arith.constant 0 : i32
        %add3A_1738 = arith.addi %mul3A_1700, %add3A_1737 : i32
        %add3A_1739 = arith.constant 48 : i32
        %add3A_1740 = arith.addi %add3A_1738, %add3A_1739 : i32
        %get3A_1741 = arith.index_cast %add3A_1740 : i32 to index
        %get3A_1742 = tpu.vector_load %arg6[%get3A_1741] {strides = array<i32>} : memref<16384xf32, #tpu.memory_space<vmem>>, vector<16xf32>,
        %get3A_1743 = vector.shape_cast %get3A_1742 : vector<16xf32> to vector<16xf32>
        %min3A_1744 = arith.minimumf %max3A_1733, %get3A_1743 : vector<16xf32>
        %max3A_1745 = arith.maximumf %max3A_1733, %get3A_1743 : vector<16xf32>
        %min3A_1746 = arith.minimumf %max3A_1735, %min3A_1744 : vector<16xf32>
        %max3A_1747 = arith.maximumf %max3A_1735, %min3A_1744 : vector<16xf32>
        %max3A_1748 = arith.maximumf %max3A_1736, %min3A_1746 : vector<16xf32>
        %add3A_1749 = arith.constant 0 : i32
        %add3A_1750 = arith.addi %mul3A_1700, %add3A_1749 : i32
        %add3A_1751 = arith.constant 64 : i32
        %add3A_1752 = arith.addi %add3A_1750, %add3A_1751 : i32
        %get3A_1753 = arith.index_cast %add3A_1752 : i32 to index
        %get3A_1754 = tpu.vector_load %arg6[%get3A_1753] {strides = array<i32>} : memref<16384xf32, #tpu.memory_space<vmem>>, vector<16xf32>,
        %get3A_1755 = vector.shape_cast %get3A_1754 : vector<16xf32> to vector<16xf32>
        %min3A_1756 = arith.minimumf %max3A_1745, %get3A_1755 : vector<16xf32>
        %max3A_1757 = arith.maximumf %max3A_1745, %get3A_1755 : vector<16xf32>
        %min3A_1758 = arith.minimumf %max3A_1747, %min3A_1756 : vector<16xf32>
        %max3A_1759 = arith.maximumf %max3A_1747, %min3A_1756 : vector<16xf32>
        %max3A_1760 = arith.maximumf %max3A_1748, %min3A_1758 : vector<16xf32>
        %add3A_1761 = arith.constant 0 : i32
        %add3A_1762 = arith.addi %mul3A_1700, %add3A_1761 : i32
        %add3A_1763 = arith.constant 80 : i32
        %add3A_1764 = arith.addi %add3A_1762, %add3A_1763 : i32
        %get3A_1765 = arith.index_cast %add3A_1764 : i32 to index
        %get3A_1766 = tpu.vector_load %arg6[%get3A_1765] {strides = array<i32>} : memref<16384xf32, #tpu.memory_space<vmem>>, vector<16xf32>,
        %get3A_1767 = vector.shape_cast %get3A_1766 : vector<16xf32> to vector<16xf32>
        %min3A_1768 = arith.minimumf %max3A_1757, %get3A_1767 : vector<16xf32>
        %max3A_1769 = arith.maximumf %max3A_1757, %get3A_1767 : vector<16xf32>
        %min3A_1770 = arith.minimumf %max3A_1759, %min3A_1768 : vector<16xf32>
        %max3A_1771 = arith.maximumf %max3A_1759, %min3A_1768 : vector<16xf32>
        %max3A_1772 = arith.maximumf %max3A_1760, %min3A_1770 : vector<16xf32>
        %add3A_1773 = arith.constant 0 : i32
        %add3A_1774 = arith.addi %mul3A_1700, %add3A_1773 : i32
        %add3A_1775 = arith.constant 96 : i32
        %add3A_1776 = arith.addi %add3A_1774, %add3A_1775 : i32
        %get3A_1777 = arith.index_cast %add3A_1776 : i32 to index
        %get3A_1778 = tpu.vector_load %arg6[%get3A_1777] {strides = array<i32>} : memref<16384xf32, #tpu.memory_space<vmem>>, vector<16xf32>,
        %get3A_1779 = vector.shape_cast %get3A_1778 : vector<16xf32> to vector<16xf32>
        %min3A_1780 = arith.minimumf %max3A_1769, %get3A_1779 : vector<16xf32>
        %max3A_1781 = arith.maximumf %max3A_1769, %get3A_1779 : vector<16xf32>
        %min3A_1782 = arith.minimumf %max3A_1771, %min3A_1780 : vector<16xf32>
        %max3A_1783 = arith.maximumf %max3A_1771, %min3A_1780 : vector<16xf32>
        %max3A_1784 = arith.maximumf %max3A_1772, %min3A_1782 : vector<16xf32>
        %add3A_1785 = arith.constant 0 : i32
        %add3A_1786 = arith.addi %mul3A_1700, %add3A_1785 : i32
        %add3A_1787 = arith.constant 112 : i32
        %add3A_1788 = arith.addi %add3A_1786, %add3A_1787 : i32
        %get3A_1789 = arith.index_cast %add3A_1788 : i32 to index
        %get3A_1790 = tpu.vector_load %arg6[%get3A_1789] {strides = array<i32>} : memref<16384xf32, #tpu.memory_space<vmem>>, vector<16xf32>,
        %get3A_1791 = vector.shape_cast %get3A_1790 : vector<16xf32> to vector<16xf32>
        %min3A_1792 = arith.minimumf %max3A_1781, %get3A_1791 : vector<16xf32>
        %max3A_1793 = arith.maximumf %max3A_1781, %get3A_1791 : vector<16xf32>
        %min3A_1794 = arith.minimumf %max3A_1783, %min3A_1792 : vector<16xf32>
        %max3A_1795 = arith.maximumf %max3A_1783, %min3A_1792 : vector<16xf32>
        %max3A_1796 = arith.maximumf %max3A_1784, %min3A_1794 : vector<16xf32>
        %add3A_1797 = arith.constant 128 : i32
        %add3A_1798 = arith.addi %mul3A_1700, %add3A_1797 : i32
        %add3A_1799 = arith.constant 0 : i32
        %add3A_1800 = arith.addi %add3A_1798, %add3A_1799 : i32
        %get3A_1801 = arith.index_cast %add3A_1800 : i32 to index
        %get3A_1802 = tpu.vector_load %arg6[%get3A_1801] {strides = array<i32>} : memref<16384xf32, #tpu.memory_space<vmem>>, vector<16xf32>,
        %get3A_1803 = vector.shape_cast %get3A_1802 : vector<16xf32> to vector<16xf32>
        %min3A_1804 = arith.minimumf %scan3A_1678, %get3A_1803 : vector<16xf32>
        %max3A_1805 = arith.maximumf %scan3A_1678, %get3A_1803 : vector<16xf32>
        %min3A_1806 = arith.minimumf %scan3A_1679, %min3A_1804 : vector<16xf32>
        %max3A_1807 = arith.maximumf %scan3A_1679, %min3A_1804 : vector<16xf32>
        %max3A_1808 = arith.maximumf %scan3A_1680, %min3A_1806 : vector<16xf32>
        %add3A_1809 = arith.constant 128 : i32
        %add3A_1810 = arith.addi %mul3A_1700, %add3A_1809 : i32
        %add3A_1811 = arith.constant 16 : i32
        %add3A_1812 = arith.addi %add3A_1810, %add3A_1811 : i32
        %get3A_1813 = arith.index_cast %add3A_1812 : i32 to index
        %get3A_1814 = tpu.vector_load %arg6[%get3A_1813] {strides = array<i32>} : memref<16384xf32, #tpu.memory_space<vmem>>, vector<16xf32>,
        %get3A_1815 = vector.shape_cast %get3A_1814 : vector<16xf32> to vector<16xf32>
        %min3A_1816 = arith.minimumf %max3A_1805, %get3A_1815 : vector<16xf32>
        %max3A_1817 = arith.maximumf %max3A_1805, %get3A_1815 : vector<16xf32>
        %min3A_1818 = arith.minimumf %max3A_1807, %min3A_1816 : vector<16xf32>
        %max3A_1819 = arith.maximumf %max3A_1807, %min3A_1816 : vector<16xf32>
        %max3A_1820 = arith.maximumf %max3A_1808, %min3A_1818 : vector<16xf32>
        %add3A_1821 = arith.constant 128 : i32
        %add3A_1822 = arith.addi %mul3A_1700, %add3A_1821 : i32
        %add3A_1823 = arith.constant 32 : i32
        %add3A_1824 = arith.addi %add3A_1822, %add3A_1823 : i32
        %get3A_1825 = arith.index_cast %add3A_1824 : i32 to index
        %get3A_1826 = tpu.vector_load %arg6[%get3A_1825] {strides = array<i32>} : memref<16384xf32, #tpu.memory_space<vmem>>, vector<16xf32>,
        %get3A_1827 = vector.shape_cast %get3A_1826 : vector<16xf32> to vector<16xf32>
        %min3A_1828 = arith.minimumf %max3A_1817, %get3A_1827 : vector<16xf32>
        %max3A_1829 = arith.maximumf %max3A_1817, %get3A_1827 : vector<16xf32>
        %min3A_1830 = arith.minimumf %max3A_1819, %min3A_1828 : vector<16xf32>
        %max3A_1831 = arith.maximumf %max3A_1819, %min3A_1828 : vector<16xf32>
        %max3A_1832 = arith.maximumf %max3A_1820, %min3A_1830 : vector<16xf32>
        %add3A_1833 = arith.constant 128 : i32
        %add3A_1834 = arith.addi %mul3A_1700, %add3A_1833 : i32
        %add3A_1835 = arith.constant 48 : i32
        %add3A_1836 = arith.addi %add3A_1834, %add3A_1835 : i32
        %get3A_1837 = arith.index_cast %add3A_1836 : i32 to index
        %get3A_1838 = tpu.vector_load %arg6[%get3A_1837] {strides = array<i32>} : memref<16384xf32, #tpu.memory_space<vmem>>, vector<16xf32>,
        %get3A_1839 = vector.shape_cast %get3A_1838 : vector<16xf32> to vector<16xf32>
        %min3A_1840 = arith.minimumf %max3A_1829, %get3A_1839 : vector<16xf32>
        %max3A_1841 = arith.maximumf %max3A_1829, %get3A_1839 : vector<16xf32>
        %min3A_1842 = arith.minimumf %max3A_1831, %min3A_1840 : vector<16xf32>
        %max3A_1843 = arith.maximumf %max3A_1831, %min3A_1840 : vector<16xf32>
        %max3A_1844 = arith.maximumf %max3A_1832, %min3A_1842 : vector<16xf32>
        %add3A_1845 = arith.constant 128 : i32
        %add3A_1846 = arith.addi %mul3A_1700, %add3A_1845 : i32
        %add3A_1847 = arith.constant 64 : i32
        %add3A_1848 = arith.addi %add3A_1846, %add3A_1847 : i32
        %get3A_1849 = arith.index_cast %add3A_1848 : i32 to index
        %get3A_1850 = tpu.vector_load %arg6[%get3A_1849] {strides = array<i32>} : memref<16384xf32, #tpu.memory_space<vmem>>, vector<16xf32>,
        %get3A_1851 = vector.shape_cast %get3A_1850 : vector<16xf32> to vector<16xf32>
        %min3A_1852 = arith.minimumf %max3A_1841, %get3A_1851 : vector<16xf32>
        %max3A_1853 = arith.maximumf %max3A_1841, %get3A_1851 : vector<16xf32>
        %min3A_1854 = arith.minimumf %max3A_1843, %min3A_1852 : vector<16xf32>
        %max3A_1855 = arith.maximumf %max3A_1843, %min3A_1852 : vector<16xf32>
        %max3A_1856 = arith.maximumf %max3A_1844, %min3A_1854 : vector<16xf32>
        %add3A_1857 = arith.constant 128 : i32
        %add3A_1858 = arith.addi %mul3A_1700, %add3A_1857 : i32
        %add3A_1859 = arith.constant 80 : i32
        %add3A_1860 = arith.addi %add3A_1858, %add3A_1859 : i32
        %get3A_1861 = arith.index_cast %add3A_1860 : i32 to index
        %get3A_1862 = tpu.vector_load %arg6[%get3A_1861] {strides = array<i32>} : memref<16384xf32, #tpu.memory_space<vmem>>, vector<16xf32>,
        %get3A_1863 = vector.shape_cast %get3A_1862 : vector<16xf32> to vector<16xf32>
        %min3A_1864 = arith.minimumf %max3A_1853, %get3A_1863 : vector<16xf32>
        %max3A_1865 = arith.maximumf %max3A_1853, %get3A_1863 : vector<16xf32>
        %min3A_1866 = arith.minimumf %max3A_1855, %min3A_1864 : vector<16xf32>
        %max3A_1867 = arith.maximumf %max3A_1855, %min3A_1864 : vector<16xf32>
        %max3A_1868 = arith.maximumf %max3A_1856, %min3A_1866 : vector<16xf32>
        %add3A_1869 = arith.constant 128 : i32
        %add3A_1870 = arith.addi %mul3A_1700, %add3A_1869 : i32
        %add3A_1871 = arith.constant 96 : i32
        %add3A_1872 = arith.addi %add3A_1870, %add3A_1871 : i32
        %get3A_1873 = arith.index_cast %add3A_1872 : i32 to index
        %get3A_1874 = tpu.vector_load %arg6[%get3A_1873] {strides = array<i32>} : memref<16384xf32, #tpu.memory_space<vmem>>, vector<16xf32>,
        %get3A_1875 = vector.shape_cast %get3A_1874 : vector<16xf32> to vector<16xf32>
        %min3A_1876 = arith.minimumf %max3A_1865, %get3A_1875 : vector<16xf32>
        %max3A_1877 = arith.maximumf %max3A_1865, %get3A_1875 : vector<16xf32>
        %min3A_1878 = arith.minimumf %max3A_1867, %min3A_1876 : vector<16xf32>
        %max3A_1879 = arith.maximumf %max3A_1867, %min3A_1876 : vector<16xf32>
        %max3A_1880 = arith.maximumf %max3A_1868, %min3A_1878 : vector<16xf32>
        %add3A_1881 = arith.constant 128 : i32
        %add3A_1882 = arith.addi %mul3A_1700, %add3A_1881 : i32
        %add3A_1883 = arith.constant 112 : i32
        %add3A_1884 = arith.addi %add3A_1882, %add3A_1883 : i32
        %get3A_1885 = arith.index_cast %add3A_1884 : i32 to index
        %get3A_1886 = tpu.vector_load %arg6[%get3A_1885] {strides = array<i32>} : memref<16384xf32, #tpu.memory_space<vmem>>, vector<16xf32>,
        %get3A_1887 = vector.shape_cast %get3A_1886 : vector<16xf32> to vector<16xf32>
        %min3A_1888 = arith.minimumf %max3A_1877, %get3A_1887 : vector<16xf32>
        %max3A_1889 = arith.maximumf %max3A_1877, %get3A_1887 : vector<16xf32>
        %min3A_1890 = arith.minimumf %max3A_1879, %min3A_1888 : vector<16xf32>
        %max3A_1891 = arith.maximumf %max3A_1879, %min3A_1888 : vector<16xf32>
        %max3A_1892 = arith.maximumf %max3A_1880, %min3A_1890 : vector<16xf32>
        %add3A_1893 = arith.constant 256 : i32
        %add3A_1894 = arith.addi %mul3A_1700, %add3A_1893 : i32
        %add3A_1895 = arith.constant 0 : i32
        %add3A_1896 = arith.addi %add3A_1894, %add3A_1895 : i32
        %get3A_1897 = arith.index_cast %add3A_1896 : i32 to index
        %get3A_1898 = tpu.vector_load %arg6[%get3A_1897] {strides = array<i32>} : memref<16384xf32, #tpu.memory_space<vmem>>, vector<16xf32>,
        %get3A_1899 = vector.shape_cast %get3A_1898 : vector<16xf32> to vector<16xf32>
        %min3A_1900 = arith.minimumf %scan3A_1681, %get3A_1899 : vector<16xf32>
        %max3A_1901 = arith.maximumf %scan3A_1681, %get3A_1899 : vector<16xf32>
        %min3A_1902 = arith.minimumf %scan3A_1682, %min3A_1900 : vector<16xf32>
        %max3A_1903 = arith.maximumf %scan3A_1682, %min3A_1900 : vector<16xf32>
        %max3A_1904 = arith.maximumf %scan3A_1683, %min3A_1902 : vector<16xf32>
        %add3A_1905 = arith.constant 256 : i32
        %add3A_1906 = arith.addi %mul3A_1700, %add3A_1905 : i32
        %add3A_1907 = arith.constant 16 : i32
        %add3A_1908 = arith.addi %add3A_1906, %add3A_1907 : i32
        %get3A_1909 = arith.index_cast %add3A_1908 : i32 to index
        %get3A_1910 = tpu.vector_load %arg6[%get3A_1909] {strides = array<i32>} : memref<16384xf32, #tpu.memory_space<vmem>>, vector<16xf32>,
        %get3A_1911 = vector.shape_cast %get3A_1910 : vector<16xf32> to vector<16xf32>
        %min3A_1912 = arith.minimumf %max3A_1901, %get3A_1911 : vector<16xf32>
        %max3A_1913 = arith.maximumf %max3A_1901, %get3A_1911 : vector<16xf32>
        %min3A_1914 = arith.minimumf %max3A_1903, %min3A_1912 : vector<16xf32>
        %max3A_1915 = arith.maximumf %max3A_1903, %min3A_1912 : vector<16xf32>
        %max3A_1916 = arith.maximumf %max3A_1904, %min3A_1914 : vector<16xf32>
        %add3A_1917 = arith.constant 256 : i32
        %add3A_1918 = arith.addi %mul3A_1700, %add3A_1917 : i32
        %add3A_1919 = arith.constant 32 : i32
        %add3A_1920 = arith.addi %add3A_1918, %add3A_1919 : i32
        %get3A_1921 = arith.index_cast %add3A_1920 : i32 to index
        %get3A_1922 = tpu.vector_load %arg6[%get3A_1921] {strides = array<i32>} : memref<16384xf32, #tpu.memory_space<vmem>>, vector<16xf32>,
        %get3A_1923 = vector.shape_cast %get3A_1922 : vector<16xf32> to vector<16xf32>
        %min3A_1924 = arith.minimumf %max3A_1913, %get3A_1923 : vector<16xf32>
        %max3A_1925 = arith.maximumf %max3A_1913, %get3A_1923 : vector<16xf32>
        %min3A_1926 = arith.minimumf %max3A_1915, %min3A_1924 : vector<16xf32>
        %max3A_1927 = arith.maximumf %max3A_1915, %min3A_1924 : vector<16xf32>
        %max3A_1928 = arith.maximumf %max3A_1916, %min3A_1926 : vector<16xf32>
        %add3A_1929 = arith.constant 256 : i32
        %add3A_1930 = arith.addi %mul3A_1700, %add3A_1929 : i32
        %add3A_1931 = arith.constant 48 : i32
        %add3A_1932 = arith.addi %add3A_1930, %add3A_1931 : i32
        %get3A_1933 = arith.index_cast %add3A_1932 : i32 to index
        %get3A_1934 = tpu.vector_load %arg6[%get3A_1933] {strides = array<i32>} : memref<16384xf32, #tpu.memory_space<vmem>>, vector<16xf32>,
        %get3A_1935 = vector.shape_cast %get3A_1934 : vector<16xf32> to vector<16xf32>
        %min3A_1936 = arith.minimumf %max3A_1925, %get3A_1935 : vector<16xf32>
        %max3A_1937 = arith.maximumf %max3A_1925, %get3A_1935 : vector<16xf32>
        %min3A_1938 = arith.minimumf %max3A_1927, %min3A_1936 : vector<16xf32>
        %max3A_1939 = arith.maximumf %max3A_1927, %min3A_1936 : vector<16xf32>
        %max3A_1940 = arith.maximumf %max3A_1928, %min3A_1938 : vector<16xf32>
        %add3A_1941 = arith.constant 256 : i32
        %add3A_1942 = arith.addi %mul3A_1700, %add3A_1941 : i32
        %add3A_1943 = arith.constant 64 : i32
        %add3A_1944 = arith.addi %add3A_1942, %add3A_1943 : i32
        %get3A_1945 = arith.index_cast %add3A_1944 : i32 to index
        %get3A_1946 = tpu.vector_load %arg6[%get3A_1945] {strides = array<i32>} : memref<16384xf32, #tpu.memory_space<vmem>>, vector<16xf32>,
        %get3A_1947 = vector.shape_cast %get3A_1946 : vector<16xf32> to vector<16xf32>
        %min3A_1948 = arith.minimumf %max3A_1937, %get3A_1947 : vector<16xf32>
        %max3A_1949 = arith.maximumf %max3A_1937, %get3A_1947 : vector<16xf32>
        %min3A_1950 = arith.minimumf %max3A_1939, %min3A_1948 : vector<16xf32>
        %max3A_1951 = arith.maximumf %max3A_1939, %min3A_1948 : vector<16xf32>
        %max3A_1952 = arith.maximumf %max3A_1940, %min3A_1950 : vector<16xf32>
        %add3A_1953 = arith.constant 256 : i32
        %add3A_1954 = arith.addi %mul3A_1700, %add3A_1953 : i32
        %add3A_1955 = arith.constant 80 : i32
        %add3A_1956 = arith.addi %add3A_1954, %add3A_1955 : i32
        %get3A_1957 = arith.index_cast %add3A_1956 : i32 to index
        %get3A_1958 = tpu.vector_load %arg6[%get3A_1957] {strides = array<i32>} : memref<16384xf32, #tpu.memory_space<vmem>>, vector<16xf32>,
        %get3A_1959 = vector.shape_cast %get3A_1958 : vector<16xf32> to vector<16xf32>
        %min3A_1960 = arith.minimumf %max3A_1949, %get3A_1959 : vector<16xf32>
        %max3A_1961 = arith.maximumf %max3A_1949, %get3A_1959 : vector<16xf32>
        %min3A_1962 = arith.minimumf %max3A_1951, %min3A_1960 : vector<16xf32>
        %max3A_1963 = arith.maximumf %max3A_1951, %min3A_1960 : vector<16xf32>
        %max3A_1964 = arith.maximumf %max3A_1952, %min3A_1962 : vector<16xf32>
        %add3A_1965 = arith.constant 256 : i32
        %add3A_1966 = arith.addi %mul3A_1700, %add3A_1965 : i32
        %add3A_1967 = arith.constant 96 : i32
        %add3A_1968 = arith.addi %add3A_1966, %add3A_1967 : i32
        %get3A_1969 = arith.index_cast %add3A_1968 : i32 to index
        %get3A_1970 = tpu.vector_load %arg6[%get3A_1969] {strides = array<i32>} : memref<16384xf32, #tpu.memory_space<vmem>>, vector<16xf32>,
        %get3A_1971 = vector.shape_cast %get3A_1970 : vector<16xf32> to vector<16xf32>
        %min3A_1972 = arith.minimumf %max3A_1961, %get3A_1971 : vector<16xf32>
        %max3A_1973 = arith.maximumf %max3A_1961, %get3A_1971 : vector<16xf32>
        %min3A_1974 = arith.minimumf %max3A_1963, %min3A_1972 : vector<16xf32>
        %max3A_1975 = arith.maximumf %max3A_1963, %min3A_1972 : vector<16xf32>
        %max3A_1976 = arith.maximumf %max3A_1964, %min3A_1974 : vector<16xf32>
        %add3A_1977 = arith.constant 256 : i32
        %add3A_1978 = arith.addi %mul3A_1700, %add3A_1977 : i32
        %add3A_1979 = arith.constant 112 : i32
        %add3A_1980 = arith.addi %add3A_1978, %add3A_1979 : i32
        %get3A_1981 = arith.index_cast %add3A_1980 : i32 to index
        %get3A_1982 = tpu.vector_load %arg6[%get3A_1981] {strides = array<i32>} : memref<16384xf32, #tpu.memory_space<vmem>>, vector<16xf32>,
        %get3A_1983 = vector.shape_cast %get3A_1982 : vector<16xf32> to vector<16xf32>
        %min3A_1984 = arith.minimumf %max3A_1973, %get3A_1983 : vector<16xf32>
        %max3A_1985 = arith.maximumf %max3A_1973, %get3A_1983 : vector<16xf32>
        %min3A_1986 = arith.minimumf %max3A_1975, %min3A_1984 : vector<16xf32>
        %max3A_1987 = arith.maximumf %max3A_1975, %min3A_1984 : vector<16xf32>
        %max3A_1988 = arith.maximumf %max3A_1976, %min3A_1986 : vector<16xf32>
        %add3A_1989 = arith.constant 384 : i32
        %add3A_1990 = arith.addi %mul3A_1700, %add3A_1989 : i32
        %add3A_1991 = arith.constant 0 : i32
        %add3A_1992 = arith.addi %add3A_1990, %add3A_1991 : i32
        %get3A_1993 = arith.index_cast %add3A_1992 : i32 to index
        %get3A_1994 = tpu.vector_load %arg6[%get3A_1993] {strides = array<i32>} : memref<16384xf32, #tpu.memory_space<vmem>>, vector<16xf32>,
        %get3A_1995 = vector.shape_cast %get3A_1994 : vector<16xf32> to vector<16xf32>
        %min3A_1996 = arith.minimumf %scan3A_1684, %get3A_1995 : vector<16xf32>
        %max3A_1997 = arith.maximumf %scan3A_1684, %get3A_1995 : vector<16xf32>
        %min3A_1998 = arith.minimumf %scan3A_1685, %min3A_1996 : vector<16xf32>
        %max3A_1999 = arith.maximumf %scan3A_1685, %min3A_1996 : vector<16xf32>
        %max3A_2000 = arith.maximumf %scan3A_1686, %min3A_1998 : vector<16xf32>
        %add3A_2001 = arith.constant 384 : i32
        %add3A_2002 = arith.addi %mul3A_1700, %add3A_2001 : i32
        %add3A_2003 = arith.constant 16 : i32
        %add3A_2004 = arith.addi %add3A_2002, %add3A_2003 : i32
        %get3A_2005 = arith.index_cast %add3A_2004 : i32 to index
        %get3A_2006 = tpu.vector_load %arg6[%get3A_2005] {strides = array<i32>} : memref<16384xf32, #tpu.memory_space<vmem>>, vector<16xf32>,
        %get3A_2007 = vector.shape_cast %get3A_2006 : vector<16xf32> to vector<16xf32>
        %min3A_2008 = arith.minimumf %max3A_1997, %get3A_2007 : vector<16xf32>
        %max3A_2009 = arith.maximumf %max3A_1997, %get3A_2007 : vector<16xf32>
        %min3A_2010 = arith.minimumf %max3A_1999, %min3A_2008 : vector<16xf32>
        %max3A_2011 = arith.maximumf %max3A_1999, %min3A_2008 : vector<16xf32>
        %max3A_2012 = arith.maximumf %max3A_2000, %min3A_2010 : vector<16xf32>
        %add3A_2013 = arith.constant 384 : i32
        %add3A_2014 = arith.addi %mul3A_1700, %add3A_2013 : i32
        %add3A_2015 = arith.constant 32 : i32
        %add3A_2016 = arith.addi %add3A_2014, %add3A_2015 : i32
        %get3A_2017 = arith.index_cast %add3A_2016 : i32 to index
        %get3A_2018 = tpu.vector_load %arg6[%get3A_2017] {strides = array<i32>} : memref<16384xf32, #tpu.memory_space<vmem>>, vector<16xf32>,
        %get3A_2019 = vector.shape_cast %get3A_2018 : vector<16xf32> to vector<16xf32>
        %min3A_2020 = arith.minimumf %max3A_2009, %get3A_2019 : vector<16xf32>
        %max3A_2021 = arith.maximumf %max3A_2009, %get3A_2019 : vector<16xf32>
        %min3A_2022 = arith.minimumf %max3A_2011, %min3A_2020 : vector<16xf32>
        %max3A_2023 = arith.maximumf %max3A_2011, %min3A_2020 : vector<16xf32>
        %max3A_2024 = arith.maximumf %max3A_2012, %min3A_2022 : vector<16xf32>
        %add3A_2025 = arith.constant 384 : i32
        %add3A_2026 = arith.addi %mul3A_1700, %add3A_2025 : i32
        %add3A_2027 = arith.constant 48 : i32
        %add3A_2028 = arith.addi %add3A_2026, %add3A_2027 : i32
        %get3A_2029 = arith.index_cast %add3A_2028 : i32 to index
        %get3A_2030 = tpu.vector_load %arg6[%get3A_2029] {strides = array<i32>} : memref<16384xf32, #tpu.memory_space<vmem>>, vector<16xf32>,
        %get3A_2031 = vector.shape_cast %get3A_2030 : vector<16xf32> to vector<16xf32>
        %min3A_2032 = arith.minimumf %max3A_2021, %get3A_2031 : vector<16xf32>
        %max3A_2033 = arith.maximumf %max3A_2021, %get3A_2031 : vector<16xf32>
        %min3A_2034 = arith.minimumf %max3A_2023, %min3A_2032 : vector<16xf32>
        %max3A_2035 = arith.maximumf %max3A_2023, %min3A_2032 : vector<16xf32>
        %max3A_2036 = arith.maximumf %max3A_2024, %min3A_2034 : vector<16xf32>
        %add3A_2037 = arith.constant 384 : i32
        %add3A_2038 = arith.addi %mul3A_1700, %add3A_2037 : i32
        %add3A_2039 = arith.constant 64 : i32
        %add3A_2040 = arith.addi %add3A_2038, %add3A_2039 : i32
        %get3A_2041 = arith.index_cast %add3A_2040 : i32 to index
        %get3A_2042 = tpu.vector_load %arg6[%get3A_2041] {strides = array<i32>} : memref<16384xf32, #tpu.memory_space<vmem>>, vector<16xf32>,
        %get3A_2043 = vector.shape_cast %get3A_2042 : vector<16xf32> to vector<16xf32>
        %min3A_2044 = arith.minimumf %max3A_2033, %get3A_2043 : vector<16xf32>
        %max3A_2045 = arith.maximumf %max3A_2033, %get3A_2043 : vector<16xf32>
        %min3A_2046 = arith.minimumf %max3A_2035, %min3A_2044 : vector<16xf32>
        %max3A_2047 = arith.maximumf %max3A_2035, %min3A_2044 : vector<16xf32>
        %max3A_2048 = arith.maximumf %max3A_2036, %min3A_2046 : vector<16xf32>
        %add3A_2049 = arith.constant 384 : i32
        %add3A_2050 = arith.addi %mul3A_1700, %add3A_2049 : i32
        %add3A_2051 = arith.constant 80 : i32
        %add3A_2052 = arith.addi %add3A_2050, %add3A_2051 : i32
        %get3A_2053 = arith.index_cast %add3A_2052 : i32 to index
        %get3A_2054 = tpu.vector_load %arg6[%get3A_2053] {strides = array<i32>} : memref<16384xf32, #tpu.memory_space<vmem>>, vector<16xf32>,
        %get3A_2055 = vector.shape_cast %get3A_2054 : vector<16xf32> to vector<16xf32>
        %min3A_2056 = arith.minimumf %max3A_2045, %get3A_2055 : vector<16xf32>
        %max3A_2057 = arith.maximumf %max3A_2045, %get3A_2055 : vector<16xf32>
        %min3A_2058 = arith.minimumf %max3A_2047, %min3A_2056 : vector<16xf32>
        %max3A_2059 = arith.maximumf %max3A_2047, %min3A_2056 : vector<16xf32>
        %max3A_2060 = arith.maximumf %max3A_2048, %min3A_2058 : vector<16xf32>
        %add3A_2061 = arith.constant 384 : i32
        %add3A_2062 = arith.addi %mul3A_1700, %add3A_2061 : i32
        %add3A_2063 = arith.constant 96 : i32
        %add3A_2064 = arith.addi %add3A_2062, %add3A_2063 : i32
        %get3A_2065 = arith.index_cast %add3A_2064 : i32 to index
        %get3A_2066 = tpu.vector_load %arg6[%get3A_2065] {strides = array<i32>} : memref<16384xf32, #tpu.memory_space<vmem>>, vector<16xf32>,
        %get3A_2067 = vector.shape_cast %get3A_2066 : vector<16xf32> to vector<16xf32>
        %min3A_2068 = arith.minimumf %max3A_2057, %get3A_2067 : vector<16xf32>
        %max3A_2069 = arith.maximumf %max3A_2057, %get3A_2067 : vector<16xf32>
        %min3A_2070 = arith.minimumf %max3A_2059, %min3A_2068 : vector<16xf32>
        %max3A_2071 = arith.maximumf %max3A_2059, %min3A_2068 : vector<16xf32>
        %max3A_2072 = arith.maximumf %max3A_2060, %min3A_2070 : vector<16xf32>
        %add3A_2073 = arith.constant 384 : i32
        %add3A_2074 = arith.addi %mul3A_1700, %add3A_2073 : i32
        %add3A_2075 = arith.constant 112 : i32
        %add3A_2076 = arith.addi %add3A_2074, %add3A_2075 : i32
        %get3A_2077 = arith.index_cast %add3A_2076 : i32 to index
        %get3A_2078 = tpu.vector_load %arg6[%get3A_2077] {strides = array<i32>} : memref<16384xf32, #tpu.memory_space<vmem>>, vector<16xf32>,
        %get3A_2079 = vector.shape_cast %get3A_2078 : vector<16xf32> to vector<16xf32>
        %min3A_2080 = arith.minimumf %max3A_2069, %get3A_2079 : vector<16xf32>
        %max3A_2081 = arith.maximumf %max3A_2069, %get3A_2079 : vector<16xf32>
        %min3A_2082 = arith.minimumf %max3A_2071, %min3A_2080 : vector<16xf32>
        %max3A_2083 = arith.maximumf %max3A_2071, %min3A_2080 : vector<16xf32>
        %max3A_2084 = arith.maximumf %max3A_2072, %min3A_2082 : vector<16xf32>
        %add3A_2085 = arith.constant 512 : i32
        %add3A_2086 = arith.addi %mul3A_1700, %add3A_2085 : i32
        %add3A_2087 = arith.constant 0 : i32
        %add3A_2088 = arith.addi %add3A_2086, %add3A_2087 : i32
        %get3A_2089 = arith.index_cast %add3A_2088 : i32 to index
        %get3A_2090 = tpu.vector_load %arg6[%get3A_2089] {strides = array<i32>} : memref<16384xf32, #tpu.memory_space<vmem>>, vector<16xf32>,
        %get3A_2091 = vector.shape_cast %get3A_2090 : vector<16xf32> to vector<16xf32>
        %min3A_2092 = arith.minimumf %scan3A_1687, %get3A_2091 : vector<16xf32>
        %max3A_2093 = arith.maximumf %scan3A_1687, %get3A_2091 : vector<16xf32>
        %min3A_2094 = arith.minimumf %scan3A_1688, %min3A_2092 : vector<16xf32>
        %max3A_2095 = arith.maximumf %scan3A_1688, %min3A_2092 : vector<16xf32>
        %max3A_2096 = arith.maximumf %scan3A_1689, %min3A_2094 : vector<16xf32>
        %add3A_2097 = arith.constant 512 : i32
        %add3A_2098 = arith.addi %mul3A_1700, %add3A_2097 : i32
        %add3A_2099 = arith.constant 16 : i32
        %add3A_2100 = arith.addi %add3A_2098, %add3A_2099 : i32
        %get3A_2101 = arith.index_cast %add3A_2100 : i32 to index
        %get3A_2102 = tpu.vector_load %arg6[%get3A_2101] {strides = array<i32>} : memref<16384xf32, #tpu.memory_space<vmem>>, vector<16xf32>,
        %get3A_2103 = vector.shape_cast %get3A_2102 : vector<16xf32> to vector<16xf32>
        %min3A_2104 = arith.minimumf %max3A_2093, %get3A_2103 : vector<16xf32>
        %max3A_2105 = arith.maximumf %max3A_2093, %get3A_2103 : vector<16xf32>
        %min3A_2106 = arith.minimumf %max3A_2095, %min3A_2104 : vector<16xf32>
        %max3A_2107 = arith.maximumf %max3A_2095, %min3A_2104 : vector<16xf32>
        %max3A_2108 = arith.maximumf %max3A_2096, %min3A_2106 : vector<16xf32>
        %add3A_2109 = arith.constant 512 : i32
        %add3A_2110 = arith.addi %mul3A_1700, %add3A_2109 : i32
        %add3A_2111 = arith.constant 32 : i32
        %add3A_2112 = arith.addi %add3A_2110, %add3A_2111 : i32
        %get3A_2113 = arith.index_cast %add3A_2112 : i32 to index
        %get3A_2114 = tpu.vector_load %arg6[%get3A_2113] {strides = array<i32>} : memref<16384xf32, #tpu.memory_space<vmem>>, vector<16xf32>,
        %get3A_2115 = vector.shape_cast %get3A_2114 : vector<16xf32> to vector<16xf32>
        %min3A_2116 = arith.minimumf %max3A_2105, %get3A_2115 : vector<16xf32>
        %max3A_2117 = arith.maximumf %max3A_2105, %get3A_2115 : vector<16xf32>
        %min3A_2118 = arith.minimumf %max3A_2107, %min3A_2116 : vector<16xf32>
        %max3A_2119 = arith.maximumf %max3A_2107, %min3A_2116 : vector<16xf32>
        %max3A_2120 = arith.maximumf %max3A_2108, %min3A_2118 : vector<16xf32>
        %add3A_2121 = arith.constant 512 : i32
        %add3A_2122 = arith.addi %mul3A_1700, %add3A_2121 : i32
        %add3A_2123 = arith.constant 48 : i32
        %add3A_2124 = arith.addi %add3A_2122, %add3A_2123 : i32
        %get3A_2125 = arith.index_cast %add3A_2124 : i32 to index
        %get3A_2126 = tpu.vector_load %arg6[%get3A_2125] {strides = array<i32>} : memref<16384xf32, #tpu.memory_space<vmem>>, vector<16xf32>,
        %get3A_2127 = vector.shape_cast %get3A_2126 : vector<16xf32> to vector<16xf32>
        %min3A_2128 = arith.minimumf %max3A_2117, %get3A_2127 : vector<16xf32>
        %max3A_2129 = arith.maximumf %max3A_2117, %get3A_2127 : vector<16xf32>
        %min3A_2130 = arith.minimumf %max3A_2119, %min3A_2128 : vector<16xf32>
        %max3A_2131 = arith.maximumf %max3A_2119, %min3A_2128 : vector<16xf32>
        %max3A_2132 = arith.maximumf %max3A_2120, %min3A_2130 : vector<16xf32>
        %add3A_2133 = arith.constant 512 : i32
        %add3A_2134 = arith.addi %mul3A_1700, %add3A_2133 : i32
        %add3A_2135 = arith.constant 64 : i32
        %add3A_2136 = arith.addi %add3A_2134, %add3A_2135 : i32
        %get3A_2137 = arith.index_cast %add3A_2136 : i32 to index
        %get3A_2138 = tpu.vector_load %arg6[%get3A_2137] {strides = array<i32>} : memref<16384xf32, #tpu.memory_space<vmem>>, vector<16xf32>,
        %get3A_2139 = vector.shape_cast %get3A_2138 : vector<16xf32> to vector<16xf32>
        %min3A_2140 = arith.minimumf %max3A_2129, %get3A_2139 : vector<16xf32>
        %max3A_2141 = arith.maximumf %max3A_2129, %get3A_2139 : vector<16xf32>
        %min3A_2142 = arith.minimumf %max3A_2131, %min3A_2140 : vector<16xf32>
        %max3A_2143 = arith.maximumf %max3A_2131, %min3A_2140 : vector<16xf32>
        %max3A_2144 = arith.maximumf %max3A_2132, %min3A_2142 : vector<16xf32>
        %add3A_2145 = arith.constant 512 : i32
        %add3A_2146 = arith.addi %mul3A_1700, %add3A_2145 : i32
        %add3A_2147 = arith.constant 80 : i32
        %add3A_2148 = arith.addi %add3A_2146, %add3A_2147 : i32
        %get3A_2149 = arith.index_cast %add3A_2148 : i32 to index
        %get3A_2150 = tpu.vector_load %arg6[%get3A_2149] {strides = array<i32>} : memref<16384xf32, #tpu.memory_space<vmem>>, vector<16xf32>,
        %get3A_2151 = vector.shape_cast %get3A_2150 : vector<16xf32> to vector<16xf32>
        %min3A_2152 = arith.minimumf %max3A_2141, %get3A_2151 : vector<16xf32>
        %max3A_2153 = arith.maximumf %max3A_2141, %get3A_2151 : vector<16xf32>
        %min3A_2154 = arith.minimumf %max3A_2143, %min3A_2152 : vector<16xf32>
        %max3A_2155 = arith.maximumf %max3A_2143, %min3A_2152 : vector<16xf32>
        %max3A_2156 = arith.maximumf %max3A_2144, %min3A_2154 : vector<16xf32>
        %add3A_2157 = arith.constant 512 : i32
        %add3A_2158 = arith.addi %mul3A_1700, %add3A_2157 : i32
        %add3A_2159 = arith.constant 96 : i32
        %add3A_2160 = arith.addi %add3A_2158, %add3A_2159 : i32
        %get3A_2161 = arith.index_cast %add3A_2160 : i32 to index
        %get3A_2162 = tpu.vector_load %arg6[%get3A_2161] {strides = array<i32>} : memref<16384xf32, #tpu.memory_space<vmem>>, vector<16xf32>,
        %get3A_2163 = vector.shape_cast %get3A_2162 : vector<16xf32> to vector<16xf32>
        %min3A_2164 = arith.minimumf %max3A_2153, %get3A_2163 : vector<16xf32>
        %max3A_2165 = arith.maximumf %max3A_2153, %get3A_2163 : vector<16xf32>
        %min3A_2166 = arith.minimumf %max3A_2155, %min3A_2164 : vector<16xf32>
        %max3A_2167 = arith.maximumf %max3A_2155, %min3A_2164 : vector<16xf32>
        %max3A_2168 = arith.maximumf %max3A_2156, %min3A_2166 : vector<16xf32>
        %add3A_2169 = arith.constant 512 : i32
        %add3A_2170 = arith.addi %mul3A_1700, %add3A_2169 : i32
        %add3A_2171 = arith.constant 112 : i32
        %add3A_2172 = arith.addi %add3A_2170, %add3A_2171 : i32
        %get3A_2173 = arith.index_cast %add3A_2172 : i32 to index
        %get3A_2174 = tpu.vector_load %arg6[%get3A_2173] {strides = array<i32>} : memref<16384xf32, #tpu.memory_space<vmem>>, vector<16xf32>,
        %get3A_2175 = vector.shape_cast %get3A_2174 : vector<16xf32> to vector<16xf32>
        %min3A_2176 = arith.minimumf %max3A_2165, %get3A_2175 : vector<16xf32>
        %max3A_2177 = arith.maximumf %max3A_2165, %get3A_2175 : vector<16xf32>
        %min3A_2178 = arith.minimumf %max3A_2167, %min3A_2176 : vector<16xf32>
        %max3A_2179 = arith.maximumf %max3A_2167, %min3A_2176 : vector<16xf32>
        %max3A_2180 = arith.maximumf %max3A_2168, %min3A_2178 : vector<16xf32>
        %add3A_2181 = arith.constant 640 : i32
        %add3A_2182 = arith.addi %mul3A_1700, %add3A_2181 : i32
        %add3A_2183 = arith.constant 0 : i32
        %add3A_2184 = arith.addi %add3A_2182, %add3A_2183 : i32
        %get3A_2185 = arith.index_cast %add3A_2184 : i32 to index
        %get3A_2186 = tpu.vector_load %arg6[%get3A_2185] {strides = array<i32>} : memref<16384xf32, #tpu.memory_space<vmem>>, vector<16xf32>,
        %get3A_2187 = vector.shape_cast %get3A_2186 : vector<16xf32> to vector<16xf32>
        %min3A_2188 = arith.minimumf %scan3A_1690, %get3A_2187 : vector<16xf32>
        %max3A_2189 = arith.maximumf %scan3A_1690, %get3A_2187 : vector<16xf32>
        %min3A_2190 = arith.minimumf %scan3A_1691, %min3A_2188 : vector<16xf32>
        %max3A_2191 = arith.maximumf %scan3A_1691, %min3A_2188 : vector<16xf32>
        %max3A_2192 = arith.maximumf %scan3A_1692, %min3A_2190 : vector<16xf32>
        %add3A_2193 = arith.constant 640 : i32
        %add3A_2194 = arith.addi %mul3A_1700, %add3A_2193 : i32
        %add3A_2195 = arith.constant 16 : i32
        %add3A_2196 = arith.addi %add3A_2194, %add3A_2195 : i32
        %get3A_2197 = arith.index_cast %add3A_2196 : i32 to index
        %get3A_2198 = tpu.vector_load %arg6[%get3A_2197] {strides = array<i32>} : memref<16384xf32, #tpu.memory_space<vmem>>, vector<16xf32>,
        %get3A_2199 = vector.shape_cast %get3A_2198 : vector<16xf32> to vector<16xf32>
        %min3A_2200 = arith.minimumf %max3A_2189, %get3A_2199 : vector<16xf32>
        %max3A_2201 = arith.maximumf %max3A_2189, %get3A_2199 : vector<16xf32>
        %min3A_2202 = arith.minimumf %max3A_2191, %min3A_2200 : vector<16xf32>
        %max3A_2203 = arith.maximumf %max3A_2191, %min3A_2200 : vector<16xf32>
        %max3A_2204 = arith.maximumf %max3A_2192, %min3A_2202 : vector<16xf32>
        %add3A_2205 = arith.constant 640 : i32
        %add3A_2206 = arith.addi %mul3A_1700, %add3A_2205 : i32
        %add3A_2207 = arith.constant 32 : i32
        %add3A_2208 = arith.addi %add3A_2206, %add3A_2207 : i32
        %get3A_2209 = arith.index_cast %add3A_2208 : i32 to index
        %get3A_2210 = tpu.vector_load %arg6[%get3A_2209] {strides = array<i32>} : memref<16384xf32, #tpu.memory_space<vmem>>, vector<16xf32>,
        %get3A_2211 = vector.shape_cast %get3A_2210 : vector<16xf32> to vector<16xf32>
        %min3A_2212 = arith.minimumf %max3A_2201, %get3A_2211 : vector<16xf32>
        %max3A_2213 = arith.maximumf %max3A_2201, %get3A_2211 : vector<16xf32>
        %min3A_2214 = arith.minimumf %max3A_2203, %min3A_2212 : vector<16xf32>
        %max3A_2215 = arith.maximumf %max3A_2203, %min3A_2212 : vector<16xf32>
        %max3A_2216 = arith.maximumf %max3A_2204, %min3A_2214 : vector<16xf32>
        %add3A_2217 = arith.constant 640 : i32
        %add3A_2218 = arith.addi %mul3A_1700, %add3A_2217 : i32
        %add3A_2219 = arith.constant 48 : i32
        %add3A_2220 = arith.addi %add3A_2218, %add3A_2219 : i32
        %get3A_2221 = arith.index_cast %add3A_2220 : i32 to index
        %get3A_2222 = tpu.vector_load %arg6[%get3A_2221] {strides = array<i32>} : memref<16384xf32, #tpu.memory_space<vmem>>, vector<16xf32>,
        %get3A_2223 = vector.shape_cast %get3A_2222 : vector<16xf32> to vector<16xf32>
        %min3A_2224 = arith.minimumf %max3A_2213, %get3A_2223 : vector<16xf32>
        %max3A_2225 = arith.maximumf %max3A_2213, %get3A_2223 : vector<16xf32>
        %min3A_2226 = arith.minimumf %max3A_2215, %min3A_2224 : vector<16xf32>
        %max3A_2227 = arith.maximumf %max3A_2215, %min3A_2224 : vector<16xf32>
        %max3A_2228 = arith.maximumf %max3A_2216, %min3A_2226 : vector<16xf32>
        %add3A_2229 = arith.constant 640 : i32
        %add3A_2230 = arith.addi %mul3A_1700, %add3A_2229 : i32
        %add3A_2231 = arith.constant 64 : i32
        %add3A_2232 = arith.addi %add3A_2230, %add3A_2231 : i32
        %get3A_2233 = arith.index_cast %add3A_2232 : i32 to index
        %get3A_2234 = tpu.vector_load %arg6[%get3A_2233] {strides = array<i32>} : memref<16384xf32, #tpu.memory_space<vmem>>, vector<16xf32>,
        %get3A_2235 = vector.shape_cast %get3A_2234 : vector<16xf32> to vector<16xf32>
        %min3A_2236 = arith.minimumf %max3A_2225, %get3A_2235 : vector<16xf32>
        %max3A_2237 = arith.maximumf %max3A_2225, %get3A_2235 : vector<16xf32>
        %min3A_2238 = arith.minimumf %max3A_2227, %min3A_2236 : vector<16xf32>
        %max3A_2239 = arith.maximumf %max3A_2227, %min3A_2236 : vector<16xf32>
        %max3A_2240 = arith.maximumf %max3A_2228, %min3A_2238 : vector<16xf32>
        %add3A_2241 = arith.constant 640 : i32
        %add3A_2242 = arith.addi %mul3A_1700, %add3A_2241 : i32
        %add3A_2243 = arith.constant 80 : i32
        %add3A_2244 = arith.addi %add3A_2242, %add3A_2243 : i32
        %get3A_2245 = arith.index_cast %add3A_2244 : i32 to index
        %get3A_2246 = tpu.vector_load %arg6[%get3A_2245] {strides = array<i32>} : memref<16384xf32, #tpu.memory_space<vmem>>, vector<16xf32>,
        %get3A_2247 = vector.shape_cast %get3A_2246 : vector<16xf32> to vector<16xf32>
        %min3A_2248 = arith.minimumf %max3A_2237, %get3A_2247 : vector<16xf32>
        %max3A_2249 = arith.maximumf %max3A_2237, %get3A_2247 : vector<16xf32>
        %min3A_2250 = arith.minimumf %max3A_2239, %min3A_2248 : vector<16xf32>
        %max3A_2251 = arith.maximumf %max3A_2239, %min3A_2248 : vector<16xf32>
        %max3A_2252 = arith.maximumf %max3A_2240, %min3A_2250 : vector<16xf32>
        %add3A_2253 = arith.constant 640 : i32
        %add3A_2254 = arith.addi %mul3A_1700, %add3A_2253 : i32
        %add3A_2255 = arith.constant 96 : i32
        %add3A_2256 = arith.addi %add3A_2254, %add3A_2255 : i32
        %get3A_2257 = arith.index_cast %add3A_2256 : i32 to index
        %get3A_2258 = tpu.vector_load %arg6[%get3A_2257] {strides = array<i32>} : memref<16384xf32, #tpu.memory_space<vmem>>, vector<16xf32>,
        %get3A_2259 = vector.shape_cast %get3A_2258 : vector<16xf32> to vector<16xf32>
        %min3A_2260 = arith.minimumf %max3A_2249, %get3A_2259 : vector<16xf32>
        %max3A_2261 = arith.maximumf %max3A_2249, %get3A_2259 : vector<16xf32>
        %min3A_2262 = arith.minimumf %max3A_2251, %min3A_2260 : vector<16xf32>
        %max3A_2263 = arith.maximumf %max3A_2251, %min3A_2260 : vector<16xf32>
        %max3A_2264 = arith.maximumf %max3A_2252, %min3A_2262 : vector<16xf32>
        %add3A_2265 = arith.constant 640 : i32
        %add3A_2266 = arith.addi %mul3A_1700, %add3A_2265 : i32
        %add3A_2267 = arith.constant 112 : i32
        %add3A_2268 = arith.addi %add3A_2266, %add3A_2267 : i32
        %get3A_2269 = arith.index_cast %add3A_2268 : i32 to index
        %get3A_2270 = tpu.vector_load %arg6[%get3A_2269] {strides = array<i32>} : memref<16384xf32, #tpu.memory_space<vmem>>, vector<16xf32>,
        %get3A_2271 = vector.shape_cast %get3A_2270 : vector<16xf32> to vector<16xf32>
        %min3A_2272 = arith.minimumf %max3A_2261, %get3A_2271 : vector<16xf32>
        %max3A_2273 = arith.maximumf %max3A_2261, %get3A_2271 : vector<16xf32>
        %min3A_2274 = arith.minimumf %max3A_2263, %min3A_2272 : vector<16xf32>
        %max3A_2275 = arith.maximumf %max3A_2263, %min3A_2272 : vector<16xf32>
        %max3A_2276 = arith.maximumf %max3A_2264, %min3A_2274 : vector<16xf32>
        %add3A_2277 = arith.constant 768 : i32
        %add3A_2278 = arith.addi %mul3A_1700, %add3A_2277 : i32
        %add3A_2279 = arith.constant 0 : i32
        %add3A_2280 = arith.addi %add3A_2278, %add3A_2279 : i32
        %get3A_2281 = arith.index_cast %add3A_2280 : i32 to index
        %get3A_2282 = tpu.vector_load %arg6[%get3A_2281] {strides = array<i32>} : memref<16384xf32, #tpu.memory_space<vmem>>, vector<16xf32>,
        %get3A_2283 = vector.shape_cast %get3A_2282 : vector<16xf32> to vector<16xf32>
        %min3A_2284 = arith.minimumf %scan3A_1693, %get3A_2283 : vector<16xf32>
        %max3A_2285 = arith.maximumf %scan3A_1693, %get3A_2283 : vector<16xf32>
        %min3A_2286 = arith.minimumf %scan3A_1694, %min3A_2284 : vector<16xf32>
        %max3A_2287 = arith.maximumf %scan3A_1694, %min3A_2284 : vector<16xf32>
        %max3A_2288 = arith.maximumf %scan3A_1695, %min3A_2286 : vector<16xf32>
        %add3A_2289 = arith.constant 768 : i32
        %add3A_2290 = arith.addi %mul3A_1700, %add3A_2289 : i32
        %add3A_2291 = arith.constant 16 : i32
        %add3A_2292 = arith.addi %add3A_2290, %add3A_2291 : i32
        %get3A_2293 = arith.index_cast %add3A_2292 : i32 to index
        %get3A_2294 = tpu.vector_load %arg6[%get3A_2293] {strides = array<i32>} : memref<16384xf32, #tpu.memory_space<vmem>>, vector<16xf32>,
        %get3A_2295 = vector.shape_cast %get3A_2294 : vector<16xf32> to vector<16xf32>
        %min3A_2296 = arith.minimumf %max3A_2285, %get3A_2295 : vector<16xf32>
        %max3A_2297 = arith.maximumf %max3A_2285, %get3A_2295 : vector<16xf32>
        %min3A_2298 = arith.minimumf %max3A_2287, %min3A_2296 : vector<16xf32>
        %max3A_2299 = arith.maximumf %max3A_2287, %min3A_2296 : vector<16xf32>
        %max3A_2300 = arith.maximumf %max3A_2288, %min3A_2298 : vector<16xf32>
        %add3A_2301 = arith.constant 768 : i32
        %add3A_2302 = arith.addi %mul3A_1700, %add3A_2301 : i32
        %add3A_2303 = arith.constant 32 : i32
        %add3A_2304 = arith.addi %add3A_2302, %add3A_2303 : i32
        %get3A_2305 = arith.index_cast %add3A_2304 : i32 to index
        %get3A_2306 = tpu.vector_load %arg6[%get3A_2305] {strides = array<i32>} : memref<16384xf32, #tpu.memory_space<vmem>>, vector<16xf32>,
        %get3A_2307 = vector.shape_cast %get3A_2306 : vector<16xf32> to vector<16xf32>
        %min3A_2308 = arith.minimumf %max3A_2297, %get3A_2307 : vector<16xf32>
        %max3A_2309 = arith.maximumf %max3A_2297, %get3A_2307 : vector<16xf32>
        %min3A_2310 = arith.minimumf %max3A_2299, %min3A_2308 : vector<16xf32>
        %max3A_2311 = arith.maximumf %max3A_2299, %min3A_2308 : vector<16xf32>
        %max3A_2312 = arith.maximumf %max3A_2300, %min3A_2310 : vector<16xf32>
        %add3A_2313 = arith.constant 768 : i32
        %add3A_2314 = arith.addi %mul3A_1700, %add3A_2313 : i32
        %add3A_2315 = arith.constant 48 : i32
        %add3A_2316 = arith.addi %add3A_2314, %add3A_2315 : i32
        %get3A_2317 = arith.index_cast %add3A_2316 : i32 to index
        %get3A_2318 = tpu.vector_load %arg6[%get3A_2317] {strides = array<i32>} : memref<16384xf32, #tpu.memory_space<vmem>>, vector<16xf32>,
        %get3A_2319 = vector.shape_cast %get3A_2318 : vector<16xf32> to vector<16xf32>
        %min3A_2320 = arith.minimumf %max3A_2309, %get3A_2319 : vector<16xf32>
        %max3A_2321 = arith.maximumf %max3A_2309, %get3A_2319 : vector<16xf32>
        %min3A_2322 = arith.minimumf %max3A_2311, %min3A_2320 : vector<16xf32>
        %max3A_2323 = arith.maximumf %max3A_2311, %min3A_2320 : vector<16xf32>
        %max3A_2324 = arith.maximumf %max3A_2312, %min3A_2322 : vector<16xf32>
        %add3A_2325 = arith.constant 768 : i32
        %add3A_2326 = arith.addi %mul3A_1700, %add3A_2325 : i32
        %add3A_2327 = arith.constant 64 : i32
        %add3A_2328 = arith.addi %add3A_2326, %add3A_2327 : i32
        %get3A_2329 = arith.index_cast %add3A_2328 : i32 to index
        %get3A_2330 = tpu.vector_load %arg6[%get3A_2329] {strides = array<i32>} : memref<16384xf32, #tpu.memory_space<vmem>>, vector<16xf32>,
        %get3A_2331 = vector.shape_cast %get3A_2330 : vector<16xf32> to vector<16xf32>
        %min3A_2332 = arith.minimumf %max3A_2321, %get3A_2331 : vector<16xf32>
        %max3A_2333 = arith.maximumf %max3A_2321, %get3A_2331 : vector<16xf32>
        %min3A_2334 = arith.minimumf %max3A_2323, %min3A_2332 : vector<16xf32>
        %max3A_2335 = arith.maximumf %max3A_2323, %min3A_2332 : vector<16xf32>
        %max3A_2336 = arith.maximumf %max3A_2324, %min3A_2334 : vector<16xf32>
        %add3A_2337 = arith.constant 768 : i32
        %add3A_2338 = arith.addi %mul3A_1700, %add3A_2337 : i32
        %add3A_2339 = arith.constant 80 : i32
        %add3A_2340 = arith.addi %add3A_2338, %add3A_2339 : i32
        %get3A_2341 = arith.index_cast %add3A_2340 : i32 to index
        %get3A_2342 = tpu.vector_load %arg6[%get3A_2341] {strides = array<i32>} : memref<16384xf32, #tpu.memory_space<vmem>>, vector<16xf32>,
        %get3A_2343 = vector.shape_cast %get3A_2342 : vector<16xf32> to vector<16xf32>
        %min3A_2344 = arith.minimumf %max3A_2333, %get3A_2343 : vector<16xf32>
        %max3A_2345 = arith.maximumf %max3A_2333, %get3A_2343 : vector<16xf32>
        %min3A_2346 = arith.minimumf %max3A_2335, %min3A_2344 : vector<16xf32>
        %max3A_2347 = arith.maximumf %max3A_2335, %min3A_2344 : vector<16xf32>
        %max3A_2348 = arith.maximumf %max3A_2336, %min3A_2346 : vector<16xf32>
        %add3A_2349 = arith.constant 768 : i32
        %add3A_2350 = arith.addi %mul3A_1700, %add3A_2349 : i32
        %add3A_2351 = arith.constant 96 : i32
        %add3A_2352 = arith.addi %add3A_2350, %add3A_2351 : i32
        %get3A_2353 = arith.index_cast %add3A_2352 : i32 to index
        %get3A_2354 = tpu.vector_load %arg6[%get3A_2353] {strides = array<i32>} : memref<16384xf32, #tpu.memory_space<vmem>>, vector<16xf32>,
        %get3A_2355 = vector.shape_cast %get3A_2354 : vector<16xf32> to vector<16xf32>
        %min3A_2356 = arith.minimumf %max3A_2345, %get3A_2355 : vector<16xf32>
        %max3A_2357 = arith.maximumf %max3A_2345, %get3A_2355 : vector<16xf32>
        %min3A_2358 = arith.minimumf %max3A_2347, %min3A_2356 : vector<16xf32>
        %max3A_2359 = arith.maximumf %max3A_2347, %min3A_2356 : vector<16xf32>
        %max3A_2360 = arith.maximumf %max3A_2348, %min3A_2358 : vector<16xf32>
        %add3A_2361 = arith.constant 768 : i32
        %add3A_2362 = arith.addi %mul3A_1700, %add3A_2361 : i32
        %add3A_2363 = arith.constant 112 : i32
        %add3A_2364 = arith.addi %add3A_2362, %add3A_2363 : i32
        %get3A_2365 = arith.index_cast %add3A_2364 : i32 to index
        %get3A_2366 = tpu.vector_load %arg6[%get3A_2365] {strides = array<i32>} : memref<16384xf32, #tpu.memory_space<vmem>>, vector<16xf32>,
        %get3A_2367 = vector.shape_cast %get3A_2366 : vector<16xf32> to vector<16xf32>
        %min3A_2368 = arith.minimumf %max3A_2357, %get3A_2367 : vector<16xf32>
        %max3A_2369 = arith.maximumf %max3A_2357, %get3A_2367 : vector<16xf32>
        %min3A_2370 = arith.minimumf %max3A_2359, %min3A_2368 : vector<16xf32>
        %max3A_2371 = arith.maximumf %max3A_2359, %min3A_2368 : vector<16xf32>
        %max3A_2372 = arith.maximumf %max3A_2360, %min3A_2370 : vector<16xf32>
        %add3A_2373 = arith.constant 896 : i32
        %add3A_2374 = arith.addi %mul3A_1700, %add3A_2373 : i32
        %add3A_2375 = arith.constant 0 : i32
        %add3A_2376 = arith.addi %add3A_2374, %add3A_2375 : i32
        %get3A_2377 = arith.index_cast %add3A_2376 : i32 to index
        %get3A_2378 = tpu.vector_load %arg6[%get3A_2377] {strides = array<i32>} : memref<16384xf32, #tpu.memory_space<vmem>>, vector<16xf32>,
        %get3A_2379 = vector.shape_cast %get3A_2378 : vector<16xf32> to vector<16xf32>
        %min3A_2380 = arith.minimumf %scan3A_1696, %get3A_2379 : vector<16xf32>
        %max3A_2381 = arith.maximumf %scan3A_1696, %get3A_2379 : vector<16xf32>
        %min3A_2382 = arith.minimumf %scan3A_1697, %min3A_2380 : vector<16xf32>
        %max3A_2383 = arith.maximumf %scan3A_1697, %min3A_2380 : vector<16xf32>
        %max3A_2384 = arith.maximumf %scan3A_1698, %min3A_2382 : vector<16xf32>
        %add3A_2385 = arith.constant 896 : i32
        %add3A_2386 = arith.addi %mul3A_1700, %add3A_2385 : i32
        %add3A_2387 = arith.constant 16 : i32
        %add3A_2388 = arith.addi %add3A_2386, %add3A_2387 : i32
        %get3A_2389 = arith.index_cast %add3A_2388 : i32 to index
        %get3A_2390 = tpu.vector_load %arg6[%get3A_2389] {strides = array<i32>} : memref<16384xf32, #tpu.memory_space<vmem>>, vector<16xf32>,
        %get3A_2391 = vector.shape_cast %get3A_2390 : vector<16xf32> to vector<16xf32>
        %min3A_2392 = arith.minimumf %max3A_2381, %get3A_2391 : vector<16xf32>
        %max3A_2393 = arith.maximumf %max3A_2381, %get3A_2391 : vector<16xf32>
        %min3A_2394 = arith.minimumf %max3A_2383, %min3A_2392 : vector<16xf32>
        %max3A_2395 = arith.maximumf %max3A_2383, %min3A_2392 : vector<16xf32>
        %max3A_2396 = arith.maximumf %max3A_2384, %min3A_2394 : vector<16xf32>
        %add3A_2397 = arith.constant 896 : i32
        %add3A_2398 = arith.addi %mul3A_1700, %add3A_2397 : i32
        %add3A_2399 = arith.constant 32 : i32
        %add3A_2400 = arith.addi %add3A_2398, %add3A_2399 : i32
        %get3A_2401 = arith.index_cast %add3A_2400 : i32 to index
        %get3A_2402 = tpu.vector_load %arg6[%get3A_2401] {strides = array<i32>} : memref<16384xf32, #tpu.memory_space<vmem>>, vector<16xf32>,
        %get3A_2403 = vector.shape_cast %get3A_2402 : vector<16xf32> to vector<16xf32>
        %min3A_2404 = arith.minimumf %max3A_2393, %get3A_2403 : vector<16xf32>
        %max3A_2405 = arith.maximumf %max3A_2393, %get3A_2403 : vector<16xf32>
        %min3A_2406 = arith.minimumf %max3A_2395, %min3A_2404 : vector<16xf32>
        %max3A_2407 = arith.maximumf %max3A_2395, %min3A_2404 : vector<16xf32>
        %max3A_2408 = arith.maximumf %max3A_2396, %min3A_2406 : vector<16xf32>
        %add3A_2409 = arith.constant 896 : i32
        %add3A_2410 = arith.addi %mul3A_1700, %add3A_2409 : i32
        %add3A_2411 = arith.constant 48 : i32
        %add3A_2412 = arith.addi %add3A_2410, %add3A_2411 : i32
        %get3A_2413 = arith.index_cast %add3A_2412 : i32 to index
        %get3A_2414 = tpu.vector_load %arg6[%get3A_2413] {strides = array<i32>} : memref<16384xf32, #tpu.memory_space<vmem>>, vector<16xf32>,
        %get3A_2415 = vector.shape_cast %get3A_2414 : vector<16xf32> to vector<16xf32>
        %min3A_2416 = arith.minimumf %max3A_2405, %get3A_2415 : vector<16xf32>
        %max3A_2417 = arith.maximumf %max3A_2405, %get3A_2415 : vector<16xf32>
        %min3A_2418 = arith.minimumf %max3A_2407, %min3A_2416 : vector<16xf32>
        %max3A_2419 = arith.maximumf %max3A_2407, %min3A_2416 : vector<16xf32>
        %max3A_2420 = arith.maximumf %max3A_2408, %min3A_2418 : vector<16xf32>
        %add3A_2421 = arith.constant 896 : i32
        %add3A_2422 = arith.addi %mul3A_1700, %add3A_2421 : i32
        %add3A_2423 = arith.constant 64 : i32
        %add3A_2424 = arith.addi %add3A_2422, %add3A_2423 : i32
        %get3A_2425 = arith.index_cast %add3A_2424 : i32 to index
        %get3A_2426 = tpu.vector_load %arg6[%get3A_2425] {strides = array<i32>} : memref<16384xf32, #tpu.memory_space<vmem>>, vector<16xf32>,
        %get3A_2427 = vector.shape_cast %get3A_2426 : vector<16xf32> to vector<16xf32>
        %min3A_2428 = arith.minimumf %max3A_2417, %get3A_2427 : vector<16xf32>
        %max3A_2429 = arith.maximumf %max3A_2417, %get3A_2427 : vector<16xf32>
        %min3A_2430 = arith.minimumf %max3A_2419, %min3A_2428 : vector<16xf32>
        %max3A_2431 = arith.maximumf %max3A_2419, %min3A_2428 : vector<16xf32>
        %max3A_2432 = arith.maximumf %max3A_2420, %min3A_2430 : vector<16xf32>
        %add3A_2433 = arith.constant 896 : i32
        %add3A_2434 = arith.addi %mul3A_1700, %add3A_2433 : i32
        %add3A_2435 = arith.constant 80 : i32
        %add3A_2436 = arith.addi %add3A_2434, %add3A_2435 : i32
        %get3A_2437 = arith.index_cast %add3A_2436 : i32 to index
        %get3A_2438 = tpu.vector_load %arg6[%get3A_2437] {strides = array<i32>} : memref<16384xf32, #tpu.memory_space<vmem>>, vector<16xf32>,
        %get3A_2439 = vector.shape_cast %get3A_2438 : vector<16xf32> to vector<16xf32>
        %min3A_2440 = arith.minimumf %max3A_2429, %get3A_2439 : vector<16xf32>
        %max3A_2441 = arith.maximumf %max3A_2429, %get3A_2439 : vector<16xf32>
        %min3A_2442 = arith.minimumf %max3A_2431, %min3A_2440 : vector<16xf32>
        %max3A_2443 = arith.maximumf %max3A_2431, %min3A_2440 : vector<16xf32>
        %max3A_2444 = arith.maximumf %max3A_2432, %min3A_2442 : vector<16xf32>
        %add3A_2445 = arith.constant 896 : i32
        %add3A_2446 = arith.addi %mul3A_1700, %add3A_2445 : i32
        %add3A_2447 = arith.constant 96 : i32
        %add3A_2448 = arith.addi %add3A_2446, %add3A_2447 : i32
        %get3A_2449 = arith.index_cast %add3A_2448 : i32 to index
        %get3A_2450 = tpu.vector_load %arg6[%get3A_2449] {strides = array<i32>} : memref<16384xf32, #tpu.memory_space<vmem>>, vector<16xf32>,
        %get3A_2451 = vector.shape_cast %get3A_2450 : vector<16xf32> to vector<16xf32>
        %min3A_2452 = arith.minimumf %max3A_2441, %get3A_2451 : vector<16xf32>
        %max3A_2453 = arith.maximumf %max3A_2441, %get3A_2451 : vector<16xf32>
        %min3A_2454 = arith.minimumf %max3A_2443, %min3A_2452 : vector<16xf32>
        %max3A_2455 = arith.maximumf %max3A_2443, %min3A_2452 : vector<16xf32>
        %max3A_2456 = arith.maximumf %max3A_2444, %min3A_2454 : vector<16xf32>
        %add3A_2457 = arith.constant 896 : i32
        %add3A_2458 = arith.addi %mul3A_1700, %add3A_2457 : i32
        %add3A_2459 = arith.constant 112 : i32
        %add3A_2460 = arith.addi %add3A_2458, %add3A_2459 : i32
        %get3A_2461 = arith.index_cast %add3A_2460 : i32 to index
        %get3A_2462 = tpu.vector_load %arg6[%get3A_2461] {strides = array<i32>} : memref<16384xf32, #tpu.memory_space<vmem>>, vector<16xf32>,
        %get3A_2463 = vector.shape_cast %get3A_2462 : vector<16xf32> to vector<16xf32>
        %min3A_2464 = arith.minimumf %max3A_2453, %get3A_2463 : vector<16xf32>
        %max3A_2465 = arith.maximumf %max3A_2453, %get3A_2463 : vector<16xf32>
        %min3A_2466 = arith.minimumf %max3A_2455, %min3A_2464 : vector<16xf32>
        %max3A_2467 = arith.maximumf %max3A_2455, %min3A_2464 : vector<16xf32>
        %max3A_2468 = arith.maximumf %max3A_2456, %min3A_2466 : vector<16xf32>
        scf.yield %max3A_1793, %max3A_1795, %max3A_1796, %max3A_1889, %max3A_1891, %max3A_1892, %max3A_1985, %max3A_1987, %max3A_1988, %max3A_2081, %max3A_2083, %max3A_2084, %max3A_2177, %max3A_2179, %max3A_2180, %max3A_2273, %max3A_2275, %max3A_2276, %max3A_2369, %max3A_2371, %max3A_2372, %max3A_2465, %max3A_2467, %max3A_2468 : vector<16xf32>, vector<16xf32>, vector<16xf32>, vector<16xf32>, vector<16xf32>, vector<16xf32>, vector<16xf32>, vector<16xf32>, vector<16xf32>, vector<16xf32>, vector<16xf32>, vector<16xf32>, vector<16xf32>, vector<16xf32>, vector<16xf32>, vector<16xf32>, vector<16xf32>, vector<16xf32>, vector<16xf32>, vector<16xf32>, vector<16xf32>, vector<16xf32>, vector<16xf32>, vector<16xf32>
      }
      %scan3A_1666 = arith.constant 16 : i32
      %add3A_1667 = arith.constant 3 : i32
      %add3A_1668 = arith.addi %mul3A_1641, %add3A_1667 : i32
      %lt3A_1669 = arith.constant 16 : i32
      %lt3A_1670 = arith.cmpi slt, %add3A_1668, %lt3A_1669 : i32
      %convert_element_type3A_1671 = arith.extui %lt3A_1670 : i1 to i32
      %cond3A_1672 = arith.constant 0 : i32
      %cond3A_1673 = arith.cmpi ne, %convert_element_type3A_1671, %cond3A_1672 : i32
      scf.if %cond3A_1673 {
        %add3A_1674 = arith.constant 3 : i32
        %add3A_1675 = arith.addi %mul3A_1641, %add3A_1674 : i32
        %mul3A_1676 = arith.constant 16384 : i32
        %mul3A_1677 = arith.muli %add3A_1675, %mul3A_1676 : i32
        %add3A_1678 = arith.addi %mul3A_2, %mul3A_1677 : i32
        %dma_start3A_1679 = tpu.memref_slice %arg2[%add3A_1678] : memref<16777216xf32, #tpu.memory_space<hbm>> -> memref<16384xf32, #tpu.memory_space<hbm>>
        %dma_start3A_1680 = tpu.memref_slice %arg2[%add3A_1678] : memref<16777216xf32, #tpu.memory_space<hbm>> -> memref<16384xf32, #tpu.memory_space<hbm>>
        tpu.enqueue_dma source(%dma_start3A_1680 : memref<16384xf32, #tpu.memory_space<hbm>>) target(%arg6 : memref<16384xf32, #tpu.memory_space<vmem>>) target_semaphore(%arg10 : memref<!tpu.dma_semaphore, #tpu.memory_space<semaphore_mem>>)
      } else {
      }
      scf.yield %scan3A_1665#0, %scan3A_1665#1, %scan3A_1665#2, %scan3A_1665#3, %scan3A_1665#4, %scan3A_1665#5, %scan3A_1665#6, %scan3A_1665#7, %scan3A_1665#8, %scan3A_1665#9, %scan3A_1665#10, %scan3A_1665#11, %scan3A_1665#12, %scan3A_1665#13, %scan3A_1665#14, %scan3A_1665#15, %scan3A_1665#16, %scan3A_1665#17, %scan3A_1665#18, %scan3A_1665#19, %scan3A_1665#20, %scan3A_1665#21, %scan3A_1665#22, %scan3A_1665#23 : vector<16xf32>, vector<16xf32>, vector<16xf32>, vector<16xf32>, vector<16xf32>, vector<16xf32>, vector<16xf32>, vector<16xf32>, vector<16xf32>, vector<16xf32>, vector<16xf32>, vector<16xf32>, vector<16xf32>, vector<16xf32>, vector<16xf32>, vector<16xf32>, vector<16xf32>, vector<16xf32>, vector<16xf32>, vector<16xf32>, vector<16xf32>, vector<16xf32>, vector<16xf32>, vector<16xf32>
    }
    %scan3A_15 = arith.constant 8 : i32
    %iota3A = tpu.iota {dimensions = array<i32: 0>} : vector<16xi32>
    %broadcast_in_dim3A_16 = arith.constant 0.000000e+00 : f32
    %broadcast_in_dim3A_17 = vector.broadcast %broadcast_in_dim3A_16 : f32 to vector<16xf32>
    %xor3A = arith.constant 8 : i32
    %xor3A_18 = vector.broadcast %xor3A : i32 to vector<16xi32>
    %xor3A_19 = arith.xori %iota3A, %xor3A_18 : vector<16xi32>
    %lt3A = arith.constant 0 : i32
    %lt3A_20 = vector.broadcast %lt3A : i32 to vector<16xi32>
    %lt3A_21 = arith.cmpi slt, %xor3A_19, %lt3A_20 : vector<16xi32>
    %add3A_22 = arith.constant 16 : i32
    %add3A_23 = vector.broadcast %add3A_22 : i32 to vector<16xi32>
    %add3A_24 = arith.addi %xor3A_19, %add3A_23 : vector<16xi32>
    %select_n3A = arith.select %lt3A_21, %add3A_24, %xor3A_19 : vector<16xi1>, vector<16xi32>
    %reshape3A = vector.shape_cast %select_n3A : vector<16xi32> to vector<16x1xi32>
    %gather3A = vector.shape_cast %reshape3A : vector<16x1xi32> to vector<16xi32>
    %gather3A_25 = tpu.dynamic_gather %scan3A_14#0[%gather3A] in [0] : vector<16xf32>, vector<16xi32> -> vector<16xf32>
    %lt3A_26 = arith.constant 0 : i32
    %lt3A_27 = vector.broadcast %lt3A_26 : i32 to vector<16xi32>
    %lt3A_28 = arith.cmpi slt, %xor3A_19, %lt3A_27 : vector<16xi32>
    %add3A_29 = arith.constant 16 : i32
    %add3A_30 = vector.broadcast %add3A_29 : i32 to vector<16xi32>
    %add3A_31 = arith.addi %xor3A_19, %add3A_30 : vector<16xi32>
    %select_n3A_32 = arith.select %lt3A_28, %add3A_31, %xor3A_19 : vector<16xi1>, vector<16xi32>
    %reshape3A_33 = vector.shape_cast %select_n3A_32 : vector<16xi32> to vector<16x1xi32>
    %gather3A_34 = vector.shape_cast %reshape3A_33 : vector<16x1xi32> to vector<16xi32>
    %gather3A_35 = tpu.dynamic_gather %scan3A_14#1[%gather3A_34] in [0] : vector<16xf32>, vector<16xi32> -> vector<16xf32>
    %lt3A_36 = arith.constant 0 : i32
    %lt3A_37 = vector.broadcast %lt3A_36 : i32 to vector<16xi32>
    %lt3A_38 = arith.cmpi slt, %xor3A_19, %lt3A_37 : vector<16xi32>
    %add3A_39 = arith.constant 16 : i32
    %add3A_40 = vector.broadcast %add3A_39 : i32 to vector<16xi32>
    %add3A_41 = arith.addi %xor3A_19, %add3A_40 : vector<16xi32>
    %select_n3A_42 = arith.select %lt3A_38, %add3A_41, %xor3A_19 : vector<16xi1>, vector<16xi32>
    %reshape3A_43 = vector.shape_cast %select_n3A_42 : vector<16xi32> to vector<16x1xi32>
    %gather3A_44 = vector.shape_cast %reshape3A_43 : vector<16x1xi32> to vector<16xi32>
    %gather3A_45 = tpu.dynamic_gather %scan3A_14#2[%gather3A_44] in [0] : vector<16xf32>, vector<16xi32> -> vector<16xf32>
    %min3A = arith.minimumf %scan3A_14#0, %gather3A_25 : vector<16xf32>
    %max3A = arith.maximumf %scan3A_14#0, %gather3A_25 : vector<16xf32>
    %min3A_46 = arith.minimumf %scan3A_14#1, %min3A : vector<16xf32>
    %max3A_47 = arith.maximumf %scan3A_14#1, %min3A : vector<16xf32>
    %max3A_48 = arith.maximumf %scan3A_14#2, %min3A_46 : vector<16xf32>
    %min3A_49 = arith.minimumf %max3A_47, %gather3A_35 : vector<16xf32>
    %max3A_50 = arith.maximumf %max3A_47, %gather3A_35 : vector<16xf32>
    %max3A_51 = arith.maximumf %min3A_49, %gather3A_45 : vector<16xf32>
    %max3A_52 = arith.maximumf %max3A_48, %max3A_51 : vector<16xf32>
    %xor3A_53 = arith.constant 4 : i32
    %xor3A_54 = vector.broadcast %xor3A_53 : i32 to vector<16xi32>
    %xor3A_55 = arith.xori %iota3A, %xor3A_54 : vector<16xi32>
    %lt3A_56 = arith.constant 0 : i32
    %lt3A_57 = vector.broadcast %lt3A_56 : i32 to vector<16xi32>
    %lt3A_58 = arith.cmpi slt, %xor3A_55, %lt3A_57 : vector<16xi32>
    %add3A_59 = arith.constant 16 : i32
    %add3A_60 = vector.broadcast %add3A_59 : i32 to vector<16xi32>
    %add3A_61 = arith.addi %xor3A_55, %add3A_60 : vector<16xi32>
    %select_n3A_62 = arith.select %lt3A_58, %add3A_61, %xor3A_55 : vector<16xi1>, vector<16xi32>
    %reshape3A_63 = vector.shape_cast %select_n3A_62 : vector<16xi32> to vector<16x1xi32>
    %gather3A_64 = vector.shape_cast %reshape3A_63 : vector<16x1xi32> to vector<16xi32>
    %gather3A_65 = tpu.dynamic_gather %max3A[%gather3A_64] in [0] : vector<16xf32>, vector<16xi32> -> vector<16xf32>
    %lt3A_66 = arith.constant 0 : i32
    %lt3A_67 = vector.broadcast %lt3A_66 : i32 to vector<16xi32>
    %lt3A_68 = arith.cmpi slt, %xor3A_55, %lt3A_67 : vector<16xi32>
    %add3A_69 = arith.constant 16 : i32
    %add3A_70 = vector.broadcast %add3A_69 : i32 to vector<16xi32>
    %add3A_71 = arith.addi %xor3A_55, %add3A_70 : vector<16xi32>
    %select_n3A_72 = arith.select %lt3A_68, %add3A_71, %xor3A_55 : vector<16xi1>, vector<16xi32>
    %reshape3A_73 = vector.shape_cast %select_n3A_72 : vector<16xi32> to vector<16x1xi32>
    %gather3A_74 = vector.shape_cast %reshape3A_73 : vector<16x1xi32> to vector<16xi32>
    %gather3A_75 = tpu.dynamic_gather %max3A_50[%gather3A_74] in [0] : vector<16xf32>, vector<16xi32> -> vector<16xf32>
    %lt3A_76 = arith.constant 0 : i32
    %lt3A_77 = vector.broadcast %lt3A_76 : i32 to vector<16xi32>
    %lt3A_78 = arith.cmpi slt, %xor3A_55, %lt3A_77 : vector<16xi32>
    %add3A_79 = arith.constant 16 : i32
    %add3A_80 = vector.broadcast %add3A_79 : i32 to vector<16xi32>
    %add3A_81 = arith.addi %xor3A_55, %add3A_80 : vector<16xi32>
    %select_n3A_82 = arith.select %lt3A_78, %add3A_81, %xor3A_55 : vector<16xi1>, vector<16xi32>
    %reshape3A_83 = vector.shape_cast %select_n3A_82 : vector<16xi32> to vector<16x1xi32>
    %gather3A_84 = vector.shape_cast %reshape3A_83 : vector<16x1xi32> to vector<16xi32>
    %gather3A_85 = tpu.dynamic_gather %max3A_52[%gather3A_84] in [0] : vector<16xf32>, vector<16xi32> -> vector<16xf32>
    %min3A_86 = arith.minimumf %max3A, %gather3A_65 : vector<16xf32>
    %max3A_87 = arith.maximumf %max3A, %gather3A_65 : vector<16xf32>
    %min3A_88 = arith.minimumf %max3A_50, %min3A_86 : vector<16xf32>
    %max3A_89 = arith.maximumf %max3A_50, %min3A_86 : vector<16xf32>
    %max3A_90 = arith.maximumf %max3A_52, %min3A_88 : vector<16xf32>
    %min3A_91 = arith.minimumf %max3A_89, %gather3A_75 : vector<16xf32>
    %max3A_92 = arith.maximumf %max3A_89, %gather3A_75 : vector<16xf32>
    %max3A_93 = arith.maximumf %min3A_91, %gather3A_85 : vector<16xf32>
    %max3A_94 = arith.maximumf %max3A_90, %max3A_93 : vector<16xf32>
    %xor3A_95 = arith.constant 2 : i32
    %xor3A_96 = vector.broadcast %xor3A_95 : i32 to vector<16xi32>
    %xor3A_97 = arith.xori %iota3A, %xor3A_96 : vector<16xi32>
    %lt3A_98 = arith.constant 0 : i32
    %lt3A_99 = vector.broadcast %lt3A_98 : i32 to vector<16xi32>
    %lt3A_100 = arith.cmpi slt, %xor3A_97, %lt3A_99 : vector<16xi32>
    %add3A_101 = arith.constant 16 : i32
    %add3A_102 = vector.broadcast %add3A_101 : i32 to vector<16xi32>
    %add3A_103 = arith.addi %xor3A_97, %add3A_102 : vector<16xi32>
    %select_n3A_104 = arith.select %lt3A_100, %add3A_103, %xor3A_97 : vector<16xi1>, vector<16xi32>
    %reshape3A_105 = vector.shape_cast %select_n3A_104 : vector<16xi32> to vector<16x1xi32>
    %gather3A_106 = vector.shape_cast %reshape3A_105 : vector<16x1xi32> to vector<16xi32>
    %gather3A_107 = tpu.dynamic_gather %max3A_87[%gather3A_106] in [0] : vector<16xf32>, vector<16xi32> -> vector<16xf32>
    %lt3A_108 = arith.constant 0 : i32
    %lt3A_109 = vector.broadcast %lt3A_108 : i32 to vector<16xi32>
    %lt3A_110 = arith.cmpi slt, %xor3A_97, %lt3A_109 : vector<16xi32>
    %add3A_111 = arith.constant 16 : i32
    %add3A_112 = vector.broadcast %add3A_111 : i32 to vector<16xi32>
    %add3A_113 = arith.addi %xor3A_97, %add3A_112 : vector<16xi32>
    %select_n3A_114 = arith.select %lt3A_110, %add3A_113, %xor3A_97 : vector<16xi1>, vector<16xi32>
    %reshape3A_115 = vector.shape_cast %select_n3A_114 : vector<16xi32> to vector<16x1xi32>
    %gather3A_116 = vector.shape_cast %reshape3A_115 : vector<16x1xi32> to vector<16xi32>
    %gather3A_117 = tpu.dynamic_gather %max3A_92[%gather3A_116] in [0] : vector<16xf32>, vector<16xi32> -> vector<16xf32>
    %lt3A_118 = arith.constant 0 : i32
    %lt3A_119 = vector.broadcast %lt3A_118 : i32 to vector<16xi32>
    %lt3A_120 = arith.cmpi slt, %xor3A_97, %lt3A_119 : vector<16xi32>
    %add3A_121 = arith.constant 16 : i32
    %add3A_122 = vector.broadcast %add3A_121 : i32 to vector<16xi32>
    %add3A_123 = arith.addi %xor3A_97, %add3A_122 : vector<16xi32>
    %select_n3A_124 = arith.select %lt3A_120, %add3A_123, %xor3A_97 : vector<16xi1>, vector<16xi32>
    %reshape3A_125 = vector.shape_cast %select_n3A_124 : vector<16xi32> to vector<16x1xi32>
    %gather3A_126 = vector.shape_cast %reshape3A_125 : vector<16x1xi32> to vector<16xi32>
    %gather3A_127 = tpu.dynamic_gather %max3A_94[%gather3A_126] in [0] : vector<16xf32>, vector<16xi32> -> vector<16xf32>
    %min3A_128 = arith.minimumf %max3A_87, %gather3A_107 : vector<16xf32>
    %max3A_129 = arith.maximumf %max3A_87, %gather3A_107 : vector<16xf32>
    %min3A_130 = arith.minimumf %max3A_92, %min3A_128 : vector<16xf32>
    %max3A_131 = arith.maximumf %max3A_92, %min3A_128 : vector<16xf32>
    %max3A_132 = arith.maximumf %max3A_94, %min3A_130 : vector<16xf32>
    %min3A_133 = arith.minimumf %max3A_131, %gather3A_117 : vector<16xf32>
    %max3A_134 = arith.maximumf %max3A_131, %gather3A_117 : vector<16xf32>
    %max3A_135 = arith.maximumf %min3A_133, %gather3A_127 : vector<16xf32>
    %max3A_136 = arith.maximumf %max3A_132, %max3A_135 : vector<16xf32>
    %xor3A_137 = arith.constant 1 : i32
    %xor3A_138 = vector.broadcast %xor3A_137 : i32 to vector<16xi32>
    %xor3A_139 = arith.xori %iota3A, %xor3A_138 : vector<16xi32>
    %lt3A_140 = arith.constant 0 : i32
    %lt3A_141 = vector.broadcast %lt3A_140 : i32 to vector<16xi32>
    %lt3A_142 = arith.cmpi slt, %xor3A_139, %lt3A_141 : vector<16xi32>
    %add3A_143 = arith.constant 16 : i32
    %add3A_144 = vector.broadcast %add3A_143 : i32 to vector<16xi32>
    %add3A_145 = arith.addi %xor3A_139, %add3A_144 : vector<16xi32>
    %select_n3A_146 = arith.select %lt3A_142, %add3A_145, %xor3A_139 : vector<16xi1>, vector<16xi32>
    %reshape3A_147 = vector.shape_cast %select_n3A_146 : vector<16xi32> to vector<16x1xi32>
    %gather3A_148 = vector.shape_cast %reshape3A_147 : vector<16x1xi32> to vector<16xi32>
    %gather3A_149 = tpu.dynamic_gather %max3A_129[%gather3A_148] in [0] : vector<16xf32>, vector<16xi32> -> vector<16xf32>
    %lt3A_150 = arith.constant 0 : i32
    %lt3A_151 = vector.broadcast %lt3A_150 : i32 to vector<16xi32>
    %lt3A_152 = arith.cmpi slt, %xor3A_139, %lt3A_151 : vector<16xi32>
    %add3A_153 = arith.constant 16 : i32
    %add3A_154 = vector.broadcast %add3A_153 : i32 to vector<16xi32>
    %add3A_155 = arith.addi %xor3A_139, %add3A_154 : vector<16xi32>
    %select_n3A_156 = arith.select %lt3A_152, %add3A_155, %xor3A_139 : vector<16xi1>, vector<16xi32>
    %reshape3A_157 = vector.shape_cast %select_n3A_156 : vector<16xi32> to vector<16x1xi32>
    %gather3A_158 = vector.shape_cast %reshape3A_157 : vector<16x1xi32> to vector<16xi32>
    %gather3A_159 = tpu.dynamic_gather %max3A_134[%gather3A_158] in [0] : vector<16xf32>, vector<16xi32> -> vector<16xf32>
    %lt3A_160 = arith.constant 0 : i32
    %lt3A_161 = vector.broadcast %lt3A_160 : i32 to vector<16xi32>
    %lt3A_162 = arith.cmpi slt, %xor3A_139, %lt3A_161 : vector<16xi32>
    %add3A_163 = arith.constant 16 : i32
    %add3A_164 = vector.broadcast %add3A_163 : i32 to vector<16xi32>
    %add3A_165 = arith.addi %xor3A_139, %add3A_164 : vector<16xi32>
    %select_n3A_166 = arith.select %lt3A_162, %add3A_165, %xor3A_139 : vector<16xi1>, vector<16xi32>
    %reshape3A_167 = vector.shape_cast %select_n3A_166 : vector<16xi32> to vector<16x1xi32>
    %gather3A_168 = vector.shape_cast %reshape3A_167 : vector<16x1xi32> to vector<16xi32>
    %gather3A_169 = tpu.dynamic_gather %max3A_136[%gather3A_168] in [0] : vector<16xf32>, vector<16xi32> -> vector<16xf32>
    %min3A_170 = arith.minimumf %max3A_129, %gather3A_149 : vector<16xf32>
    %max3A_171 = arith.maximumf %max3A_129, %gather3A_149 : vector<16xf32>
    %min3A_172 = arith.minimumf %max3A_134, %min3A_170 : vector<16xf32>
    %max3A_173 = arith.maximumf %max3A_134, %min3A_170 : vector<16xf32>
    %max3A_174 = arith.maximumf %max3A_136, %min3A_172 : vector<16xf32>
    %min3A_175 = arith.minimumf %max3A_173, %gather3A_159 : vector<16xf32>
    %max3A_176 = arith.maximumf %max3A_173, %gather3A_159 : vector<16xf32>
    %max3A_177 = arith.maximumf %min3A_175, %gather3A_169 : vector<16xf32>
    %max3A_178 = arith.maximumf %max3A_174, %max3A_177 : vector<16xf32>
    %eq3A = arith.constant 0 : i32
    %eq3A_179 = vector.broadcast %eq3A : i32 to vector<16xi32>
    %eq3A_180 = arith.cmpi eq, %iota3A, %eq3A_179 : vector<16xi32>
    %select_n3A_181 = arith.select %eq3A_180, %max3A_171, %broadcast_in_dim3A_17 : vector<16xi1>, vector<16xf32>
    %select_n3A_182 = arith.select %eq3A_180, %max3A_176, %broadcast_in_dim3A_17 : vector<16xi1>, vector<16xf32>
    %select_n3A_183 = arith.select %eq3A_180, %max3A_178, %broadcast_in_dim3A_17 : vector<16xi1>, vector<16xf32>
    %xor3A_184 = arith.constant 8 : i32
    %xor3A_185 = vector.broadcast %xor3A_184 : i32 to vector<16xi32>
    %xor3A_186 = arith.xori %iota3A, %xor3A_185 : vector<16xi32>
    %lt3A_187 = arith.constant 0 : i32
    %lt3A_188 = vector.broadcast %lt3A_187 : i32 to vector<16xi32>
    %lt3A_189 = arith.cmpi slt, %xor3A_186, %lt3A_188 : vector<16xi32>
    %add3A_190 = arith.constant 16 : i32
    %add3A_191 = vector.broadcast %add3A_190 : i32 to vector<16xi32>
    %add3A_192 = arith.addi %xor3A_186, %add3A_191 : vector<16xi32>
    %select_n3A_193 = arith.select %lt3A_189, %add3A_192, %xor3A_186 : vector<16xi1>, vector<16xi32>
    %reshape3A_194 = vector.shape_cast %select_n3A_193 : vector<16xi32> to vector<16x1xi32>
    %gather3A_195 = vector.shape_cast %reshape3A_194 : vector<16x1xi32> to vector<16xi32>
    %gather3A_196 = tpu.dynamic_gather %scan3A_14#3[%gather3A_195] in [0] : vector<16xf32>, vector<16xi32> -> vector<16xf32>
    %lt3A_197 = arith.constant 0 : i32
    %lt3A_198 = vector.broadcast %lt3A_197 : i32 to vector<16xi32>
    %lt3A_199 = arith.cmpi slt, %xor3A_186, %lt3A_198 : vector<16xi32>
    %add3A_200 = arith.constant 16 : i32
    %add3A_201 = vector.broadcast %add3A_200 : i32 to vector<16xi32>
    %add3A_202 = arith.addi %xor3A_186, %add3A_201 : vector<16xi32>
    %select_n3A_203 = arith.select %lt3A_199, %add3A_202, %xor3A_186 : vector<16xi1>, vector<16xi32>
    %reshape3A_204 = vector.shape_cast %select_n3A_203 : vector<16xi32> to vector<16x1xi32>
    %gather3A_205 = vector.shape_cast %reshape3A_204 : vector<16x1xi32> to vector<16xi32>
    %gather3A_206 = tpu.dynamic_gather %scan3A_14#4[%gather3A_205] in [0] : vector<16xf32>, vector<16xi32> -> vector<16xf32>
    %lt3A_207 = arith.constant 0 : i32
    %lt3A_208 = vector.broadcast %lt3A_207 : i32 to vector<16xi32>
    %lt3A_209 = arith.cmpi slt, %xor3A_186, %lt3A_208 : vector<16xi32>
    %add3A_210 = arith.constant 16 : i32
    %add3A_211 = vector.broadcast %add3A_210 : i32 to vector<16xi32>
    %add3A_212 = arith.addi %xor3A_186, %add3A_211 : vector<16xi32>
    %select_n3A_213 = arith.select %lt3A_209, %add3A_212, %xor3A_186 : vector<16xi1>, vector<16xi32>
    %reshape3A_214 = vector.shape_cast %select_n3A_213 : vector<16xi32> to vector<16x1xi32>
    %gather3A_215 = vector.shape_cast %reshape3A_214 : vector<16x1xi32> to vector<16xi32>
    %gather3A_216 = tpu.dynamic_gather %scan3A_14#5[%gather3A_215] in [0] : vector<16xf32>, vector<16xi32> -> vector<16xf32>
    %min3A_217 = arith.minimumf %scan3A_14#3, %gather3A_196 : vector<16xf32>
    %max3A_218 = arith.maximumf %scan3A_14#3, %gather3A_196 : vector<16xf32>
    %min3A_219 = arith.minimumf %scan3A_14#4, %min3A_217 : vector<16xf32>
    %max3A_220 = arith.maximumf %scan3A_14#4, %min3A_217 : vector<16xf32>
    %max3A_221 = arith.maximumf %scan3A_14#5, %min3A_219 : vector<16xf32>
    %min3A_222 = arith.minimumf %max3A_220, %gather3A_206 : vector<16xf32>
    %max3A_223 = arith.maximumf %max3A_220, %gather3A_206 : vector<16xf32>
    %max3A_224 = arith.maximumf %min3A_222, %gather3A_216 : vector<16xf32>
    %max3A_225 = arith.maximumf %max3A_221, %max3A_224 : vector<16xf32>
    %xor3A_226 = arith.constant 4 : i32
    %xor3A_227 = vector.broadcast %xor3A_226 : i32 to vector<16xi32>
    %xor3A_228 = arith.xori %iota3A, %xor3A_227 : vector<16xi32>
    %lt3A_229 = arith.constant 0 : i32
    %lt3A_230 = vector.broadcast %lt3A_229 : i32 to vector<16xi32>
    %lt3A_231 = arith.cmpi slt, %xor3A_228, %lt3A_230 : vector<16xi32>
    %add3A_232 = arith.constant 16 : i32
    %add3A_233 = vector.broadcast %add3A_232 : i32 to vector<16xi32>
    %add3A_234 = arith.addi %xor3A_228, %add3A_233 : vector<16xi32>
    %select_n3A_235 = arith.select %lt3A_231, %add3A_234, %xor3A_228 : vector<16xi1>, vector<16xi32>
    %reshape3A_236 = vector.shape_cast %select_n3A_235 : vector<16xi32> to vector<16x1xi32>
    %gather3A_237 = vector.shape_cast %reshape3A_236 : vector<16x1xi32> to vector<16xi32>
    %gather3A_238 = tpu.dynamic_gather %max3A_218[%gather3A_237] in [0] : vector<16xf32>, vector<16xi32> -> vector<16xf32>
    %lt3A_239 = arith.constant 0 : i32
    %lt3A_240 = vector.broadcast %lt3A_239 : i32 to vector<16xi32>
    %lt3A_241 = arith.cmpi slt, %xor3A_228, %lt3A_240 : vector<16xi32>
    %add3A_242 = arith.constant 16 : i32
    %add3A_243 = vector.broadcast %add3A_242 : i32 to vector<16xi32>
    %add3A_244 = arith.addi %xor3A_228, %add3A_243 : vector<16xi32>
    %select_n3A_245 = arith.select %lt3A_241, %add3A_244, %xor3A_228 : vector<16xi1>, vector<16xi32>
    %reshape3A_246 = vector.shape_cast %select_n3A_245 : vector<16xi32> to vector<16x1xi32>
    %gather3A_247 = vector.shape_cast %reshape3A_246 : vector<16x1xi32> to vector<16xi32>
    %gather3A_248 = tpu.dynamic_gather %max3A_223[%gather3A_247] in [0] : vector<16xf32>, vector<16xi32> -> vector<16xf32>
    %lt3A_249 = arith.constant 0 : i32
    %lt3A_250 = vector.broadcast %lt3A_249 : i32 to vector<16xi32>
    %lt3A_251 = arith.cmpi slt, %xor3A_228, %lt3A_250 : vector<16xi32>
    %add3A_252 = arith.constant 16 : i32
    %add3A_253 = vector.broadcast %add3A_252 : i32 to vector<16xi32>
    %add3A_254 = arith.addi %xor3A_228, %add3A_253 : vector<16xi32>
    %select_n3A_255 = arith.select %lt3A_251, %add3A_254, %xor3A_228 : vector<16xi1>, vector<16xi32>
    %reshape3A_256 = vector.shape_cast %select_n3A_255 : vector<16xi32> to vector<16x1xi32>
    %gather3A_257 = vector.shape_cast %reshape3A_256 : vector<16x1xi32> to vector<16xi32>
    %gather3A_258 = tpu.dynamic_gather %max3A_225[%gather3A_257] in [0] : vector<16xf32>, vector<16xi32> -> vector<16xf32>
    %min3A_259 = arith.minimumf %max3A_218, %gather3A_238 : vector<16xf32>
    %max3A_260 = arith.maximumf %max3A_218, %gather3A_238 : vector<16xf32>
    %min3A_261 = arith.minimumf %max3A_223, %min3A_259 : vector<16xf32>
    %max3A_262 = arith.maximumf %max3A_223, %min3A_259 : vector<16xf32>
    %max3A_263 = arith.maximumf %max3A_225, %min3A_261 : vector<16xf32>
    %min3A_264 = arith.minimumf %max3A_262, %gather3A_248 : vector<16xf32>
    %max3A_265 = arith.maximumf %max3A_262, %gather3A_248 : vector<16xf32>
    %max3A_266 = arith.maximumf %min3A_264, %gather3A_258 : vector<16xf32>
    %max3A_267 = arith.maximumf %max3A_263, %max3A_266 : vector<16xf32>
    %xor3A_268 = arith.constant 2 : i32
    %xor3A_269 = vector.broadcast %xor3A_268 : i32 to vector<16xi32>
    %xor3A_270 = arith.xori %iota3A, %xor3A_269 : vector<16xi32>
    %lt3A_271 = arith.constant 0 : i32
    %lt3A_272 = vector.broadcast %lt3A_271 : i32 to vector<16xi32>
    %lt3A_273 = arith.cmpi slt, %xor3A_270, %lt3A_272 : vector<16xi32>
    %add3A_274 = arith.constant 16 : i32
    %add3A_275 = vector.broadcast %add3A_274 : i32 to vector<16xi32>
    %add3A_276 = arith.addi %xor3A_270, %add3A_275 : vector<16xi32>
    %select_n3A_277 = arith.select %lt3A_273, %add3A_276, %xor3A_270 : vector<16xi1>, vector<16xi32>
    %reshape3A_278 = vector.shape_cast %select_n3A_277 : vector<16xi32> to vector<16x1xi32>
    %gather3A_279 = vector.shape_cast %reshape3A_278 : vector<16x1xi32> to vector<16xi32>
    %gather3A_280 = tpu.dynamic_gather %max3A_260[%gather3A_279] in [0] : vector<16xf32>, vector<16xi32> -> vector<16xf32>
    %lt3A_281 = arith.constant 0 : i32
    %lt3A_282 = vector.broadcast %lt3A_281 : i32 to vector<16xi32>
    %lt3A_283 = arith.cmpi slt, %xor3A_270, %lt3A_282 : vector<16xi32>
    %add3A_284 = arith.constant 16 : i32
    %add3A_285 = vector.broadcast %add3A_284 : i32 to vector<16xi32>
    %add3A_286 = arith.addi %xor3A_270, %add3A_285 : vector<16xi32>
    %select_n3A_287 = arith.select %lt3A_283, %add3A_286, %xor3A_270 : vector<16xi1>, vector<16xi32>
    %reshape3A_288 = vector.shape_cast %select_n3A_287 : vector<16xi32> to vector<16x1xi32>
    %gather3A_289 = vector.shape_cast %reshape3A_288 : vector<16x1xi32> to vector<16xi32>
    %gather3A_290 = tpu.dynamic_gather %max3A_265[%gather3A_289] in [0] : vector<16xf32>, vector<16xi32> -> vector<16xf32>
    %lt3A_291 = arith.constant 0 : i32
    %lt3A_292 = vector.broadcast %lt3A_291 : i32 to vector<16xi32>
    %lt3A_293 = arith.cmpi slt, %xor3A_270, %lt3A_292 : vector<16xi32>
    %add3A_294 = arith.constant 16 : i32
    %add3A_295 = vector.broadcast %add3A_294 : i32 to vector<16xi32>
    %add3A_296 = arith.addi %xor3A_270, %add3A_295 : vector<16xi32>
    %select_n3A_297 = arith.select %lt3A_293, %add3A_296, %xor3A_270 : vector<16xi1>, vector<16xi32>
    %reshape3A_298 = vector.shape_cast %select_n3A_297 : vector<16xi32> to vector<16x1xi32>
    %gather3A_299 = vector.shape_cast %reshape3A_298 : vector<16x1xi32> to vector<16xi32>
    %gather3A_300 = tpu.dynamic_gather %max3A_267[%gather3A_299] in [0] : vector<16xf32>, vector<16xi32> -> vector<16xf32>
    %min3A_301 = arith.minimumf %max3A_260, %gather3A_280 : vector<16xf32>
    %max3A_302 = arith.maximumf %max3A_260, %gather3A_280 : vector<16xf32>
    %min3A_303 = arith.minimumf %max3A_265, %min3A_301 : vector<16xf32>
    %max3A_304 = arith.maximumf %max3A_265, %min3A_301 : vector<16xf32>
    %max3A_305 = arith.maximumf %max3A_267, %min3A_303 : vector<16xf32>
    %min3A_306 = arith.minimumf %max3A_304, %gather3A_290 : vector<16xf32>
    %max3A_307 = arith.maximumf %max3A_304, %gather3A_290 : vector<16xf32>
    %max3A_308 = arith.maximumf %min3A_306, %gather3A_300 : vector<16xf32>
    %max3A_309 = arith.maximumf %max3A_305, %max3A_308 : vector<16xf32>
    %xor3A_310 = arith.constant 1 : i32
    %xor3A_311 = vector.broadcast %xor3A_310 : i32 to vector<16xi32>
    %xor3A_312 = arith.xori %iota3A, %xor3A_311 : vector<16xi32>
    %lt3A_313 = arith.constant 0 : i32
    %lt3A_314 = vector.broadcast %lt3A_313 : i32 to vector<16xi32>
    %lt3A_315 = arith.cmpi slt, %xor3A_312, %lt3A_314 : vector<16xi32>
    %add3A_316 = arith.constant 16 : i32
    %add3A_317 = vector.broadcast %add3A_316 : i32 to vector<16xi32>
    %add3A_318 = arith.addi %xor3A_312, %add3A_317 : vector<16xi32>
    %select_n3A_319 = arith.select %lt3A_315, %add3A_318, %xor3A_312 : vector<16xi1>, vector<16xi32>
    %reshape3A_320 = vector.shape_cast %select_n3A_319 : vector<16xi32> to vector<16x1xi32>
    %gather3A_321 = vector.shape_cast %reshape3A_320 : vector<16x1xi32> to vector<16xi32>
    %gather3A_322 = tpu.dynamic_gather %max3A_302[%gather3A_321] in [0] : vector<16xf32>, vector<16xi32> -> vector<16xf32>
    %lt3A_323 = arith.constant 0 : i32
    %lt3A_324 = vector.broadcast %lt3A_323 : i32 to vector<16xi32>
    %lt3A_325 = arith.cmpi slt, %xor3A_312, %lt3A_324 : vector<16xi32>
    %add3A_326 = arith.constant 16 : i32
    %add3A_327 = vector.broadcast %add3A_326 : i32 to vector<16xi32>
    %add3A_328 = arith.addi %xor3A_312, %add3A_327 : vector<16xi32>
    %select_n3A_329 = arith.select %lt3A_325, %add3A_328, %xor3A_312 : vector<16xi1>, vector<16xi32>
    %reshape3A_330 = vector.shape_cast %select_n3A_329 : vector<16xi32> to vector<16x1xi32>
    %gather3A_331 = vector.shape_cast %reshape3A_330 : vector<16x1xi32> to vector<16xi32>
    %gather3A_332 = tpu.dynamic_gather %max3A_307[%gather3A_331] in [0] : vector<16xf32>, vector<16xi32> -> vector<16xf32>
    %lt3A_333 = arith.constant 0 : i32
    %lt3A_334 = vector.broadcast %lt3A_333 : i32 to vector<16xi32>
    %lt3A_335 = arith.cmpi slt, %xor3A_312, %lt3A_334 : vector<16xi32>
    %add3A_336 = arith.constant 16 : i32
    %add3A_337 = vector.broadcast %add3A_336 : i32 to vector<16xi32>
    %add3A_338 = arith.addi %xor3A_312, %add3A_337 : vector<16xi32>
    %select_n3A_339 = arith.select %lt3A_335, %add3A_338, %xor3A_312 : vector<16xi1>, vector<16xi32>
    %reshape3A_340 = vector.shape_cast %select_n3A_339 : vector<16xi32> to vector<16x1xi32>
    %gather3A_341 = vector.shape_cast %reshape3A_340 : vector<16x1xi32> to vector<16xi32>
    %gather3A_342 = tpu.dynamic_gather %max3A_309[%gather3A_341] in [0] : vector<16xf32>, vector<16xi32> -> vector<16xf32>
    %min3A_343 = arith.minimumf %max3A_302, %gather3A_322 : vector<16xf32>
    %max3A_344 = arith.maximumf %max3A_302, %gather3A_322 : vector<16xf32>
    %min3A_345 = arith.minimumf %max3A_307, %min3A_343 : vector<16xf32>
    %max3A_346 = arith.maximumf %max3A_307, %min3A_343 : vector<16xf32>
    %max3A_347 = arith.maximumf %max3A_309, %min3A_345 : vector<16xf32>
    %min3A_348 = arith.minimumf %max3A_346, %gather3A_332 : vector<16xf32>
    %max3A_349 = arith.maximumf %max3A_346, %gather3A_332 : vector<16xf32>
    %max3A_350 = arith.maximumf %min3A_348, %gather3A_342 : vector<16xf32>
    %max3A_351 = arith.maximumf %max3A_347, %max3A_350 : vector<16xf32>
    %eq3A_352 = arith.constant 1 : i32
    %eq3A_353 = vector.broadcast %eq3A_352 : i32 to vector<16xi32>
    %eq3A_354 = arith.cmpi eq, %iota3A, %eq3A_353 : vector<16xi32>
    %select_n3A_355 = arith.select %eq3A_354, %max3A_344, %select_n3A_181 : vector<16xi1>, vector<16xf32>
    %select_n3A_356 = arith.select %eq3A_354, %max3A_349, %select_n3A_182 : vector<16xi1>, vector<16xf32>
    %select_n3A_357 = arith.select %eq3A_354, %max3A_351, %select_n3A_183 : vector<16xi1>, vector<16xf32>
    %xor3A_358 = arith.constant 8 : i32
    %xor3A_359 = vector.broadcast %xor3A_358 : i32 to vector<16xi32>
    %xor3A_360 = arith.xori %iota3A, %xor3A_359 : vector<16xi32>
    %lt3A_361 = arith.constant 0 : i32
    %lt3A_362 = vector.broadcast %lt3A_361 : i32 to vector<16xi32>
    %lt3A_363 = arith.cmpi slt, %xor3A_360, %lt3A_362 : vector<16xi32>
    %add3A_364 = arith.constant 16 : i32
    %add3A_365 = vector.broadcast %add3A_364 : i32 to vector<16xi32>
    %add3A_366 = arith.addi %xor3A_360, %add3A_365 : vector<16xi32>
    %select_n3A_367 = arith.select %lt3A_363, %add3A_366, %xor3A_360 : vector<16xi1>, vector<16xi32>
    %reshape3A_368 = vector.shape_cast %select_n3A_367 : vector<16xi32> to vector<16x1xi32>
    %gather3A_369 = vector.shape_cast %reshape3A_368 : vector<16x1xi32> to vector<16xi32>
    %gather3A_370 = tpu.dynamic_gather %scan3A_14#6[%gather3A_369] in [0] : vector<16xf32>, vector<16xi32> -> vector<16xf32>
    %lt3A_371 = arith.constant 0 : i32
    %lt3A_372 = vector.broadcast %lt3A_371 : i32 to vector<16xi32>
    %lt3A_373 = arith.cmpi slt, %xor3A_360, %lt3A_372 : vector<16xi32>
    %add3A_374 = arith.constant 16 : i32
    %add3A_375 = vector.broadcast %add3A_374 : i32 to vector<16xi32>
    %add3A_376 = arith.addi %xor3A_360, %add3A_375 : vector<16xi32>
    %select_n3A_377 = arith.select %lt3A_373, %add3A_376, %xor3A_360 : vector<16xi1>, vector<16xi32>
    %reshape3A_378 = vector.shape_cast %select_n3A_377 : vector<16xi32> to vector<16x1xi32>
    %gather3A_379 = vector.shape_cast %reshape3A_378 : vector<16x1xi32> to vector<16xi32>
    %gather3A_380 = tpu.dynamic_gather %scan3A_14#7[%gather3A_379] in [0] : vector<16xf32>, vector<16xi32> -> vector<16xf32>
    %lt3A_381 = arith.constant 0 : i32
    %lt3A_382 = vector.broadcast %lt3A_381 : i32 to vector<16xi32>
    %lt3A_383 = arith.cmpi slt, %xor3A_360, %lt3A_382 : vector<16xi32>
    %add3A_384 = arith.constant 16 : i32
    %add3A_385 = vector.broadcast %add3A_384 : i32 to vector<16xi32>
    %add3A_386 = arith.addi %xor3A_360, %add3A_385 : vector<16xi32>
    %select_n3A_387 = arith.select %lt3A_383, %add3A_386, %xor3A_360 : vector<16xi1>, vector<16xi32>
    %reshape3A_388 = vector.shape_cast %select_n3A_387 : vector<16xi32> to vector<16x1xi32>
    %gather3A_389 = vector.shape_cast %reshape3A_388 : vector<16x1xi32> to vector<16xi32>
    %gather3A_390 = tpu.dynamic_gather %scan3A_14#8[%gather3A_389] in [0] : vector<16xf32>, vector<16xi32> -> vector<16xf32>
    %min3A_391 = arith.minimumf %scan3A_14#6, %gather3A_370 : vector<16xf32>
    %max3A_392 = arith.maximumf %scan3A_14#6, %gather3A_370 : vector<16xf32>
    %min3A_393 = arith.minimumf %scan3A_14#7, %min3A_391 : vector<16xf32>
    %max3A_394 = arith.maximumf %scan3A_14#7, %min3A_391 : vector<16xf32>
    %max3A_395 = arith.maximumf %scan3A_14#8, %min3A_393 : vector<16xf32>
    %min3A_396 = arith.minimumf %max3A_394, %gather3A_380 : vector<16xf32>
    %max3A_397 = arith.maximumf %max3A_394, %gather3A_380 : vector<16xf32>
    %max3A_398 = arith.maximumf %min3A_396, %gather3A_390 : vector<16xf32>
    %max3A_399 = arith.maximumf %max3A_395, %max3A_398 : vector<16xf32>
    %xor3A_400 = arith.constant 4 : i32
    %xor3A_401 = vector.broadcast %xor3A_400 : i32 to vector<16xi32>
    %xor3A_402 = arith.xori %iota3A, %xor3A_401 : vector<16xi32>
    %lt3A_403 = arith.constant 0 : i32
    %lt3A_404 = vector.broadcast %lt3A_403 : i32 to vector<16xi32>
    %lt3A_405 = arith.cmpi slt, %xor3A_402, %lt3A_404 : vector<16xi32>
    %add3A_406 = arith.constant 16 : i32
    %add3A_407 = vector.broadcast %add3A_406 : i32 to vector<16xi32>
    %add3A_408 = arith.addi %xor3A_402, %add3A_407 : vector<16xi32>
    %select_n3A_409 = arith.select %lt3A_405, %add3A_408, %xor3A_402 : vector<16xi1>, vector<16xi32>
    %reshape3A_410 = vector.shape_cast %select_n3A_409 : vector<16xi32> to vector<16x1xi32>
    %gather3A_411 = vector.shape_cast %reshape3A_410 : vector<16x1xi32> to vector<16xi32>
    %gather3A_412 = tpu.dynamic_gather %max3A_392[%gather3A_411] in [0] : vector<16xf32>, vector<16xi32> -> vector<16xf32>
    %lt3A_413 = arith.constant 0 : i32
    %lt3A_414 = vector.broadcast %lt3A_413 : i32 to vector<16xi32>
    %lt3A_415 = arith.cmpi slt, %xor3A_402, %lt3A_414 : vector<16xi32>
    %add3A_416 = arith.constant 16 : i32
    %add3A_417 = vector.broadcast %add3A_416 : i32 to vector<16xi32>
    %add3A_418 = arith.addi %xor3A_402, %add3A_417 : vector<16xi32>
    %select_n3A_419 = arith.select %lt3A_415, %add3A_418, %xor3A_402 : vector<16xi1>, vector<16xi32>
    %reshape3A_420 = vector.shape_cast %select_n3A_419 : vector<16xi32> to vector<16x1xi32>
    %gather3A_421 = vector.shape_cast %reshape3A_420 : vector<16x1xi32> to vector<16xi32>
    %gather3A_422 = tpu.dynamic_gather %max3A_397[%gather3A_421] in [0] : vector<16xf32>, vector<16xi32> -> vector<16xf32>
    %lt3A_423 = arith.constant 0 : i32
    %lt3A_424 = vector.broadcast %lt3A_423 : i32 to vector<16xi32>
    %lt3A_425 = arith.cmpi slt, %xor3A_402, %lt3A_424 : vector<16xi32>
    %add3A_426 = arith.constant 16 : i32
    %add3A_427 = vector.broadcast %add3A_426 : i32 to vector<16xi32>
    %add3A_428 = arith.addi %xor3A_402, %add3A_427 : vector<16xi32>
    %select_n3A_429 = arith.select %lt3A_425, %add3A_428, %xor3A_402 : vector<16xi1>, vector<16xi32>
    %reshape3A_430 = vector.shape_cast %select_n3A_429 : vector<16xi32> to vector<16x1xi32>
    %gather3A_431 = vector.shape_cast %reshape3A_430 : vector<16x1xi32> to vector<16xi32>
    %gather3A_432 = tpu.dynamic_gather %max3A_399[%gather3A_431] in [0] : vector<16xf32>, vector<16xi32> -> vector<16xf32>
    %min3A_433 = arith.minimumf %max3A_392, %gather3A_412 : vector<16xf32>
    %max3A_434 = arith.maximumf %max3A_392, %gather3A_412 : vector<16xf32>
    %min3A_435 = arith.minimumf %max3A_397, %min3A_433 : vector<16xf32>
    %max3A_436 = arith.maximumf %max3A_397, %min3A_433 : vector<16xf32>
    %max3A_437 = arith.maximumf %max3A_399, %min3A_435 : vector<16xf32>
    %min3A_438 = arith.minimumf %max3A_436, %gather3A_422 : vector<16xf32>
    %max3A_439 = arith.maximumf %max3A_436, %gather3A_422 : vector<16xf32>
    %max3A_440 = arith.maximumf %min3A_438, %gather3A_432 : vector<16xf32>
    %max3A_441 = arith.maximumf %max3A_437, %max3A_440 : vector<16xf32>
    %xor3A_442 = arith.constant 2 : i32
    %xor3A_443 = vector.broadcast %xor3A_442 : i32 to vector<16xi32>
    %xor3A_444 = arith.xori %iota3A, %xor3A_443 : vector<16xi32>
    %lt3A_445 = arith.constant 0 : i32
    %lt3A_446 = vector.broadcast %lt3A_445 : i32 to vector<16xi32>
    %lt3A_447 = arith.cmpi slt, %xor3A_444, %lt3A_446 : vector<16xi32>
    %add3A_448 = arith.constant 16 : i32
    %add3A_449 = vector.broadcast %add3A_448 : i32 to vector<16xi32>
    %add3A_450 = arith.addi %xor3A_444, %add3A_449 : vector<16xi32>
    %select_n3A_451 = arith.select %lt3A_447, %add3A_450, %xor3A_444 : vector<16xi1>, vector<16xi32>
    %reshape3A_452 = vector.shape_cast %select_n3A_451 : vector<16xi32> to vector<16x1xi32>
    %gather3A_453 = vector.shape_cast %reshape3A_452 : vector<16x1xi32> to vector<16xi32>
    %gather3A_454 = tpu.dynamic_gather %max3A_434[%gather3A_453] in [0] : vector<16xf32>, vector<16xi32> -> vector<16xf32>
    %lt3A_455 = arith.constant 0 : i32
    %lt3A_456 = vector.broadcast %lt3A_455 : i32 to vector<16xi32>
    %lt3A_457 = arith.cmpi slt, %xor3A_444, %lt3A_456 : vector<16xi32>
    %add3A_458 = arith.constant 16 : i32
    %add3A_459 = vector.broadcast %add3A_458 : i32 to vector<16xi32>
    %add3A_460 = arith.addi %xor3A_444, %add3A_459 : vector<16xi32>
    %select_n3A_461 = arith.select %lt3A_457, %add3A_460, %xor3A_444 : vector<16xi1>, vector<16xi32>
    %reshape3A_462 = vector.shape_cast %select_n3A_461 : vector<16xi32> to vector<16x1xi32>
    %gather3A_463 = vector.shape_cast %reshape3A_462 : vector<16x1xi32> to vector<16xi32>
    %gather3A_464 = tpu.dynamic_gather %max3A_439[%gather3A_463] in [0] : vector<16xf32>, vector<16xi32> -> vector<16xf32>
    %lt3A_465 = arith.constant 0 : i32
    %lt3A_466 = vector.broadcast %lt3A_465 : i32 to vector<16xi32>
    %lt3A_467 = arith.cmpi slt, %xor3A_444, %lt3A_466 : vector<16xi32>
    %add3A_468 = arith.constant 16 : i32
    %add3A_469 = vector.broadcast %add3A_468 : i32 to vector<16xi32>
    %add3A_470 = arith.addi %xor3A_444, %add3A_469 : vector<16xi32>
    %select_n3A_471 = arith.select %lt3A_467, %add3A_470, %xor3A_444 : vector<16xi1>, vector<16xi32>
    %reshape3A_472 = vector.shape_cast %select_n3A_471 : vector<16xi32> to vector<16x1xi32>
    %gather3A_473 = vector.shape_cast %reshape3A_472 : vector<16x1xi32> to vector<16xi32>
    %gather3A_474 = tpu.dynamic_gather %max3A_441[%gather3A_473] in [0] : vector<16xf32>, vector<16xi32> -> vector<16xf32>
    %min3A_475 = arith.minimumf %max3A_434, %gather3A_454 : vector<16xf32>
    %max3A_476 = arith.maximumf %max3A_434, %gather3A_454 : vector<16xf32>
    %min3A_477 = arith.minimumf %max3A_439, %min3A_475 : vector<16xf32>
    %max3A_478 = arith.maximumf %max3A_439, %min3A_475 : vector<16xf32>
    %max3A_479 = arith.maximumf %max3A_441, %min3A_477 : vector<16xf32>
    %min3A_480 = arith.minimumf %max3A_478, %gather3A_464 : vector<16xf32>
    %max3A_481 = arith.maximumf %max3A_478, %gather3A_464 : vector<16xf32>
    %max3A_482 = arith.maximumf %min3A_480, %gather3A_474 : vector<16xf32>
    %max3A_483 = arith.maximumf %max3A_479, %max3A_482 : vector<16xf32>
    %xor3A_484 = arith.constant 1 : i32
    %xor3A_485 = vector.broadcast %xor3A_484 : i32 to vector<16xi32>
    %xor3A_486 = arith.xori %iota3A, %xor3A_485 : vector<16xi32>
    %lt3A_487 = arith.constant 0 : i32
    %lt3A_488 = vector.broadcast %lt3A_487 : i32 to vector<16xi32>
    %lt3A_489 = arith.cmpi slt, %xor3A_486, %lt3A_488 : vector<16xi32>
    %add3A_490 = arith.constant 16 : i32
    %add3A_491 = vector.broadcast %add3A_490 : i32 to vector<16xi32>
    %add3A_492 = arith.addi %xor3A_486, %add3A_491 : vector<16xi32>
    %select_n3A_493 = arith.select %lt3A_489, %add3A_492, %xor3A_486 : vector<16xi1>, vector<16xi32>
    %reshape3A_494 = vector.shape_cast %select_n3A_493 : vector<16xi32> to vector<16x1xi32>
    %gather3A_495 = vector.shape_cast %reshape3A_494 : vector<16x1xi32> to vector<16xi32>
    %gather3A_496 = tpu.dynamic_gather %max3A_476[%gather3A_495] in [0] : vector<16xf32>, vector<16xi32> -> vector<16xf32>
    %lt3A_497 = arith.constant 0 : i32
    %lt3A_498 = vector.broadcast %lt3A_497 : i32 to vector<16xi32>
    %lt3A_499 = arith.cmpi slt, %xor3A_486, %lt3A_498 : vector<16xi32>
    %add3A_500 = arith.constant 16 : i32
    %add3A_501 = vector.broadcast %add3A_500 : i32 to vector<16xi32>
    %add3A_502 = arith.addi %xor3A_486, %add3A_501 : vector<16xi32>
    %select_n3A_503 = arith.select %lt3A_499, %add3A_502, %xor3A_486 : vector<16xi1>, vector<16xi32>
    %reshape3A_504 = vector.shape_cast %select_n3A_503 : vector<16xi32> to vector<16x1xi32>
    %gather3A_505 = vector.shape_cast %reshape3A_504 : vector<16x1xi32> to vector<16xi32>
    %gather3A_506 = tpu.dynamic_gather %max3A_481[%gather3A_505] in [0] : vector<16xf32>, vector<16xi32> -> vector<16xf32>
    %lt3A_507 = arith.constant 0 : i32
    %lt3A_508 = vector.broadcast %lt3A_507 : i32 to vector<16xi32>
    %lt3A_509 = arith.cmpi slt, %xor3A_486, %lt3A_508 : vector<16xi32>
    %add3A_510 = arith.constant 16 : i32
    %add3A_511 = vector.broadcast %add3A_510 : i32 to vector<16xi32>
    %add3A_512 = arith.addi %xor3A_486, %add3A_511 : vector<16xi32>
    %select_n3A_513 = arith.select %lt3A_509, %add3A_512, %xor3A_486 : vector<16xi1>, vector<16xi32>
    %reshape3A_514 = vector.shape_cast %select_n3A_513 : vector<16xi32> to vector<16x1xi32>
    %gather3A_515 = vector.shape_cast %reshape3A_514 : vector<16x1xi32> to vector<16xi32>
    %gather3A_516 = tpu.dynamic_gather %max3A_483[%gather3A_515] in [0] : vector<16xf32>, vector<16xi32> -> vector<16xf32>
    %min3A_517 = arith.minimumf %max3A_476, %gather3A_496 : vector<16xf32>
    %max3A_518 = arith.maximumf %max3A_476, %gather3A_496 : vector<16xf32>
    %min3A_519 = arith.minimumf %max3A_481, %min3A_517 : vector<16xf32>
    %max3A_520 = arith.maximumf %max3A_481, %min3A_517 : vector<16xf32>
    %max3A_521 = arith.maximumf %max3A_483, %min3A_519 : vector<16xf32>
    %min3A_522 = arith.minimumf %max3A_520, %gather3A_506 : vector<16xf32>
    %max3A_523 = arith.maximumf %max3A_520, %gather3A_506 : vector<16xf32>
    %max3A_524 = arith.maximumf %min3A_522, %gather3A_516 : vector<16xf32>
    %max3A_525 = arith.maximumf %max3A_521, %max3A_524 : vector<16xf32>
    %eq3A_526 = arith.constant 2 : i32
    %eq3A_527 = vector.broadcast %eq3A_526 : i32 to vector<16xi32>
    %eq3A_528 = arith.cmpi eq, %iota3A, %eq3A_527 : vector<16xi32>
    %select_n3A_529 = arith.select %eq3A_528, %max3A_518, %select_n3A_355 : vector<16xi1>, vector<16xf32>
    %select_n3A_530 = arith.select %eq3A_528, %max3A_523, %select_n3A_356 : vector<16xi1>, vector<16xf32>
    %select_n3A_531 = arith.select %eq3A_528, %max3A_525, %select_n3A_357 : vector<16xi1>, vector<16xf32>
    %xor3A_532 = arith.constant 8 : i32
    %xor3A_533 = vector.broadcast %xor3A_532 : i32 to vector<16xi32>
    %xor3A_534 = arith.xori %iota3A, %xor3A_533 : vector<16xi32>
    %lt3A_535 = arith.constant 0 : i32
    %lt3A_536 = vector.broadcast %lt3A_535 : i32 to vector<16xi32>
    %lt3A_537 = arith.cmpi slt, %xor3A_534, %lt3A_536 : vector<16xi32>
    %add3A_538 = arith.constant 16 : i32
    %add3A_539 = vector.broadcast %add3A_538 : i32 to vector<16xi32>
    %add3A_540 = arith.addi %xor3A_534, %add3A_539 : vector<16xi32>
    %select_n3A_541 = arith.select %lt3A_537, %add3A_540, %xor3A_534 : vector<16xi1>, vector<16xi32>
    %reshape3A_542 = vector.shape_cast %select_n3A_541 : vector<16xi32> to vector<16x1xi32>
    %gather3A_543 = vector.shape_cast %reshape3A_542 : vector<16x1xi32> to vector<16xi32>
    %gather3A_544 = tpu.dynamic_gather %scan3A_14#9[%gather3A_543] in [0] : vector<16xf32>, vector<16xi32> -> vector<16xf32>
    %lt3A_545 = arith.constant 0 : i32
    %lt3A_546 = vector.broadcast %lt3A_545 : i32 to vector<16xi32>
    %lt3A_547 = arith.cmpi slt, %xor3A_534, %lt3A_546 : vector<16xi32>
    %add3A_548 = arith.constant 16 : i32
    %add3A_549 = vector.broadcast %add3A_548 : i32 to vector<16xi32>
    %add3A_550 = arith.addi %xor3A_534, %add3A_549 : vector<16xi32>
    %select_n3A_551 = arith.select %lt3A_547, %add3A_550, %xor3A_534 : vector<16xi1>, vector<16xi32>
    %reshape3A_552 = vector.shape_cast %select_n3A_551 : vector<16xi32> to vector<16x1xi32>
    %gather3A_553 = vector.shape_cast %reshape3A_552 : vector<16x1xi32> to vector<16xi32>
    %gather3A_554 = tpu.dynamic_gather %scan3A_14#10[%gather3A_553] in [0] : vector<16xf32>, vector<16xi32> -> vector<16xf32>
    %lt3A_555 = arith.constant 0 : i32
    %lt3A_556 = vector.broadcast %lt3A_555 : i32 to vector<16xi32>
    %lt3A_557 = arith.cmpi slt, %xor3A_534, %lt3A_556 : vector<16xi32>
    %add3A_558 = arith.constant 16 : i32
    %add3A_559 = vector.broadcast %add3A_558 : i32 to vector<16xi32>
    %add3A_560 = arith.addi %xor3A_534, %add3A_559 : vector<16xi32>
    %select_n3A_561 = arith.select %lt3A_557, %add3A_560, %xor3A_534 : vector<16xi1>, vector<16xi32>
    %reshape3A_562 = vector.shape_cast %select_n3A_561 : vector<16xi32> to vector<16x1xi32>
    %gather3A_563 = vector.shape_cast %reshape3A_562 : vector<16x1xi32> to vector<16xi32>
    %gather3A_564 = tpu.dynamic_gather %scan3A_14#11[%gather3A_563] in [0] : vector<16xf32>, vector<16xi32> -> vector<16xf32>
    %min3A_565 = arith.minimumf %scan3A_14#9, %gather3A_544 : vector<16xf32>
    %max3A_566 = arith.maximumf %scan3A_14#9, %gather3A_544 : vector<16xf32>
    %min3A_567 = arith.minimumf %scan3A_14#10, %min3A_565 : vector<16xf32>
    %max3A_568 = arith.maximumf %scan3A_14#10, %min3A_565 : vector<16xf32>
    %max3A_569 = arith.maximumf %scan3A_14#11, %min3A_567 : vector<16xf32>
    %min3A_570 = arith.minimumf %max3A_568, %gather3A_554 : vector<16xf32>
    %max3A_571 = arith.maximumf %max3A_568, %gather3A_554 : vector<16xf32>
    %max3A_572 = arith.maximumf %min3A_570, %gather3A_564 : vector<16xf32>
    %max3A_573 = arith.maximumf %max3A_569, %max3A_572 : vector<16xf32>
    %xor3A_574 = arith.constant 4 : i32
    %xor3A_575 = vector.broadcast %xor3A_574 : i32 to vector<16xi32>
    %xor3A_576 = arith.xori %iota3A, %xor3A_575 : vector<16xi32>
    %lt3A_577 = arith.constant 0 : i32
    %lt3A_578 = vector.broadcast %lt3A_577 : i32 to vector<16xi32>
    %lt3A_579 = arith.cmpi slt, %xor3A_576, %lt3A_578 : vector<16xi32>
    %add3A_580 = arith.constant 16 : i32
    %add3A_581 = vector.broadcast %add3A_580 : i32 to vector<16xi32>
    %add3A_582 = arith.addi %xor3A_576, %add3A_581 : vector<16xi32>
    %select_n3A_583 = arith.select %lt3A_579, %add3A_582, %xor3A_576 : vector<16xi1>, vector<16xi32>
    %reshape3A_584 = vector.shape_cast %select_n3A_583 : vector<16xi32> to vector<16x1xi32>
    %gather3A_585 = vector.shape_cast %reshape3A_584 : vector<16x1xi32> to vector<16xi32>
    %gather3A_586 = tpu.dynamic_gather %max3A_566[%gather3A_585] in [0] : vector<16xf32>, vector<16xi32> -> vector<16xf32>
    %lt3A_587 = arith.constant 0 : i32
    %lt3A_588 = vector.broadcast %lt3A_587 : i32 to vector<16xi32>
    %lt3A_589 = arith.cmpi slt, %xor3A_576, %lt3A_588 : vector<16xi32>
    %add3A_590 = arith.constant 16 : i32
    %add3A_591 = vector.broadcast %add3A_590 : i32 to vector<16xi32>
    %add3A_592 = arith.addi %xor3A_576, %add3A_591 : vector<16xi32>
    %select_n3A_593 = arith.select %lt3A_589, %add3A_592, %xor3A_576 : vector<16xi1>, vector<16xi32>
    %reshape3A_594 = vector.shape_cast %select_n3A_593 : vector<16xi32> to vector<16x1xi32>
    %gather3A_595 = vector.shape_cast %reshape3A_594 : vector<16x1xi32> to vector<16xi32>
    %gather3A_596 = tpu.dynamic_gather %max3A_571[%gather3A_595] in [0] : vector<16xf32>, vector<16xi32> -> vector<16xf32>
    %lt3A_597 = arith.constant 0 : i32
    %lt3A_598 = vector.broadcast %lt3A_597 : i32 to vector<16xi32>
    %lt3A_599 = arith.cmpi slt, %xor3A_576, %lt3A_598 : vector<16xi32>
    %add3A_600 = arith.constant 16 : i32
    %add3A_601 = vector.broadcast %add3A_600 : i32 to vector<16xi32>
    %add3A_602 = arith.addi %xor3A_576, %add3A_601 : vector<16xi32>
    %select_n3A_603 = arith.select %lt3A_599, %add3A_602, %xor3A_576 : vector<16xi1>, vector<16xi32>
    %reshape3A_604 = vector.shape_cast %select_n3A_603 : vector<16xi32> to vector<16x1xi32>
    %gather3A_605 = vector.shape_cast %reshape3A_604 : vector<16x1xi32> to vector<16xi32>
    %gather3A_606 = tpu.dynamic_gather %max3A_573[%gather3A_605] in [0] : vector<16xf32>, vector<16xi32> -> vector<16xf32>
    %min3A_607 = arith.minimumf %max3A_566, %gather3A_586 : vector<16xf32>
    %max3A_608 = arith.maximumf %max3A_566, %gather3A_586 : vector<16xf32>
    %min3A_609 = arith.minimumf %max3A_571, %min3A_607 : vector<16xf32>
    %max3A_610 = arith.maximumf %max3A_571, %min3A_607 : vector<16xf32>
    %max3A_611 = arith.maximumf %max3A_573, %min3A_609 : vector<16xf32>
    %min3A_612 = arith.minimumf %max3A_610, %gather3A_596 : vector<16xf32>
    %max3A_613 = arith.maximumf %max3A_610, %gather3A_596 : vector<16xf32>
    %max3A_614 = arith.maximumf %min3A_612, %gather3A_606 : vector<16xf32>
    %max3A_615 = arith.maximumf %max3A_611, %max3A_614 : vector<16xf32>
    %xor3A_616 = arith.constant 2 : i32
    %xor3A_617 = vector.broadcast %xor3A_616 : i32 to vector<16xi32>
    %xor3A_618 = arith.xori %iota3A, %xor3A_617 : vector<16xi32>
    %lt3A_619 = arith.constant 0 : i32
    %lt3A_620 = vector.broadcast %lt3A_619 : i32 to vector<16xi32>
    %lt3A_621 = arith.cmpi slt, %xor3A_618, %lt3A_620 : vector<16xi32>
    %add3A_622 = arith.constant 16 : i32
    %add3A_623 = vector.broadcast %add3A_622 : i32 to vector<16xi32>
    %add3A_624 = arith.addi %xor3A_618, %add3A_623 : vector<16xi32>
    %select_n3A_625 = arith.select %lt3A_621, %add3A_624, %xor3A_618 : vector<16xi1>, vector<16xi32>
    %reshape3A_626 = vector.shape_cast %select_n3A_625 : vector<16xi32> to vector<16x1xi32>
    %gather3A_627 = vector.shape_cast %reshape3A_626 : vector<16x1xi32> to vector<16xi32>
    %gather3A_628 = tpu.dynamic_gather %max3A_608[%gather3A_627] in [0] : vector<16xf32>, vector<16xi32> -> vector<16xf32>
    %lt3A_629 = arith.constant 0 : i32
    %lt3A_630 = vector.broadcast %lt3A_629 : i32 to vector<16xi32>
    %lt3A_631 = arith.cmpi slt, %xor3A_618, %lt3A_630 : vector<16xi32>
    %add3A_632 = arith.constant 16 : i32
    %add3A_633 = vector.broadcast %add3A_632 : i32 to vector<16xi32>
    %add3A_634 = arith.addi %xor3A_618, %add3A_633 : vector<16xi32>
    %select_n3A_635 = arith.select %lt3A_631, %add3A_634, %xor3A_618 : vector<16xi1>, vector<16xi32>
    %reshape3A_636 = vector.shape_cast %select_n3A_635 : vector<16xi32> to vector<16x1xi32>
    %gather3A_637 = vector.shape_cast %reshape3A_636 : vector<16x1xi32> to vector<16xi32>
    %gather3A_638 = tpu.dynamic_gather %max3A_613[%gather3A_637] in [0] : vector<16xf32>, vector<16xi32> -> vector<16xf32>
    %lt3A_639 = arith.constant 0 : i32
    %lt3A_640 = vector.broadcast %lt3A_639 : i32 to vector<16xi32>
    %lt3A_641 = arith.cmpi slt, %xor3A_618, %lt3A_640 : vector<16xi32>
    %add3A_642 = arith.constant 16 : i32
    %add3A_643 = vector.broadcast %add3A_642 : i32 to vector<16xi32>
    %add3A_644 = arith.addi %xor3A_618, %add3A_643 : vector<16xi32>
    %select_n3A_645 = arith.select %lt3A_641, %add3A_644, %xor3A_618 : vector<16xi1>, vector<16xi32>
    %reshape3A_646 = vector.shape_cast %select_n3A_645 : vector<16xi32> to vector<16x1xi32>
    %gather3A_647 = vector.shape_cast %reshape3A_646 : vector<16x1xi32> to vector<16xi32>
    %gather3A_648 = tpu.dynamic_gather %max3A_615[%gather3A_647] in [0] : vector<16xf32>, vector<16xi32> -> vector<16xf32>
    %min3A_649 = arith.minimumf %max3A_608, %gather3A_628 : vector<16xf32>
    %max3A_650 = arith.maximumf %max3A_608, %gather3A_628 : vector<16xf32>
    %min3A_651 = arith.minimumf %max3A_613, %min3A_649 : vector<16xf32>
    %max3A_652 = arith.maximumf %max3A_613, %min3A_649 : vector<16xf32>
    %max3A_653 = arith.maximumf %max3A_615, %min3A_651 : vector<16xf32>
    %min3A_654 = arith.minimumf %max3A_652, %gather3A_638 : vector<16xf32>
    %max3A_655 = arith.maximumf %max3A_652, %gather3A_638 : vector<16xf32>
    %max3A_656 = arith.maximumf %min3A_654, %gather3A_648 : vector<16xf32>
    %max3A_657 = arith.maximumf %max3A_653, %max3A_656 : vector<16xf32>
    %xor3A_658 = arith.constant 1 : i32
    %xor3A_659 = vector.broadcast %xor3A_658 : i32 to vector<16xi32>
    %xor3A_660 = arith.xori %iota3A, %xor3A_659 : vector<16xi32>
    %lt3A_661 = arith.constant 0 : i32
    %lt3A_662 = vector.broadcast %lt3A_661 : i32 to vector<16xi32>
    %lt3A_663 = arith.cmpi slt, %xor3A_660, %lt3A_662 : vector<16xi32>
    %add3A_664 = arith.constant 16 : i32
    %add3A_665 = vector.broadcast %add3A_664 : i32 to vector<16xi32>
    %add3A_666 = arith.addi %xor3A_660, %add3A_665 : vector<16xi32>
    %select_n3A_667 = arith.select %lt3A_663, %add3A_666, %xor3A_660 : vector<16xi1>, vector<16xi32>
    %reshape3A_668 = vector.shape_cast %select_n3A_667 : vector<16xi32> to vector<16x1xi32>
    %gather3A_669 = vector.shape_cast %reshape3A_668 : vector<16x1xi32> to vector<16xi32>
    %gather3A_670 = tpu.dynamic_gather %max3A_650[%gather3A_669] in [0] : vector<16xf32>, vector<16xi32> -> vector<16xf32>
    %lt3A_671 = arith.constant 0 : i32
    %lt3A_672 = vector.broadcast %lt3A_671 : i32 to vector<16xi32>
    %lt3A_673 = arith.cmpi slt, %xor3A_660, %lt3A_672 : vector<16xi32>
    %add3A_674 = arith.constant 16 : i32
    %add3A_675 = vector.broadcast %add3A_674 : i32 to vector<16xi32>
    %add3A_676 = arith.addi %xor3A_660, %add3A_675 : vector<16xi32>
    %select_n3A_677 = arith.select %lt3A_673, %add3A_676, %xor3A_660 : vector<16xi1>, vector<16xi32>
    %reshape3A_678 = vector.shape_cast %select_n3A_677 : vector<16xi32> to vector<16x1xi32>
    %gather3A_679 = vector.shape_cast %reshape3A_678 : vector<16x1xi32> to vector<16xi32>
    %gather3A_680 = tpu.dynamic_gather %max3A_655[%gather3A_679] in [0] : vector<16xf32>, vector<16xi32> -> vector<16xf32>
    %lt3A_681 = arith.constant 0 : i32
    %lt3A_682 = vector.broadcast %lt3A_681 : i32 to vector<16xi32>
    %lt3A_683 = arith.cmpi slt, %xor3A_660, %lt3A_682 : vector<16xi32>
    %add3A_684 = arith.constant 16 : i32
    %add3A_685 = vector.broadcast %add3A_684 : i32 to vector<16xi32>
    %add3A_686 = arith.addi %xor3A_660, %add3A_685 : vector<16xi32>
    %select_n3A_687 = arith.select %lt3A_683, %add3A_686, %xor3A_660 : vector<16xi1>, vector<16xi32>
    %reshape3A_688 = vector.shape_cast %select_n3A_687 : vector<16xi32> to vector<16x1xi32>
    %gather3A_689 = vector.shape_cast %reshape3A_688 : vector<16x1xi32> to vector<16xi32>
    %gather3A_690 = tpu.dynamic_gather %max3A_657[%gather3A_689] in [0] : vector<16xf32>, vector<16xi32> -> vector<16xf32>
    %min3A_691 = arith.minimumf %max3A_650, %gather3A_670 : vector<16xf32>
    %max3A_692 = arith.maximumf %max3A_650, %gather3A_670 : vector<16xf32>
    %min3A_693 = arith.minimumf %max3A_655, %min3A_691 : vector<16xf32>
    %max3A_694 = arith.maximumf %max3A_655, %min3A_691 : vector<16xf32>
    %max3A_695 = arith.maximumf %max3A_657, %min3A_693 : vector<16xf32>
    %min3A_696 = arith.minimumf %max3A_694, %gather3A_680 : vector<16xf32>
    %max3A_697 = arith.maximumf %max3A_694, %gather3A_680 : vector<16xf32>
    %max3A_698 = arith.maximumf %min3A_696, %gather3A_690 : vector<16xf32>
    %max3A_699 = arith.maximumf %max3A_695, %max3A_698 : vector<16xf32>
    %eq3A_700 = arith.constant 3 : i32
    %eq3A_701 = vector.broadcast %eq3A_700 : i32 to vector<16xi32>
    %eq3A_702 = arith.cmpi eq, %iota3A, %eq3A_701 : vector<16xi32>
    %select_n3A_703 = arith.select %eq3A_702, %max3A_692, %select_n3A_529 : vector<16xi1>, vector<16xf32>
    %select_n3A_704 = arith.select %eq3A_702, %max3A_697, %select_n3A_530 : vector<16xi1>, vector<16xf32>
    %select_n3A_705 = arith.select %eq3A_702, %max3A_699, %select_n3A_531 : vector<16xi1>, vector<16xf32>
    %xor3A_706 = arith.constant 8 : i32
    %xor3A_707 = vector.broadcast %xor3A_706 : i32 to vector<16xi32>
    %xor3A_708 = arith.xori %iota3A, %xor3A_707 : vector<16xi32>
    %lt3A_709 = arith.constant 0 : i32
    %lt3A_710 = vector.broadcast %lt3A_709 : i32 to vector<16xi32>
    %lt3A_711 = arith.cmpi slt, %xor3A_708, %lt3A_710 : vector<16xi32>
    %add3A_712 = arith.constant 16 : i32
    %add3A_713 = vector.broadcast %add3A_712 : i32 to vector<16xi32>
    %add3A_714 = arith.addi %xor3A_708, %add3A_713 : vector<16xi32>
    %select_n3A_715 = arith.select %lt3A_711, %add3A_714, %xor3A_708 : vector<16xi1>, vector<16xi32>
    %reshape3A_716 = vector.shape_cast %select_n3A_715 : vector<16xi32> to vector<16x1xi32>
    %gather3A_717 = vector.shape_cast %reshape3A_716 : vector<16x1xi32> to vector<16xi32>
    %gather3A_718 = tpu.dynamic_gather %scan3A_14#12[%gather3A_717] in [0] : vector<16xf32>, vector<16xi32> -> vector<16xf32>
    %lt3A_719 = arith.constant 0 : i32
    %lt3A_720 = vector.broadcast %lt3A_719 : i32 to vector<16xi32>
    %lt3A_721 = arith.cmpi slt, %xor3A_708, %lt3A_720 : vector<16xi32>
    %add3A_722 = arith.constant 16 : i32
    %add3A_723 = vector.broadcast %add3A_722 : i32 to vector<16xi32>
    %add3A_724 = arith.addi %xor3A_708, %add3A_723 : vector<16xi32>
    %select_n3A_725 = arith.select %lt3A_721, %add3A_724, %xor3A_708 : vector<16xi1>, vector<16xi32>
    %reshape3A_726 = vector.shape_cast %select_n3A_725 : vector<16xi32> to vector<16x1xi32>
    %gather3A_727 = vector.shape_cast %reshape3A_726 : vector<16x1xi32> to vector<16xi32>
    %gather3A_728 = tpu.dynamic_gather %scan3A_14#13[%gather3A_727] in [0] : vector<16xf32>, vector<16xi32> -> vector<16xf32>
    %lt3A_729 = arith.constant 0 : i32
    %lt3A_730 = vector.broadcast %lt3A_729 : i32 to vector<16xi32>
    %lt3A_731 = arith.cmpi slt, %xor3A_708, %lt3A_730 : vector<16xi32>
    %add3A_732 = arith.constant 16 : i32
    %add3A_733 = vector.broadcast %add3A_732 : i32 to vector<16xi32>
    %add3A_734 = arith.addi %xor3A_708, %add3A_733 : vector<16xi32>
    %select_n3A_735 = arith.select %lt3A_731, %add3A_734, %xor3A_708 : vector<16xi1>, vector<16xi32>
    %reshape3A_736 = vector.shape_cast %select_n3A_735 : vector<16xi32> to vector<16x1xi32>
    %gather3A_737 = vector.shape_cast %reshape3A_736 : vector<16x1xi32> to vector<16xi32>
    %gather3A_738 = tpu.dynamic_gather %scan3A_14#14[%gather3A_737] in [0] : vector<16xf32>, vector<16xi32> -> vector<16xf32>
    %min3A_739 = arith.minimumf %scan3A_14#12, %gather3A_718 : vector<16xf32>
    %max3A_740 = arith.maximumf %scan3A_14#12, %gather3A_718 : vector<16xf32>
    %min3A_741 = arith.minimumf %scan3A_14#13, %min3A_739 : vector<16xf32>
    %max3A_742 = arith.maximumf %scan3A_14#13, %min3A_739 : vector<16xf32>
    %max3A_743 = arith.maximumf %scan3A_14#14, %min3A_741 : vector<16xf32>
    %min3A_744 = arith.minimumf %max3A_742, %gather3A_728 : vector<16xf32>
    %max3A_745 = arith.maximumf %max3A_742, %gather3A_728 : vector<16xf32>
    %max3A_746 = arith.maximumf %min3A_744, %gather3A_738 : vector<16xf32>
    %max3A_747 = arith.maximumf %max3A_743, %max3A_746 : vector<16xf32>
    %xor3A_748 = arith.constant 4 : i32
    %xor3A_749 = vector.broadcast %xor3A_748 : i32 to vector<16xi32>
    %xor3A_750 = arith.xori %iota3A, %xor3A_749 : vector<16xi32>
    %lt3A_751 = arith.constant 0 : i32
    %lt3A_752 = vector.broadcast %lt3A_751 : i32 to vector<16xi32>
    %lt3A_753 = arith.cmpi slt, %xor3A_750, %lt3A_752 : vector<16xi32>
    %add3A_754 = arith.constant 16 : i32
    %add3A_755 = vector.broadcast %add3A_754 : i32 to vector<16xi32>
    %add3A_756 = arith.addi %xor3A_750, %add3A_755 : vector<16xi32>
    %select_n3A_757 = arith.select %lt3A_753, %add3A_756, %xor3A_750 : vector<16xi1>, vector<16xi32>
    %reshape3A_758 = vector.shape_cast %select_n3A_757 : vector<16xi32> to vector<16x1xi32>
    %gather3A_759 = vector.shape_cast %reshape3A_758 : vector<16x1xi32> to vector<16xi32>
    %gather3A_760 = tpu.dynamic_gather %max3A_740[%gather3A_759] in [0] : vector<16xf32>, vector<16xi32> -> vector<16xf32>
    %lt3A_761 = arith.constant 0 : i32
    %lt3A_762 = vector.broadcast %lt3A_761 : i32 to vector<16xi32>
    %lt3A_763 = arith.cmpi slt, %xor3A_750, %lt3A_762 : vector<16xi32>
    %add3A_764 = arith.constant 16 : i32
    %add3A_765 = vector.broadcast %add3A_764 : i32 to vector<16xi32>
    %add3A_766 = arith.addi %xor3A_750, %add3A_765 : vector<16xi32>
    %select_n3A_767 = arith.select %lt3A_763, %add3A_766, %xor3A_750 : vector<16xi1>, vector<16xi32>
    %reshape3A_768 = vector.shape_cast %select_n3A_767 : vector<16xi32> to vector<16x1xi32>
    %gather3A_769 = vector.shape_cast %reshape3A_768 : vector<16x1xi32> to vector<16xi32>
    %gather3A_770 = tpu.dynamic_gather %max3A_745[%gather3A_769] in [0] : vector<16xf32>, vector<16xi32> -> vector<16xf32>
    %lt3A_771 = arith.constant 0 : i32
    %lt3A_772 = vector.broadcast %lt3A_771 : i32 to vector<16xi32>
    %lt3A_773 = arith.cmpi slt, %xor3A_750, %lt3A_772 : vector<16xi32>
    %add3A_774 = arith.constant 16 : i32
    %add3A_775 = vector.broadcast %add3A_774 : i32 to vector<16xi32>
    %add3A_776 = arith.addi %xor3A_750, %add3A_775 : vector<16xi32>
    %select_n3A_777 = arith.select %lt3A_773, %add3A_776, %xor3A_750 : vector<16xi1>, vector<16xi32>
    %reshape3A_778 = vector.shape_cast %select_n3A_777 : vector<16xi32> to vector<16x1xi32>
    %gather3A_779 = vector.shape_cast %reshape3A_778 : vector<16x1xi32> to vector<16xi32>
    %gather3A_780 = tpu.dynamic_gather %max3A_747[%gather3A_779] in [0] : vector<16xf32>, vector<16xi32> -> vector<16xf32>
    %min3A_781 = arith.minimumf %max3A_740, %gather3A_760 : vector<16xf32>
    %max3A_782 = arith.maximumf %max3A_740, %gather3A_760 : vector<16xf32>
    %min3A_783 = arith.minimumf %max3A_745, %min3A_781 : vector<16xf32>
    %max3A_784 = arith.maximumf %max3A_745, %min3A_781 : vector<16xf32>
    %max3A_785 = arith.maximumf %max3A_747, %min3A_783 : vector<16xf32>
    %min3A_786 = arith.minimumf %max3A_784, %gather3A_770 : vector<16xf32>
    %max3A_787 = arith.maximumf %max3A_784, %gather3A_770 : vector<16xf32>
    %max3A_788 = arith.maximumf %min3A_786, %gather3A_780 : vector<16xf32>
    %max3A_789 = arith.maximumf %max3A_785, %max3A_788 : vector<16xf32>
    %xor3A_790 = arith.constant 2 : i32
    %xor3A_791 = vector.broadcast %xor3A_790 : i32 to vector<16xi32>
    %xor3A_792 = arith.xori %iota3A, %xor3A_791 : vector<16xi32>
    %lt3A_793 = arith.constant 0 : i32
    %lt3A_794 = vector.broadcast %lt3A_793 : i32 to vector<16xi32>
    %lt3A_795 = arith.cmpi slt, %xor3A_792, %lt3A_794 : vector<16xi32>
    %add3A_796 = arith.constant 16 : i32
    %add3A_797 = vector.broadcast %add3A_796 : i32 to vector<16xi32>
    %add3A_798 = arith.addi %xor3A_792, %add3A_797 : vector<16xi32>
    %select_n3A_799 = arith.select %lt3A_795, %add3A_798, %xor3A_792 : vector<16xi1>, vector<16xi32>
    %reshape3A_800 = vector.shape_cast %select_n3A_799 : vector<16xi32> to vector<16x1xi32>
    %gather3A_801 = vector.shape_cast %reshape3A_800 : vector<16x1xi32> to vector<16xi32>
    %gather3A_802 = tpu.dynamic_gather %max3A_782[%gather3A_801] in [0] : vector<16xf32>, vector<16xi32> -> vector<16xf32>
    %lt3A_803 = arith.constant 0 : i32
    %lt3A_804 = vector.broadcast %lt3A_803 : i32 to vector<16xi32>
    %lt3A_805 = arith.cmpi slt, %xor3A_792, %lt3A_804 : vector<16xi32>
    %add3A_806 = arith.constant 16 : i32
    %add3A_807 = vector.broadcast %add3A_806 : i32 to vector<16xi32>
    %add3A_808 = arith.addi %xor3A_792, %add3A_807 : vector<16xi32>
    %select_n3A_809 = arith.select %lt3A_805, %add3A_808, %xor3A_792 : vector<16xi1>, vector<16xi32>
    %reshape3A_810 = vector.shape_cast %select_n3A_809 : vector<16xi32> to vector<16x1xi32>
    %gather3A_811 = vector.shape_cast %reshape3A_810 : vector<16x1xi32> to vector<16xi32>
    %gather3A_812 = tpu.dynamic_gather %max3A_787[%gather3A_811] in [0] : vector<16xf32>, vector<16xi32> -> vector<16xf32>
    %lt3A_813 = arith.constant 0 : i32
    %lt3A_814 = vector.broadcast %lt3A_813 : i32 to vector<16xi32>
    %lt3A_815 = arith.cmpi slt, %xor3A_792, %lt3A_814 : vector<16xi32>
    %add3A_816 = arith.constant 16 : i32
    %add3A_817 = vector.broadcast %add3A_816 : i32 to vector<16xi32>
    %add3A_818 = arith.addi %xor3A_792, %add3A_817 : vector<16xi32>
    %select_n3A_819 = arith.select %lt3A_815, %add3A_818, %xor3A_792 : vector<16xi1>, vector<16xi32>
    %reshape3A_820 = vector.shape_cast %select_n3A_819 : vector<16xi32> to vector<16x1xi32>
    %gather3A_821 = vector.shape_cast %reshape3A_820 : vector<16x1xi32> to vector<16xi32>
    %gather3A_822 = tpu.dynamic_gather %max3A_789[%gather3A_821] in [0] : vector<16xf32>, vector<16xi32> -> vector<16xf32>
    %min3A_823 = arith.minimumf %max3A_782, %gather3A_802 : vector<16xf32>
    %max3A_824 = arith.maximumf %max3A_782, %gather3A_802 : vector<16xf32>
    %min3A_825 = arith.minimumf %max3A_787, %min3A_823 : vector<16xf32>
    %max3A_826 = arith.maximumf %max3A_787, %min3A_823 : vector<16xf32>
    %max3A_827 = arith.maximumf %max3A_789, %min3A_825 : vector<16xf32>
    %min3A_828 = arith.minimumf %max3A_826, %gather3A_812 : vector<16xf32>
    %max3A_829 = arith.maximumf %max3A_826, %gather3A_812 : vector<16xf32>
    %max3A_830 = arith.maximumf %min3A_828, %gather3A_822 : vector<16xf32>
    %max3A_831 = arith.maximumf %max3A_827, %max3A_830 : vector<16xf32>
    %xor3A_832 = arith.constant 1 : i32
    %xor3A_833 = vector.broadcast %xor3A_832 : i32 to vector<16xi32>
    %xor3A_834 = arith.xori %iota3A, %xor3A_833 : vector<16xi32>
    %lt3A_835 = arith.constant 0 : i32
    %lt3A_836 = vector.broadcast %lt3A_835 : i32 to vector<16xi32>
    %lt3A_837 = arith.cmpi slt, %xor3A_834, %lt3A_836 : vector<16xi32>
    %add3A_838 = arith.constant 16 : i32
    %add3A_839 = vector.broadcast %add3A_838 : i32 to vector<16xi32>
    %add3A_840 = arith.addi %xor3A_834, %add3A_839 : vector<16xi32>
    %select_n3A_841 = arith.select %lt3A_837, %add3A_840, %xor3A_834 : vector<16xi1>, vector<16xi32>
    %reshape3A_842 = vector.shape_cast %select_n3A_841 : vector<16xi32> to vector<16x1xi32>
    %gather3A_843 = vector.shape_cast %reshape3A_842 : vector<16x1xi32> to vector<16xi32>
    %gather3A_844 = tpu.dynamic_gather %max3A_824[%gather3A_843] in [0] : vector<16xf32>, vector<16xi32> -> vector<16xf32>
    %lt3A_845 = arith.constant 0 : i32
    %lt3A_846 = vector.broadcast %lt3A_845 : i32 to vector<16xi32>
    %lt3A_847 = arith.cmpi slt, %xor3A_834, %lt3A_846 : vector<16xi32>
    %add3A_848 = arith.constant 16 : i32
    %add3A_849 = vector.broadcast %add3A_848 : i32 to vector<16xi32>
    %add3A_850 = arith.addi %xor3A_834, %add3A_849 : vector<16xi32>
    %select_n3A_851 = arith.select %lt3A_847, %add3A_850, %xor3A_834 : vector<16xi1>, vector<16xi32>
    %reshape3A_852 = vector.shape_cast %select_n3A_851 : vector<16xi32> to vector<16x1xi32>
    %gather3A_853 = vector.shape_cast %reshape3A_852 : vector<16x1xi32> to vector<16xi32>
    %gather3A_854 = tpu.dynamic_gather %max3A_829[%gather3A_853] in [0] : vector<16xf32>, vector<16xi32> -> vector<16xf32>
    %lt3A_855 = arith.constant 0 : i32
    %lt3A_856 = vector.broadcast %lt3A_855 : i32 to vector<16xi32>
    %lt3A_857 = arith.cmpi slt, %xor3A_834, %lt3A_856 : vector<16xi32>
    %add3A_858 = arith.constant 16 : i32
    %add3A_859 = vector.broadcast %add3A_858 : i32 to vector<16xi32>
    %add3A_860 = arith.addi %xor3A_834, %add3A_859 : vector<16xi32>
    %select_n3A_861 = arith.select %lt3A_857, %add3A_860, %xor3A_834 : vector<16xi1>, vector<16xi32>
    %reshape3A_862 = vector.shape_cast %select_n3A_861 : vector<16xi32> to vector<16x1xi32>
    %gather3A_863 = vector.shape_cast %reshape3A_862 : vector<16x1xi32> to vector<16xi32>
    %gather3A_864 = tpu.dynamic_gather %max3A_831[%gather3A_863] in [0] : vector<16xf32>, vector<16xi32> -> vector<16xf32>
    %min3A_865 = arith.minimumf %max3A_824, %gather3A_844 : vector<16xf32>
    %max3A_866 = arith.maximumf %max3A_824, %gather3A_844 : vector<16xf32>
    %min3A_867 = arith.minimumf %max3A_829, %min3A_865 : vector<16xf32>
    %max3A_868 = arith.maximumf %max3A_829, %min3A_865 : vector<16xf32>
    %max3A_869 = arith.maximumf %max3A_831, %min3A_867 : vector<16xf32>
    %min3A_870 = arith.minimumf %max3A_868, %gather3A_854 : vector<16xf32>
    %max3A_871 = arith.maximumf %max3A_868, %gather3A_854 : vector<16xf32>
    %max3A_872 = arith.maximumf %min3A_870, %gather3A_864 : vector<16xf32>
    %max3A_873 = arith.maximumf %max3A_869, %max3A_872 : vector<16xf32>
    %eq3A_874 = arith.constant 4 : i32
    %eq3A_875 = vector.broadcast %eq3A_874 : i32 to vector<16xi32>
    %eq3A_876 = arith.cmpi eq, %iota3A, %eq3A_875 : vector<16xi32>
    %select_n3A_877 = arith.select %eq3A_876, %max3A_866, %select_n3A_703 : vector<16xi1>, vector<16xf32>
    %select_n3A_878 = arith.select %eq3A_876, %max3A_871, %select_n3A_704 : vector<16xi1>, vector<16xf32>
    %select_n3A_879 = arith.select %eq3A_876, %max3A_873, %select_n3A_705 : vector<16xi1>, vector<16xf32>
    %xor3A_880 = arith.constant 8 : i32
    %xor3A_881 = vector.broadcast %xor3A_880 : i32 to vector<16xi32>
    %xor3A_882 = arith.xori %iota3A, %xor3A_881 : vector<16xi32>
    %lt3A_883 = arith.constant 0 : i32
    %lt3A_884 = vector.broadcast %lt3A_883 : i32 to vector<16xi32>
    %lt3A_885 = arith.cmpi slt, %xor3A_882, %lt3A_884 : vector<16xi32>
    %add3A_886 = arith.constant 16 : i32
    %add3A_887 = vector.broadcast %add3A_886 : i32 to vector<16xi32>
    %add3A_888 = arith.addi %xor3A_882, %add3A_887 : vector<16xi32>
    %select_n3A_889 = arith.select %lt3A_885, %add3A_888, %xor3A_882 : vector<16xi1>, vector<16xi32>
    %reshape3A_890 = vector.shape_cast %select_n3A_889 : vector<16xi32> to vector<16x1xi32>
    %gather3A_891 = vector.shape_cast %reshape3A_890 : vector<16x1xi32> to vector<16xi32>
    %gather3A_892 = tpu.dynamic_gather %scan3A_14#15[%gather3A_891] in [0] : vector<16xf32>, vector<16xi32> -> vector<16xf32>
    %lt3A_893 = arith.constant 0 : i32
    %lt3A_894 = vector.broadcast %lt3A_893 : i32 to vector<16xi32>
    %lt3A_895 = arith.cmpi slt, %xor3A_882, %lt3A_894 : vector<16xi32>
    %add3A_896 = arith.constant 16 : i32
    %add3A_897 = vector.broadcast %add3A_896 : i32 to vector<16xi32>
    %add3A_898 = arith.addi %xor3A_882, %add3A_897 : vector<16xi32>
    %select_n3A_899 = arith.select %lt3A_895, %add3A_898, %xor3A_882 : vector<16xi1>, vector<16xi32>
    %reshape3A_900 = vector.shape_cast %select_n3A_899 : vector<16xi32> to vector<16x1xi32>
    %gather3A_901 = vector.shape_cast %reshape3A_900 : vector<16x1xi32> to vector<16xi32>
    %gather3A_902 = tpu.dynamic_gather %scan3A_14#16[%gather3A_901] in [0] : vector<16xf32>, vector<16xi32> -> vector<16xf32>
    %lt3A_903 = arith.constant 0 : i32
    %lt3A_904 = vector.broadcast %lt3A_903 : i32 to vector<16xi32>
    %lt3A_905 = arith.cmpi slt, %xor3A_882, %lt3A_904 : vector<16xi32>
    %add3A_906 = arith.constant 16 : i32
    %add3A_907 = vector.broadcast %add3A_906 : i32 to vector<16xi32>
    %add3A_908 = arith.addi %xor3A_882, %add3A_907 : vector<16xi32>
    %select_n3A_909 = arith.select %lt3A_905, %add3A_908, %xor3A_882 : vector<16xi1>, vector<16xi32>
    %reshape3A_910 = vector.shape_cast %select_n3A_909 : vector<16xi32> to vector<16x1xi32>
    %gather3A_911 = vector.shape_cast %reshape3A_910 : vector<16x1xi32> to vector<16xi32>
    %gather3A_912 = tpu.dynamic_gather %scan3A_14#17[%gather3A_911] in [0] : vector<16xf32>, vector<16xi32> -> vector<16xf32>
    %min3A_913 = arith.minimumf %scan3A_14#15, %gather3A_892 : vector<16xf32>
    %max3A_914 = arith.maximumf %scan3A_14#15, %gather3A_892 : vector<16xf32>
    %min3A_915 = arith.minimumf %scan3A_14#16, %min3A_913 : vector<16xf32>
    %max3A_916 = arith.maximumf %scan3A_14#16, %min3A_913 : vector<16xf32>
    %max3A_917 = arith.maximumf %scan3A_14#17, %min3A_915 : vector<16xf32>
    %min3A_918 = arith.minimumf %max3A_916, %gather3A_902 : vector<16xf32>
    %max3A_919 = arith.maximumf %max3A_916, %gather3A_902 : vector<16xf32>
    %max3A_920 = arith.maximumf %min3A_918, %gather3A_912 : vector<16xf32>
    %max3A_921 = arith.maximumf %max3A_917, %max3A_920 : vector<16xf32>
    %xor3A_922 = arith.constant 4 : i32
    %xor3A_923 = vector.broadcast %xor3A_922 : i32 to vector<16xi32>
    %xor3A_924 = arith.xori %iota3A, %xor3A_923 : vector<16xi32>
    %lt3A_925 = arith.constant 0 : i32
    %lt3A_926 = vector.broadcast %lt3A_925 : i32 to vector<16xi32>
    %lt3A_927 = arith.cmpi slt, %xor3A_924, %lt3A_926 : vector<16xi32>
    %add3A_928 = arith.constant 16 : i32
    %add3A_929 = vector.broadcast %add3A_928 : i32 to vector<16xi32>
    %add3A_930 = arith.addi %xor3A_924, %add3A_929 : vector<16xi32>
    %select_n3A_931 = arith.select %lt3A_927, %add3A_930, %xor3A_924 : vector<16xi1>, vector<16xi32>
    %reshape3A_932 = vector.shape_cast %select_n3A_931 : vector<16xi32> to vector<16x1xi32>
    %gather3A_933 = vector.shape_cast %reshape3A_932 : vector<16x1xi32> to vector<16xi32>
    %gather3A_934 = tpu.dynamic_gather %max3A_914[%gather3A_933] in [0] : vector<16xf32>, vector<16xi32> -> vector<16xf32>
    %lt3A_935 = arith.constant 0 : i32
    %lt3A_936 = vector.broadcast %lt3A_935 : i32 to vector<16xi32>
    %lt3A_937 = arith.cmpi slt, %xor3A_924, %lt3A_936 : vector<16xi32>
    %add3A_938 = arith.constant 16 : i32
    %add3A_939 = vector.broadcast %add3A_938 : i32 to vector<16xi32>
    %add3A_940 = arith.addi %xor3A_924, %add3A_939 : vector<16xi32>
    %select_n3A_941 = arith.select %lt3A_937, %add3A_940, %xor3A_924 : vector<16xi1>, vector<16xi32>
    %reshape3A_942 = vector.shape_cast %select_n3A_941 : vector<16xi32> to vector<16x1xi32>
    %gather3A_943 = vector.shape_cast %reshape3A_942 : vector<16x1xi32> to vector<16xi32>
    %gather3A_944 = tpu.dynamic_gather %max3A_919[%gather3A_943] in [0] : vector<16xf32>, vector<16xi32> -> vector<16xf32>
    %lt3A_945 = arith.constant 0 : i32
    %lt3A_946 = vector.broadcast %lt3A_945 : i32 to vector<16xi32>
    %lt3A_947 = arith.cmpi slt, %xor3A_924, %lt3A_946 : vector<16xi32>
    %add3A_948 = arith.constant 16 : i32
    %add3A_949 = vector.broadcast %add3A_948 : i32 to vector<16xi32>
    %add3A_950 = arith.addi %xor3A_924, %add3A_949 : vector<16xi32>
    %select_n3A_951 = arith.select %lt3A_947, %add3A_950, %xor3A_924 : vector<16xi1>, vector<16xi32>
    %reshape3A_952 = vector.shape_cast %select_n3A_951 : vector<16xi32> to vector<16x1xi32>
    %gather3A_953 = vector.shape_cast %reshape3A_952 : vector<16x1xi32> to vector<16xi32>
    %gather3A_954 = tpu.dynamic_gather %max3A_921[%gather3A_953] in [0] : vector<16xf32>, vector<16xi32> -> vector<16xf32>
    %min3A_955 = arith.minimumf %max3A_914, %gather3A_934 : vector<16xf32>
    %max3A_956 = arith.maximumf %max3A_914, %gather3A_934 : vector<16xf32>
    %min3A_957 = arith.minimumf %max3A_919, %min3A_955 : vector<16xf32>
    %max3A_958 = arith.maximumf %max3A_919, %min3A_955 : vector<16xf32>
    %max3A_959 = arith.maximumf %max3A_921, %min3A_957 : vector<16xf32>
    %min3A_960 = arith.minimumf %max3A_958, %gather3A_944 : vector<16xf32>
    %max3A_961 = arith.maximumf %max3A_958, %gather3A_944 : vector<16xf32>
    %max3A_962 = arith.maximumf %min3A_960, %gather3A_954 : vector<16xf32>
    %max3A_963 = arith.maximumf %max3A_959, %max3A_962 : vector<16xf32>
    %xor3A_964 = arith.constant 2 : i32
    %xor3A_965 = vector.broadcast %xor3A_964 : i32 to vector<16xi32>
    %xor3A_966 = arith.xori %iota3A, %xor3A_965 : vector<16xi32>
    %lt3A_967 = arith.constant 0 : i32
    %lt3A_968 = vector.broadcast %lt3A_967 : i32 to vector<16xi32>
    %lt3A_969 = arith.cmpi slt, %xor3A_966, %lt3A_968 : vector<16xi32>
    %add3A_970 = arith.constant 16 : i32
    %add3A_971 = vector.broadcast %add3A_970 : i32 to vector<16xi32>
    %add3A_972 = arith.addi %xor3A_966, %add3A_971 : vector<16xi32>
    %select_n3A_973 = arith.select %lt3A_969, %add3A_972, %xor3A_966 : vector<16xi1>, vector<16xi32>
    %reshape3A_974 = vector.shape_cast %select_n3A_973 : vector<16xi32> to vector<16x1xi32>
    %gather3A_975 = vector.shape_cast %reshape3A_974 : vector<16x1xi32> to vector<16xi32>
    %gather3A_976 = tpu.dynamic_gather %max3A_956[%gather3A_975] in [0] : vector<16xf32>, vector<16xi32> -> vector<16xf32>
    %lt3A_977 = arith.constant 0 : i32
    %lt3A_978 = vector.broadcast %lt3A_977 : i32 to vector<16xi32>
    %lt3A_979 = arith.cmpi slt, %xor3A_966, %lt3A_978 : vector<16xi32>
    %add3A_980 = arith.constant 16 : i32
    %add3A_981 = vector.broadcast %add3A_980 : i32 to vector<16xi32>
    %add3A_982 = arith.addi %xor3A_966, %add3A_981 : vector<16xi32>
    %select_n3A_983 = arith.select %lt3A_979, %add3A_982, %xor3A_966 : vector<16xi1>, vector<16xi32>
    %reshape3A_984 = vector.shape_cast %select_n3A_983 : vector<16xi32> to vector<16x1xi32>
    %gather3A_985 = vector.shape_cast %reshape3A_984 : vector<16x1xi32> to vector<16xi32>
    %gather3A_986 = tpu.dynamic_gather %max3A_961[%gather3A_985] in [0] : vector<16xf32>, vector<16xi32> -> vector<16xf32>
    %lt3A_987 = arith.constant 0 : i32
    %lt3A_988 = vector.broadcast %lt3A_987 : i32 to vector<16xi32>
    %lt3A_989 = arith.cmpi slt, %xor3A_966, %lt3A_988 : vector<16xi32>
    %add3A_990 = arith.constant 16 : i32
    %add3A_991 = vector.broadcast %add3A_990 : i32 to vector<16xi32>
    %add3A_992 = arith.addi %xor3A_966, %add3A_991 : vector<16xi32>
    %select_n3A_993 = arith.select %lt3A_989, %add3A_992, %xor3A_966 : vector<16xi1>, vector<16xi32>
    %reshape3A_994 = vector.shape_cast %select_n3A_993 : vector<16xi32> to vector<16x1xi32>
    %gather3A_995 = vector.shape_cast %reshape3A_994 : vector<16x1xi32> to vector<16xi32>
    %gather3A_996 = tpu.dynamic_gather %max3A_963[%gather3A_995] in [0] : vector<16xf32>, vector<16xi32> -> vector<16xf32>
    %min3A_997 = arith.minimumf %max3A_956, %gather3A_976 : vector<16xf32>
    %max3A_998 = arith.maximumf %max3A_956, %gather3A_976 : vector<16xf32>
    %min3A_999 = arith.minimumf %max3A_961, %min3A_997 : vector<16xf32>
    %max3A_1000 = arith.maximumf %max3A_961, %min3A_997 : vector<16xf32>
    %max3A_1001 = arith.maximumf %max3A_963, %min3A_999 : vector<16xf32>
    %min3A_1002 = arith.minimumf %max3A_1000, %gather3A_986 : vector<16xf32>
    %max3A_1003 = arith.maximumf %max3A_1000, %gather3A_986 : vector<16xf32>
    %max3A_1004 = arith.maximumf %min3A_1002, %gather3A_996 : vector<16xf32>
    %max3A_1005 = arith.maximumf %max3A_1001, %max3A_1004 : vector<16xf32>
    %xor3A_1006 = arith.constant 1 : i32
    %xor3A_1007 = vector.broadcast %xor3A_1006 : i32 to vector<16xi32>
    %xor3A_1008 = arith.xori %iota3A, %xor3A_1007 : vector<16xi32>
    %lt3A_1009 = arith.constant 0 : i32
    %lt3A_1010 = vector.broadcast %lt3A_1009 : i32 to vector<16xi32>
    %lt3A_1011 = arith.cmpi slt, %xor3A_1008, %lt3A_1010 : vector<16xi32>
    %add3A_1012 = arith.constant 16 : i32
    %add3A_1013 = vector.broadcast %add3A_1012 : i32 to vector<16xi32>
    %add3A_1014 = arith.addi %xor3A_1008, %add3A_1013 : vector<16xi32>
    %select_n3A_1015 = arith.select %lt3A_1011, %add3A_1014, %xor3A_1008 : vector<16xi1>, vector<16xi32>
    %reshape3A_1016 = vector.shape_cast %select_n3A_1015 : vector<16xi32> to vector<16x1xi32>
    %gather3A_1017 = vector.shape_cast %reshape3A_1016 : vector<16x1xi32> to vector<16xi32>
    %gather3A_1018 = tpu.dynamic_gather %max3A_998[%gather3A_1017] in [0] : vector<16xf32>, vector<16xi32> -> vector<16xf32>
    %lt3A_1019 = arith.constant 0 : i32
    %lt3A_1020 = vector.broadcast %lt3A_1019 : i32 to vector<16xi32>
    %lt3A_1021 = arith.cmpi slt, %xor3A_1008, %lt3A_1020 : vector<16xi32>
    %add3A_1022 = arith.constant 16 : i32
    %add3A_1023 = vector.broadcast %add3A_1022 : i32 to vector<16xi32>
    %add3A_1024 = arith.addi %xor3A_1008, %add3A_1023 : vector<16xi32>
    %select_n3A_1025 = arith.select %lt3A_1021, %add3A_1024, %xor3A_1008 : vector<16xi1>, vector<16xi32>
    %reshape3A_1026 = vector.shape_cast %select_n3A_1025 : vector<16xi32> to vector<16x1xi32>
    %gather3A_1027 = vector.shape_cast %reshape3A_1026 : vector<16x1xi32> to vector<16xi32>
    %gather3A_1028 = tpu.dynamic_gather %max3A_1003[%gather3A_1027] in [0] : vector<16xf32>, vector<16xi32> -> vector<16xf32>
    %lt3A_1029 = arith.constant 0 : i32
    %lt3A_1030 = vector.broadcast %lt3A_1029 : i32 to vector<16xi32>
    %lt3A_1031 = arith.cmpi slt, %xor3A_1008, %lt3A_1030 : vector<16xi32>
    %add3A_1032 = arith.constant 16 : i32
    %add3A_1033 = vector.broadcast %add3A_1032 : i32 to vector<16xi32>
    %add3A_1034 = arith.addi %xor3A_1008, %add3A_1033 : vector<16xi32>
    %select_n3A_1035 = arith.select %lt3A_1031, %add3A_1034, %xor3A_1008 : vector<16xi1>, vector<16xi32>
    %reshape3A_1036 = vector.shape_cast %select_n3A_1035 : vector<16xi32> to vector<16x1xi32>
    %gather3A_1037 = vector.shape_cast %reshape3A_1036 : vector<16x1xi32> to vector<16xi32>
    %gather3A_1038 = tpu.dynamic_gather %max3A_1005[%gather3A_1037] in [0] : vector<16xf32>, vector<16xi32> -> vector<16xf32>
    %min3A_1039 = arith.minimumf %max3A_998, %gather3A_1018 : vector<16xf32>
    %max3A_1040 = arith.maximumf %max3A_998, %gather3A_1018 : vector<16xf32>
    %min3A_1041 = arith.minimumf %max3A_1003, %min3A_1039 : vector<16xf32>
    %max3A_1042 = arith.maximumf %max3A_1003, %min3A_1039 : vector<16xf32>
    %max3A_1043 = arith.maximumf %max3A_1005, %min3A_1041 : vector<16xf32>
    %min3A_1044 = arith.minimumf %max3A_1042, %gather3A_1028 : vector<16xf32>
    %max3A_1045 = arith.maximumf %max3A_1042, %gather3A_1028 : vector<16xf32>
    %max3A_1046 = arith.maximumf %min3A_1044, %gather3A_1038 : vector<16xf32>
    %max3A_1047 = arith.maximumf %max3A_1043, %max3A_1046 : vector<16xf32>
    %eq3A_1048 = arith.constant 5 : i32
    %eq3A_1049 = vector.broadcast %eq3A_1048 : i32 to vector<16xi32>
    %eq3A_1050 = arith.cmpi eq, %iota3A, %eq3A_1049 : vector<16xi32>
    %select_n3A_1051 = arith.select %eq3A_1050, %max3A_1040, %select_n3A_877 : vector<16xi1>, vector<16xf32>
    %select_n3A_1052 = arith.select %eq3A_1050, %max3A_1045, %select_n3A_878 : vector<16xi1>, vector<16xf32>
    %select_n3A_1053 = arith.select %eq3A_1050, %max3A_1047, %select_n3A_879 : vector<16xi1>, vector<16xf32>
    %xor3A_1054 = arith.constant 8 : i32
    %xor3A_1055 = vector.broadcast %xor3A_1054 : i32 to vector<16xi32>
    %xor3A_1056 = arith.xori %iota3A, %xor3A_1055 : vector<16xi32>
    %lt3A_1057 = arith.constant 0 : i32
    %lt3A_1058 = vector.broadcast %lt3A_1057 : i32 to vector<16xi32>
    %lt3A_1059 = arith.cmpi slt, %xor3A_1056, %lt3A_1058 : vector<16xi32>
    %add3A_1060 = arith.constant 16 : i32
    %add3A_1061 = vector.broadcast %add3A_1060 : i32 to vector<16xi32>
    %add3A_1062 = arith.addi %xor3A_1056, %add3A_1061 : vector<16xi32>
    %select_n3A_1063 = arith.select %lt3A_1059, %add3A_1062, %xor3A_1056 : vector<16xi1>, vector<16xi32>
    %reshape3A_1064 = vector.shape_cast %select_n3A_1063 : vector<16xi32> to vector<16x1xi32>
    %gather3A_1065 = vector.shape_cast %reshape3A_1064 : vector<16x1xi32> to vector<16xi32>
    %gather3A_1066 = tpu.dynamic_gather %scan3A_14#18[%gather3A_1065] in [0] : vector<16xf32>, vector<16xi32> -> vector<16xf32>
    %lt3A_1067 = arith.constant 0 : i32
    %lt3A_1068 = vector.broadcast %lt3A_1067 : i32 to vector<16xi32>
    %lt3A_1069 = arith.cmpi slt, %xor3A_1056, %lt3A_1068 : vector<16xi32>
    %add3A_1070 = arith.constant 16 : i32
    %add3A_1071 = vector.broadcast %add3A_1070 : i32 to vector<16xi32>
    %add3A_1072 = arith.addi %xor3A_1056, %add3A_1071 : vector<16xi32>
    %select_n3A_1073 = arith.select %lt3A_1069, %add3A_1072, %xor3A_1056 : vector<16xi1>, vector<16xi32>
    %reshape3A_1074 = vector.shape_cast %select_n3A_1073 : vector<16xi32> to vector<16x1xi32>
    %gather3A_1075 = vector.shape_cast %reshape3A_1074 : vector<16x1xi32> to vector<16xi32>
    %gather3A_1076 = tpu.dynamic_gather %scan3A_14#19[%gather3A_1075] in [0] : vector<16xf32>, vector<16xi32> -> vector<16xf32>
    %lt3A_1077 = arith.constant 0 : i32
    %lt3A_1078 = vector.broadcast %lt3A_1077 : i32 to vector<16xi32>
    %lt3A_1079 = arith.cmpi slt, %xor3A_1056, %lt3A_1078 : vector<16xi32>
    %add3A_1080 = arith.constant 16 : i32
    %add3A_1081 = vector.broadcast %add3A_1080 : i32 to vector<16xi32>
    %add3A_1082 = arith.addi %xor3A_1056, %add3A_1081 : vector<16xi32>
    %select_n3A_1083 = arith.select %lt3A_1079, %add3A_1082, %xor3A_1056 : vector<16xi1>, vector<16xi32>
    %reshape3A_1084 = vector.shape_cast %select_n3A_1083 : vector<16xi32> to vector<16x1xi32>
    %gather3A_1085 = vector.shape_cast %reshape3A_1084 : vector<16x1xi32> to vector<16xi32>
    %gather3A_1086 = tpu.dynamic_gather %scan3A_14#20[%gather3A_1085] in [0] : vector<16xf32>, vector<16xi32> -> vector<16xf32>
    %min3A_1087 = arith.minimumf %scan3A_14#18, %gather3A_1066 : vector<16xf32>
    %max3A_1088 = arith.maximumf %scan3A_14#18, %gather3A_1066 : vector<16xf32>
    %min3A_1089 = arith.minimumf %scan3A_14#19, %min3A_1087 : vector<16xf32>
    %max3A_1090 = arith.maximumf %scan3A_14#19, %min3A_1087 : vector<16xf32>
    %max3A_1091 = arith.maximumf %scan3A_14#20, %min3A_1089 : vector<16xf32>
    %min3A_1092 = arith.minimumf %max3A_1090, %gather3A_1076 : vector<16xf32>
    %max3A_1093 = arith.maximumf %max3A_1090, %gather3A_1076 : vector<16xf32>
    %max3A_1094 = arith.maximumf %min3A_1092, %gather3A_1086 : vector<16xf32>
    %max3A_1095 = arith.maximumf %max3A_1091, %max3A_1094 : vector<16xf32>
    %xor3A_1096 = arith.constant 4 : i32
    %xor3A_1097 = vector.broadcast %xor3A_1096 : i32 to vector<16xi32>
    %xor3A_1098 = arith.xori %iota3A, %xor3A_1097 : vector<16xi32>
    %lt3A_1099 = arith.constant 0 : i32
    %lt3A_1100 = vector.broadcast %lt3A_1099 : i32 to vector<16xi32>
    %lt3A_1101 = arith.cmpi slt, %xor3A_1098, %lt3A_1100 : vector<16xi32>
    %add3A_1102 = arith.constant 16 : i32
    %add3A_1103 = vector.broadcast %add3A_1102 : i32 to vector<16xi32>
    %add3A_1104 = arith.addi %xor3A_1098, %add3A_1103 : vector<16xi32>
    %select_n3A_1105 = arith.select %lt3A_1101, %add3A_1104, %xor3A_1098 : vector<16xi1>, vector<16xi32>
    %reshape3A_1106 = vector.shape_cast %select_n3A_1105 : vector<16xi32> to vector<16x1xi32>
    %gather3A_1107 = vector.shape_cast %reshape3A_1106 : vector<16x1xi32> to vector<16xi32>
    %gather3A_1108 = tpu.dynamic_gather %max3A_1088[%gather3A_1107] in [0] : vector<16xf32>, vector<16xi32> -> vector<16xf32>
    %lt3A_1109 = arith.constant 0 : i32
    %lt3A_1110 = vector.broadcast %lt3A_1109 : i32 to vector<16xi32>
    %lt3A_1111 = arith.cmpi slt, %xor3A_1098, %lt3A_1110 : vector<16xi32>
    %add3A_1112 = arith.constant 16 : i32
    %add3A_1113 = vector.broadcast %add3A_1112 : i32 to vector<16xi32>
    %add3A_1114 = arith.addi %xor3A_1098, %add3A_1113 : vector<16xi32>
    %select_n3A_1115 = arith.select %lt3A_1111, %add3A_1114, %xor3A_1098 : vector<16xi1>, vector<16xi32>
    %reshape3A_1116 = vector.shape_cast %select_n3A_1115 : vector<16xi32> to vector<16x1xi32>
    %gather3A_1117 = vector.shape_cast %reshape3A_1116 : vector<16x1xi32> to vector<16xi32>
    %gather3A_1118 = tpu.dynamic_gather %max3A_1093[%gather3A_1117] in [0] : vector<16xf32>, vector<16xi32> -> vector<16xf32>
    %lt3A_1119 = arith.constant 0 : i32
    %lt3A_1120 = vector.broadcast %lt3A_1119 : i32 to vector<16xi32>
    %lt3A_1121 = arith.cmpi slt, %xor3A_1098, %lt3A_1120 : vector<16xi32>
    %add3A_1122 = arith.constant 16 : i32
    %add3A_1123 = vector.broadcast %add3A_1122 : i32 to vector<16xi32>
    %add3A_1124 = arith.addi %xor3A_1098, %add3A_1123 : vector<16xi32>
    %select_n3A_1125 = arith.select %lt3A_1121, %add3A_1124, %xor3A_1098 : vector<16xi1>, vector<16xi32>
    %reshape3A_1126 = vector.shape_cast %select_n3A_1125 : vector<16xi32> to vector<16x1xi32>
    %gather3A_1127 = vector.shape_cast %reshape3A_1126 : vector<16x1xi32> to vector<16xi32>
    %gather3A_1128 = tpu.dynamic_gather %max3A_1095[%gather3A_1127] in [0] : vector<16xf32>, vector<16xi32> -> vector<16xf32>
    %min3A_1129 = arith.minimumf %max3A_1088, %gather3A_1108 : vector<16xf32>
    %max3A_1130 = arith.maximumf %max3A_1088, %gather3A_1108 : vector<16xf32>
    %min3A_1131 = arith.minimumf %max3A_1093, %min3A_1129 : vector<16xf32>
    %max3A_1132 = arith.maximumf %max3A_1093, %min3A_1129 : vector<16xf32>
    %max3A_1133 = arith.maximumf %max3A_1095, %min3A_1131 : vector<16xf32>
    %min3A_1134 = arith.minimumf %max3A_1132, %gather3A_1118 : vector<16xf32>
    %max3A_1135 = arith.maximumf %max3A_1132, %gather3A_1118 : vector<16xf32>
    %max3A_1136 = arith.maximumf %min3A_1134, %gather3A_1128 : vector<16xf32>
    %max3A_1137 = arith.maximumf %max3A_1133, %max3A_1136 : vector<16xf32>
    %xor3A_1138 = arith.constant 2 : i32
    %xor3A_1139 = vector.broadcast %xor3A_1138 : i32 to vector<16xi32>
    %xor3A_1140 = arith.xori %iota3A, %xor3A_1139 : vector<16xi32>
    %lt3A_1141 = arith.constant 0 : i32
    %lt3A_1142 = vector.broadcast %lt3A_1141 : i32 to vector<16xi32>
    %lt3A_1143 = arith.cmpi slt, %xor3A_1140, %lt3A_1142 : vector<16xi32>
    %add3A_1144 = arith.constant 16 : i32
    %add3A_1145 = vector.broadcast %add3A_1144 : i32 to vector<16xi32>
    %add3A_1146 = arith.addi %xor3A_1140, %add3A_1145 : vector<16xi32>
    %select_n3A_1147 = arith.select %lt3A_1143, %add3A_1146, %xor3A_1140 : vector<16xi1>, vector<16xi32>
    %reshape3A_1148 = vector.shape_cast %select_n3A_1147 : vector<16xi32> to vector<16x1xi32>
    %gather3A_1149 = vector.shape_cast %reshape3A_1148 : vector<16x1xi32> to vector<16xi32>
    %gather3A_1150 = tpu.dynamic_gather %max3A_1130[%gather3A_1149] in [0] : vector<16xf32>, vector<16xi32> -> vector<16xf32>
    %lt3A_1151 = arith.constant 0 : i32
    %lt3A_1152 = vector.broadcast %lt3A_1151 : i32 to vector<16xi32>
    %lt3A_1153 = arith.cmpi slt, %xor3A_1140, %lt3A_1152 : vector<16xi32>
    %add3A_1154 = arith.constant 16 : i32
    %add3A_1155 = vector.broadcast %add3A_1154 : i32 to vector<16xi32>
    %add3A_1156 = arith.addi %xor3A_1140, %add3A_1155 : vector<16xi32>
    %select_n3A_1157 = arith.select %lt3A_1153, %add3A_1156, %xor3A_1140 : vector<16xi1>, vector<16xi32>
    %reshape3A_1158 = vector.shape_cast %select_n3A_1157 : vector<16xi32> to vector<16x1xi32>
    %gather3A_1159 = vector.shape_cast %reshape3A_1158 : vector<16x1xi32> to vector<16xi32>
    %gather3A_1160 = tpu.dynamic_gather %max3A_1135[%gather3A_1159] in [0] : vector<16xf32>, vector<16xi32> -> vector<16xf32>
    %lt3A_1161 = arith.constant 0 : i32
    %lt3A_1162 = vector.broadcast %lt3A_1161 : i32 to vector<16xi32>
    %lt3A_1163 = arith.cmpi slt, %xor3A_1140, %lt3A_1162 : vector<16xi32>
    %add3A_1164 = arith.constant 16 : i32
    %add3A_1165 = vector.broadcast %add3A_1164 : i32 to vector<16xi32>
    %add3A_1166 = arith.addi %xor3A_1140, %add3A_1165 : vector<16xi32>
    %select_n3A_1167 = arith.select %lt3A_1163, %add3A_1166, %xor3A_1140 : vector<16xi1>, vector<16xi32>
    %reshape3A_1168 = vector.shape_cast %select_n3A_1167 : vector<16xi32> to vector<16x1xi32>
    %gather3A_1169 = vector.shape_cast %reshape3A_1168 : vector<16x1xi32> to vector<16xi32>
    %gather3A_1170 = tpu.dynamic_gather %max3A_1137[%gather3A_1169] in [0] : vector<16xf32>, vector<16xi32> -> vector<16xf32>
    %min3A_1171 = arith.minimumf %max3A_1130, %gather3A_1150 : vector<16xf32>
    %max3A_1172 = arith.maximumf %max3A_1130, %gather3A_1150 : vector<16xf32>
    %min3A_1173 = arith.minimumf %max3A_1135, %min3A_1171 : vector<16xf32>
    %max3A_1174 = arith.maximumf %max3A_1135, %min3A_1171 : vector<16xf32>
    %max3A_1175 = arith.maximumf %max3A_1137, %min3A_1173 : vector<16xf32>
    %min3A_1176 = arith.minimumf %max3A_1174, %gather3A_1160 : vector<16xf32>
    %max3A_1177 = arith.maximumf %max3A_1174, %gather3A_1160 : vector<16xf32>
    %max3A_1178 = arith.maximumf %min3A_1176, %gather3A_1170 : vector<16xf32>
    %max3A_1179 = arith.maximumf %max3A_1175, %max3A_1178 : vector<16xf32>
    %xor3A_1180 = arith.constant 1 : i32
    %xor3A_1181 = vector.broadcast %xor3A_1180 : i32 to vector<16xi32>
    %xor3A_1182 = arith.xori %iota3A, %xor3A_1181 : vector<16xi32>
    %lt3A_1183 = arith.constant 0 : i32
    %lt3A_1184 = vector.broadcast %lt3A_1183 : i32 to vector<16xi32>
    %lt3A_1185 = arith.cmpi slt, %xor3A_1182, %lt3A_1184 : vector<16xi32>
    %add3A_1186 = arith.constant 16 : i32
    %add3A_1187 = vector.broadcast %add3A_1186 : i32 to vector<16xi32>
    %add3A_1188 = arith.addi %xor3A_1182, %add3A_1187 : vector<16xi32>
    %select_n3A_1189 = arith.select %lt3A_1185, %add3A_1188, %xor3A_1182 : vector<16xi1>, vector<16xi32>
    %reshape3A_1190 = vector.shape_cast %select_n3A_1189 : vector<16xi32> to vector<16x1xi32>
    %gather3A_1191 = vector.shape_cast %reshape3A_1190 : vector<16x1xi32> to vector<16xi32>
    %gather3A_1192 = tpu.dynamic_gather %max3A_1172[%gather3A_1191] in [0] : vector<16xf32>, vector<16xi32> -> vector<16xf32>
    %lt3A_1193 = arith.constant 0 : i32
    %lt3A_1194 = vector.broadcast %lt3A_1193 : i32 to vector<16xi32>
    %lt3A_1195 = arith.cmpi slt, %xor3A_1182, %lt3A_1194 : vector<16xi32>
    %add3A_1196 = arith.constant 16 : i32
    %add3A_1197 = vector.broadcast %add3A_1196 : i32 to vector<16xi32>
    %add3A_1198 = arith.addi %xor3A_1182, %add3A_1197 : vector<16xi32>
    %select_n3A_1199 = arith.select %lt3A_1195, %add3A_1198, %xor3A_1182 : vector<16xi1>, vector<16xi32>
    %reshape3A_1200 = vector.shape_cast %select_n3A_1199 : vector<16xi32> to vector<16x1xi32>
    %gather3A_1201 = vector.shape_cast %reshape3A_1200 : vector<16x1xi32> to vector<16xi32>
    %gather3A_1202 = tpu.dynamic_gather %max3A_1177[%gather3A_1201] in [0] : vector<16xf32>, vector<16xi32> -> vector<16xf32>
    %lt3A_1203 = arith.constant 0 : i32
    %lt3A_1204 = vector.broadcast %lt3A_1203 : i32 to vector<16xi32>
    %lt3A_1205 = arith.cmpi slt, %xor3A_1182, %lt3A_1204 : vector<16xi32>
    %add3A_1206 = arith.constant 16 : i32
    %add3A_1207 = vector.broadcast %add3A_1206 : i32 to vector<16xi32>
    %add3A_1208 = arith.addi %xor3A_1182, %add3A_1207 : vector<16xi32>
    %select_n3A_1209 = arith.select %lt3A_1205, %add3A_1208, %xor3A_1182 : vector<16xi1>, vector<16xi32>
    %reshape3A_1210 = vector.shape_cast %select_n3A_1209 : vector<16xi32> to vector<16x1xi32>
    %gather3A_1211 = vector.shape_cast %reshape3A_1210 : vector<16x1xi32> to vector<16xi32>
    %gather3A_1212 = tpu.dynamic_gather %max3A_1179[%gather3A_1211] in [0] : vector<16xf32>, vector<16xi32> -> vector<16xf32>
    %min3A_1213 = arith.minimumf %max3A_1172, %gather3A_1192 : vector<16xf32>
    %max3A_1214 = arith.maximumf %max3A_1172, %gather3A_1192 : vector<16xf32>
    %min3A_1215 = arith.minimumf %max3A_1177, %min3A_1213 : vector<16xf32>
    %max3A_1216 = arith.maximumf %max3A_1177, %min3A_1213 : vector<16xf32>
    %max3A_1217 = arith.maximumf %max3A_1179, %min3A_1215 : vector<16xf32>
    %min3A_1218 = arith.minimumf %max3A_1216, %gather3A_1202 : vector<16xf32>
    %max3A_1219 = arith.maximumf %max3A_1216, %gather3A_1202 : vector<16xf32>
    %max3A_1220 = arith.maximumf %min3A_1218, %gather3A_1212 : vector<16xf32>
    %max3A_1221 = arith.maximumf %max3A_1217, %max3A_1220 : vector<16xf32>
    %eq3A_1222 = arith.constant 6 : i32
    %eq3A_1223 = vector.broadcast %eq3A_1222 : i32 to vector<16xi32>
    %eq3A_1224 = arith.cmpi eq, %iota3A, %eq3A_1223 : vector<16xi32>
    %select_n3A_1225 = arith.select %eq3A_1224, %max3A_1214, %select_n3A_1051 : vector<16xi1>, vector<16xf32>
    %select_n3A_1226 = arith.select %eq3A_1224, %max3A_1219, %select_n3A_1052 : vector<16xi1>, vector<16xf32>
    %select_n3A_1227 = arith.select %eq3A_1224, %max3A_1221, %select_n3A_1053 : vector<16xi1>, vector<16xf32>
    %xor3A_1228 = arith.constant 8 : i32
    %xor3A_1229 = vector.broadcast %xor3A_1228 : i32 to vector<16xi32>
    %xor3A_1230 = arith.xori %iota3A, %xor3A_1229 : vector<16xi32>
    %lt3A_1231 = arith.constant 0 : i32
    %lt3A_1232 = vector.broadcast %lt3A_1231 : i32 to vector<16xi32>
    %lt3A_1233 = arith.cmpi slt, %xor3A_1230, %lt3A_1232 : vector<16xi32>
    %add3A_1234 = arith.constant 16 : i32
    %add3A_1235 = vector.broadcast %add3A_1234 : i32 to vector<16xi32>
    %add3A_1236 = arith.addi %xor3A_1230, %add3A_1235 : vector<16xi32>
    %select_n3A_1237 = arith.select %lt3A_1233, %add3A_1236, %xor3A_1230 : vector<16xi1>, vector<16xi32>
    %reshape3A_1238 = vector.shape_cast %select_n3A_1237 : vector<16xi32> to vector<16x1xi32>
    %gather3A_1239 = vector.shape_cast %reshape3A_1238 : vector<16x1xi32> to vector<16xi32>
    %gather3A_1240 = tpu.dynamic_gather %scan3A_14#21[%gather3A_1239] in [0] : vector<16xf32>, vector<16xi32> -> vector<16xf32>
    %lt3A_1241 = arith.constant 0 : i32
    %lt3A_1242 = vector.broadcast %lt3A_1241 : i32 to vector<16xi32>
    %lt3A_1243 = arith.cmpi slt, %xor3A_1230, %lt3A_1242 : vector<16xi32>
    %add3A_1244 = arith.constant 16 : i32
    %add3A_1245 = vector.broadcast %add3A_1244 : i32 to vector<16xi32>
    %add3A_1246 = arith.addi %xor3A_1230, %add3A_1245 : vector<16xi32>
    %select_n3A_1247 = arith.select %lt3A_1243, %add3A_1246, %xor3A_1230 : vector<16xi1>, vector<16xi32>
    %reshape3A_1248 = vector.shape_cast %select_n3A_1247 : vector<16xi32> to vector<16x1xi32>
    %gather3A_1249 = vector.shape_cast %reshape3A_1248 : vector<16x1xi32> to vector<16xi32>
    %gather3A_1250 = tpu.dynamic_gather %scan3A_14#22[%gather3A_1249] in [0] : vector<16xf32>, vector<16xi32> -> vector<16xf32>
    %lt3A_1251 = arith.constant 0 : i32
    %lt3A_1252 = vector.broadcast %lt3A_1251 : i32 to vector<16xi32>
    %lt3A_1253 = arith.cmpi slt, %xor3A_1230, %lt3A_1252 : vector<16xi32>
    %add3A_1254 = arith.constant 16 : i32
    %add3A_1255 = vector.broadcast %add3A_1254 : i32 to vector<16xi32>
    %add3A_1256 = arith.addi %xor3A_1230, %add3A_1255 : vector<16xi32>
    %select_n3A_1257 = arith.select %lt3A_1253, %add3A_1256, %xor3A_1230 : vector<16xi1>, vector<16xi32>
    %reshape3A_1258 = vector.shape_cast %select_n3A_1257 : vector<16xi32> to vector<16x1xi32>
    %gather3A_1259 = vector.shape_cast %reshape3A_1258 : vector<16x1xi32> to vector<16xi32>
    %gather3A_1260 = tpu.dynamic_gather %scan3A_14#23[%gather3A_1259] in [0] : vector<16xf32>, vector<16xi32> -> vector<16xf32>
    %min3A_1261 = arith.minimumf %scan3A_14#21, %gather3A_1240 : vector<16xf32>
    %max3A_1262 = arith.maximumf %scan3A_14#21, %gather3A_1240 : vector<16xf32>
    %min3A_1263 = arith.minimumf %scan3A_14#22, %min3A_1261 : vector<16xf32>
    %max3A_1264 = arith.maximumf %scan3A_14#22, %min3A_1261 : vector<16xf32>
    %max3A_1265 = arith.maximumf %scan3A_14#23, %min3A_1263 : vector<16xf32>
    %min3A_1266 = arith.minimumf %max3A_1264, %gather3A_1250 : vector<16xf32>
    %max3A_1267 = arith.maximumf %max3A_1264, %gather3A_1250 : vector<16xf32>
    %max3A_1268 = arith.maximumf %min3A_1266, %gather3A_1260 : vector<16xf32>
    %max3A_1269 = arith.maximumf %max3A_1265, %max3A_1268 : vector<16xf32>
    %xor3A_1270 = arith.constant 4 : i32
    %xor3A_1271 = vector.broadcast %xor3A_1270 : i32 to vector<16xi32>
    %xor3A_1272 = arith.xori %iota3A, %xor3A_1271 : vector<16xi32>
    %lt3A_1273 = arith.constant 0 : i32
    %lt3A_1274 = vector.broadcast %lt3A_1273 : i32 to vector<16xi32>
    %lt3A_1275 = arith.cmpi slt, %xor3A_1272, %lt3A_1274 : vector<16xi32>
    %add3A_1276 = arith.constant 16 : i32
    %add3A_1277 = vector.broadcast %add3A_1276 : i32 to vector<16xi32>
    %add3A_1278 = arith.addi %xor3A_1272, %add3A_1277 : vector<16xi32>
    %select_n3A_1279 = arith.select %lt3A_1275, %add3A_1278, %xor3A_1272 : vector<16xi1>, vector<16xi32>
    %reshape3A_1280 = vector.shape_cast %select_n3A_1279 : vector<16xi32> to vector<16x1xi32>
    %gather3A_1281 = vector.shape_cast %reshape3A_1280 : vector<16x1xi32> to vector<16xi32>
    %gather3A_1282 = tpu.dynamic_gather %max3A_1262[%gather3A_1281] in [0] : vector<16xf32>, vector<16xi32> -> vector<16xf32>
    %lt3A_1283 = arith.constant 0 : i32
    %lt3A_1284 = vector.broadcast %lt3A_1283 : i32 to vector<16xi32>
    %lt3A_1285 = arith.cmpi slt, %xor3A_1272, %lt3A_1284 : vector<16xi32>
    %add3A_1286 = arith.constant 16 : i32
    %add3A_1287 = vector.broadcast %add3A_1286 : i32 to vector<16xi32>
    %add3A_1288 = arith.addi %xor3A_1272, %add3A_1287 : vector<16xi32>
    %select_n3A_1289 = arith.select %lt3A_1285, %add3A_1288, %xor3A_1272 : vector<16xi1>, vector<16xi32>
    %reshape3A_1290 = vector.shape_cast %select_n3A_1289 : vector<16xi32> to vector<16x1xi32>
    %gather3A_1291 = vector.shape_cast %reshape3A_1290 : vector<16x1xi32> to vector<16xi32>
    %gather3A_1292 = tpu.dynamic_gather %max3A_1267[%gather3A_1291] in [0] : vector<16xf32>, vector<16xi32> -> vector<16xf32>
    %lt3A_1293 = arith.constant 0 : i32
    %lt3A_1294 = vector.broadcast %lt3A_1293 : i32 to vector<16xi32>
    %lt3A_1295 = arith.cmpi slt, %xor3A_1272, %lt3A_1294 : vector<16xi32>
    %add3A_1296 = arith.constant 16 : i32
    %add3A_1297 = vector.broadcast %add3A_1296 : i32 to vector<16xi32>
    %add3A_1298 = arith.addi %xor3A_1272, %add3A_1297 : vector<16xi32>
    %select_n3A_1299 = arith.select %lt3A_1295, %add3A_1298, %xor3A_1272 : vector<16xi1>, vector<16xi32>
    %reshape3A_1300 = vector.shape_cast %select_n3A_1299 : vector<16xi32> to vector<16x1xi32>
    %gather3A_1301 = vector.shape_cast %reshape3A_1300 : vector<16x1xi32> to vector<16xi32>
    %gather3A_1302 = tpu.dynamic_gather %max3A_1269[%gather3A_1301] in [0] : vector<16xf32>, vector<16xi32> -> vector<16xf32>
    %min3A_1303 = arith.minimumf %max3A_1262, %gather3A_1282 : vector<16xf32>
    %max3A_1304 = arith.maximumf %max3A_1262, %gather3A_1282 : vector<16xf32>
    %min3A_1305 = arith.minimumf %max3A_1267, %min3A_1303 : vector<16xf32>
    %max3A_1306 = arith.maximumf %max3A_1267, %min3A_1303 : vector<16xf32>
    %max3A_1307 = arith.maximumf %max3A_1269, %min3A_1305 : vector<16xf32>
    %min3A_1308 = arith.minimumf %max3A_1306, %gather3A_1292 : vector<16xf32>
    %max3A_1309 = arith.maximumf %max3A_1306, %gather3A_1292 : vector<16xf32>
    %max3A_1310 = arith.maximumf %min3A_1308, %gather3A_1302 : vector<16xf32>
    %max3A_1311 = arith.maximumf %max3A_1307, %max3A_1310 : vector<16xf32>
    %xor3A_1312 = arith.constant 2 : i32
    %xor3A_1313 = vector.broadcast %xor3A_1312 : i32 to vector<16xi32>
    %xor3A_1314 = arith.xori %iota3A, %xor3A_1313 : vector<16xi32>
    %lt3A_1315 = arith.constant 0 : i32
    %lt3A_1316 = vector.broadcast %lt3A_1315 : i32 to vector<16xi32>
    %lt3A_1317 = arith.cmpi slt, %xor3A_1314, %lt3A_1316 : vector<16xi32>
    %add3A_1318 = arith.constant 16 : i32
    %add3A_1319 = vector.broadcast %add3A_1318 : i32 to vector<16xi32>
    %add3A_1320 = arith.addi %xor3A_1314, %add3A_1319 : vector<16xi32>
    %select_n3A_1321 = arith.select %lt3A_1317, %add3A_1320, %xor3A_1314 : vector<16xi1>, vector<16xi32>
    %reshape3A_1322 = vector.shape_cast %select_n3A_1321 : vector<16xi32> to vector<16x1xi32>
    %gather3A_1323 = vector.shape_cast %reshape3A_1322 : vector<16x1xi32> to vector<16xi32>
    %gather3A_1324 = tpu.dynamic_gather %max3A_1304[%gather3A_1323] in [0] : vector<16xf32>, vector<16xi32> -> vector<16xf32>
    %lt3A_1325 = arith.constant 0 : i32
    %lt3A_1326 = vector.broadcast %lt3A_1325 : i32 to vector<16xi32>
    %lt3A_1327 = arith.cmpi slt, %xor3A_1314, %lt3A_1326 : vector<16xi32>
    %add3A_1328 = arith.constant 16 : i32
    %add3A_1329 = vector.broadcast %add3A_1328 : i32 to vector<16xi32>
    %add3A_1330 = arith.addi %xor3A_1314, %add3A_1329 : vector<16xi32>
    %select_n3A_1331 = arith.select %lt3A_1327, %add3A_1330, %xor3A_1314 : vector<16xi1>, vector<16xi32>
    %reshape3A_1332 = vector.shape_cast %select_n3A_1331 : vector<16xi32> to vector<16x1xi32>
    %gather3A_1333 = vector.shape_cast %reshape3A_1332 : vector<16x1xi32> to vector<16xi32>
    %gather3A_1334 = tpu.dynamic_gather %max3A_1309[%gather3A_1333] in [0] : vector<16xf32>, vector<16xi32> -> vector<16xf32>
    %lt3A_1335 = arith.constant 0 : i32
    %lt3A_1336 = vector.broadcast %lt3A_1335 : i32 to vector<16xi32>
    %lt3A_1337 = arith.cmpi slt, %xor3A_1314, %lt3A_1336 : vector<16xi32>
    %add3A_1338 = arith.constant 16 : i32
    %add3A_1339 = vector.broadcast %add3A_1338 : i32 to vector<16xi32>
    %add3A_1340 = arith.addi %xor3A_1314, %add3A_1339 : vector<16xi32>
    %select_n3A_1341 = arith.select %lt3A_1337, %add3A_1340, %xor3A_1314 : vector<16xi1>, vector<16xi32>
    %reshape3A_1342 = vector.shape_cast %select_n3A_1341 : vector<16xi32> to vector<16x1xi32>
    %gather3A_1343 = vector.shape_cast %reshape3A_1342 : vector<16x1xi32> to vector<16xi32>
    %gather3A_1344 = tpu.dynamic_gather %max3A_1311[%gather3A_1343] in [0] : vector<16xf32>, vector<16xi32> -> vector<16xf32>
    %min3A_1345 = arith.minimumf %max3A_1304, %gather3A_1324 : vector<16xf32>
    %max3A_1346 = arith.maximumf %max3A_1304, %gather3A_1324 : vector<16xf32>
    %min3A_1347 = arith.minimumf %max3A_1309, %min3A_1345 : vector<16xf32>
    %max3A_1348 = arith.maximumf %max3A_1309, %min3A_1345 : vector<16xf32>
    %max3A_1349 = arith.maximumf %max3A_1311, %min3A_1347 : vector<16xf32>
    %min3A_1350 = arith.minimumf %max3A_1348, %gather3A_1334 : vector<16xf32>
    %max3A_1351 = arith.maximumf %max3A_1348, %gather3A_1334 : vector<16xf32>
    %max3A_1352 = arith.maximumf %min3A_1350, %gather3A_1344 : vector<16xf32>
    %max3A_1353 = arith.maximumf %max3A_1349, %max3A_1352 : vector<16xf32>
    %xor3A_1354 = arith.constant 1 : i32
    %xor3A_1355 = vector.broadcast %xor3A_1354 : i32 to vector<16xi32>
    %xor3A_1356 = arith.xori %iota3A, %xor3A_1355 : vector<16xi32>
    %lt3A_1357 = arith.constant 0 : i32
    %lt3A_1358 = vector.broadcast %lt3A_1357 : i32 to vector<16xi32>
    %lt3A_1359 = arith.cmpi slt, %xor3A_1356, %lt3A_1358 : vector<16xi32>
    %add3A_1360 = arith.constant 16 : i32
    %add3A_1361 = vector.broadcast %add3A_1360 : i32 to vector<16xi32>
    %add3A_1362 = arith.addi %xor3A_1356, %add3A_1361 : vector<16xi32>
    %select_n3A_1363 = arith.select %lt3A_1359, %add3A_1362, %xor3A_1356 : vector<16xi1>, vector<16xi32>
    %reshape3A_1364 = vector.shape_cast %select_n3A_1363 : vector<16xi32> to vector<16x1xi32>
    %gather3A_1365 = vector.shape_cast %reshape3A_1364 : vector<16x1xi32> to vector<16xi32>
    %gather3A_1366 = tpu.dynamic_gather %max3A_1346[%gather3A_1365] in [0] : vector<16xf32>, vector<16xi32> -> vector<16xf32>
    %lt3A_1367 = arith.constant 0 : i32
    %lt3A_1368 = vector.broadcast %lt3A_1367 : i32 to vector<16xi32>
    %lt3A_1369 = arith.cmpi slt, %xor3A_1356, %lt3A_1368 : vector<16xi32>
    %add3A_1370 = arith.constant 16 : i32
    %add3A_1371 = vector.broadcast %add3A_1370 : i32 to vector<16xi32>
    %add3A_1372 = arith.addi %xor3A_1356, %add3A_1371 : vector<16xi32>
    %select_n3A_1373 = arith.select %lt3A_1369, %add3A_1372, %xor3A_1356 : vector<16xi1>, vector<16xi32>
    %reshape3A_1374 = vector.shape_cast %select_n3A_1373 : vector<16xi32> to vector<16x1xi32>
    %gather3A_1375 = vector.shape_cast %reshape3A_1374 : vector<16x1xi32> to vector<16xi32>
    %gather3A_1376 = tpu.dynamic_gather %max3A_1351[%gather3A_1375] in [0] : vector<16xf32>, vector<16xi32> -> vector<16xf32>
    %lt3A_1377 = arith.constant 0 : i32
    %lt3A_1378 = vector.broadcast %lt3A_1377 : i32 to vector<16xi32>
    %lt3A_1379 = arith.cmpi slt, %xor3A_1356, %lt3A_1378 : vector<16xi32>
    %add3A_1380 = arith.constant 16 : i32
    %add3A_1381 = vector.broadcast %add3A_1380 : i32 to vector<16xi32>
    %add3A_1382 = arith.addi %xor3A_1356, %add3A_1381 : vector<16xi32>
    %select_n3A_1383 = arith.select %lt3A_1379, %add3A_1382, %xor3A_1356 : vector<16xi1>, vector<16xi32>
    %reshape3A_1384 = vector.shape_cast %select_n3A_1383 : vector<16xi32> to vector<16x1xi32>
    %gather3A_1385 = vector.shape_cast %reshape3A_1384 : vector<16x1xi32> to vector<16xi32>
    %gather3A_1386 = tpu.dynamic_gather %max3A_1353[%gather3A_1385] in [0] : vector<16xf32>, vector<16xi32> -> vector<16xf32>
    %min3A_1387 = arith.minimumf %max3A_1346, %gather3A_1366 : vector<16xf32>
    %max3A_1388 = arith.maximumf %max3A_1346, %gather3A_1366 : vector<16xf32>
    %min3A_1389 = arith.minimumf %max3A_1351, %min3A_1387 : vector<16xf32>
    %max3A_1390 = arith.maximumf %max3A_1351, %min3A_1387 : vector<16xf32>
    %max3A_1391 = arith.maximumf %max3A_1353, %min3A_1389 : vector<16xf32>
    %min3A_1392 = arith.minimumf %max3A_1390, %gather3A_1376 : vector<16xf32>
    %max3A_1393 = arith.maximumf %max3A_1390, %gather3A_1376 : vector<16xf32>
    %max3A_1394 = arith.maximumf %min3A_1392, %gather3A_1386 : vector<16xf32>
    %max3A_1395 = arith.maximumf %max3A_1391, %max3A_1394 : vector<16xf32>
    %eq3A_1396 = arith.constant 7 : i32
    %eq3A_1397 = vector.broadcast %eq3A_1396 : i32 to vector<16xi32>
    %eq3A_1398 = arith.cmpi eq, %iota3A, %eq3A_1397 : vector<16xi32>
    %select_n3A_1399 = arith.select %eq3A_1398, %max3A_1388, %select_n3A_1225 : vector<16xi1>, vector<16xf32>
    %select_n3A_1400 = arith.select %eq3A_1398, %max3A_1393, %select_n3A_1226 : vector<16xi1>, vector<16xf32>
    %select_n3A_1401 = arith.select %eq3A_1398, %max3A_1395, %select_n3A_1227 : vector<16xi1>, vector<16xf32>
    %add3A_1402 = arith.addf %select_n3A_1399, %select_n3A_1400 : vector<16xf32>
    %add3A_1403 = arith.addf %add3A_1402, %select_n3A_1401 : vector<16xf32>
    %div3A = arith.constant 3.000000e+00 : f32
    %div3A_1404 = vector.broadcast %div3A : f32 to vector<16xf32>
    %div3A_1405 = arith.divf %add3A_1403, %div3A_1404 : vector<16xf32>
    %bitcast_convert_type3A = tpu.bitcast %select_n3A_1399 : vector<16xf32> -> vector<16xi32>
    %shift_right_arithmetic3A = arith.constant 16 : i32
    %shift_right_arithmetic3A_1406 = vector.broadcast %shift_right_arithmetic3A : i32 to vector<16xi32>
    %shift_right_arithmetic3A_1407 = arith.shrsi %bitcast_convert_type3A, %shift_right_arithmetic3A_1406 : vector<16xi32>
    %and3A = arith.constant 1 : i32
    %and3A_1408 = vector.broadcast %and3A : i32 to vector<16xi32>
    %and3A_1409 = arith.andi %shift_right_arithmetic3A_1407, %and3A_1408 : vector<16xi32>
    %add3A_1410 = arith.constant 32767 : i32
    %add3A_1411 = vector.broadcast %add3A_1410 : i32 to vector<16xi32>
    %add3A_1412 = arith.addi %bitcast_convert_type3A, %add3A_1411 : vector<16xi32>
    %add3A_1413 = arith.addi %add3A_1412, %and3A_1409 : vector<16xi32>
    %and3A_1414 = arith.constant -65536 : i32
    %and3A_1415 = vector.broadcast %and3A_1414 : i32 to vector<16xi32>
    %and3A_1416 = arith.andi %add3A_1413, %and3A_1415 : vector<16xi32>
    %bitcast_convert_type3A_1417 = tpu.bitcast %and3A_1416 : vector<16xi32> -> vector<16xf32>
    %get3A = arith.constant 0 : i32
    %get3A_1418 = arith.index_cast %get3A : i32 to index
    %get3A_1419 = arith.constant 0 : index
    %get3A_1420 = tpu.vector_load %arg7[%get3A_1418, %get3A_1419] {strides = array<i32>} : memref<5x16xf32, #tpu.memory_space<vmem>>, vector<1x16xf32>,
    %get3A_1421 = vector.shape_cast %get3A_1420 : vector<1x16xf32> to vector<16xf32>
    %bitcast_convert_type3A_1422 = tpu.bitcast %get3A_1421 : vector<16xf32> -> vector<16xi32>
    %shift_right_arithmetic3A_1423 = arith.constant 16 : i32
    %shift_right_arithmetic3A_1424 = vector.broadcast %shift_right_arithmetic3A_1423 : i32 to vector<16xi32>
    %shift_right_arithmetic3A_1425 = arith.shrsi %bitcast_convert_type3A_1422, %shift_right_arithmetic3A_1424 : vector<16xi32>
    %and3A_1426 = arith.constant 1 : i32
    %and3A_1427 = vector.broadcast %and3A_1426 : i32 to vector<16xi32>
    %and3A_1428 = arith.andi %shift_right_arithmetic3A_1425, %and3A_1427 : vector<16xi32>
    %add3A_1429 = arith.constant 32767 : i32
    %add3A_1430 = vector.broadcast %add3A_1429 : i32 to vector<16xi32>
    %add3A_1431 = arith.addi %bitcast_convert_type3A_1422, %add3A_1430 : vector<16xi32>
    %add3A_1432 = arith.addi %add3A_1431, %and3A_1428 : vector<16xi32>
    %and3A_1433 = arith.constant -65536 : i32
    %and3A_1434 = vector.broadcast %and3A_1433 : i32 to vector<16xi32>
    %and3A_1435 = arith.andi %add3A_1432, %and3A_1434 : vector<16xi32>
    %bitcast_convert_type3A_1436 = tpu.bitcast %and3A_1435 : vector<16xi32> -> vector<16xf32>
    %mul3A_1437 = arith.mulf %bitcast_convert_type3A_1417, %bitcast_convert_type3A_1436 : vector<16xf32>
    %bitcast_convert_type3A_1438 = tpu.bitcast %select_n3A_1400 : vector<16xf32> -> vector<16xi32>
    %shift_right_arithmetic3A_1439 = arith.constant 16 : i32
    %shift_right_arithmetic3A_1440 = vector.broadcast %shift_right_arithmetic3A_1439 : i32 to vector<16xi32>
    %shift_right_arithmetic3A_1441 = arith.shrsi %bitcast_convert_type3A_1438, %shift_right_arithmetic3A_1440 : vector<16xi32>
    %and3A_1442 = arith.constant 1 : i32
    %and3A_1443 = vector.broadcast %and3A_1442 : i32 to vector<16xi32>
    %and3A_1444 = arith.andi %shift_right_arithmetic3A_1441, %and3A_1443 : vector<16xi32>
    %add3A_1445 = arith.constant 32767 : i32
    %add3A_1446 = vector.broadcast %add3A_1445 : i32 to vector<16xi32>
    %add3A_1447 = arith.addi %bitcast_convert_type3A_1438, %add3A_1446 : vector<16xi32>
    %add3A_1448 = arith.addi %add3A_1447, %and3A_1444 : vector<16xi32>
    %and3A_1449 = arith.constant -65536 : i32
    %and3A_1450 = vector.broadcast %and3A_1449 : i32 to vector<16xi32>
    %and3A_1451 = arith.andi %add3A_1448, %and3A_1450 : vector<16xi32>
    %bitcast_convert_type3A_1452 = tpu.bitcast %and3A_1451 : vector<16xi32> -> vector<16xf32>
    %get3A_1453 = arith.constant 1 : i32
    %get3A_1454 = arith.index_cast %get3A_1453 : i32 to index
    %get3A_1455 = arith.constant 0 : index
    %get3A_1456 = tpu.vector_load %arg7[%get3A_1454, %get3A_1455] {strides = array<i32>} : memref<5x16xf32, #tpu.memory_space<vmem>>, vector<1x16xf32>,
    %get3A_1457 = vector.shape_cast %get3A_1456 : vector<1x16xf32> to vector<16xf32>
    %bitcast_convert_type3A_1458 = tpu.bitcast %get3A_1457 : vector<16xf32> -> vector<16xi32>
    %shift_right_arithmetic3A_1459 = arith.constant 16 : i32
    %shift_right_arithmetic3A_1460 = vector.broadcast %shift_right_arithmetic3A_1459 : i32 to vector<16xi32>
    %shift_right_arithmetic3A_1461 = arith.shrsi %bitcast_convert_type3A_1458, %shift_right_arithmetic3A_1460 : vector<16xi32>
    %and3A_1462 = arith.constant 1 : i32
    %and3A_1463 = vector.broadcast %and3A_1462 : i32 to vector<16xi32>
    %and3A_1464 = arith.andi %shift_right_arithmetic3A_1461, %and3A_1463 : vector<16xi32>
    %add3A_1465 = arith.constant 32767 : i32
    %add3A_1466 = vector.broadcast %add3A_1465 : i32 to vector<16xi32>
    %add3A_1467 = arith.addi %bitcast_convert_type3A_1458, %add3A_1466 : vector<16xi32>
    %add3A_1468 = arith.addi %add3A_1467, %and3A_1464 : vector<16xi32>
    %and3A_1469 = arith.constant -65536 : i32
    %and3A_1470 = vector.broadcast %and3A_1469 : i32 to vector<16xi32>
    %and3A_1471 = arith.andi %add3A_1468, %and3A_1470 : vector<16xi32>
    %bitcast_convert_type3A_1472 = tpu.bitcast %and3A_1471 : vector<16xi32> -> vector<16xf32>
    %mul3A_1473 = arith.mulf %bitcast_convert_type3A_1452, %bitcast_convert_type3A_1472 : vector<16xf32>
    %add3A_1474 = arith.addf %mul3A_1437, %mul3A_1473 : vector<16xf32>
    %bitcast_convert_type3A_1475 = tpu.bitcast %select_n3A_1401 : vector<16xf32> -> vector<16xi32>
    %shift_right_arithmetic3A_1476 = arith.constant 16 : i32
    %shift_right_arithmetic3A_1477 = vector.broadcast %shift_right_arithmetic3A_1476 : i32 to vector<16xi32>
    %shift_right_arithmetic3A_1478 = arith.shrsi %bitcast_convert_type3A_1475, %shift_right_arithmetic3A_1477 : vector<16xi32>
    %and3A_1479 = arith.constant 1 : i32
    %and3A_1480 = vector.broadcast %and3A_1479 : i32 to vector<16xi32>
    %and3A_1481 = arith.andi %shift_right_arithmetic3A_1478, %and3A_1480 : vector<16xi32>
    %add3A_1482 = arith.constant 32767 : i32
    %add3A_1483 = vector.broadcast %add3A_1482 : i32 to vector<16xi32>
    %add3A_1484 = arith.addi %bitcast_convert_type3A_1475, %add3A_1483 : vector<16xi32>
    %add3A_1485 = arith.addi %add3A_1484, %and3A_1481 : vector<16xi32>
    %and3A_1486 = arith.constant -65536 : i32
    %and3A_1487 = vector.broadcast %and3A_1486 : i32 to vector<16xi32>
    %and3A_1488 = arith.andi %add3A_1485, %and3A_1487 : vector<16xi32>
    %bitcast_convert_type3A_1489 = tpu.bitcast %and3A_1488 : vector<16xi32> -> vector<16xf32>
    %get3A_1490 = arith.constant 2 : i32
    %get3A_1491 = arith.index_cast %get3A_1490 : i32 to index
    %get3A_1492 = arith.constant 0 : index
    %get3A_1493 = tpu.vector_load %arg7[%get3A_1491, %get3A_1492] {strides = array<i32>} : memref<5x16xf32, #tpu.memory_space<vmem>>, vector<1x16xf32>,
    %get3A_1494 = vector.shape_cast %get3A_1493 : vector<1x16xf32> to vector<16xf32>
    %bitcast_convert_type3A_1495 = tpu.bitcast %get3A_1494 : vector<16xf32> -> vector<16xi32>
    %shift_right_arithmetic3A_1496 = arith.constant 16 : i32
    %shift_right_arithmetic3A_1497 = vector.broadcast %shift_right_arithmetic3A_1496 : i32 to vector<16xi32>
    %shift_right_arithmetic3A_1498 = arith.shrsi %bitcast_convert_type3A_1495, %shift_right_arithmetic3A_1497 : vector<16xi32>
    %and3A_1499 = arith.constant 1 : i32
    %and3A_1500 = vector.broadcast %and3A_1499 : i32 to vector<16xi32>
    %and3A_1501 = arith.andi %shift_right_arithmetic3A_1498, %and3A_1500 : vector<16xi32>
    %add3A_1502 = arith.constant 32767 : i32
    %add3A_1503 = vector.broadcast %add3A_1502 : i32 to vector<16xi32>
    %add3A_1504 = arith.addi %bitcast_convert_type3A_1495, %add3A_1503 : vector<16xi32>
    %add3A_1505 = arith.addi %add3A_1504, %and3A_1501 : vector<16xi32>
    %and3A_1506 = arith.constant -65536 : i32
    %and3A_1507 = vector.broadcast %and3A_1506 : i32 to vector<16xi32>
    %and3A_1508 = arith.andi %add3A_1505, %and3A_1507 : vector<16xi32>
    %bitcast_convert_type3A_1509 = tpu.bitcast %and3A_1508 : vector<16xi32> -> vector<16xf32>
    %mul3A_1510 = arith.mulf %bitcast_convert_type3A_1489, %bitcast_convert_type3A_1509 : vector<16xf32>
    %add3A_1511 = arith.addf %add3A_1474, %mul3A_1510 : vector<16xf32>
    %bitcast_convert_type3A_1512 = tpu.bitcast %div3A_1405 : vector<16xf32> -> vector<16xi32>
    %shift_right_arithmetic3A_1513 = arith.constant 16 : i32
    %shift_right_arithmetic3A_1514 = vector.broadcast %shift_right_arithmetic3A_1513 : i32 to vector<16xi32>
    %shift_right_arithmetic3A_1515 = arith.shrsi %bitcast_convert_type3A_1512, %shift_right_arithmetic3A_1514 : vector<16xi32>
    %and3A_1516 = arith.constant 1 : i32
    %and3A_1517 = vector.broadcast %and3A_1516 : i32 to vector<16xi32>
    %and3A_1518 = arith.andi %shift_right_arithmetic3A_1515, %and3A_1517 : vector<16xi32>
    %add3A_1519 = arith.constant 32767 : i32
    %add3A_1520 = vector.broadcast %add3A_1519 : i32 to vector<16xi32>
    %add3A_1521 = arith.addi %bitcast_convert_type3A_1512, %add3A_1520 : vector<16xi32>
    %add3A_1522 = arith.addi %add3A_1521, %and3A_1518 : vector<16xi32>
    %and3A_1523 = arith.constant -65536 : i32
    %and3A_1524 = vector.broadcast %and3A_1523 : i32 to vector<16xi32>
    %and3A_1525 = arith.andi %add3A_1522, %and3A_1524 : vector<16xi32>
    %bitcast_convert_type3A_1526 = tpu.bitcast %and3A_1525 : vector<16xi32> -> vector<16xf32>
    %get3A_1527 = arith.constant 3 : i32
    %get3A_1528 = arith.index_cast %get3A_1527 : i32 to index
    %get3A_1529 = arith.constant 0 : index
    %get3A_1530 = tpu.vector_load %arg7[%get3A_1528, %get3A_1529] {strides = array<i32>} : memref<5x16xf32, #tpu.memory_space<vmem>>, vector<1x16xf32>,
    %get3A_1531 = vector.shape_cast %get3A_1530 : vector<1x16xf32> to vector<16xf32>
    %bitcast_convert_type3A_1532 = tpu.bitcast %get3A_1531 : vector<16xf32> -> vector<16xi32>
    %shift_right_arithmetic3A_1533 = arith.constant 16 : i32
    %shift_right_arithmetic3A_1534 = vector.broadcast %shift_right_arithmetic3A_1533 : i32 to vector<16xi32>
    %shift_right_arithmetic3A_1535 = arith.shrsi %bitcast_convert_type3A_1532, %shift_right_arithmetic3A_1534 : vector<16xi32>
    %and3A_1536 = arith.constant 1 : i32
    %and3A_1537 = vector.broadcast %and3A_1536 : i32 to vector<16xi32>
    %and3A_1538 = arith.andi %shift_right_arithmetic3A_1535, %and3A_1537 : vector<16xi32>
    %add3A_1539 = arith.constant 32767 : i32
    %add3A_1540 = vector.broadcast %add3A_1539 : i32 to vector<16xi32>
    %add3A_1541 = arith.addi %bitcast_convert_type3A_1532, %add3A_1540 : vector<16xi32>
    %add3A_1542 = arith.addi %add3A_1541, %and3A_1538 : vector<16xi32>
    %and3A_1543 = arith.constant -65536 : i32
    %and3A_1544 = vector.broadcast %and3A_1543 : i32 to vector<16xi32>
    %and3A_1545 = arith.andi %add3A_1542, %and3A_1544 : vector<16xi32>
    %bitcast_convert_type3A_1546 = tpu.bitcast %and3A_1545 : vector<16xi32> -> vector<16xf32>
    %mul3A_1547 = arith.mulf %bitcast_convert_type3A_1526, %bitcast_convert_type3A_1546 : vector<16xf32>
    %add3A_1548 = arith.addf %add3A_1511, %mul3A_1547 : vector<16xf32>
    %xor3A_1549 = arith.constant 4 : i32
    %xor3A_1550 = vector.broadcast %xor3A_1549 : i32 to vector<16xi32>
    %xor3A_1551 = arith.xori %iota3A, %xor3A_1550 : vector<16xi32>
    %lt3A_1552 = arith.constant 0 : i32
    %lt3A_1553 = vector.broadcast %lt3A_1552 : i32 to vector<16xi32>
    %lt3A_1554 = arith.cmpi slt, %xor3A_1551, %lt3A_1553 : vector<16xi32>
    %add3A_1555 = arith.constant 16 : i32
    %add3A_1556 = vector.broadcast %add3A_1555 : i32 to vector<16xi32>
    %add3A_1557 = arith.addi %xor3A_1551, %add3A_1556 : vector<16xi32>
    %select_n3A_1558 = arith.select %lt3A_1554, %add3A_1557, %xor3A_1551 : vector<16xi1>, vector<16xi32>
    %reshape3A_1559 = vector.shape_cast %select_n3A_1558 : vector<16xi32> to vector<16x1xi32>
    %gather3A_1560 = vector.shape_cast %reshape3A_1559 : vector<16x1xi32> to vector<16xi32>
    %gather3A_1561 = tpu.dynamic_gather %add3A_1548[%gather3A_1560] in [0] : vector<16xf32>, vector<16xi32> -> vector<16xf32>
    %add3A_1562 = arith.addf %add3A_1548, %gather3A_1561 : vector<16xf32>
    %xor3A_1563 = arith.constant 2 : i32
    %xor3A_1564 = vector.broadcast %xor3A_1563 : i32 to vector<16xi32>
    %xor3A_1565 = arith.xori %iota3A, %xor3A_1564 : vector<16xi32>
    %lt3A_1566 = arith.constant 0 : i32
    %lt3A_1567 = vector.broadcast %lt3A_1566 : i32 to vector<16xi32>
    %lt3A_1568 = arith.cmpi slt, %xor3A_1565, %lt3A_1567 : vector<16xi32>
    %add3A_1569 = arith.constant 16 : i32
    %add3A_1570 = vector.broadcast %add3A_1569 : i32 to vector<16xi32>
    %add3A_1571 = arith.addi %xor3A_1565, %add3A_1570 : vector<16xi32>
    %select_n3A_1572 = arith.select %lt3A_1568, %add3A_1571, %xor3A_1565 : vector<16xi1>, vector<16xi32>
    %reshape3A_1573 = vector.shape_cast %select_n3A_1572 : vector<16xi32> to vector<16x1xi32>
    %gather3A_1574 = vector.shape_cast %reshape3A_1573 : vector<16x1xi32> to vector<16xi32>
    %gather3A_1575 = tpu.dynamic_gather %add3A_1562[%gather3A_1574] in [0] : vector<16xf32>, vector<16xi32> -> vector<16xf32>
    %add3A_1576 = arith.addf %add3A_1562, %gather3A_1575 : vector<16xf32>
    %xor3A_1577 = arith.constant 1 : i32
    %xor3A_1578 = vector.broadcast %xor3A_1577 : i32 to vector<16xi32>
    %xor3A_1579 = arith.xori %iota3A, %xor3A_1578 : vector<16xi32>
    %lt3A_1580 = arith.constant 0 : i32
    %lt3A_1581 = vector.broadcast %lt3A_1580 : i32 to vector<16xi32>
    %lt3A_1582 = arith.cmpi slt, %xor3A_1579, %lt3A_1581 : vector<16xi32>
    %add3A_1583 = arith.constant 16 : i32
    %add3A_1584 = vector.broadcast %add3A_1583 : i32 to vector<16xi32>
    %add3A_1585 = arith.addi %xor3A_1579, %add3A_1584 : vector<16xi32>
    %select_n3A_1586 = arith.select %lt3A_1582, %add3A_1585, %xor3A_1579 : vector<16xi1>, vector<16xi32>
    %reshape3A_1587 = vector.shape_cast %select_n3A_1586 : vector<16xi32> to vector<16x1xi32>
    %gather3A_1588 = vector.shape_cast %reshape3A_1587 : vector<16x1xi32> to vector<16xi32>
    %gather3A_1589 = tpu.dynamic_gather %add3A_1576[%gather3A_1588] in [0] : vector<16xf32>, vector<16xi32> -> vector<16xf32>
    %add3A_1590 = arith.addf %add3A_1576, %gather3A_1589 : vector<16xf32>
    %eq3A_1591 = arith.constant 0 : i32
    %eq3A_1592 = vector.broadcast %eq3A_1591 : i32 to vector<16xi32>
    %eq3A_1593 = arith.cmpi eq, %iota3A, %eq3A_1592 : vector<16xi32>
    %select_n3A_1594 = arith.select %eq3A_1593, %add3A_1590, %broadcast_in_dim3A_17 : vector<16xi1>, vector<16xf32>
    %get3A_1595 = arith.constant 4 : i32
    %get3A_1596 = arith.index_cast %get3A_1595 : i32 to index
    %get3A_1597 = arith.constant 0 : index
    %get3A_1598 = tpu.vector_load %arg7[%get3A_1596, %get3A_1597] {strides = array<i32>} : memref<5x16xf32, #tpu.memory_space<vmem>>, vector<1x16xf32>,
    %get3A_1599 = vector.shape_cast %get3A_1598 : vector<1x16xf32> to vector<16xf32>
    %add3A_1600 = arith.addf %select_n3A_1594, %get3A_1599 : vector<16xf32>
    %swap3A = arith.constant 0 : index
    %swap3A_1601 = tpu.vector_load %arg8[%swap3A] {strides = array<i32>} : memref<16xf32, #tpu.memory_space<vmem>>, vector<16xf32>,
    %swap3A_1602 = vector.shape_cast %swap3A_1601 : vector<16xf32> to vector<16xf32>
    %swap3A_1603 = vector.shape_cast %add3A_1600 : vector<16xf32> to vector<16xf32>
    tpu.vector_store %arg8[%swap3A], %swap3A_1603 {strides = array<i32>} : memref<16xf32, #tpu.memory_space<vmem>>, vector<16xf32>,
    %dma_start3A_1604 = arith.constant 0 : i32
    %dma_start3A_1605 = tpu.memref_slice %arg4[%add3A, %dma_start3A_1604] : memref<32x16xf32, #tpu.memory_space<hbm>> -> memref<1x16xf32, #tpu.memory_space<hbm>>
    %dma_start3A_1606 = tpu.memref_squeeze %dma_start3A_1605 : memref<1x16xf32, #tpu.memory_space<hbm>> -> memref<16xf32, #tpu.memory_space<hbm>>
    %dma_start3A_1607 = arith.constant 0 : i32
    %dma_start3A_1608 = tpu.memref_slice %arg4[%add3A, %dma_start3A_1607] : memref<32x16xf32, #tpu.memory_space<hbm>> -> memref<1x16xf32, #tpu.memory_space<hbm>>
    %dma_start3A_1609 = tpu.memref_squeeze %dma_start3A_1608 : memref<1x16xf32, #tpu.memory_space<hbm>> -> memref<16xf32, #tpu.memory_space<hbm>>
    tpu.enqueue_dma source(%arg8 : memref<16xf32, #tpu.memory_space<vmem>>) target(%dma_start3A_1609 : memref<16xf32, #tpu.memory_space<hbm>>) target_semaphore(%arg11 : memref<!tpu.dma_semaphore, #tpu.memory_space<semaphore_mem>>)
    %dma_wait3A = arith.constant 0 : i32
    %dma_wait3A_1610 = tpu.memref_slice %arg4[%add3A, %dma_wait3A] : memref<32x16xf32, #tpu.memory_space<hbm>> -> memref<1x16xf32, #tpu.memory_space<hbm>>
    %dma_wait3A_1611 = tpu.memref_squeeze %dma_wait3A_1610 : memref<1x16xf32, #tpu.memory_space<hbm>> -> memref<16xf32, #tpu.memory_space<hbm>>
    %dma_wait3A_1612 = arith.constant 0 : i32
    %dma_wait3A_1613 = tpu.memref_slice %arg4[%add3A, %dma_wait3A_1612] : memref<32x16xf32, #tpu.memory_space<hbm>> -> memref<1x16xf32, #tpu.memory_space<hbm>>
    %dma_wait3A_1614 = tpu.memref_squeeze %dma_wait3A_1613 : memref<1x16xf32, #tpu.memory_space<hbm>> -> memref<16xf32, #tpu.memory_space<hbm>>
    tpu.wait_dma2 semaphore(%arg11 : memref<!tpu.dma_semaphore, #tpu.memory_space<semaphore_mem>>) src(%arg8 : memref<16xf32, #tpu.memory_space<vmem>>) dst(%dma_wait3A_1614 : memref<16xf32, #tpu.memory_space<hbm>>)
    return
  }
}

module attributes {stable_mosaic.version = 14 : i64} {
  func.func @_tc_body(%arg0: i32, %arg1: memref<1x256x8x128xf32, #tpu.memory_space<vmem>>, %arg2: memref<8x5xf32, #tpu.memory_space<vmem>>, %arg3: memref<1x1x128xf32, #tpu.memory_space<vmem>>) attributes {dimension_semantics = [#tpu.dimension_semantics<arbitrary>], iteration_bounds = array<i64: 32>, scalar_prefetch = 0 : i64, scratch_operands = 0 : i64, tpu.core_type = #tpu.core_type<tc>, window_params = [{transform_indices = @transform_0, window_bounds = array<i64: 1, 256, 8, 128>}, {pipeline_mode = #tpu.pipeline_mode<synchronous>, transform_indices = @transform_1, window_bounds = array<i64: 8, 5>}, {transform_indices = @transform_2, window_bounds = array<i64: 1, 1, 128>}]} {
    %broadcast_in_dim3A = arith.constant 0xFF800000 : f32
    %broadcast_in_dim3A_0 = vector.broadcast %broadcast_in_dim3A : f32 to vector<8x8x128xf32>
    %scan3A = arith.constant 0 : i32
    %scan3A_1 = arith.constant 32 : i32
    %scan3A_2 = arith.addi %scan3A, %scan3A_1 : i32
    %scan3A_3 = arith.constant 1 : i32
    %scan3A_4:3 = scf.for %scan3A_372 = %scan3A to %scan3A_2 step %scan3A_3 iter_args(%scan3A_373 = %broadcast_in_dim3A_0, %scan3A_374 = %broadcast_in_dim3A_0, %scan3A_375 = %broadcast_in_dim3A_0) -> (vector<8x8x128xf32>, vector<8x8x128xf32>, vector<8x8x128xf32>)  : i32 {
      %mul3A_376 = arith.constant 8 : i32
      %mul3A_377 = arith.muli %scan3A_372, %mul3A_376 : i32
      %get3A_378 = arith.constant 0 : index
      %get3A_379 = arith.index_cast %mul3A_377 : i32 to index
      %get3A_380 = arith.constant 0 : index
      %get3A_381 = arith.constant 0 : index
      %get3A_382 = vector.load %arg1[%get3A_378, %get3A_379, %get3A_380, %get3A_381] : memref<1x256x8x128xf32, #tpu.memory_space<vmem>>, vector<1x8x8x128xf32>
      %get3A_383 = vector.shape_cast %get3A_382 : vector<1x8x8x128xf32> to vector<8x8x128xf32>
      %min3A_384 = arith.minimumf %scan3A_373, %get3A_383 : vector<8x8x128xf32>
      %max3A_385 = arith.maximumf %scan3A_373, %get3A_383 : vector<8x8x128xf32>
      %min3A_386 = arith.minimumf %scan3A_374, %min3A_384 : vector<8x8x128xf32>
      %max3A_387 = arith.maximumf %scan3A_374, %min3A_384 : vector<8x8x128xf32>
      %max3A_388 = arith.maximumf %scan3A_375, %min3A_386 : vector<8x8x128xf32>
      scf.yield %max3A_385, %max3A_387, %max3A_388 : vector<8x8x128xf32>, vector<8x8x128xf32>, vector<8x8x128xf32>
    }
    %scan3A_5 = arith.constant 32 : i32
    %slice3A = vector.extract_strided_slice %scan3A_4#0 {offsets = [0, 0, 0], sizes = [1, 8, 128], strides = [1, 1, 1]} : vector<8x8x128xf32> to vector<1x8x128xf32>
    %squeeze3A = vector.shape_cast %slice3A : vector<1x8x128xf32> to vector<8x128xf32>
    %slice3A_6 = vector.extract_strided_slice %scan3A_4#1 {offsets = [0, 0, 0], sizes = [1, 8, 128], strides = [1, 1, 1]} : vector<8x8x128xf32> to vector<1x8x128xf32>
    %squeeze3A_7 = vector.shape_cast %slice3A_6 : vector<1x8x128xf32> to vector<8x128xf32>
    %slice3A_8 = vector.extract_strided_slice %scan3A_4#2 {offsets = [0, 0, 0], sizes = [1, 8, 128], strides = [1, 1, 1]} : vector<8x8x128xf32> to vector<1x8x128xf32>
    %squeeze3A_9 = vector.shape_cast %slice3A_8 : vector<1x8x128xf32> to vector<8x128xf32>
    %slice3A_10 = vector.extract_strided_slice %scan3A_4#0 {offsets = [1, 0, 0], sizes = [1, 8, 128], strides = [1, 1, 1]} : vector<8x8x128xf32> to vector<1x8x128xf32>
    %squeeze3A_11 = vector.shape_cast %slice3A_10 : vector<1x8x128xf32> to vector<8x128xf32>
    %slice3A_12 = vector.extract_strided_slice %scan3A_4#1 {offsets = [1, 0, 0], sizes = [1, 8, 128], strides = [1, 1, 1]} : vector<8x8x128xf32> to vector<1x8x128xf32>
    %squeeze3A_13 = vector.shape_cast %slice3A_12 : vector<1x8x128xf32> to vector<8x128xf32>
    %slice3A_14 = vector.extract_strided_slice %scan3A_4#2 {offsets = [1, 0, 0], sizes = [1, 8, 128], strides = [1, 1, 1]} : vector<8x8x128xf32> to vector<1x8x128xf32>
    %squeeze3A_15 = vector.shape_cast %slice3A_14 : vector<1x8x128xf32> to vector<8x128xf32>
    %slice3A_16 = vector.extract_strided_slice %scan3A_4#0 {offsets = [2, 0, 0], sizes = [1, 8, 128], strides = [1, 1, 1]} : vector<8x8x128xf32> to vector<1x8x128xf32>
    %squeeze3A_17 = vector.shape_cast %slice3A_16 : vector<1x8x128xf32> to vector<8x128xf32>
    %slice3A_18 = vector.extract_strided_slice %scan3A_4#1 {offsets = [2, 0, 0], sizes = [1, 8, 128], strides = [1, 1, 1]} : vector<8x8x128xf32> to vector<1x8x128xf32>
    %squeeze3A_19 = vector.shape_cast %slice3A_18 : vector<1x8x128xf32> to vector<8x128xf32>
    %slice3A_20 = vector.extract_strided_slice %scan3A_4#2 {offsets = [2, 0, 0], sizes = [1, 8, 128], strides = [1, 1, 1]} : vector<8x8x128xf32> to vector<1x8x128xf32>
    %squeeze3A_21 = vector.shape_cast %slice3A_20 : vector<1x8x128xf32> to vector<8x128xf32>
    %slice3A_22 = vector.extract_strided_slice %scan3A_4#0 {offsets = [3, 0, 0], sizes = [1, 8, 128], strides = [1, 1, 1]} : vector<8x8x128xf32> to vector<1x8x128xf32>
    %squeeze3A_23 = vector.shape_cast %slice3A_22 : vector<1x8x128xf32> to vector<8x128xf32>
    %slice3A_24 = vector.extract_strided_slice %scan3A_4#1 {offsets = [3, 0, 0], sizes = [1, 8, 128], strides = [1, 1, 1]} : vector<8x8x128xf32> to vector<1x8x128xf32>
    %squeeze3A_25 = vector.shape_cast %slice3A_24 : vector<1x8x128xf32> to vector<8x128xf32>
    %slice3A_26 = vector.extract_strided_slice %scan3A_4#2 {offsets = [3, 0, 0], sizes = [1, 8, 128], strides = [1, 1, 1]} : vector<8x8x128xf32> to vector<1x8x128xf32>
    %squeeze3A_27 = vector.shape_cast %slice3A_26 : vector<1x8x128xf32> to vector<8x128xf32>
    %slice3A_28 = vector.extract_strided_slice %scan3A_4#0 {offsets = [4, 0, 0], sizes = [1, 8, 128], strides = [1, 1, 1]} : vector<8x8x128xf32> to vector<1x8x128xf32>
    %squeeze3A_29 = vector.shape_cast %slice3A_28 : vector<1x8x128xf32> to vector<8x128xf32>
    %slice3A_30 = vector.extract_strided_slice %scan3A_4#1 {offsets = [4, 0, 0], sizes = [1, 8, 128], strides = [1, 1, 1]} : vector<8x8x128xf32> to vector<1x8x128xf32>
    %squeeze3A_31 = vector.shape_cast %slice3A_30 : vector<1x8x128xf32> to vector<8x128xf32>
    %slice3A_32 = vector.extract_strided_slice %scan3A_4#2 {offsets = [4, 0, 0], sizes = [1, 8, 128], strides = [1, 1, 1]} : vector<8x8x128xf32> to vector<1x8x128xf32>
    %squeeze3A_33 = vector.shape_cast %slice3A_32 : vector<1x8x128xf32> to vector<8x128xf32>
    %slice3A_34 = vector.extract_strided_slice %scan3A_4#0 {offsets = [5, 0, 0], sizes = [1, 8, 128], strides = [1, 1, 1]} : vector<8x8x128xf32> to vector<1x8x128xf32>
    %squeeze3A_35 = vector.shape_cast %slice3A_34 : vector<1x8x128xf32> to vector<8x128xf32>
    %slice3A_36 = vector.extract_strided_slice %scan3A_4#1 {offsets = [5, 0, 0], sizes = [1, 8, 128], strides = [1, 1, 1]} : vector<8x8x128xf32> to vector<1x8x128xf32>
    %squeeze3A_37 = vector.shape_cast %slice3A_36 : vector<1x8x128xf32> to vector<8x128xf32>
    %slice3A_38 = vector.extract_strided_slice %scan3A_4#2 {offsets = [5, 0, 0], sizes = [1, 8, 128], strides = [1, 1, 1]} : vector<8x8x128xf32> to vector<1x8x128xf32>
    %squeeze3A_39 = vector.shape_cast %slice3A_38 : vector<1x8x128xf32> to vector<8x128xf32>
    %slice3A_40 = vector.extract_strided_slice %scan3A_4#0 {offsets = [6, 0, 0], sizes = [1, 8, 128], strides = [1, 1, 1]} : vector<8x8x128xf32> to vector<1x8x128xf32>
    %squeeze3A_41 = vector.shape_cast %slice3A_40 : vector<1x8x128xf32> to vector<8x128xf32>
    %slice3A_42 = vector.extract_strided_slice %scan3A_4#1 {offsets = [6, 0, 0], sizes = [1, 8, 128], strides = [1, 1, 1]} : vector<8x8x128xf32> to vector<1x8x128xf32>
    %squeeze3A_43 = vector.shape_cast %slice3A_42 : vector<1x8x128xf32> to vector<8x128xf32>
    %slice3A_44 = vector.extract_strided_slice %scan3A_4#2 {offsets = [6, 0, 0], sizes = [1, 8, 128], strides = [1, 1, 1]} : vector<8x8x128xf32> to vector<1x8x128xf32>
    %squeeze3A_45 = vector.shape_cast %slice3A_44 : vector<1x8x128xf32> to vector<8x128xf32>
    %slice3A_46 = vector.extract_strided_slice %scan3A_4#0 {offsets = [7, 0, 0], sizes = [1, 8, 128], strides = [1, 1, 1]} : vector<8x8x128xf32> to vector<1x8x128xf32>
    %squeeze3A_47 = vector.shape_cast %slice3A_46 : vector<1x8x128xf32> to vector<8x128xf32>
    %slice3A_48 = vector.extract_strided_slice %scan3A_4#1 {offsets = [7, 0, 0], sizes = [1, 8, 128], strides = [1, 1, 1]} : vector<8x8x128xf32> to vector<1x8x128xf32>
    %squeeze3A_49 = vector.shape_cast %slice3A_48 : vector<1x8x128xf32> to vector<8x128xf32>
    %slice3A_50 = vector.extract_strided_slice %scan3A_4#2 {offsets = [7, 0, 0], sizes = [1, 8, 128], strides = [1, 1, 1]} : vector<8x8x128xf32> to vector<1x8x128xf32>
    %squeeze3A_51 = vector.shape_cast %slice3A_50 : vector<1x8x128xf32> to vector<8x128xf32>
    %min3A = arith.minimumf %squeeze3A, %squeeze3A_11 : vector<8x128xf32>
    %max3A = arith.maximumf %squeeze3A, %squeeze3A_11 : vector<8x128xf32>
    %min3A_52 = arith.minimumf %squeeze3A_7, %min3A : vector<8x128xf32>
    %max3A_53 = arith.maximumf %squeeze3A_7, %min3A : vector<8x128xf32>
    %max3A_54 = arith.maximumf %squeeze3A_9, %min3A_52 : vector<8x128xf32>
    %min3A_55 = arith.minimumf %max3A_53, %squeeze3A_13 : vector<8x128xf32>
    %max3A_56 = arith.maximumf %max3A_53, %squeeze3A_13 : vector<8x128xf32>
    %max3A_57 = arith.maximumf %min3A_55, %squeeze3A_15 : vector<8x128xf32>
    %max3A_58 = arith.maximumf %max3A_54, %max3A_57 : vector<8x128xf32>
    %min3A_59 = arith.minimumf %squeeze3A_17, %squeeze3A_23 : vector<8x128xf32>
    %max3A_60 = arith.maximumf %squeeze3A_17, %squeeze3A_23 : vector<8x128xf32>
    %min3A_61 = arith.minimumf %squeeze3A_19, %min3A_59 : vector<8x128xf32>
    %max3A_62 = arith.maximumf %squeeze3A_19, %min3A_59 : vector<8x128xf32>
    %max3A_63 = arith.maximumf %squeeze3A_21, %min3A_61 : vector<8x128xf32>
    %min3A_64 = arith.minimumf %max3A_62, %squeeze3A_25 : vector<8x128xf32>
    %max3A_65 = arith.maximumf %max3A_62, %squeeze3A_25 : vector<8x128xf32>
    %max3A_66 = arith.maximumf %min3A_64, %squeeze3A_27 : vector<8x128xf32>
    %max3A_67 = arith.maximumf %max3A_63, %max3A_66 : vector<8x128xf32>
    %min3A_68 = arith.minimumf %squeeze3A_29, %squeeze3A_35 : vector<8x128xf32>
    %max3A_69 = arith.maximumf %squeeze3A_29, %squeeze3A_35 : vector<8x128xf32>
    %min3A_70 = arith.minimumf %squeeze3A_31, %min3A_68 : vector<8x128xf32>
    %max3A_71 = arith.maximumf %squeeze3A_31, %min3A_68 : vector<8x128xf32>
    %max3A_72 = arith.maximumf %squeeze3A_33, %min3A_70 : vector<8x128xf32>
    %min3A_73 = arith.minimumf %max3A_71, %squeeze3A_37 : vector<8x128xf32>
    %max3A_74 = arith.maximumf %max3A_71, %squeeze3A_37 : vector<8x128xf32>
    %max3A_75 = arith.maximumf %min3A_73, %squeeze3A_39 : vector<8x128xf32>
    %max3A_76 = arith.maximumf %max3A_72, %max3A_75 : vector<8x128xf32>
    %min3A_77 = arith.minimumf %squeeze3A_41, %squeeze3A_47 : vector<8x128xf32>
    %max3A_78 = arith.maximumf %squeeze3A_41, %squeeze3A_47 : vector<8x128xf32>
    %min3A_79 = arith.minimumf %squeeze3A_43, %min3A_77 : vector<8x128xf32>
    %max3A_80 = arith.maximumf %squeeze3A_43, %min3A_77 : vector<8x128xf32>
    %max3A_81 = arith.maximumf %squeeze3A_45, %min3A_79 : vector<8x128xf32>
    %min3A_82 = arith.minimumf %max3A_80, %squeeze3A_49 : vector<8x128xf32>
    %max3A_83 = arith.maximumf %max3A_80, %squeeze3A_49 : vector<8x128xf32>
    %max3A_84 = arith.maximumf %min3A_82, %squeeze3A_51 : vector<8x128xf32>
    %max3A_85 = arith.maximumf %max3A_81, %max3A_84 : vector<8x128xf32>
    %min3A_86 = arith.minimumf %max3A, %max3A_60 : vector<8x128xf32>
    %max3A_87 = arith.maximumf %max3A, %max3A_60 : vector<8x128xf32>
    %min3A_88 = arith.minimumf %max3A_56, %min3A_86 : vector<8x128xf32>
    %max3A_89 = arith.maximumf %max3A_56, %min3A_86 : vector<8x128xf32>
    %max3A_90 = arith.maximumf %max3A_58, %min3A_88 : vector<8x128xf32>
    %min3A_91 = arith.minimumf %max3A_89, %max3A_65 : vector<8x128xf32>
    %max3A_92 = arith.maximumf %max3A_89, %max3A_65 : vector<8x128xf32>
    %max3A_93 = arith.maximumf %min3A_91, %max3A_67 : vector<8x128xf32>
    %max3A_94 = arith.maximumf %max3A_90, %max3A_93 : vector<8x128xf32>
    %min3A_95 = arith.minimumf %max3A_69, %max3A_78 : vector<8x128xf32>
    %max3A_96 = arith.maximumf %max3A_69, %max3A_78 : vector<8x128xf32>
    %min3A_97 = arith.minimumf %max3A_74, %min3A_95 : vector<8x128xf32>
    %max3A_98 = arith.maximumf %max3A_74, %min3A_95 : vector<8x128xf32>
    %max3A_99 = arith.maximumf %max3A_76, %min3A_97 : vector<8x128xf32>
    %min3A_100 = arith.minimumf %max3A_98, %max3A_83 : vector<8x128xf32>
    %max3A_101 = arith.maximumf %max3A_98, %max3A_83 : vector<8x128xf32>
    %max3A_102 = arith.maximumf %min3A_100, %max3A_85 : vector<8x128xf32>
    %max3A_103 = arith.maximumf %max3A_99, %max3A_102 : vector<8x128xf32>
    %min3A_104 = arith.minimumf %max3A_87, %max3A_96 : vector<8x128xf32>
    %max3A_105 = arith.maximumf %max3A_87, %max3A_96 : vector<8x128xf32>
    %min3A_106 = arith.minimumf %max3A_92, %min3A_104 : vector<8x128xf32>
    %max3A_107 = arith.maximumf %max3A_92, %min3A_104 : vector<8x128xf32>
    %max3A_108 = arith.maximumf %max3A_94, %min3A_106 : vector<8x128xf32>
    %min3A_109 = arith.minimumf %max3A_107, %max3A_101 : vector<8x128xf32>
    %max3A_110 = arith.maximumf %max3A_107, %max3A_101 : vector<8x128xf32>
    %max3A_111 = arith.maximumf %min3A_109, %max3A_103 : vector<8x128xf32>
    %max3A_112 = arith.maximumf %max3A_108, %max3A_111 : vector<8x128xf32>
    %roll3A = arith.constant 64 : i32
    %roll3A_113 = tpu.dynamic_rotate %max3A_105 by %roll3A dim 1 : vector<8x128xf32>, i32 -> vector<8x128xf32>
    %roll3A_114 = arith.constant 64 : i32
    %roll3A_115 = tpu.dynamic_rotate %max3A_110 by %roll3A_114 dim 1 : vector<8x128xf32>, i32 -> vector<8x128xf32>
    %roll3A_116 = arith.constant 64 : i32
    %roll3A_117 = tpu.dynamic_rotate %max3A_112 by %roll3A_116 dim 1 : vector<8x128xf32>, i32 -> vector<8x128xf32>
    %min3A_118 = arith.minimumf %max3A_105, %roll3A_113 : vector<8x128xf32>
    %max3A_119 = arith.maximumf %max3A_105, %roll3A_113 : vector<8x128xf32>
    %min3A_120 = arith.minimumf %max3A_110, %min3A_118 : vector<8x128xf32>
    %max3A_121 = arith.maximumf %max3A_110, %min3A_118 : vector<8x128xf32>
    %max3A_122 = arith.maximumf %max3A_112, %min3A_120 : vector<8x128xf32>
    %min3A_123 = arith.minimumf %max3A_121, %roll3A_115 : vector<8x128xf32>
    %max3A_124 = arith.maximumf %max3A_121, %roll3A_115 : vector<8x128xf32>
    %max3A_125 = arith.maximumf %min3A_123, %roll3A_117 : vector<8x128xf32>
    %max3A_126 = arith.maximumf %max3A_122, %max3A_125 : vector<8x128xf32>
    %roll3A_127 = arith.constant 32 : i32
    %roll3A_128 = tpu.dynamic_rotate %max3A_119 by %roll3A_127 dim 1 : vector<8x128xf32>, i32 -> vector<8x128xf32>
    %roll3A_129 = arith.constant 32 : i32
    %roll3A_130 = tpu.dynamic_rotate %max3A_124 by %roll3A_129 dim 1 : vector<8x128xf32>, i32 -> vector<8x128xf32>
    %roll3A_131 = arith.constant 32 : i32
    %roll3A_132 = tpu.dynamic_rotate %max3A_126 by %roll3A_131 dim 1 : vector<8x128xf32>, i32 -> vector<8x128xf32>
    %min3A_133 = arith.minimumf %max3A_119, %roll3A_128 : vector<8x128xf32>
    %max3A_134 = arith.maximumf %max3A_119, %roll3A_128 : vector<8x128xf32>
    %min3A_135 = arith.minimumf %max3A_124, %min3A_133 : vector<8x128xf32>
    %max3A_136 = arith.maximumf %max3A_124, %min3A_133 : vector<8x128xf32>
    %max3A_137 = arith.maximumf %max3A_126, %min3A_135 : vector<8x128xf32>
    %min3A_138 = arith.minimumf %max3A_136, %roll3A_130 : vector<8x128xf32>
    %max3A_139 = arith.maximumf %max3A_136, %roll3A_130 : vector<8x128xf32>
    %max3A_140 = arith.maximumf %min3A_138, %roll3A_132 : vector<8x128xf32>
    %max3A_141 = arith.maximumf %max3A_137, %max3A_140 : vector<8x128xf32>
    %roll3A_142 = arith.constant 16 : i32
    %roll3A_143 = tpu.dynamic_rotate %max3A_134 by %roll3A_142 dim 1 : vector<8x128xf32>, i32 -> vector<8x128xf32>
    %roll3A_144 = arith.constant 16 : i32
    %roll3A_145 = tpu.dynamic_rotate %max3A_139 by %roll3A_144 dim 1 : vector<8x128xf32>, i32 -> vector<8x128xf32>
    %roll3A_146 = arith.constant 16 : i32
    %roll3A_147 = tpu.dynamic_rotate %max3A_141 by %roll3A_146 dim 1 : vector<8x128xf32>, i32 -> vector<8x128xf32>
    %min3A_148 = arith.minimumf %max3A_134, %roll3A_143 : vector<8x128xf32>
    %max3A_149 = arith.maximumf %max3A_134, %roll3A_143 : vector<8x128xf32>
    %min3A_150 = arith.minimumf %max3A_139, %min3A_148 : vector<8x128xf32>
    %max3A_151 = arith.maximumf %max3A_139, %min3A_148 : vector<8x128xf32>
    %max3A_152 = arith.maximumf %max3A_141, %min3A_150 : vector<8x128xf32>
    %min3A_153 = arith.minimumf %max3A_151, %roll3A_145 : vector<8x128xf32>
    %max3A_154 = arith.maximumf %max3A_151, %roll3A_145 : vector<8x128xf32>
    %max3A_155 = arith.maximumf %min3A_153, %roll3A_147 : vector<8x128xf32>
    %max3A_156 = arith.maximumf %max3A_152, %max3A_155 : vector<8x128xf32>
    %roll3A_157 = arith.constant 8 : i32
    %roll3A_158 = tpu.dynamic_rotate %max3A_149 by %roll3A_157 dim 1 : vector<8x128xf32>, i32 -> vector<8x128xf32>
    %roll3A_159 = arith.constant 8 : i32
    %roll3A_160 = tpu.dynamic_rotate %max3A_154 by %roll3A_159 dim 1 : vector<8x128xf32>, i32 -> vector<8x128xf32>
    %roll3A_161 = arith.constant 8 : i32
    %roll3A_162 = tpu.dynamic_rotate %max3A_156 by %roll3A_161 dim 1 : vector<8x128xf32>, i32 -> vector<8x128xf32>
    %min3A_163 = arith.minimumf %max3A_149, %roll3A_158 : vector<8x128xf32>
    %max3A_164 = arith.maximumf %max3A_149, %roll3A_158 : vector<8x128xf32>
    %min3A_165 = arith.minimumf %max3A_154, %min3A_163 : vector<8x128xf32>
    %max3A_166 = arith.maximumf %max3A_154, %min3A_163 : vector<8x128xf32>
    %max3A_167 = arith.maximumf %max3A_156, %min3A_165 : vector<8x128xf32>
    %min3A_168 = arith.minimumf %max3A_166, %roll3A_160 : vector<8x128xf32>
    %max3A_169 = arith.maximumf %max3A_166, %roll3A_160 : vector<8x128xf32>
    %max3A_170 = arith.maximumf %min3A_168, %roll3A_162 : vector<8x128xf32>
    %max3A_171 = arith.maximumf %max3A_167, %max3A_170 : vector<8x128xf32>
    %roll3A_172 = arith.constant 4 : i32
    %roll3A_173 = tpu.dynamic_rotate %max3A_164 by %roll3A_172 dim 1 : vector<8x128xf32>, i32 -> vector<8x128xf32>
    %roll3A_174 = arith.constant 4 : i32
    %roll3A_175 = tpu.dynamic_rotate %max3A_169 by %roll3A_174 dim 1 : vector<8x128xf32>, i32 -> vector<8x128xf32>
    %roll3A_176 = arith.constant 4 : i32
    %roll3A_177 = tpu.dynamic_rotate %max3A_171 by %roll3A_176 dim 1 : vector<8x128xf32>, i32 -> vector<8x128xf32>
    %min3A_178 = arith.minimumf %max3A_164, %roll3A_173 : vector<8x128xf32>
    %max3A_179 = arith.maximumf %max3A_164, %roll3A_173 : vector<8x128xf32>
    %min3A_180 = arith.minimumf %max3A_169, %min3A_178 : vector<8x128xf32>
    %max3A_181 = arith.maximumf %max3A_169, %min3A_178 : vector<8x128xf32>
    %max3A_182 = arith.maximumf %max3A_171, %min3A_180 : vector<8x128xf32>
    %min3A_183 = arith.minimumf %max3A_181, %roll3A_175 : vector<8x128xf32>
    %max3A_184 = arith.maximumf %max3A_181, %roll3A_175 : vector<8x128xf32>
    %max3A_185 = arith.maximumf %min3A_183, %roll3A_177 : vector<8x128xf32>
    %max3A_186 = arith.maximumf %max3A_182, %max3A_185 : vector<8x128xf32>
    %roll3A_187 = arith.constant 2 : i32
    %roll3A_188 = tpu.dynamic_rotate %max3A_179 by %roll3A_187 dim 1 : vector<8x128xf32>, i32 -> vector<8x128xf32>
    %roll3A_189 = arith.constant 2 : i32
    %roll3A_190 = tpu.dynamic_rotate %max3A_184 by %roll3A_189 dim 1 : vector<8x128xf32>, i32 -> vector<8x128xf32>
    %roll3A_191 = arith.constant 2 : i32
    %roll3A_192 = tpu.dynamic_rotate %max3A_186 by %roll3A_191 dim 1 : vector<8x128xf32>, i32 -> vector<8x128xf32>
    %min3A_193 = arith.minimumf %max3A_179, %roll3A_188 : vector<8x128xf32>
    %max3A_194 = arith.maximumf %max3A_179, %roll3A_188 : vector<8x128xf32>
    %min3A_195 = arith.minimumf %max3A_184, %min3A_193 : vector<8x128xf32>
    %max3A_196 = arith.maximumf %max3A_184, %min3A_193 : vector<8x128xf32>
    %max3A_197 = arith.maximumf %max3A_186, %min3A_195 : vector<8x128xf32>
    %min3A_198 = arith.minimumf %max3A_196, %roll3A_190 : vector<8x128xf32>
    %max3A_199 = arith.maximumf %max3A_196, %roll3A_190 : vector<8x128xf32>
    %max3A_200 = arith.maximumf %min3A_198, %roll3A_192 : vector<8x128xf32>
    %max3A_201 = arith.maximumf %max3A_197, %max3A_200 : vector<8x128xf32>
    %roll3A_202 = arith.constant 1 : i32
    %roll3A_203 = tpu.dynamic_rotate %max3A_194 by %roll3A_202 dim 1 : vector<8x128xf32>, i32 -> vector<8x128xf32>
    %roll3A_204 = arith.constant 1 : i32
    %roll3A_205 = tpu.dynamic_rotate %max3A_199 by %roll3A_204 dim 1 : vector<8x128xf32>, i32 -> vector<8x128xf32>
    %roll3A_206 = arith.constant 1 : i32
    %roll3A_207 = tpu.dynamic_rotate %max3A_201 by %roll3A_206 dim 1 : vector<8x128xf32>, i32 -> vector<8x128xf32>
    %min3A_208 = arith.minimumf %max3A_194, %roll3A_203 : vector<8x128xf32>
    %max3A_209 = arith.maximumf %max3A_194, %roll3A_203 : vector<8x128xf32>
    %min3A_210 = arith.minimumf %max3A_199, %min3A_208 : vector<8x128xf32>
    %max3A_211 = arith.maximumf %max3A_199, %min3A_208 : vector<8x128xf32>
    %max3A_212 = arith.maximumf %max3A_201, %min3A_210 : vector<8x128xf32>
    %min3A_213 = arith.minimumf %max3A_211, %roll3A_205 : vector<8x128xf32>
    %max3A_214 = arith.maximumf %max3A_211, %roll3A_205 : vector<8x128xf32>
    %max3A_215 = arith.maximumf %min3A_213, %roll3A_207 : vector<8x128xf32>
    %max3A_216 = arith.maximumf %max3A_212, %max3A_215 : vector<8x128xf32>
    %slice3A_217 = vector.extract_strided_slice %max3A_209 {offsets = [0, 0], sizes = [8, 1], strides = [1, 1]} : vector<8x128xf32> to vector<8x1xf32>
    %slice3A_218 = vector.extract_strided_slice %max3A_214 {offsets = [0, 0], sizes = [8, 1], strides = [1, 1]} : vector<8x128xf32> to vector<8x1xf32>
    %slice3A_219 = vector.extract_strided_slice %max3A_216 {offsets = [0, 0], sizes = [8, 1], strides = [1, 1]} : vector<8x128xf32> to vector<8x1xf32>
    %add3A = arith.addf %slice3A_217, %slice3A_218 : vector<8x1xf32>
    %add3A_220 = arith.addf %add3A, %slice3A_219 : vector<8x1xf32>
    %div3A = arith.constant 3.000000e+00 : f32
    %div3A_221 = vector.broadcast %div3A : f32 to vector<8x1xf32>
    %div3A_222 = arith.divf %add3A_220, %div3A_221 : vector<8x1xf32>
    %bitcast_convert_type3A = tpu.bitcast %slice3A_217 : vector<8x1xf32> -> vector<8x1xi32>
    %shift_right_arithmetic3A = arith.constant 16 : i32
    %shift_right_arithmetic3A_223 = vector.broadcast %shift_right_arithmetic3A : i32 to vector<8x1xi32>
    %shift_right_arithmetic3A_224 = arith.shrsi %bitcast_convert_type3A, %shift_right_arithmetic3A_223 : vector<8x1xi32>
    %and3A = arith.constant 1 : i32
    %and3A_225 = vector.broadcast %and3A : i32 to vector<8x1xi32>
    %and3A_226 = arith.andi %shift_right_arithmetic3A_224, %and3A_225 : vector<8x1xi32>
    %add3A_227 = arith.constant 32767 : i32
    %add3A_228 = vector.broadcast %add3A_227 : i32 to vector<8x1xi32>
    %add3A_229 = arith.addi %bitcast_convert_type3A, %add3A_228 : vector<8x1xi32>
    %add3A_230 = arith.addi %add3A_229, %and3A_226 : vector<8x1xi32>
    %and3A_231 = arith.constant -65536 : i32
    %and3A_232 = vector.broadcast %and3A_231 : i32 to vector<8x1xi32>
    %and3A_233 = arith.andi %add3A_230, %and3A_232 : vector<8x1xi32>
    %bitcast_convert_type3A_234 = tpu.bitcast %and3A_233 : vector<8x1xi32> -> vector<8x1xf32>
    %get3A = arith.constant 0 : index
    %get3A_235 = arith.constant 0 : index
    %get3A_236 = vector.load %arg2[%get3A, %get3A_235] : memref<8x5xf32, #tpu.memory_space<vmem>>, vector<8x1xf32>
    %bitcast_convert_type3A_237 = tpu.bitcast %get3A_236 : vector<8x1xf32> -> vector<8x1xi32>
    %shift_right_arithmetic3A_238 = arith.constant 16 : i32
    %shift_right_arithmetic3A_239 = vector.broadcast %shift_right_arithmetic3A_238 : i32 to vector<8x1xi32>
    %shift_right_arithmetic3A_240 = arith.shrsi %bitcast_convert_type3A_237, %shift_right_arithmetic3A_239 : vector<8x1xi32>
    %and3A_241 = arith.constant 1 : i32
    %and3A_242 = vector.broadcast %and3A_241 : i32 to vector<8x1xi32>
    %and3A_243 = arith.andi %shift_right_arithmetic3A_240, %and3A_242 : vector<8x1xi32>
    %add3A_244 = arith.constant 32767 : i32
    %add3A_245 = vector.broadcast %add3A_244 : i32 to vector<8x1xi32>
    %add3A_246 = arith.addi %bitcast_convert_type3A_237, %add3A_245 : vector<8x1xi32>
    %add3A_247 = arith.addi %add3A_246, %and3A_243 : vector<8x1xi32>
    %and3A_248 = arith.constant -65536 : i32
    %and3A_249 = vector.broadcast %and3A_248 : i32 to vector<8x1xi32>
    %and3A_250 = arith.andi %add3A_247, %and3A_249 : vector<8x1xi32>
    %bitcast_convert_type3A_251 = tpu.bitcast %and3A_250 : vector<8x1xi32> -> vector<8x1xf32>
    %mul3A = arith.mulf %bitcast_convert_type3A_234, %bitcast_convert_type3A_251 : vector<8x1xf32>
    %bitcast_convert_type3A_252 = tpu.bitcast %slice3A_218 : vector<8x1xf32> -> vector<8x1xi32>
    %shift_right_arithmetic3A_253 = arith.constant 16 : i32
    %shift_right_arithmetic3A_254 = vector.broadcast %shift_right_arithmetic3A_253 : i32 to vector<8x1xi32>
    %shift_right_arithmetic3A_255 = arith.shrsi %bitcast_convert_type3A_252, %shift_right_arithmetic3A_254 : vector<8x1xi32>
    %and3A_256 = arith.constant 1 : i32
    %and3A_257 = vector.broadcast %and3A_256 : i32 to vector<8x1xi32>
    %and3A_258 = arith.andi %shift_right_arithmetic3A_255, %and3A_257 : vector<8x1xi32>
    %add3A_259 = arith.constant 32767 : i32
    %add3A_260 = vector.broadcast %add3A_259 : i32 to vector<8x1xi32>
    %add3A_261 = arith.addi %bitcast_convert_type3A_252, %add3A_260 : vector<8x1xi32>
    %add3A_262 = arith.addi %add3A_261, %and3A_258 : vector<8x1xi32>
    %and3A_263 = arith.constant -65536 : i32
    %and3A_264 = vector.broadcast %and3A_263 : i32 to vector<8x1xi32>
    %and3A_265 = arith.andi %add3A_262, %and3A_264 : vector<8x1xi32>
    %bitcast_convert_type3A_266 = tpu.bitcast %and3A_265 : vector<8x1xi32> -> vector<8x1xf32>
    %get3A_267 = arith.constant 0 : index
    %get3A_268 = arith.constant 1 : index
    %get3A_269 = vector.load %arg2[%get3A_267, %get3A_268] : memref<8x5xf32, #tpu.memory_space<vmem>>, vector<8x1xf32>
    %bitcast_convert_type3A_270 = tpu.bitcast %get3A_269 : vector<8x1xf32> -> vector<8x1xi32>
    %shift_right_arithmetic3A_271 = arith.constant 16 : i32
    %shift_right_arithmetic3A_272 = vector.broadcast %shift_right_arithmetic3A_271 : i32 to vector<8x1xi32>
    %shift_right_arithmetic3A_273 = arith.shrsi %bitcast_convert_type3A_270, %shift_right_arithmetic3A_272 : vector<8x1xi32>
    %and3A_274 = arith.constant 1 : i32
    %and3A_275 = vector.broadcast %and3A_274 : i32 to vector<8x1xi32>
    %and3A_276 = arith.andi %shift_right_arithmetic3A_273, %and3A_275 : vector<8x1xi32>
    %add3A_277 = arith.constant 32767 : i32
    %add3A_278 = vector.broadcast %add3A_277 : i32 to vector<8x1xi32>
    %add3A_279 = arith.addi %bitcast_convert_type3A_270, %add3A_278 : vector<8x1xi32>
    %add3A_280 = arith.addi %add3A_279, %and3A_276 : vector<8x1xi32>
    %and3A_281 = arith.constant -65536 : i32
    %and3A_282 = vector.broadcast %and3A_281 : i32 to vector<8x1xi32>
    %and3A_283 = arith.andi %add3A_280, %and3A_282 : vector<8x1xi32>
    %bitcast_convert_type3A_284 = tpu.bitcast %and3A_283 : vector<8x1xi32> -> vector<8x1xf32>
    %mul3A_285 = arith.mulf %bitcast_convert_type3A_266, %bitcast_convert_type3A_284 : vector<8x1xf32>
    %add3A_286 = arith.addf %mul3A, %mul3A_285 : vector<8x1xf32>
    %bitcast_convert_type3A_287 = tpu.bitcast %slice3A_219 : vector<8x1xf32> -> vector<8x1xi32>
    %shift_right_arithmetic3A_288 = arith.constant 16 : i32
    %shift_right_arithmetic3A_289 = vector.broadcast %shift_right_arithmetic3A_288 : i32 to vector<8x1xi32>
    %shift_right_arithmetic3A_290 = arith.shrsi %bitcast_convert_type3A_287, %shift_right_arithmetic3A_289 : vector<8x1xi32>
    %and3A_291 = arith.constant 1 : i32
    %and3A_292 = vector.broadcast %and3A_291 : i32 to vector<8x1xi32>
    %and3A_293 = arith.andi %shift_right_arithmetic3A_290, %and3A_292 : vector<8x1xi32>
    %add3A_294 = arith.constant 32767 : i32
    %add3A_295 = vector.broadcast %add3A_294 : i32 to vector<8x1xi32>
    %add3A_296 = arith.addi %bitcast_convert_type3A_287, %add3A_295 : vector<8x1xi32>
    %add3A_297 = arith.addi %add3A_296, %and3A_293 : vector<8x1xi32>
    %and3A_298 = arith.constant -65536 : i32
    %and3A_299 = vector.broadcast %and3A_298 : i32 to vector<8x1xi32>
    %and3A_300 = arith.andi %add3A_297, %and3A_299 : vector<8x1xi32>
    %bitcast_convert_type3A_301 = tpu.bitcast %and3A_300 : vector<8x1xi32> -> vector<8x1xf32>
    %get3A_302 = arith.constant 0 : index
    %get3A_303 = arith.constant 2 : index
    %get3A_304 = vector.load %arg2[%get3A_302, %get3A_303] : memref<8x5xf32, #tpu.memory_space<vmem>>, vector<8x1xf32>
    %bitcast_convert_type3A_305 = tpu.bitcast %get3A_304 : vector<8x1xf32> -> vector<8x1xi32>
    %shift_right_arithmetic3A_306 = arith.constant 16 : i32
    %shift_right_arithmetic3A_307 = vector.broadcast %shift_right_arithmetic3A_306 : i32 to vector<8x1xi32>
    %shift_right_arithmetic3A_308 = arith.shrsi %bitcast_convert_type3A_305, %shift_right_arithmetic3A_307 : vector<8x1xi32>
    %and3A_309 = arith.constant 1 : i32
    %and3A_310 = vector.broadcast %and3A_309 : i32 to vector<8x1xi32>
    %and3A_311 = arith.andi %shift_right_arithmetic3A_308, %and3A_310 : vector<8x1xi32>
    %add3A_312 = arith.constant 32767 : i32
    %add3A_313 = vector.broadcast %add3A_312 : i32 to vector<8x1xi32>
    %add3A_314 = arith.addi %bitcast_convert_type3A_305, %add3A_313 : vector<8x1xi32>
    %add3A_315 = arith.addi %add3A_314, %and3A_311 : vector<8x1xi32>
    %and3A_316 = arith.constant -65536 : i32
    %and3A_317 = vector.broadcast %and3A_316 : i32 to vector<8x1xi32>
    %and3A_318 = arith.andi %add3A_315, %and3A_317 : vector<8x1xi32>
    %bitcast_convert_type3A_319 = tpu.bitcast %and3A_318 : vector<8x1xi32> -> vector<8x1xf32>
    %mul3A_320 = arith.mulf %bitcast_convert_type3A_301, %bitcast_convert_type3A_319 : vector<8x1xf32>
    %add3A_321 = arith.addf %add3A_286, %mul3A_320 : vector<8x1xf32>
    %bitcast_convert_type3A_322 = tpu.bitcast %div3A_222 : vector<8x1xf32> -> vector<8x1xi32>
    %shift_right_arithmetic3A_323 = arith.constant 16 : i32
    %shift_right_arithmetic3A_324 = vector.broadcast %shift_right_arithmetic3A_323 : i32 to vector<8x1xi32>
    %shift_right_arithmetic3A_325 = arith.shrsi %bitcast_convert_type3A_322, %shift_right_arithmetic3A_324 : vector<8x1xi32>
    %and3A_326 = arith.constant 1 : i32
    %and3A_327 = vector.broadcast %and3A_326 : i32 to vector<8x1xi32>
    %and3A_328 = arith.andi %shift_right_arithmetic3A_325, %and3A_327 : vector<8x1xi32>
    %add3A_329 = arith.constant 32767 : i32
    %add3A_330 = vector.broadcast %add3A_329 : i32 to vector<8x1xi32>
    %add3A_331 = arith.addi %bitcast_convert_type3A_322, %add3A_330 : vector<8x1xi32>
    %add3A_332 = arith.addi %add3A_331, %and3A_328 : vector<8x1xi32>
    %and3A_333 = arith.constant -65536 : i32
    %and3A_334 = vector.broadcast %and3A_333 : i32 to vector<8x1xi32>
    %and3A_335 = arith.andi %add3A_332, %and3A_334 : vector<8x1xi32>
    %bitcast_convert_type3A_336 = tpu.bitcast %and3A_335 : vector<8x1xi32> -> vector<8x1xf32>
    %get3A_337 = arith.constant 0 : index
    %get3A_338 = arith.constant 3 : index
    %get3A_339 = vector.load %arg2[%get3A_337, %get3A_338] : memref<8x5xf32, #tpu.memory_space<vmem>>, vector<8x1xf32>
    %bitcast_convert_type3A_340 = tpu.bitcast %get3A_339 : vector<8x1xf32> -> vector<8x1xi32>
    %shift_right_arithmetic3A_341 = arith.constant 16 : i32
    %shift_right_arithmetic3A_342 = vector.broadcast %shift_right_arithmetic3A_341 : i32 to vector<8x1xi32>
    %shift_right_arithmetic3A_343 = arith.shrsi %bitcast_convert_type3A_340, %shift_right_arithmetic3A_342 : vector<8x1xi32>
    %and3A_344 = arith.constant 1 : i32
    %and3A_345 = vector.broadcast %and3A_344 : i32 to vector<8x1xi32>
    %and3A_346 = arith.andi %shift_right_arithmetic3A_343, %and3A_345 : vector<8x1xi32>
    %add3A_347 = arith.constant 32767 : i32
    %add3A_348 = vector.broadcast %add3A_347 : i32 to vector<8x1xi32>
    %add3A_349 = arith.addi %bitcast_convert_type3A_340, %add3A_348 : vector<8x1xi32>
    %add3A_350 = arith.addi %add3A_349, %and3A_346 : vector<8x1xi32>
    %and3A_351 = arith.constant -65536 : i32
    %and3A_352 = vector.broadcast %and3A_351 : i32 to vector<8x1xi32>
    %and3A_353 = arith.andi %add3A_350, %and3A_352 : vector<8x1xi32>
    %bitcast_convert_type3A_354 = tpu.bitcast %and3A_353 : vector<8x1xi32> -> vector<8x1xf32>
    %mul3A_355 = arith.mulf %bitcast_convert_type3A_336, %bitcast_convert_type3A_354 : vector<8x1xf32>
    %add3A_356 = arith.addf %add3A_321, %mul3A_355 : vector<8x1xf32>
    %reduce_sum3A = vector.shape_cast %add3A_356 : vector<8x1xf32> to vector<1x8x1xf32>
    %reduce_sum3A_357 = arith.constant dense<0.000000e+00> : vector<1xf32>
    %reduce_sum3A_358 = vector.multi_reduction <add>, %reduce_sum3A, %reduce_sum3A_357 [1, 2] : vector<1x8x1xf32> to vector<1xf32>
    %reduce_sum3A_359 = vector.shape_cast %reduce_sum3A_358 : vector<1xf32> to vector<1x1x1xf32>
    %reduce_sum3A_360 = vector.extract %reduce_sum3A_359[0, 0, 0] : f32 from vector<1x1x1xf32>
    %get3A_361 = arith.constant 0 : index
    %get3A_362 = arith.constant 4 : index
    %get3A_363 = vector.load %arg2[%get3A_361, %get3A_362] : memref<8x5xf32, #tpu.memory_space<vmem>>, vector<1x1xf32>
    %get3A_364 = vector.extract %get3A_363[0, 0] : f32 from vector<1x1xf32>
    %add3A_365 = arith.addf %reduce_sum3A_360, %get3A_364 : f32
    %broadcast_in_dim3A_366 = vector.broadcast %add3A_365 : f32 to vector<128xf32>
    %swap3A = arith.constant 0 : index
    %swap3A_367 = arith.constant 0 : index
    %swap3A_368 = arith.constant 0 : index
    %swap3A_369 = vector.load %arg3[%swap3A, %swap3A_367, %swap3A_368] : memref<1x1x128xf32, #tpu.memory_space<vmem>>, vector<1x1x128xf32>
    %swap3A_370 = vector.shape_cast %swap3A_369 : vector<1x1x128xf32> to vector<128xf32>
    %swap3A_371 = vector.shape_cast %broadcast_in_dim3A_366 : vector<128xf32> to vector<1x1x128xf32>
    tpu.vector_store %arg3[%swap3A, %swap3A_367, %swap3A_368], %swap3A_371 {strides = array<i32>} : memref<1x1x128xf32, #tpu.memory_space<vmem>>, vector<1x1x128xf32>,
    return
  }
  func.func @transform_0(%arg0: i32) -> (i32, i32, i32, i32) {
    %add3A = arith.constant 32 : i32
    %add3A_0 = arith.addi %arg0, %add3A : i32
    %c0_i32 = arith.constant 0 : i32
    %c0_i32_1 = arith.constant 0 : i32
    %c0_i32_2 = arith.constant 0 : i32
    %c0_i32_3 = arith.constant 0 : i32
    return %add3A_0, %c0_i32, %c0_i32_1, %c0_i32_2 : i32, i32, i32, i32
  }
  func.func @transform_1(%arg0: i32) -> (i32, i32) {
    %c0_i32 = arith.constant 0 : i32
    %c0_i32_0 = arith.constant 0 : i32
    %c0_i32_1 = arith.constant 0 : i32
    return %c0_i32, %c0_i32_0 : i32, i32
  }
  func.func @transform_2(%arg0: i32) -> (i32, i32, i32) {
    %c0_i32 = arith.constant 0 : i32
    %c0_i32_0 = arith.constant 0 : i32
    %c0_i32_1 = arith.constant 0 : i32
    return %arg0, %c0_i32, %c0_i32_0 : i32, i32, i32
  }
}

</mosaic_0001>

<sc_bundles>
// kernel: _run.4.cloned.1.call-start
scs
__scs_entry_jumppad:
0x0: {  	(pc) =	sbr.rel $0x88, $3  }
0x1: {  	(tag) =	ssettag $0x0;
	lr =	simm.s32 $0x1  }
0x2: {  	[smem:$0x3F9E] =	sst lr;
	_ =	strace $0xD0000000  }
0x3: {  	_ = 	snop  }
0x4: {  	_ = 	snop  }
0x5: {  	_ = 	snop  }
0x6: {  	_ = 	snop  }
0x7: {  	_ = 	snop  }
__scs_overlays_trampoline_lowered:
0x8: {  	[smem:$0x3FAD] =	sst s0  }
0x9: {  	[smem:$0x3FAE] =	sst s1  }
0xa: {  	[smem:$0x3FAF] =	sst s2  }
0xb: {  	[smem:$0x3FB0] =	sst s3  }
0xc: {  	[smem:$0x3FB1] =	sst s4  }
0xd: {  	[smem:$0x3FB2] =	sst s5  }
0xe: {  	[smem:$0x3FB3] =	sst s6  }
0xf: {  	[smem:$0x3FB4] =	sst s7  }
0x10: {  	[smem:$0x3FB5] =	sst s8  }
0x11: {  	[smem:$0x3FB6] =	sst s9;
	s0 =	simm.s32 @!p0 $0x0  }
0x12: {  	s1 =	sld [smem:$0x3F9C];
	s0 =	simm.s32 @p0 $0x1  }
0x13: {  	[smem:$0x3FB7] =	sst s0;
	s0 =	simm.s32 @!p1 $0x0  }
0x14: {  	s2 =	sld [smem:$0x3F9B];
	s0 =	simm.s32 @p1 $0x1  }
0x15: {  	[smem:$0x3FB8] =	sst s0;
	s0 =	simm.s32 @!p2 $0x0  }
0x16: {  	s3 =	sld [smem:$0x3FDB];
	s0 =	simm.s32 @p2 $0x1  }
0x17: {  	s4 =	simm.s32 $0x1BF5;
	[smem:$0x3FBA] =	sst s0  }
0x18: {  	s0 =	sld [smem:$0x3F9D];
	_ =	swait.ge [sflag:s4], $0x0  }
0x19: {  	s7 =	sld [smem:$0x3F9E]  }
0x1a: {  	s8 =	sadd.s32 $0xFFFFE003, lr  }
0x1b: {  	s9 =	sadd.s32 $0xFFFFFEF7, lr;
	s5 =	simm.s32 $0xFFFFFFFF;
	p2 =	slt.u32 s8, $0xFFFFF086  }
0x1c: {  	p1 =	slt.u32 s9, $0xF7A;
	s5 =	simm.s32 @!p2 $0x0  }
0x1d: {  	s5 =	simm.s32 @p1 $0x1;
	p0 =	seq.s32 s7, s2  }
0x1e: {  	s7 =	smul.u32 @!p0 $0xF7A, s2;
	p2 =	seq.s32 @!p0 s5, $0x0  }
0x1f: {  	s9 =	smul.u32 $0xF7A, s1;
	s8 =	simm.s32 @!p0 $0x1BF5;
	p2 =	por !p2, p0  }
0x20: {  	[sflag:s8] =	ssyncset.s32 @!p0 $0xFFFFF086;
	s6 =	sadd.s32 @!p0 s3, s7;
	s7 =	simm.s32 @!p0 $0x108  }
0x21: {  	s3 =	sadd.s32 s3, s9;
	s6 =	sadd.s32 @!p0 $0x88, s6;
	s7 =	simm.s32 @p2 $0x1082  }
0x22: {  	[simem:s7], [sflag:s8] =	dma.local @!p0 [hbm:s6], $0xF7A  }
0x23: {  	s9 =	sor.u32 $0xD0000000, s2;
	s6 =	simm.s32 $0x108;
	_ =	swait.ge @!p0 [sflag:s8], $0x0  }
0x24: {  	s3 =	sadd.s32 $0x88, s3;
	s6 =	simm.s32 @!p1 $0x1082;
	[sflag:s4] =	ssyncset.s32 $0xFFFFF086  }
0x25: {  	[simem:s6], [sflag:s4] =	dma.local [hbm:s3], $0xF7A  }
0x26: {  	[smem:$0x3F9E] =	sst s1;
	(tag) =	ssettag s2;
	_ =	strace s9  }
0x27: {  	s1 =	sld [smem:$0x3FAE]  }
0x28: {  	s2 =	sld [smem:$0x3FAF]  }
0x29: {  	s4 =	sld [smem:$0x3FB1]  }
0x2a: {  	p0 =	seq.s32 s5, $0x0;
	s5 =	sld [smem:$0x3FB2]  }
0x2b: {  	s6 =	sld [smem:$0x3FB3]  }
0x2c: {  	s7 =	sld [smem:$0x3FB4]  }
0x2d: {  	s3 =	simm.s32 $0x108;
	s8 =	sld [smem:$0x3FB5]  }
0x2e: {  	s3 =	simm.s32 @!p0 $0x1082;
	s9 =	sld [smem:$0x3FB6]  }
0x2f: {  	lr =	sadd.s32 s0, s3;
	s0 =	sld [smem:$0x3FAD]  }
0x30: {  	s3 =	sld [smem:$0x3FB0]  }
0x31: {  	[smem:$0x3FB9] =	sst s10  }
0x32: {  	s10 =	sld [smem:$0x3FB7];
	_ =	sdelay $0x3  }
0x33: {  	p0 =	seq.s32 s10, $0x1;
	s10 =	sld [smem:$0x3FB9];
	_ =	sdelay $0x3  }
0x34: {  	[smem:$0x3FB9] =	sst s10  }
0x35: {  	s10 =	sld [smem:$0x3FB8];
	_ =	sdelay $0x3  }
0x36: {  	p1 =	seq.s32 s10, $0x1;
	s10 =	sld [smem:$0x3FB9];
	_ =	sdelay $0x3  }
0x37: {  	[smem:$0x3FB9] =	sst s10  }
0x38: {  	s10 =	sld [smem:$0x3FBA]  }
0x39: {  	_ = 	snop;
	(pc) =	sbr.ind lr, $3  }
0x3a: {  	_ = 	snop  }
0x3b: {  	_ = 	snop  }
0x3c: {  	p2 =	seq.s32 s10, $0x1;
	s10 =	sld [smem:$0x3FB9]  }
0x3d: {  	_ =	shalt  }
0x3e: {  	_ =	shalt  }
0x3f: {  	_ =	shalt  }
0x40: {  	_ =	shalt  }
0x41: {  	_ =	shalt  }
0x42: {  	_ =	shalt  }
0x43: {  	_ =	shalt  }
0x44: {  	_ =	shalt  }
0x45: {  	_ =	shalt  }
0x46: {  	_ =	shalt  }
0x47: {  	_ =	shalt  }
0x48: {  	_ =	shalt  }
0x49: {  	_ =	shalt  }
0x4a: {  	_ =	shalt  }
0x4b: {  	_ =	shalt  }
0x4c: {  	_ =	shalt  }
0x4d: {  	_ =	shalt  }
0x4e: {  	_ =	shalt  }
0x4f: {  	_ =	shalt  }
0x50: {  	_ =	shalt  }
0x51: {  	_ =	shalt  }
0x52: {  	_ =	shalt  }
0x53: {  	_ =	shalt  }
0x54: {  	_ =	shalt  }
0x55: {  	_ =	shalt  }
0x56: {  	_ =	shalt  }
0x57: {  	_ =	shalt  }
0x58: {  	_ =	shalt  }
0x59: {  	_ =	shalt  }
0x5a: {  	_ =	shalt  }
0x5b: {  	_ =	shalt  }
0x5c: {  	_ =	shalt  }
0x5d: {  	_ =	shalt  }
0x5e: {  	_ =	shalt  }
0x5f: {  	_ =	shalt  }
0x60: {  	_ =	shalt  }
0x61: {  	_ =	shalt  }
0x62: {  	_ =	shalt  }
0x63: {  	_ =	shalt  }
0x64: {  	_ =	shalt  }
0x65: {  	_ =	shalt  }
0x66: {  	_ =	shalt  }
0x67: {  	_ =	shalt  }
0x68: {  	_ =	shalt  }
0x69: {  	_ =	shalt  }
0x6a: {  	_ =	shalt  }
0x6b: {  	_ =	shalt  }
0x6c: {  	_ =	shalt  }
0x6d: {  	_ =	shalt  }
0x6e: {  	_ =	shalt  }
0x6f: {  	_ =	shalt  }
0x70: {  	_ =	shalt  }
0x71: {  	_ =	shalt  }
0x72: {  	_ =	shalt  }
0x73: {  	_ =	shalt  }
0x74: {  	_ =	shalt  }
0x75: {  	_ =	shalt  }
0x76: {  	_ =	shalt  }
0x77: {  	_ =	shalt  }
0x78: {  	_ =	shalt  }
0x79: {  	_ =	shalt  }
0x7a: {  	_ =	shalt  }
0x7b: {  	_ =	shalt  }
0x7c: {  	_ =	shalt  }
0x7d: {  	_ =	shalt  }
0x7e: {  	_ =	shalt  }
0x7f: {  	_ =	shalt  }
0x80: {  	_ =	shalt  }
0x81: {  	_ =	shalt  }
0x82: {  	_ =	shalt  }
0x83: {  	_ =	shalt  }
0x84: {  	_ =	shalt  }
0x85: {  	_ =	shalt  }
0x86: {  	_ =	shalt  }
0x87: {  	_ =	shalt  }
.Lfunc_end0:
.L_simem_size_0:
called_computation_lowered:
.L_overlay_start_0:
0x88: {  	s2 =	sld [smem:$0x3FD9]  }
0x89: {  	s3 =	sld [smem:$0x3FFE];
	_ =	sdelay $0x1  }
0x8a: {  	s1 =	srdreg.scid  }
0x8b: {  	s0 =	sand.u32 $0x1, s1  }
0x8c: {  	s17 =	sshll.u32 s0, $0xA;
	s2 =	sadd.s32 s3, s2  }
0x8d: {  	s2 =	sadd.s32 s2, s17  }
0x8e: {  	[smem:$0x3FC5] =	sst s2  }
0x8f: {  	_ = 	snop  }
0x90: {  	s2 =	sld [smem:$0x3FC9];
	(tm) =	ssettm $0x1  }
0x91: {  	s18 =	sld [smem:$0x3FFB];
	_ =	sdelay $0x3  }
0x92: {  	_ =	strace s18  }
0x93: {  	s3 =	sld [smem:$0x3FFC];
	_ =	sdelay $0x3  }
0x94: {  	_ =	strace s3  }
0x95: {  	s3 =	sld [smem:$0x3FFD];
	_ =	sdelay $0x3  }
0x96: {  	_ =	strace s3  }
0x97: {  	_ =	strace $0x8FFFFFFF  }
0x98: {  	s19 =	sld [smem:$0x3FDB];
	_ =	sdelay $0x1  }
0x99: {  	s4 =	simm.s32 $_scs_section_size  }
0x9a: {  	s5 =	simm.s32 $_size__tile_overlayer_lowered;
	s6 =	simm.s32 $_tile_overlayer_lowered  }
0x9b: {  	s22 =	simm.s32 $0x1BFF;
	s21 =	sshll.u32 s6, $0x1;
	s3 =	sadd.s32 s4, s19  }
0x9c: {  	s7 =	simm.s32 $0x0;
	s20 =	sshll.u32 s5, $0x1;
	s5 =	sadd.s32 s21, s3  }
0x9d: {  	[timem:s7], [sflag:s22] =	dma.local [hbm:s5], s20  }
0x9e: {  	_ =	swait.ge [sflag:s22], s20  }
0x9f: {  	s4 =	ssub.s32 $0x0, s20;
	[sflag:s22] =	ssyncset.done $0x0  }
0xa0: {  	[sflag:s22] =	ssyncadd.s32 s4;
	_ =	sdelay $0x1  }
0xa1: {  	s23 =	simm.s32 $0x1B8B  }
0xa2: {  	_ =	swait.ge [sflag:s23], $0x1  }
0xa3: {  	[sflag:s23] =	ssyncset.done $0x0  }
0xa4: {  	s25 =	simm.s32 $0x1B8E;
	s24 =	sld [smem:$0x3FFE];
	[sflag:s23] =	ssyncadd.s32 $0xFFFFFFFF  }
0xa5: {  	s26 =	simm.s32 $execute0_lowered;
	[smem:$0x3FD2] =	sst s25  }
0xa6: {  	s5 =	sshll.u32 s26, $0x1;
	_ =	strace $0x80000046;
	[dreg:$0x1] =	wrdreg $0xFFFFFFFF  }
0xa7: {  	s28 =	simm.s32 $_size_execute0_lowered;
	s3 =	sadd.s32 s3, s5;
	[dreg:$0x0] =	wrdreg $0x0  }
0xa8: {  	s5 =	sshll.u32 s28, $0x1;
	[dreg:$0x2] =	wrdreg s3  }
0xa9: {  	[dreg:$0x3] =	wrdreg s5  }
0xaa: {  	[dreg:$0x4] =	wrdreg $0xC0  }
0xab: {  	_ =	task [dreg:s7], $0x5FFFF  }
0xac: {  	[dreg:$0x1] =	wrdreg $0xFFFFFFFF  }
0xad: {  	[dreg:$0x0] =	wrdreg $0x60  }
0xae: {  	[dreg:$0x2] =	wrdreg s2  }
0xaf: {  	[dreg:$0x3] =	wrdreg s24  }
0xb0: {  	[dreg:$0x4] =	wrdreg $0x9  }
0xb1: {  	_ =	task.clear_ibuf [dreg:s7], $0x5FFFF;
	_ =	strace $0x90000046  }
0xb2: {  	s29 =	simm.s32 $0x9;
	_ =	strace $0x80000048  }
0xb3: {  	_ =	swait.ge [sflag:s29], $0x1  }
0xb4: {  	[sflag:s29] =	ssyncadd.s32 $0xFFFFFFFF  }
0xb5: {  	_ =	strace $0x90000048  }
0xb6: {  	_ =	sfence  }
0xb7: {  	s30 =	sld [smem:$0x0];
	_ =	sdelay $0x2  }
0xb8: {  	s31 =	sshll.u32 s1, $0xD;
	s1 =	sshrl.u32 s1, $0x2  }
0xb9: {  	s3 =	sand.u32 $0x4000, s31;
	s1 =	sadd.s32 s1, s30  }
0xba: {  	s0 =	sor.u32 s3, s0;
	s1 =	sshll.u32 s1, $0x11  }
0xbb: {  	s0 =	sor.u32 s1, s0  }
0xbc: {  	s0 =	sadd.s32 $0x8F2B, s0  }
0xbd: {  	[sflag:s0] =	ssyncadd.remote.s32 $0x1  }
0xbe: {  	_ =	sfence.sel $0xFFFF  }
0xbf: {  	[dreg:$0x0] =	wrdreg $0xFFFFFFFF;
	(pc) =	sbr.abs _section_cstart, $3  }
0xc0: {  	[dreg:$0x1] =	wrdreg $0xFFFFFFFF  }
0xc1: {  	_ =	task.clear_ibuf [dreg:s7], $0x2FFFF;
	_ =	strace $0x9FFFFFFF  }
0xc2: {  	(tm) =	ssettm $0x7FFFFFFF  }
0xc3: {  	_ =	shalt  }
tec
execute0_lowered:
.L_overlay_start_1:
0x0: {  	(tag) =	ssettag $0x1  }
0x1: {  	s1 =	rddreg [dreg:$0x0]  }
0x2: {  	s5 =	rddreg [dreg:$0x1];
	s2 =	simm.s32 $0x0;
	v0 =	vimm.s32 $0xFEDCBA98;
	v2 =	vimm.s32 $0x76543210;
	v3 =	vimm.s32 $0x32107654  }
0x3: {  	v1 =	vimm.f32 $3.000000000e+00;
	v4 =	vimm.s32 $0xDCFE98BA;
	v5 =	vimm.s32 $0x54761032;
	[smem:$0x7FF] =	sst s2  }
0x4: {  	s0 =	rddreg [dreg:$0x2];
	v6 =	vimm.s32 $0xEFCDAB89;
	v7 =	vimm.s32 $0x67452301;
	v0 =	vunpack.c.l.s4.s8 v0;
	_ =	strace $0x80000047  }
0x5: {  	(erf) = vrcp.f32 v1;
	v1 =	vunpack.c.l.s4.s8 v2;
	v2 =	vimm.s32 $0xBA98FEDC  }
0x6: {  	v3 =	vunpack.c.l.s4.s8 v3;
	v4 =	vunpack.c.l.s4.s8 v4;
	v2 =	vunpack.c.l.s4.s8 v2  }
0x7: {  	s4 =	srdreg.scid;
	s3 =	stileid.u32;
	s12 =	simm.s32 $0x3;
	v5 =	vunpack.c.l.s4.s8 v5;
	v6 =	vunpack.c.l.s4.s8 v6;
	v7 =	vunpack.c.l.s4.s8 v7  }
0x8: {  	s13 =	simm.s32 $0x4000;
	s14 =	simm.s32 $0x1;
	s15 =	simm.s32 $0x2;
	v3 =	vunpack.c.0.s8.s32 v3;
	v4 =	vunpack.c.0.s8.s32 v4;
	v2 =	vunpack.c.0.s8.s32 v2  }
0x9: {  	s16 =	simm.s32 $0x8400;
	s6 =	sand.u32 $0x1, s4;
	s29 =	sshll.u32 s3, $0x1;
	v5 =	vunpack.c.0.s8.s32 v5;
	v6 =	vunpack.c.0.s8.s32 v6;
	v7 =	vunpack.c.0.s8.s32 v7  }
0xa: {  	vm0 =	vcmask $0x320;
	vm1 =	vcmask $0x720;
	s17 =	simm.s32 $0x0;
	s4 =	sadd.s32 $0x200, s5;
	s7 =	sor.u32 s6, s29;
	v2 =	vcombine.low v3, v2  }
.Ltmp0:
0xb: {  	s6 =	ssub.s32 $0x2, s6;
	v0 =	vunpack.c.0.s8.s32 v0;
	s8 =	sshll.u32 s7, $0x4;
	v3 =	vcombine.low v5, v4;
	v4 =	vcombine.low v7, v6;
	(pc) =	sbr.rel .LBB2_1-.Ltmp0, $4  }
0xc: {  	vm2 =	vcmask $0xB20;
	vm3 =	vcmask $0xF20;
	s30 =	sshrl.u32 s6, $0x1;
	s31 =	sshll.u32 s7, $0xF;
	s11 =	sshll.u32 s7, $0x12;
	v1 =	vunpack.c.0.s8.s32 v1  }
0xd: {  	vm4 =	vcmask $0x1320;
	vm5 =	vcmask $0x1720;
	s9 =	sadd.s32 s8, s5;
	s10 =	ssub.s32 s6, s30;
	s5 =	sadd.s32 s1, s31;
	v0 =	vand.u32 $0xF, v0  }
0xe: {  	vm6 =	vcmask $0x1B20;
	vm7 =	vmmov $0x1;
	s7 =	sor.u32 $0x8000, s11;
	s8 =	sor.u32 $0xC000, s11;
	s11 =	simm.s32 $0x8000;
	v0 =	vcombine.low v0, v1  }
0xf: {  	s6 =	sadd.s32 $0x800, s5;
	s9 =	sadd.s32 $0x400, s9;
	s10 =	smax.u32 s10, $0x1;
	v1 =	vand.u32 $0xF, v2;
	v2 =	vand.u32 $0xF, v3;
	v3 =	vand.u32 $0xF, v4;
	v4 =	vpop (erf)  }
.LBB2_8:
0x10: {  	v29 =	vperm.xlane v28, v0  }
0x11: {  	v30 =	vperm.xlane v27, v0;
	v32 =	vperm.xlane v26, v0  }
0x12: {  	v40 =	vperm.xlane v24, v0;
	v41 =	vperm.xlane v23, v0;
	v31 =	vmin.f32 v28, v29  }
0x13: {  	v42 =	vperm.xlane v25, v0;
	v43 =	vmax.f32 v28, v29;
	v44 =	vmax.f32 v27, v31  }
0x14: {  	v45 =	vmin.f32 v27, v31;
	v33 =	vperm.xlane v43, v1;
	v31 =	vperm.xlane v15, v0  }
0x15: {  	v46 =	vmin.f32 v44, v30;
	v47 =	vmax.f32 v26, v45;
	v48 =	vmax.f32 v44, v30  }
0x16: {  	v44 =	vmax.f32 v24, v40;
	v49 =	vmax.f32 v46, v32;
	v50 =	vperm.xlane v48, v1  }
0x17: {  	v51 =	vmin.f32 v43, v33;
	v28 =	vmax.f32 v43, v33;
	v43 =	vmin.f32 v24, v40  }
0x18: {  	v26 =	vmax.f32 v47, v49;
	v53 =	vmax.f32 v48, v51;
	v27 =	vmin.f32 v48, v51  }
0x19: {  	v33 =	vperm.xlane v28, v2;
	v45 =	vmin.f32 v23, v43;
	v49 =	vperm.xlane v44, v1  }
0x1a: {  	v46 =	vmax.f32 v23, v43;
	v43 =	vperm.xlane v22, v0;
	v52 =	vperm.xlane v26, v1  }
0x1b: {  	v54 =	vmin.f32 v53, v50;
	v26 =	vmax.f32 v26, v27;
	v55 =	vmax.f32 v53, v50  }
0x1c: {  	v47 =	vmax.f32 v25, v45;
	v48 =	vmin.f32 v46, v41;
	v23 =	vmax.f32 v46, v41  }
0x1d: {  	v46 =	vperm.xlane v20, v0;
	v57 =	vperm.xlane v55, v2;
	v58 =	vmin.f32 v28, v33  }
0x1e: {  	v28 =	vmax.f32 v28, v33;
	v50 =	vmax.f32 v48, v42;
	v51 =	vperm.xlane v23, v1  }
0x1f: {  	v24 =	vmax.f32 v44, v49;
	v45 =	vmin.f32 v22, v43;
	v56 =	vmax.f32 v54, v52  }
0x20: {  	v32 =	vmax.f32 v55, v58;
	v27 =	vmin.f32 v55, v58;
	v33 =	vperm.xlane v28, v3  }
0x21: {  	v25 =	vmax.f32 v47, v50;
	v52 =	vmin.f32 v44, v49;
	v44 =	vperm.xlane v21, v0  }
0x22: {  	v47 =	vmax.f32 v22, v43;
	v48 =	vmax.f32 v21, v45;
	v49 =	vmin.f32 v21, v45  }
0x23: {  	v26 =	vmax.f32 v26, v56;
	v60 =	vmin.f32 v32, v57;
	v61 =	vmax.f32 v32, v57  }
0x24: {  	v53 =	vperm.xlane v25, v1;
	v54 =	vmax.f32 v23, v52;
	v57 =	vperm.xlane v24, v2  }
0x25: {  	v23 =	vmin.f32 v23, v52;
	v30 =	vperm.xlane v47, v1;
	v59 =	vperm.xlane v26, v2  }
0x26: {  	v26 =	vmax.f32 v26, v27;
	v63 =	vperm.xlane v61, v3;
	v36 =	vmin.f32 v28, v33  }
0x27: {  	v28 =	vmax.f32 v28, v33;
	v55 =	vmin.f32 v54, v51;
	v23 =	vmax.f32 v25, v23  }
0x28: {  	v50 =	vmin.f32 v48, v44;
	v52 =	vmax.f32 v48, v44;
	v32 =	vmax.f32 v61, v36  }
0x29: {  	v27 =	vmin.f32 v61, v36;
	v28 =	vnsel vm7, $0x0, v28;
	v56 =	vmax.f32 v55, v53  }
0x2a: {  	v53 =	vmax.f32 v50, v46;
	v55 =	vmin.f32 v47, v30;
	v22 =	vmax.f32 v47, v30  }
0x2b: {  	v62 =	vmax.f32 v60, v59;
	v38 =	vmin.f32 v32, v63;
	v29 =	vmax.f32 v32, v63  }
0x2c: {  	v23 =	vmax.f32 v23, v56;
	v60 =	vmin.f32 v24, v57;
	v24 =	vmax.f32 v24, v57  }
0x2d: {  	v21 =	vmin.f32 v52, v55;
	v30 =	vperm.xlane v22, v2;
	v26 =	vmax.f32 v26, v62  }
0x2e: {  	v29 =	vnsel vm7, $0x0, v29;
	v59 =	vperm.xlane v23, v2;
	v63 =	vperm.xlane v24, v3  }
0x2f: {  	v37 =	vperm.xlane v26, v3;
	v26 =	vmax.f32 v26, v27;
	v27 =	vmax.f32 v54, v51  }
0x30: {  	v51 =	vmax.f32 v20, v49;
	v54 =	vperm.xlane v52, v1;
	v58 =	vperm.xlane v27, v2  }
0x31: {  	v61 =	vmin.f32 v27, v60;
	v27 =	vmax.f32 v27, v60;
	v20 =	vmax.f32 v51, v53  }
0x32: {  	v39 =	vmax.f32 v38, v37;
	v23 =	vmax.f32 v23, v61;
	v38 =	vmin.f32 v24, v63  }
0x33: {  	v24 =	vmax.f32 v24, v63;
	v56 =	vperm.xlane v20, v1;
	v20 =	vmax.f32 v20, v21  }
0x34: {  	v61 =	vmin.f32 v22, v30;
	v22 =	vmax.f32 v22, v30;
	v26 =	vmax.f32 v26, v39  }
0x35: {  	v62 =	vmin.f32 v27, v58;
	v25 =	vmax.f32 v27, v58;
	v24 =	vsel vm0, v28, v24  }
0x36: {  	v30 =	vperm.xlane v22, v3;
	v26 =	vnsel vm7, $0x0, v26;
	v36 =	vmax.f32 v62, v59  }
0x37: {  	v37 =	vperm.xlane v25, v3;
	v39 =	vmin.f32 v25, v38;
	v25 =	vmax.f32 v25, v38  }
0x38: {  	v23 =	vmax.f32 v23, v36;
	v36 =	vmin.f32 v22, v30;
	v22 =	vmax.f32 v22, v30  }
0x39: {  	v30 =	vperm.xlane v16, v0;
	v40 =	vperm.xlane v23, v3;
	v23 =	vmax.f32 v23, v39  }
0x3a: {  	v41 =	vmin.f32 v25, v37;
	v25 =	vmax.f32 v25, v37;
	v39 =	vperm.xlane v19, v0  }
0x3b: {  	v22 =	vsel vm1, v24, v22;
	v25 =	vsel vm0, v29, v25;
	v29 =	vmax.f32 v52, v55  }
0x3c: {  	v32 =	vmin.f32 v16, v30;
	v42 =	vmax.f32 v41, v40;
	v57 =	vmin.f32 v29, v54  }
0x3d: {  	v58 =	vmax.f32 v29, v54;
	v40 =	vperm.xlane v18, v0;
	v41 =	vmin.f32 v19, v39  }
0x3e: {  	v43 =	vmax.f32 v19, v39;
	v23 =	vmax.f32 v23, v42;
	v59 =	vmax.f32 v57, v56  }
0x3f: {  	v60 =	vperm.xlane v58, v2;
	v29 =	vmax.f32 v58, v61;
	v21 =	vmin.f32 v58, v61  }
0x40: {  	v42 =	vperm.xlane v17, v0;
	v44 =	vmax.f32 v18, v41;
	v45 =	vmin.f32 v18, v41  }
0x41: {  	v23 =	vsel vm0, v26, v23;
	v20 =	vmax.f32 v20, v59;
	v46 =	vmin.f32 v44, v40  }
0x42: {  	v47 =	vmax.f32 v17, v45;
	v48 =	vmax.f32 v44, v40;
	v62 =	vperm.xlane v20, v2  }
0x43: {  	v63 =	vmin.f32 v29, v60;
	v20 =	vmax.f32 v20, v21;
	v33 =	vmax.f32 v29, v60  }
0x44: {  	v49 =	vmax.f32 v46, v42;
	v50 =	vperm.xlane v48, v1;
	v35 =	vperm.xlane v33, v3  }
0x45: {  	v29 =	vmin.f32 v33, v36;
	v21 =	vmax.f32 v33, v36;
	v17 =	vmax.f32 v47, v49  }
0x46: {  	v33 =	vperm.xlane v14, v0;
	v36 =	vmin.f32 v15, v32;
	v34 =	vmax.f32 v63, v62  }
0x47: {  	v52 =	vperm.xlane v17, v1;
	v20 =	vmax.f32 v20, v34;
	v27 =	vmin.f32 v21, v35  }
0x48: {  	v21 =	vmax.f32 v21, v35;
	v35 =	vmax.f32 v15, v32;
	v37 =	vperm.xlane v20, v3  }
0x49: {  	v34 =	vmax.f32 v16, v30;
	v20 =	vmax.f32 v20, v29;
	v39 =	vmax.f32 v35, v31  }
0x4a: {  	v21 =	vsel vm1, v25, v21;
	v41 =	vperm.xlane v39, v1;
	v38 =	vmax.f32 v27, v37  }
0x4b: {  	v27 =	vperm.xlane v43, v1;
	v37 =	vmin.f32 v35, v31;
	v20 =	vmax.f32 v20, v38  }
0x4c: {  	v38 =	vmax.f32 v14, v36;
	v40 =	vmax.f32 v37, v33;
	v20 =	vsel vm1, v23, v20  }
0x4d: {  	v51 =	vmin.f32 v43, v27;
	v19 =	vmax.f32 v43, v27;
	v14 =	vmax.f32 v38, v40  }
0x4e: {  	v26 =	vmax.f32 v48, v51;
	v18 =	vmin.f32 v48, v51;
	v27 =	vperm.xlane v19, v2  }
0x4f: {  	v43 =	vperm.xlane v14, v1;
	v53 =	vmin.f32 v26, v50;
	v54 =	vmax.f32 v26, v50  }
0x50: {  	v17 =	vmax.f32 v17, v18;
	v55 =	vmax.f32 v53, v52;
	v56 =	vperm.xlane v54, v2  }
0x51: {  	v57 =	vmin.f32 v19, v27;
	v19 =	vmax.f32 v19, v27;
	v17 =	vmax.f32 v17, v55  }
0x52: {  	v26 =	vmax.f32 v54, v57;
	v18 =	vmin.f32 v54, v57;
	v27 =	vperm.xlane v19, v3  }
0x53: {  	v57 =	vperm.xlane v12, v0;
	v58 =	vperm.xlane v17, v2;
	v60 =	vmax.f32 v26, v56  }
0x54: {  	v59 =	vmin.f32 v26, v56;
	v17 =	vmax.f32 v17, v18;
	v62 =	vperm.xlane v60, v3  }
0x55: {  	v63 =	vmin.f32 v19, v27;
	v19 =	vmax.f32 v19, v27;
	v61 =	vmax.f32 v59, v58  }
0x56: {  	v26 =	vmin.f32 v60, v63;
	v18 =	vmax.f32 v60, v63;
	v19 =	vsel vm2, v22, v19  }
0x57: {  	v58 =	vperm.xlane v11, v0;
	v59 =	vmin.f32 v12, v57;
	v60 =	vperm.xlane v10, v0  }
0x58: {  	v17 =	vmax.f32 v17, v61;
	v24 =	vmin.f32 v18, v62;
	v18 =	vmax.f32 v18, v62  }
0x59: {  	v61 =	vmax.f32 v12, v57;
	v62 =	vmax.f32 v11, v59;
	v28 =	vperm.xlane v17, v3  }
0x5a: {  	v63 =	vmin.f32 v11, v59;
	v17 =	vmax.f32 v17, v26;
	v18 =	vsel vm2, v21, v18  }
0x5b: {  	v26 =	vmax.f32 v62, v58;
	v29 =	vmax.f32 v24, v28;
	v24 =	vperm.xlane v34, v1  }
0x5c: {  	v25 =	vmax.f32 v10, v63;
	v28 =	vperm.xlane v26, v1;
	v17 =	vmax.f32 v17, v29  }
0x5d: {  	v17 =	vsel vm2, v20, v17;
	v42 =	vmin.f32 v34, v24;
	v16 =	vmax.f32 v34, v24  }
0x5e: {  	v23 =	vmax.f32 v39, v42;
	v15 =	vmin.f32 v39, v42;
	v24 =	vperm.xlane v16, v2  }
0x5f: {  	v44 =	vmin.f32 v23, v41;
	v14 =	vmax.f32 v14, v15;
	v45 =	vmax.f32 v23, v41  }
0x60: {  	v46 =	vmax.f32 v44, v43;
	v47 =	vperm.xlane v45, v2;
	v48 =	vmin.f32 v16, v24  }
0x61: {  	v16 =	vmax.f32 v16, v24;
	v44 =	vperm.xlane v9, v0;
	v14 =	vmax.f32 v14, v46  }
0x62: {  	v23 =	vmax.f32 v45, v48;
	v15 =	vmin.f32 v45, v48;
	v24 =	vperm.xlane v16, v3  }
0x63: {  	v45 =	vperm.xlane v8, v0;
	v49 =	vperm.xlane v14, v2;
	v50 =	vmin.f32 v23, v47  }
0x64: {  	v14 =	vmax.f32 v14, v15;
	v51 =	vmax.f32 v23, v47;
	v46 =	vmin.f32 v9, v44  }
0x65: {  	v47 =	vperm.xlane v13, v0;
	v48 =	vmax.f32 v9, v44;
	v53 =	vperm.xlane v51, v3  }
0x66: {  	v54 =	vmin.f32 v16, v24;
	v16 =	vmax.f32 v16, v24;
	v24 =	vmin.f32 v62, v58  }
0x67: {  	v52 =	vmax.f32 v50, v49;
	v23 =	vmin.f32 v51, v54;
	v15 =	vmax.f32 v51, v54  }
0x68: {  	v16 =	vsel vm3, v19, v16;
	v27 =	vmax.f32 v24, v60;
	v49 =	vmax.f32 v8, v46  }
0x69: {  	v50 =	vmin.f32 v8, v46;
	v14 =	vmax.f32 v14, v52;
	v21 =	vmin.f32 v15, v53  }
0x6a: {  	v46 =	vld [tilespmem:$0x8000];
	v15 =	vmax.f32 v15, v53;
	v10 =	vmax.f32 v25, v27;
	v51 =	vmin.f32 v49, v45  }
0x6b: {  	v8 =	vmax.f32 v13, v50;
	v52 =	vmax.f32 v49, v45;
	v27 =	vperm.xlane v6, v0  }
0x6c: {  	v49 =	vld [tilespmem:$0x8080];
	v55 =	vperm.xlane v14, v3;
	v14 =	vmax.f32 v14, v23;
	v15 =	vsel vm3, v18, v15  }
0x6d: {  	v30 =	vperm.xlane v10, v1;
	v53 =	vmax.f32 v51, v47;
	v54 =	vperm.xlane v52, v1  }
0x6e: {  	v8 =	vmax.f32 v8, v53;
	v56 =	vmax.f32 v21, v55;
	v21 =	vperm.xlane v61, v1  }
0x6f: {  	v14 =	vmax.f32 v14, v56;
	v56 =	vperm.xlane v8, v1;
	v51 =	vshrl.u32 v46, $0x10  }
0x70: {  	v14 =	vsel vm3, v17, v14;
	v29 =	vmin.f32 v61, v21;
	v12 =	vmax.f32 v61, v21  }
0x71: {  	v53 =	vshrl.u32 v49, $0x10;
	v20 =	vmax.f32 v26, v29;
	v21 =	vperm.xlane v12, v2  }
0x72: {  	v11 =	vmin.f32 v26, v29;
	v26 =	vperm.xlane v7, v0;
	v29 =	vperm.xlane v5, v0  }
0x73: {  	v31 =	vmin.f32 v20, v28;
	v10 =	vmax.f32 v10, v11;
	v32 =	vmax.f32 v20, v28  }
0x74: {  	v33 =	vmax.f32 v31, v30;
	v34 =	vperm.xlane v32, v2;
	v35 =	vmin.f32 v12, v21  }
0x75: {  	v12 =	vmax.f32 v12, v21;
	v28 =	vmin.f32 v7, v26;
	v7 =	vmax.f32 v7, v26  }
0x76: {  	v10 =	vmax.f32 v10, v33;
	v20 =	vmax.f32 v32, v35;
	v11 =	vmin.f32 v32, v35  }
0x77: {  	v21 =	vperm.xlane v12, v3;
	v30 =	vmax.f32 v6, v28;
	v6 =	vmin.f32 v6, v28  }
0x78: {  	v36 =	vperm.xlane v10, v2;
	v37 =	vmin.f32 v20, v34;
	v10 =	vmax.f32 v10, v11  }
0x79: {  	v38 =	vmax.f32 v20, v34;
	v31 =	vmin.f32 v30, v27;
	v5 =	vmax.f32 v5, v6  }
0x7a: {  	v6 =	vmax.f32 v30, v27;
	v40 =	vperm.xlane v38, v3;
	v41 =	vmin.f32 v12, v21  }
0x7b: {  	v12 =	vmax.f32 v12, v21;
	v32 =	vmax.f32 v31, v29;
	v39 =	vmax.f32 v37, v36  }
0x7c: {  	v33 =	vperm.xlane v6, v1;
	v20 =	vmin.f32 v38, v41;
	v10 =	vmax.f32 v10, v39  }
0x7d: {  	v11 =	vmax.f32 v38, v41;
	v12 =	vsel vm4, v16, v12;
	v42 =	vperm.xlane v10, v3  }
0x7e: {  	v5 =	vmax.f32 v5, v32;
	v18 =	vmin.f32 v11, v40;
	v11 =	vmax.f32 v11, v40  }
0x7f: {  	v10 =	vmax.f32 v10, v20;
	v43 =	vmax.f32 v18, v42;
	v18 =	vperm.xlane v48, v1  }
0x80: {  	v35 =	vperm.xlane v5, v1;
	v11 =	vsel vm4, v15, v11;
	v10 =	vmax.f32 v10, v43  }
0x81: {  	v10 =	vsel vm4, v14, v10;
	v55 =	vmin.f32 v48, v18;
	v9 =	vmax.f32 v48, v18  }
0x82: {  	v17 =	vmax.f32 v52, v55;
	v13 =	vmin.f32 v52, v55;
	v18 =	vperm.xlane v9, v2  }
0x83: {  	v57 =	vmin.f32 v17, v54;
	v8 =	vmax.f32 v8, v13;
	v58 =	vmax.f32 v17, v54  }
0x84: {  	v59 =	vmax.f32 v57, v56;
	v60 =	vperm.xlane v58, v2;
	v61 =	vmin.f32 v9, v18  }
0x85: {  	v9 =	vmax.f32 v9, v18;
	v8 =	vmax.f32 v8, v59;
	v17 =	vmax.f32 v58, v61  }
0x86: {  	v54 =	vld [tilespmem:$0x8100];
	v13 =	vmin.f32 v58, v61;
	v18 =	vperm.xlane v9, v3;
	v62 =	vperm.xlane v8, v2  }
0x87: {  	v63 =	vmin.f32 v17, v60;
	v8 =	vmax.f32 v8, v13;
	v20 =	vmax.f32 v17, v60  }
0x88: {  	v57 =	vld [tilespmem:$0x8180];
	v22 =	vperm.xlane v20, v3;
	v23 =	vmin.f32 v9, v18;
	v21 =	vmax.f32 v63, v62  }
0x89: {  	v9 =	vmax.f32 v9, v18;
	v17 =	vmin.f32 v20, v23;
	v8 =	vmax.f32 v8, v21  }
0x8a: {  	v13 =	vmax.f32 v20, v23;
	v9 =	vsel vm5, v12, v9;
	v24 =	vperm.xlane v8, v3  }
0x8b: {  	v59 =	vshrl.u32 v54, $0x10;
	v15 =	vmin.f32 v13, v22;
	v13 =	vmax.f32 v13, v22  }
0x8c: {  	v8 =	vmax.f32 v8, v17;
	v25 =	vmax.f32 v15, v24;
	v15 =	vperm.xlane v7, v1  }
0x8d: {  	v61 =	vshrl.u32 v57, $0x10;
	v11 =	vsel vm5, v11, v13;
	v8 =	vmax.f32 v8, v25  }
0x8e: {  	v8 =	vsel vm5, v10, v8;
	v34 =	vmin.f32 v7, v15;
	v7 =	vmax.f32 v7, v15  }
0x8f: {  	v14 =	vmax.f32 v6, v34;
	v6 =	vmin.f32 v6, v34;
	v15 =	vperm.xlane v7, v2  }
0x90: {  	v36 =	vmin.f32 v14, v33;
	v5 =	vmax.f32 v5, v6;
	v6 =	vmax.f32 v14, v33  }
0x91: {  	v37 =	vmax.f32 v36, v35;
	v38 =	vperm.xlane v6, v2;
	v39 =	vmin.f32 v7, v15  }
0x92: {  	v7 =	vmax.f32 v7, v15;
	v5 =	vmax.f32 v5, v37;
	v14 =	vmax.f32 v6, v39  }
0x93: {  	v6 =	vmin.f32 v6, v39;
	v15 =	vperm.xlane v7, v3;
	v40 =	vperm.xlane v5, v2  }
0x94: {  	v41 =	vmin.f32 v14, v38;
	v5 =	vmax.f32 v5, v6;
	v6 =	vmax.f32 v14, v38  }
0x95: {  	v43 =	vperm.xlane v6, v3;
	v44 =	vmin.f32 v7, v15;
	v7 =	vmax.f32 v7, v15  }
0x96: {  	v42 =	vmax.f32 v41, v40;
	v14 =	vmin.f32 v6, v44;
	v6 =	vmax.f32 v6, v44  }
0x97: {  	v7 =	vsel vm6, v9, v7;
	v5 =	vmax.f32 v5, v42;
	v47 =	vmin.f32 v6, v43  }
0x98: {  	v6 =	vmax.f32 v6, v43;
	v48 =	vshrl.u32 v7, $0x10;
	v45 =	vperm.xlane v5, v3  }
0x99: {  	v5 =	vmax.f32 v5, v14;
	v6 =	vsel vm6, v11, v6;
	v10 =	vand.u32 $0x1, v48  }
0x9a: {  	v11 =	vand.u32 $0x1, v53;
	v50 =	vadd.f32 v6, v7;
	v7 =	vadd.s32 v10, v7  }
0x9b: {  	v52 =	vshrl.u32 v6, $0x10;
	v55 =	vadd.s32 v11, v49;
	v9 =	vmax.f32 v47, v45  }
0x9c: {  	v7 =	vadd.s32 $0x7FFF, v7;
	v10 =	vand.u32 $0x1, v52;
	v5 =	vmax.f32 v5, v9  }
0x9d: {  	v7 =	vand.u32 $0xFFFF0000, v7;
	v5 =	vsel vm6, v8, v5;
	v8 =	vand.u32 $0x1, v51  }
0x9e: {  	v6 =	vadd.s32 v10, v6;
	v10 =	vadd.s32 $0x7FFF, v55;
	v8 =	vadd.s32 v8, v46  }
0x9f: {  	v6 =	vadd.s32 $0x7FFF, v6;
	v10 =	vand.u32 $0xFFFF0000, v10;
	v8 =	vadd.s32 $0x7FFF, v8  }
0xa0: {  	v9 =	vadd.f32 v5, v50;
	v6 =	vand.u32 $0xFFFF0000, v6;
	v8 =	vand.u32 $0xFFFF0000, v8  }
0xa1: {  	v56 =	vshrl.u32 v5, $0x10;
	v6 =	vmul.f32 v6, v10;
	v7 =	vmul.f32 v8, v7  }
0xa2: {  	v11 =	vand.u32 $0x1, v56;
	v10 =	vand.u32 $0x1, v61;
	v58 =	vmul.f32 v9, v4  }
0xa3: {  	v5 =	vadd.s32 v11, v5;
	v6 =	vadd.f32 v6, v7;
	v7 =	vand.u32 $0x1, v59  }
0xa4: {  	v62 =	vadd.s32 v10, v57;
	v60 =	vshrl.u32 v58, $0x10;
	v7 =	vadd.s32 v7, v54  }
0xa5: {  	v5 =	vadd.s32 $0x7FFF, v5;
	v9 =	vand.u32 $0x1, v60;
	v7 =	vadd.s32 $0x7FFF, v7  }
0xa6: {  	v5 =	vand.u32 $0xFFFF0000, v5;
	v8 =	vadd.s32 v9, v58;
	v7 =	vand.u32 $0xFFFF0000, v7  }
0xa7: {  	v63 =	vadd.s32 $0x7FFF, v62;
	v5 =	vmul.f32 v5, v7;
	v7 =	vadd.s32 $0x7FFF, v8  }
0xa8: {  	v8 =	vand.u32 $0xFFFF0000, v63;
	v7 =	vand.u32 $0xFFFF0000, v7  }
0xa9: {  	v5 =	vadd.f32 v5, v6;
	v6 =	vmul.f32 v7, v8;
	_ =	sdelay $0x1  }
0xaa: {  	v5 =	vadd.f32 v6, v5;
	_ =	sdelay $0x1  }
0xab: {  	v6 =	vperm.xlane v5, v1;
	_ =	sdelay $0x1  }
0xac: {  	v5 =	vadd.f32 v5, v6;
	_ =	sdelay $0x1  }
0xad: {  	v6 =	vperm.xlane v5, v2;
	_ =	sdelay $0x1  }
0xae: {  	v5 =	vadd.f32 v5, v6;
	_ =	sdelay $0x1  }
0xaf: {  	v7 =	vld [tilespmem:$0x8200];
	v6 =	vperm.xlane v5, v3;
	_ =	sdelay $0x1  }
0xb0: {  	v5 =	vadd.f32 v5, v6;
	_ =	sdelay $0x1  }
0xb1: {  	v5 =	vnsel vm7, $0x0, v5  }
0xb2: {  	s17 =	sadd.s32 $0x1, s17;
	v5 =	vadd.f32 v5, v7  }
0xb3: {  	p0 =	sne.s32 s17, s10  }
.Ltmp1:
0xb4: {  	[tilespmem:$0x8400] =	vst v5;
	(pc) =	sbr.rel @!p0 .LBB2_9-.Ltmp1, $4  }
0xb5: {  	[hbm4b:s9+s2] =	stream.linear.scatter [tilespmem:s16], [sflag:$0x3], $0x80, $0x38;
	[tilespmem:$0x8480] =	vst v63  }
0xb6: {  	_ =	swait.ge [sflag:s12], $0x80  }
0xb7: {  	[sflag:s12] =	ssyncset.done $0x0  }
0xb8: {  	[sflag:s12] =	ssyncadd.s32 $0xFFFFFF80  }
.LBB2_1:
0xb9: {  	v5 =	vimm.f32 $-Inf;
	v6 =	vimm.f32 $-Inf;
	v7 =	vimm.f32 $-Inf  }
0xba: {  	[tilespmem:s11], [sflag:$0x3] =	stream.linear.gather [hbm4b:s4+s2], $0x280, $0x38;
	v13 =	vimm.f32 $-Inf;
	v8 =	vimm.f32 $-Inf;
	v9 =	vimm.f32 $-Inf;
	[tilespmem:$0x8480] =	vst v63  }
0xbb: {  	v10 =	vimm.f32 $-Inf;
	v11 =	vimm.f32 $-Inf;
	v12 =	vimm.f32 $-Inf;
	_ =	swait.ge [sflag:s12], $0x280  }
0xbc: {  	v14 =	vimm.f32 $-Inf;
	v15 =	vimm.f32 $-Inf;
	v16 =	vimm.f32 $-Inf;
	[sflag:s12] =	ssyncset.done $0x0  }
0xbd: {  	v17 =	vimm.f32 $-Inf;
	v18 =	vimm.f32 $-Inf;
	v19 =	vimm.f32 $-Inf;
	[sflag:s12] =	ssyncadd.s32 $0xFFFFFD80  }
0xbe: {  	v20 =	vimm.f32 $-Inf;
	v21 =	vimm.f32 $-Inf;
	v22 =	vimm.f32 $-Inf;
	[tilespmem:s2], [sflag:$0x1] =	stream.linear.gather [hbm4b:s5+s2], $0x4000, $0x38;
	[tilespmem:$0x8480] =	vst v63  }
0xbf: {  	v25 =	vimm.f32 $-Inf;
	v23 =	vimm.f32 $-Inf;
	v24 =	vimm.f32 $-Inf;
	s18 =	simm.s32 $0x0  }
0xc0: {  	v26 =	vimm.f32 $-Inf;
	v27 =	vimm.f32 $-Inf;
	v28 =	vimm.f32 $-Inf;
	[tilespmem:s13], [sflag:$0x2] =	stream.linear.gather [hbm4b:s6+s2], $0x4000, $0x38;
	[tilespmem:$0x8480] =	vst v63  }
.LBB2_2:
0xc1: {  	_ =	swait.ge [sflag:s14], $0x4000  }
0xc2: {  	[sflag:s14] =	ssyncset.done $0x0  }
0xc3: {  	s19 =	simm.s32 $0x0;
	[sflag:s14] =	ssyncadd.s32 $0xFFFFC000  }
.LBB2_3:
0xc4: {  	s20 =	sshra.s32 s19, $0x2  }
0xc5: {  	v29 =	vld [tilespmem:s20+$0x0]  }
0xc6: {  	v30 =	vld [tilespmem:s20+$0x10];
	_ =	sdelay $0x1  }
0xc7: {  	v31 =	vld [tilespmem:s20+$0x20];
	_ =	sdelay $0x1  }
0xc8: {  	v32 =	vmin.f32 v28, v29;
	v28 =	vmax.f32 v28, v29;
	v29 =	vld [tilespmem:s20+$0x30]  }
0xc9: {  	v34 =	vld [tilespmem:s20+$0x40];
	v33 =	vmin.f32 v27, v32;
	v27 =	vmax.f32 v27, v32;
	v56 =	vmin.f32 v28, v30  }
0xca: {  	v28 =	vmax.f32 v28, v30;
	v26 =	vmax.f32 v26, v33;
	v30 =	vmin.f32 v27, v56  }
0xcb: {  	v57 =	vld [tilespmem:s20+$0x50];
	v27 =	vmax.f32 v27, v56;
	v26 =	vmax.f32 v26, v30;
	v30 =	vmin.f32 v28, v31  }
0xcc: {  	v28 =	vmax.f32 v28, v31;
	v31 =	vmin.f32 v27, v30;
	v27 =	vmax.f32 v27, v30  }
0xcd: {  	v26 =	vmax.f32 v26, v31;
	v30 =	vmin.f32 v28, v29;
	v28 =	vmax.f32 v28, v29;
	v29 =	vld [tilespmem:s20+$0x60]  }
0xce: {  	v58 =	vld [tilespmem:s20+$0x70];
	v31 =	vmin.f32 v27, v30;
	v27 =	vmax.f32 v27, v30;
	v30 =	vmin.f32 v28, v34  }
0xcf: {  	v28 =	vmax.f32 v28, v34;
	v26 =	vmax.f32 v26, v31;
	v31 =	vmin.f32 v27, v30  }
0xd0: {  	v27 =	vmax.f32 v27, v30;
	v30 =	vmin.f32 v28, v57;
	v26 =	vmax.f32 v26, v31;
	v31 =	vld [tilespmem:s20+$0x80]  }
0xd1: {  	v28 =	vmax.f32 v28, v57;
	v59 =	vmin.f32 v27, v30;
	v27 =	vmax.f32 v27, v30  }
0xd2: {  	v26 =	vmax.f32 v26, v59;
	v30 =	vmin.f32 v28, v29;
	v28 =	vmax.f32 v28, v29;
	v29 =	vld [tilespmem:s20+$0x90]  }
0xd3: {  	v61 =	vld [tilespmem:s20+$0xA0];
	v60 =	vmin.f32 v27, v30;
	v27 =	vmax.f32 v27, v30;
	v30 =	vmin.f32 v28, v58  }
0xd4: {  	v28 =	vmax.f32 v28, v58;
	v26 =	vmax.f32 v26, v60;
	v62 =	vmin.f32 v27, v30  }
0xd5: {  	v63 =	vld [tilespmem:s20+$0xB0];
	v27 =	vmax.f32 v27, v30;
	v26 =	vmax.f32 v26, v62;
	v30 =	vmin.f32 v24, v31  }
0xd6: {  	v24 =	vmax.f32 v24, v31;
	v31 =	vmin.f32 v23, v30;
	v23 =	vmax.f32 v23, v30  }
0xd7: {  	v25 =	vmax.f32 v25, v31;
	v30 =	vmin.f32 v24, v29;
	v24 =	vmax.f32 v24, v29;
	v29 =	vld [tilespmem:s20+$0xC0]  }
0xd8: {  	v36 =	vld [tilespmem:s20+$0xD0];
	v31 =	vmin.f32 v23, v30;
	v23 =	vmax.f32 v23, v30;
	v30 =	vmin.f32 v24, v61  }
0xd9: {  	v24 =	vmax.f32 v24, v61;
	v25 =	vmax.f32 v25, v31;
	v31 =	vmin.f32 v23, v30  }
0xda: {  	v23 =	vmax.f32 v23, v30;
	v30 =	vmin.f32 v24, v63;
	v25 =	vmax.f32 v25, v31;
	v31 =	vld [tilespmem:s20+$0xE0]  }
0xdb: {  	v24 =	vmax.f32 v24, v63;
	v37 =	vmin.f32 v23, v30;
	v23 =	vmax.f32 v23, v30  }
0xdc: {  	v25 =	vmax.f32 v25, v37;
	v30 =	vmin.f32 v24, v29;
	v24 =	vmax.f32 v24, v29;
	v29 =	vld [tilespmem:s20+$0xF0]  }
0xdd: {  	v39 =	vld [tilespmem:s20+$0x100];
	v38 =	vmin.f32 v23, v30;
	v23 =	vmax.f32 v23, v30;
	v30 =	vmin.f32 v24, v36  }
0xde: {  	v24 =	vmax.f32 v24, v36;
	v25 =	vmax.f32 v25, v38;
	v40 =	vmin.f32 v23, v30  }
0xdf: {  	v41 =	vld [tilespmem:s20+$0x110];
	v23 =	vmax.f32 v23, v30;
	v25 =	vmax.f32 v25, v40;
	v30 =	vmin.f32 v24, v31  }
0xe0: {  	v24 =	vmax.f32 v24, v31;
	v31 =	vmin.f32 v23, v30;
	v23 =	vmax.f32 v23, v30  }
0xe1: {  	v25 =	vmax.f32 v25, v31;
	v30 =	vmin.f32 v24, v29;
	v24 =	vmax.f32 v24, v29;
	v29 =	vld [tilespmem:s20+$0x120]  }
0xe2: {  	v42 =	vld [tilespmem:s20+$0x130];
	v31 =	vmin.f32 v23, v30;
	v23 =	vmax.f32 v23, v30;
	v30 =	vmin.f32 v22, v39  }
0xe3: {  	v22 =	vmax.f32 v22, v39;
	v25 =	vmax.f32 v25, v31;
	v31 =	vmin.f32 v21, v30  }
0xe4: {  	v21 =	vmax.f32 v21, v30;
	v30 =	vmin.f32 v22, v41;
	v20 =	vmax.f32 v20, v31;
	v31 =	vld [tilespmem:s20+$0x140]  }
0xe5: {  	v22 =	vmax.f32 v22, v41;
	v43 =	vmin.f32 v21, v30;
	v21 =	vmax.f32 v21, v30  }
0xe6: {  	v20 =	vmax.f32 v20, v43;
	v30 =	vmin.f32 v22, v29;
	v22 =	vmax.f32 v22, v29;
	v29 =	vld [tilespmem:s20+$0x150]  }
0xe7: {  	v45 =	vld [tilespmem:s20+$0x160];
	v44 =	vmin.f32 v21, v30;
	v21 =	vmax.f32 v21, v30;
	v30 =	vmin.f32 v22, v42  }
0xe8: {  	v22 =	vmax.f32 v22, v42;
	v20 =	vmax.f32 v20, v44;
	v46 =	vmin.f32 v21, v30  }
0xe9: {  	v47 =	vld [tilespmem:s20+$0x170];
	v21 =	vmax.f32 v21, v30;
	v20 =	vmax.f32 v20, v46;
	v30 =	vmin.f32 v22, v31  }
0xea: {  	v22 =	vmax.f32 v22, v31;
	v31 =	vmin.f32 v21, v30;
	v21 =	vmax.f32 v21, v30  }
0xeb: {  	v20 =	vmax.f32 v20, v31;
	v30 =	vmin.f32 v22, v29;
	v22 =	vmax.f32 v22, v29;
	v29 =	vld [tilespmem:s20+$0x180]  }
0xec: {  	v48 =	vld [tilespmem:s20+$0x190];
	v31 =	vmin.f32 v21, v30;
	v21 =	vmax.f32 v21, v30;
	v30 =	vmin.f32 v22, v45  }
0xed: {  	v22 =	vmax.f32 v22, v45;
	v20 =	vmax.f32 v20, v31;
	v31 =	vmin.f32 v21, v30  }
0xee: {  	v21 =	vmax.f32 v21, v30;
	v30 =	vmin.f32 v22, v47;
	v20 =	vmax.f32 v20, v31;
	v31 =	vld [tilespmem:s20+$0x1A0]  }
0xef: {  	v22 =	vmax.f32 v22, v47;
	v49 =	vmin.f32 v21, v30;
	v21 =	vmax.f32 v21, v30  }
0xf0: {  	v20 =	vmax.f32 v20, v49;
	v30 =	vmin.f32 v19, v29;
	v19 =	vmax.f32 v19, v29;
	v29 =	vld [tilespmem:s20+$0x1B0]  }
0xf1: {  	v51 =	vld [tilespmem:s20+$0x1C0];
	v50 =	vmin.f32 v18, v30;
	v18 =	vmax.f32 v18, v30;
	v30 =	vmin.f32 v19, v48  }
0xf2: {  	v19 =	vmax.f32 v19, v48;
	v17 =	vmax.f32 v17, v50;
	v52 =	vmin.f32 v18, v30  }
0xf3: {  	v53 =	vld [tilespmem:s20+$0x1D0];
	v18 =	vmax.f32 v18, v30;
	v17 =	vmax.f32 v17, v52;
	v30 =	vmin.f32 v19, v31  }
0xf4: {  	v19 =	vmax.f32 v19, v31;
	v31 =	vmin.f32 v18, v30;
	v18 =	vmax.f32 v18, v30  }
0xf5: {  	v17 =	vmax.f32 v17, v31;
	v30 =	vmin.f32 v19, v29;
	v19 =	vmax.f32 v19, v29;
	v29 =	vld [tilespmem:s20+$0x1E0]  }
0xf6: {  	v54 =	vld [tilespmem:s20+$0x1F0];
	v31 =	vmin.f32 v18, v30;
	v18 =	vmax.f32 v18, v30;
	v30 =	vmin.f32 v19, v51  }
0xf7: {  	v19 =	vmax.f32 v19, v51;
	v17 =	vmax.f32 v17, v31;
	v31 =	vmin.f32 v18, v30  }
0xf8: {  	v18 =	vmax.f32 v18, v30;
	v30 =	vmin.f32 v19, v53;
	v17 =	vmax.f32 v17, v31;
	v31 =	vld [tilespmem:s20+$0x200]  }
0xf9: {  	v19 =	vmax.f32 v19, v53;
	v55 =	vmin.f32 v18, v30;
	v18 =	vmax.f32 v18, v30  }
0xfa: {  	v17 =	vmax.f32 v17, v55;
	v30 =	vmin.f32 v19, v29;
	v19 =	vmax.f32 v19, v29;
	v29 =	vld [tilespmem:s20+$0x210]  }
0xfb: {  	v57 =	vld [tilespmem:s20+$0x220];
	v56 =	vmin.f32 v18, v30;
	v18 =	vmax.f32 v18, v30;
	v30 =	vmin.f32 v19, v54  }
0xfc: {  	v19 =	vmax.f32 v19, v54;
	v17 =	vmax.f32 v17, v56;
	v58 =	vmin.f32 v18, v30  }
0xfd: {  	v59 =	vld [tilespmem:s20+$0x230];
	v18 =	vmax.f32 v18, v30;
	v17 =	vmax.f32 v17, v58;
	v30 =	vmin.f32 v16, v31  }
0xfe: {  	v16 =	vmax.f32 v16, v31;
	v31 =	vmin.f32 v15, v30;
	v15 =	vmax.f32 v15, v30  }
0xff: {  	v14 =	vmax.f32 v14, v31;
	v30 =	vmin.f32 v16, v29;
	v16 =	vmax.f32 v16, v29;
	v29 =	vld [tilespmem:s20+$0x240]  }
0x100: {  	v60 =	vld [tilespmem:s20+$0x250];
	v31 =	vmin.f32 v15, v30;
	v15 =	vmax.f32 v15, v30;
	v30 =	vmin.f32 v16, v57  }
0x101: {  	v16 =	vmax.f32 v16, v57;
	v14 =	vmax.f32 v14, v31;
	v31 =	vmin.f32 v15, v30  }
0x102: {  	v15 =	vmax.f32 v15, v30;
	v30 =	vmin.f32 v16, v59;
	v14 =	vmax.f32 v14, v31;
	v31 =	vld [tilespmem:s20+$0x260]  }
0x103: {  	v16 =	vmax.f32 v16, v59;
	v61 =	vmin.f32 v15, v30;
	v15 =	vmax.f32 v15, v30  }
0x104: {  	v14 =	vmax.f32 v14, v61;
	v30 =	vmin.f32 v16, v29;
	v16 =	vmax.f32 v16, v29;
	v29 =	vld [tilespmem:s20+$0x270]  }
0x105: {  	v63 =	vld [tilespmem:s20+$0x280];
	v62 =	vmin.f32 v15, v30;
	v15 =	vmax.f32 v15, v30;
	v30 =	vmin.f32 v16, v60  }
0x106: {  	v16 =	vmax.f32 v16, v60;
	v14 =	vmax.f32 v14, v62;
	v36 =	vmin.f32 v15, v30  }
0x107: {  	v37 =	vld [tilespmem:s20+$0x290];
	v15 =	vmax.f32 v15, v30;
	v14 =	vmax.f32 v14, v36;
	v30 =	vmin.f32 v16, v31  }
0x108: {  	v16 =	vmax.f32 v16, v31;
	v31 =	vmin.f32 v15, v30;
	v15 =	vmax.f32 v15, v30  }
0x109: {  	v14 =	vmax.f32 v14, v31;
	v30 =	vmin.f32 v16, v29;
	v16 =	vmax.f32 v16, v29;
	v29 =	vld [tilespmem:s20+$0x2A0]  }
0x10a: {  	v38 =	vld [tilespmem:s20+$0x2B0];
	v31 =	vmin.f32 v15, v30;
	v15 =	vmax.f32 v15, v30;
	v30 =	vmin.f32 v12, v63  }
0x10b: {  	v12 =	vmax.f32 v12, v63;
	v14 =	vmax.f32 v14, v31;
	v31 =	vmin.f32 v11, v30  }
0x10c: {  	v11 =	vmax.f32 v11, v30;
	v30 =	vmin.f32 v12, v37;
	v10 =	vmax.f32 v10, v31;
	v31 =	vld [tilespmem:s20+$0x2C0]  }
0x10d: {  	v12 =	vmax.f32 v12, v37;
	v39 =	vmin.f32 v11, v30;
	v11 =	vmax.f32 v11, v30  }
0x10e: {  	v10 =	vmax.f32 v10, v39;
	v30 =	vmin.f32 v12, v29;
	v12 =	vmax.f32 v12, v29;
	v29 =	vld [tilespmem:s20+$0x2D0]  }
0x10f: {  	v41 =	vld [tilespmem:s20+$0x2E0];
	v40 =	vmin.f32 v11, v30;
	v11 =	vmax.f32 v11, v30;
	v30 =	vmin.f32 v12, v38  }
0x110: {  	v12 =	vmax.f32 v12, v38;
	v10 =	vmax.f32 v10, v40;
	v42 =	vmin.f32 v11, v30  }
0x111: {  	v43 =	vld [tilespmem:s20+$0x2F0];
	v11 =	vmax.f32 v11, v30;
	v10 =	vmax.f32 v10, v42;
	v30 =	vmin.f32 v12, v31  }
0x112: {  	v12 =	vmax.f32 v12, v31;
	v31 =	vmin.f32 v11, v30;
	v11 =	vmax.f32 v11, v30  }
0x113: {  	v10 =	vmax.f32 v10, v31;
	v30 =	vmin.f32 v12, v29;
	v12 =	vmax.f32 v12, v29;
	v29 =	vld [tilespmem:s20+$0x300]  }
0x114: {  	v44 =	vld [tilespmem:s20+$0x310];
	v31 =	vmin.f32 v11, v30;
	v11 =	vmax.f32 v11, v30;
	v30 =	vmin.f32 v12, v41  }
0x115: {  	v12 =	vmax.f32 v12, v41;
	v10 =	vmax.f32 v10, v31;
	v31 =	vmin.f32 v11, v30  }
0x116: {  	v11 =	vmax.f32 v11, v30;
	v30 =	vmin.f32 v12, v43;
	v10 =	vmax.f32 v10, v31;
	v31 =	vld [tilespmem:s20+$0x320]  }
0x117: {  	v12 =	vmax.f32 v12, v43;
	v45 =	vmin.f32 v11, v30;
	v11 =	vmax.f32 v11, v30  }
0x118: {  	v10 =	vmax.f32 v10, v45;
	v30 =	vmin.f32 v9, v29;
	v9 =	vmax.f32 v9, v29;
	v29 =	vld [tilespmem:s20+$0x330]  }
0x119: {  	v47 =	vld [tilespmem:s20+$0x340];
	v46 =	vmin.f32 v8, v30;
	v8 =	vmax.f32 v8, v30;
	v30 =	vmin.f32 v9, v44  }
0x11a: {  	v9 =	vmax.f32 v9, v44;
	v13 =	vmax.f32 v13, v46;
	v48 =	vmin.f32 v8, v30  }
0x11b: {  	v49 =	vld [tilespmem:s20+$0x350];
	v8 =	vmax.f32 v8, v30;
	v13 =	vmax.f32 v13, v48;
	v30 =	vmin.f32 v9, v31  }
0x11c: {  	v9 =	vmax.f32 v9, v31;
	v31 =	vmin.f32 v8, v30;
	v8 =	vmax.f32 v8, v30  }
0x11d: {  	v13 =	vmax.f32 v13, v31;
	v30 =	vmin.f32 v9, v29;
	v9 =	vmax.f32 v9, v29;
	v29 =	vld [tilespmem:s20+$0x360]  }
0x11e: {  	v50 =	vld [tilespmem:s20+$0x370];
	v31 =	vmin.f32 v8, v30;
	v8 =	vmax.f32 v8, v30;
	v30 =	vmin.f32 v9, v47  }
0x11f: {  	v9 =	vmax.f32 v9, v47;
	v13 =	vmax.f32 v13, v31;
	v31 =	vmin.f32 v8, v30  }
0x120: {  	v8 =	vmax.f32 v8, v30;
	v30 =	vmin.f32 v9, v49;
	v13 =	vmax.f32 v13, v31;
	v31 =	vld [tilespmem:s20+$0x380]  }
0x121: {  	v9 =	vmax.f32 v9, v49;
	v51 =	vmin.f32 v8, v30;
	v8 =	vmax.f32 v8, v30;
	v30 =	vld [tilespmem:s20+$0x390]  }
0x122: {  	v13 =	vmax.f32 v13, v51;
	v52 =	vmin.f32 v9, v29;
	v9 =	vmax.f32 v9, v29  }
0x123: {  	v54 =	vld [tilespmem:s20+$0x3A0];
	v29 =	vmin.f32 v8, v52;
	v8 =	vmax.f32 v8, v52;
	v53 =	vmin.f32 v9, v50  }
0x124: {  	v9 =	vmax.f32 v9, v50;
	v13 =	vmax.f32 v13, v29;
	v29 =	vmin.f32 v8, v53  }
0x125: {  	v8 =	vmax.f32 v8, v53;
	v55 =	vmin.f32 v7, v31;
	v7 =	vmax.f32 v7, v31;
	v31 =	vld [tilespmem:s20+$0x3B0]  }
0x126: {  	v35 =	vld [tilespmem:s20+$0x3C0];
	v56 =	vmin.f32 v6, v55;
	v6 =	vmax.f32 v6, v55;
	v57 =	vmin.f32 v7, v30  }
0x127: {  	v7 =	vmax.f32 v7, v30;
	v5 =	vmax.f32 v5, v56;
	v30 =	vmin.f32 v6, v57  }
0x128: {  	v58 =	vld [tilespmem:s20+$0x3D0];
	v6 =	vmax.f32 v6, v57;
	v5 =	vmax.f32 v5, v30;
	v30 =	vmin.f32 v7, v54  }
0x129: {  	v7 =	vmax.f32 v7, v54;
	v59 =	vmin.f32 v6, v30;
	v6 =	vmax.f32 v6, v30  }
0x12a: {  	v5 =	vmax.f32 v5, v59;
	v30 =	vmin.f32 v7, v31;
	v7 =	vmax.f32 v7, v31;
	v31 =	vld [tilespmem:s20+$0x3E0]  }
0x12b: {  	v61 =	vld [tilespmem:s20+$0x3F0];
	v60 =	vmin.f32 v6, v30;
	v6 =	vmax.f32 v6, v30;
	v30 =	vmin.f32 v7, v35  }
0x12c: {  	v7 =	vmax.f32 v7, v35;
	v5 =	vmax.f32 v5, v60;
	v62 =	vmin.f32 v6, v30  }
0x12d: {  	p0 =	sne.s32 s19, $0xF000;
	v6 =	vmax.f32 v6, v30;
	v30 =	vmin.f32 v7, v58;
	v7 =	vmax.f32 v7, v58  }
.Ltmp2:
0x12e: {  	v5 =	vmax.f32 v5, v62;
	v63 =	vmin.f32 v6, v30;
	v6 =	vmax.f32 v6, v30;
	(pc) =	sbr.rel @p0 .LBB2_3-.Ltmp2, $4  }
0x12f: {  	v5 =	vmax.f32 v5, v63;
	v30 =	vmin.f32 v7, v31;
	v7 =	vmax.f32 v7, v31  }
0x130: {  	v31 =	vmin.f32 v6, v30;
	v6 =	vmax.f32 v6, v30;
	v30 =	vmin.f32 v7, v61  }
0x131: {  	v13 =	vmax.f32 v13, v29;
	v5 =	vmax.f32 v5, v31;
	v29 =	vmin.f32 v6, v30  }
0x132: {  	s19 =	sadd.s32 $0x1000, s19;
	v7 =	vmax.f32 v7, v61;
	v6 =	vmax.f32 v6, v30;
	v5 =	vmax.f32 v5, v29  }
0x133: {  	s19 =	sshll.u32 s18, $0xF;
	p0 =	seq.s32 s18, $0x7  }
0x134: {  	s20 =	sadd.s32 @!p0 s19, s7  }
0x135: {  	s20 =	sshrl.u32 @!p0 s20, $0x3  }
0x136: {  	s21 =	simm.s32 @!p0 $0x0;
	s20 =	sadd.s32 @!p0 s1, s20  }
0x137: {  	[tilespmem:s21], [sflag:$0x1] =	stream.linear.gather @!p0 [hbm4b:s20+s21], $0x4000, $0x38;
	[tilespmem:$0x8480] =	vst v63  }
0x138: {  	_ =	swait.ge [sflag:s15], $0x4000  }
0x139: {  	[sflag:s15] =	ssyncset.done $0x0  }
0x13a: {  	s20 =	simm.s32 $0x0;
	[sflag:s15] =	ssyncadd.s32 $0xFFFFC000  }
.LBB2_5:
0x13b: {  	s21 =	sshra.s32 s20, $0x2  }
0x13c: {  	v29 =	vld [tilespmem:s21+$0x4000]  }
0x13d: {  	v30 =	vld [tilespmem:s21+$0x4010];
	_ =	sdelay $0x1  }
0x13e: {  	v31 =	vld [tilespmem:s21+$0x4020];
	_ =	sdelay $0x1  }
0x13f: {  	v32 =	vmin.f32 v28, v29;
	v28 =	vmax.f32 v28, v29;
	v29 =	vld [tilespmem:s21+$0x4030]  }
0x140: {  	v34 =	vld [tilespmem:s21+$0x4040];
	v33 =	vmin.f32 v27, v32;
	v27 =	vmax.f32 v27, v32;
	v56 =	vmin.f32 v28, v30  }
0x141: {  	v28 =	vmax.f32 v28, v30;
	v26 =	vmax.f32 v26, v33;
	v30 =	vmin.f32 v27, v56  }
0x142: {  	v57 =	vld [tilespmem:s21+$0x4050];
	v27 =	vmax.f32 v27, v56;
	v26 =	vmax.f32 v26, v30;
	v30 =	vmin.f32 v28, v31  }
0x143: {  	v28 =	vmax.f32 v28, v31;
	v31 =	vmin.f32 v27, v30;
	v27 =	vmax.f32 v27, v30  }
0x144: {  	v26 =	vmax.f32 v26, v31;
	v30 =	vmin.f32 v28, v29;
	v28 =	vmax.f32 v28, v29;
	v29 =	vld [tilespmem:s21+$0x4060]  }
0x145: {  	v58 =	vld [tilespmem:s21+$0x4070];
	v31 =	vmin.f32 v27, v30;
	v27 =	vmax.f32 v27, v30;
	v30 =	vmin.f32 v28, v34  }
0x146: {  	v28 =	vmax.f32 v28, v34;
	v26 =	vmax.f32 v26, v31;
	v31 =	vmin.f32 v27, v30  }
0x147: {  	v27 =	vmax.f32 v27, v30;
	v30 =	vmin.f32 v28, v57;
	v26 =	vmax.f32 v26, v31;
	v31 =	vld [tilespmem:s21+$0x4080]  }
0x148: {  	v28 =	vmax.f32 v28, v57;
	v59 =	vmin.f32 v27, v30;
	v27 =	vmax.f32 v27, v30  }
0x149: {  	v26 =	vmax.f32 v26, v59;
	v30 =	vmin.f32 v28, v29;
	v28 =	vmax.f32 v28, v29;
	v29 =	vld [tilespmem:s21+$0x4090]  }
0x14a: {  	v61 =	vld [tilespmem:s21+$0x40A0];
	v60 =	vmin.f32 v27, v30;
	v27 =	vmax.f32 v27, v30;
	v30 =	vmin.f32 v28, v58  }
0x14b: {  	v28 =	vmax.f32 v28, v58;
	v26 =	vmax.f32 v26, v60;
	v62 =	vmin.f32 v27, v30  }
0x14c: {  	v63 =	vld [tilespmem:s21+$0x40B0];
	v27 =	vmax.f32 v27, v30;
	v26 =	vmax.f32 v26, v62;
	v30 =	vmin.f32 v24, v31  }
0x14d: {  	v24 =	vmax.f32 v24, v31;
	v31 =	vmin.f32 v23, v30;
	v23 =	vmax.f32 v23, v30  }
0x14e: {  	v25 =	vmax.f32 v25, v31;
	v30 =	vmin.f32 v24, v29;
	v24 =	vmax.f32 v24, v29;
	v29 =	vld [tilespmem:s21+$0x40C0]  }
0x14f: {  	v36 =	vld [tilespmem:s21+$0x40D0];
	v31 =	vmin.f32 v23, v30;
	v23 =	vmax.f32 v23, v30;
	v30 =	vmin.f32 v24, v61  }
0x150: {  	v24 =	vmax.f32 v24, v61;
	v25 =	vmax.f32 v25, v31;
	v31 =	vmin.f32 v23, v30  }
0x151: {  	v23 =	vmax.f32 v23, v30;
	v30 =	vmin.f32 v24, v63;
	v25 =	vmax.f32 v25, v31;
	v31 =	vld [tilespmem:s21+$0x40E0]  }
0x152: {  	v24 =	vmax.f32 v24, v63;
	v37 =	vmin.f32 v23, v30;
	v23 =	vmax.f32 v23, v30  }
0x153: {  	v25 =	vmax.f32 v25, v37;
	v30 =	vmin.f32 v24, v29;
	v24 =	vmax.f32 v24, v29;
	v29 =	vld [tilespmem:s21+$0x40F0]  }
0x154: {  	v39 =	vld [tilespmem:s21+$0x4100];
	v38 =	vmin.f32 v23, v30;
	v23 =	vmax.f32 v23, v30;
	v30 =	vmin.f32 v24, v36  }
0x155: {  	v24 =	vmax.f32 v24, v36;
	v25 =	vmax.f32 v25, v38;
	v40 =	vmin.f32 v23, v30  }
0x156: {  	v41 =	vld [tilespmem:s21+$0x4110];
	v23 =	vmax.f32 v23, v30;
	v25 =	vmax.f32 v25, v40;
	v30 =	vmin.f32 v24, v31  }
0x157: {  	v24 =	vmax.f32 v24, v31;
	v31 =	vmin.f32 v23, v30;
	v23 =	vmax.f32 v23, v30  }
0x158: {  	v25 =	vmax.f32 v25, v31;
	v30 =	vmin.f32 v24, v29;
	v24 =	vmax.f32 v24, v29;
	v29 =	vld [tilespmem:s21+$0x4120]  }
0x159: {  	v42 =	vld [tilespmem:s21+$0x4130];
	v31 =	vmin.f32 v23, v30;
	v23 =	vmax.f32 v23, v30;
	v30 =	vmin.f32 v22, v39  }
0x15a: {  	v22 =	vmax.f32 v22, v39;
	v25 =	vmax.f32 v25, v31;
	v31 =	vmin.f32 v21, v30  }
0x15b: {  	v21 =	vmax.f32 v21, v30;
	v30 =	vmin.f32 v22, v41;
	v20 =	vmax.f32 v20, v31;
	v31 =	vld [tilespmem:s21+$0x4140]  }
0x15c: {  	v22 =	vmax.f32 v22, v41;
	v43 =	vmin.f32 v21, v30;
	v21 =	vmax.f32 v21, v30  }
0x15d: {  	v20 =	vmax.f32 v20, v43;
	v30 =	vmin.f32 v22, v29;
	v22 =	vmax.f32 v22, v29;
	v29 =	vld [tilespmem:s21+$0x4150]  }
0x15e: {  	v45 =	vld [tilespmem:s21+$0x4160];
	v44 =	vmin.f32 v21, v30;
	v21 =	vmax.f32 v21, v30;
	v30 =	vmin.f32 v22, v42  }
0x15f: {  	v22 =	vmax.f32 v22, v42;
	v20 =	vmax.f32 v20, v44;
	v46 =	vmin.f32 v21, v30  }
0x160: {  	v47 =	vld [tilespmem:s21+$0x4170];
	v21 =	vmax.f32 v21, v30;
	v20 =	vmax.f32 v20, v46;
	v30 =	vmin.f32 v22, v31  }
0x161: {  	v22 =	vmax.f32 v22, v31;
	v31 =	vmin.f32 v21, v30;
	v21 =	vmax.f32 v21, v30  }
0x162: {  	v20 =	vmax.f32 v20, v31;
	v30 =	vmin.f32 v22, v29;
	v22 =	vmax.f32 v22, v29;
	v29 =	vld [tilespmem:s21+$0x4180]  }
0x163: {  	v48 =	vld [tilespmem:s21+$0x4190];
	v31 =	vmin.f32 v21, v30;
	v21 =	vmax.f32 v21, v30;
	v30 =	vmin.f32 v22, v45  }
0x164: {  	v22 =	vmax.f32 v22, v45;
	v20 =	vmax.f32 v20, v31;
	v31 =	vmin.f32 v21, v30  }
0x165: {  	v21 =	vmax.f32 v21, v30;
	v30 =	vmin.f32 v22, v47;
	v20 =	vmax.f32 v20, v31;
	v31 =	vld [tilespmem:s21+$0x41A0]  }
0x166: {  	v22 =	vmax.f32 v22, v47;
	v49 =	vmin.f32 v21, v30;
	v21 =	vmax.f32 v21, v30  }
0x167: {  	v20 =	vmax.f32 v20, v49;
	v30 =	vmin.f32 v19, v29;
	v19 =	vmax.f32 v19, v29;
	v29 =	vld [tilespmem:s21+$0x41B0]  }
0x168: {  	v51 =	vld [tilespmem:s21+$0x41C0];
	v50 =	vmin.f32 v18, v30;
	v18 =	vmax.f32 v18, v30;
	v30 =	vmin.f32 v19, v48  }
0x169: {  	v19 =	vmax.f32 v19, v48;
	v17 =	vmax.f32 v17, v50;
	v52 =	vmin.f32 v18, v30  }
0x16a: {  	v53 =	vld [tilespmem:s21+$0x41D0];
	v18 =	vmax.f32 v18, v30;
	v17 =	vmax.f32 v17, v52;
	v30 =	vmin.f32 v19, v31  }
0x16b: {  	v19 =	vmax.f32 v19, v31;
	v31 =	vmin.f32 v18, v30;
	v18 =	vmax.f32 v18, v30  }
0x16c: {  	v17 =	vmax.f32 v17, v31;
	v30 =	vmin.f32 v19, v29;
	v19 =	vmax.f32 v19, v29;
	v29 =	vld [tilespmem:s21+$0x41E0]  }
0x16d: {  	v54 =	vld [tilespmem:s21+$0x41F0];
	v31 =	vmin.f32 v18, v30;
	v18 =	vmax.f32 v18, v30;
	v30 =	vmin.f32 v19, v51  }
0x16e: {  	v19 =	vmax.f32 v19, v51;
	v17 =	vmax.f32 v17, v31;
	v31 =	vmin.f32 v18, v30  }
0x16f: {  	v18 =	vmax.f32 v18, v30;
	v30 =	vmin.f32 v19, v53;
	v17 =	vmax.f32 v17, v31;
	v31 =	vld [tilespmem:s21+$0x4200]  }
0x170: {  	v19 =	vmax.f32 v19, v53;
	v55 =	vmin.f32 v18, v30;
	v18 =	vmax.f32 v18, v30  }
0x171: {  	v17 =	vmax.f32 v17, v55;
	v30 =	vmin.f32 v19, v29;
	v19 =	vmax.f32 v19, v29;
	v29 =	vld [tilespmem:s21+$0x4210]  }
0x172: {  	v57 =	vld [tilespmem:s21+$0x4220];
	v56 =	vmin.f32 v18, v30;
	v18 =	vmax.f32 v18, v30;
	v30 =	vmin.f32 v19, v54  }
0x173: {  	v19 =	vmax.f32 v19, v54;
	v17 =	vmax.f32 v17, v56;
	v58 =	vmin.f32 v18, v30  }
0x174: {  	v59 =	vld [tilespmem:s21+$0x4230];
	v18 =	vmax.f32 v18, v30;
	v17 =	vmax.f32 v17, v58;
	v30 =	vmin.f32 v16, v31  }
0x175: {  	v16 =	vmax.f32 v16, v31;
	v31 =	vmin.f32 v15, v30;
	v15 =	vmax.f32 v15, v30  }
0x176: {  	v14 =	vmax.f32 v14, v31;
	v30 =	vmin.f32 v16, v29;
	v16 =	vmax.f32 v16, v29;
	v29 =	vld [tilespmem:s21+$0x4240]  }
0x177: {  	v60 =	vld [tilespmem:s21+$0x4250];
	v31 =	vmin.f32 v15, v30;
	v15 =	vmax.f32 v15, v30;
	v30 =	vmin.f32 v16, v57  }
0x178: {  	v16 =	vmax.f32 v16, v57;
	v14 =	vmax.f32 v14, v31;
	v31 =	vmin.f32 v15, v30  }
0x179: {  	v15 =	vmax.f32 v15, v30;
	v30 =	vmin.f32 v16, v59;
	v14 =	vmax.f32 v14, v31;
	v31 =	vld [tilespmem:s21+$0x4260]  }
0x17a: {  	v16 =	vmax.f32 v16, v59;
	v61 =	vmin.f32 v15, v30;
	v15 =	vmax.f32 v15, v30  }
0x17b: {  	v14 =	vmax.f32 v14, v61;
	v30 =	vmin.f32 v16, v29;
	v16 =	vmax.f32 v16, v29;
	v29 =	vld [tilespmem:s21+$0x4270]  }
0x17c: {  	v63 =	vld [tilespmem:s21+$0x4280];
	v62 =	vmin.f32 v15, v30;
	v15 =	vmax.f32 v15, v30;
	v30 =	vmin.f32 v16, v60  }
0x17d: {  	v16 =	vmax.f32 v16, v60;
	v14 =	vmax.f32 v14, v62;
	v36 =	vmin.f32 v15, v30  }
0x17e: {  	v37 =	vld [tilespmem:s21+$0x4290];
	v15 =	vmax.f32 v15, v30;
	v14 =	vmax.f32 v14, v36;
	v30 =	vmin.f32 v16, v31  }
0x17f: {  	v16 =	vmax.f32 v16, v31;
	v31 =	vmin.f32 v15, v30;
	v15 =	vmax.f32 v15, v30  }
0x180: {  	v14 =	vmax.f32 v14, v31;
	v30 =	vmin.f32 v16, v29;
	v16 =	vmax.f32 v16, v29;
	v29 =	vld [tilespmem:s21+$0x42A0]  }
0x181: {  	v38 =	vld [tilespmem:s21+$0x42B0];
	v31 =	vmin.f32 v15, v30;
	v15 =	vmax.f32 v15, v30;
	v30 =	vmin.f32 v12, v63  }
0x182: {  	v12 =	vmax.f32 v12, v63;
	v14 =	vmax.f32 v14, v31;
	v31 =	vmin.f32 v11, v30  }
0x183: {  	v11 =	vmax.f32 v11, v30;
	v30 =	vmin.f32 v12, v37;
	v10 =	vmax.f32 v10, v31;
	v31 =	vld [tilespmem:s21+$0x42C0]  }
0x184: {  	v12 =	vmax.f32 v12, v37;
	v39 =	vmin.f32 v11, v30;
	v11 =	vmax.f32 v11, v30  }
0x185: {  	v10 =	vmax.f32 v10, v39;
	v30 =	vmin.f32 v12, v29;
	v12 =	vmax.f32 v12, v29;
	v29 =	vld [tilespmem:s21+$0x42D0]  }
0x186: {  	v41 =	vld [tilespmem:s21+$0x42E0];
	v40 =	vmin.f32 v11, v30;
	v11 =	vmax.f32 v11, v30;
	v30 =	vmin.f32 v12, v38  }
0x187: {  	v12 =	vmax.f32 v12, v38;
	v10 =	vmax.f32 v10, v40;
	v42 =	vmin.f32 v11, v30  }
0x188: {  	v43 =	vld [tilespmem:s21+$0x42F0];
	v11 =	vmax.f32 v11, v30;
	v10 =	vmax.f32 v10, v42;
	v30 =	vmin.f32 v12, v31  }
0x189: {  	v12 =	vmax.f32 v12, v31;
	v31 =	vmin.f32 v11, v30;
	v11 =	vmax.f32 v11, v30  }
0x18a: {  	v10 =	vmax.f32 v10, v31;
	v30 =	vmin.f32 v12, v29;
	v12 =	vmax.f32 v12, v29;
	v29 =	vld [tilespmem:s21+$0x4300]  }
0x18b: {  	v44 =	vld [tilespmem:s21+$0x4310];
	v31 =	vmin.f32 v11, v30;
	v11 =	vmax.f32 v11, v30;
	v30 =	vmin.f32 v12, v41  }
0x18c: {  	v12 =	vmax.f32 v12, v41;
	v10 =	vmax.f32 v10, v31;
	v31 =	vmin.f32 v11, v30  }
0x18d: {  	v11 =	vmax.f32 v11, v30;
	v30 =	vmin.f32 v12, v43;
	v10 =	vmax.f32 v10, v31;
	v31 =	vld [tilespmem:s21+$0x4320]  }
0x18e: {  	v12 =	vmax.f32 v12, v43;
	v45 =	vmin.f32 v11, v30;
	v11 =	vmax.f32 v11, v30  }
0x18f: {  	v10 =	vmax.f32 v10, v45;
	v30 =	vmin.f32 v9, v29;
	v9 =	vmax.f32 v9, v29;
	v29 =	vld [tilespmem:s21+$0x4330]  }
0x190: {  	v47 =	vld [tilespmem:s21+$0x4340];
	v46 =	vmin.f32 v8, v30;
	v8 =	vmax.f32 v8, v30;
	v30 =	vmin.f32 v9, v44  }
0x191: {  	v9 =	vmax.f32 v9, v44;
	v13 =	vmax.f32 v13, v46;
	v48 =	vmin.f32 v8, v30  }
0x192: {  	v49 =	vld [tilespmem:s21+$0x4350];
	v8 =	vmax.f32 v8, v30;
	v13 =	vmax.f32 v13, v48;
	v30 =	vmin.f32 v9, v31  }
0x193: {  	v9 =	vmax.f32 v9, v31;
	v31 =	vmin.f32 v8, v30;
	v8 =	vmax.f32 v8, v30  }
0x194: {  	v13 =	vmax.f32 v13, v31;
	v30 =	vmin.f32 v9, v29;
	v9 =	vmax.f32 v9, v29;
	v29 =	vld [tilespmem:s21+$0x4360]  }
0x195: {  	v50 =	vld [tilespmem:s21+$0x4370];
	v31 =	vmin.f32 v8, v30;
	v8 =	vmax.f32 v8, v30;
	v30 =	vmin.f32 v9, v47  }
0x196: {  	v9 =	vmax.f32 v9, v47;
	v13 =	vmax.f32 v13, v31;
	v31 =	vmin.f32 v8, v30  }
0x197: {  	v8 =	vmax.f32 v8, v30;
	v30 =	vmin.f32 v9, v49;
	v13 =	vmax.f32 v13, v31;
	v31 =	vld [tilespmem:s21+$0x4380]  }
0x198: {  	v9 =	vmax.f32 v9, v49;
	v51 =	vmin.f32 v8, v30;
	v8 =	vmax.f32 v8, v30;
	v30 =	vld [tilespmem:s21+$0x4390]  }
0x199: {  	v13 =	vmax.f32 v13, v51;
	v52 =	vmin.f32 v9, v29;
	v9 =	vmax.f32 v9, v29  }
0x19a: {  	v54 =	vld [tilespmem:s21+$0x43A0];
	v29 =	vmin.f32 v8, v52;
	v8 =	vmax.f32 v8, v52;
	v53 =	vmin.f32 v9, v50  }
0x19b: {  	v9 =	vmax.f32 v9, v50;
	v13 =	vmax.f32 v13, v29;
	v29 =	vmin.f32 v8, v53  }
0x19c: {  	v8 =	vmax.f32 v8, v53;
	v55 =	vmin.f32 v7, v31;
	v7 =	vmax.f32 v7, v31;
	v31 =	vld [tilespmem:s21+$0x43B0]  }
0x19d: {  	v35 =	vld [tilespmem:s21+$0x43C0];
	v56 =	vmin.f32 v6, v55;
	v6 =	vmax.f32 v6, v55;
	v57 =	vmin.f32 v7, v30  }
0x19e: {  	v7 =	vmax.f32 v7, v30;
	v5 =	vmax.f32 v5, v56;
	v30 =	vmin.f32 v6, v57  }
0x19f: {  	v58 =	vld [tilespmem:s21+$0x43D0];
	v6 =	vmax.f32 v6, v57;
	v5 =	vmax.f32 v5, v30;
	v30 =	vmin.f32 v7, v54  }
0x1a0: {  	v7 =	vmax.f32 v7, v54;
	v59 =	vmin.f32 v6, v30;
	v6 =	vmax.f32 v6, v30  }
0x1a1: {  	v5 =	vmax.f32 v5, v59;
	v30 =	vmin.f32 v7, v31;
	v7 =	vmax.f32 v7, v31;
	v31 =	vld [tilespmem:s21+$0x43E0]  }
0x1a2: {  	v61 =	vld [tilespmem:s21+$0x43F0];
	v60 =	vmin.f32 v6, v30;
	v6 =	vmax.f32 v6, v30;
	v30 =	vmin.f32 v7, v35  }
0x1a3: {  	v7 =	vmax.f32 v7, v35;
	v5 =	vmax.f32 v5, v60;
	v62 =	vmin.f32 v6, v30  }
0x1a4: {  	p1 =	sne.s32 s20, $0xF000;
	v6 =	vmax.f32 v6, v30;
	v30 =	vmin.f32 v7, v58;
	v7 =	vmax.f32 v7, v58  }
.Ltmp3:
0x1a5: {  	v5 =	vmax.f32 v5, v62;
	v63 =	vmin.f32 v6, v30;
	v6 =	vmax.f32 v6, v30;
	(pc) =	sbr.rel @p1 .LBB2_5-.Ltmp3, $4  }
0x1a6: {  	v5 =	vmax.f32 v5, v63;
	v30 =	vmin.f32 v7, v31;
	v7 =	vmax.f32 v7, v31  }
0x1a7: {  	v31 =	vmin.f32 v6, v30;
	v6 =	vmax.f32 v6, v30;
	v30 =	vmin.f32 v7, v61  }
0x1a8: {  	v13 =	vmax.f32 v13, v29;
	v5 =	vmax.f32 v5, v31;
	v29 =	vmin.f32 v6, v30  }
0x1a9: {  	s20 =	sadd.s32 $0x1000, s20;
	v7 =	vmax.f32 v7, v61;
	v6 =	vmax.f32 v6, v30;
	v5 =	vmax.f32 v5, v29  }
.Ltmp4:
0x1aa: {  	(pc) =	sbr.rel @p0 .LBB2_8-.Ltmp4, $1  }
0x1ab: {  	_ =	sdelay $0x3  }
.Ltmp5:
0x1ac: {  	(pc) =	sbr.rel .LBB2_2-.Ltmp5, $4  }
0x1ad: {  	s19 =	sadd.s32 s19, s8  }
0x1ae: {  	s19 =	sshrl.u32 s19, $0x3  }
0x1af: {  	s18 =	sadd.s32 $0x1, s18;
	s19 =	sadd.s32 s1, s19  }
0x1b0: {  	[tilespmem:s13], [sflag:$0x2] =	stream.linear.gather [hbm4b:s19+s2], $0x4000, $0x38;
	[tilespmem:$0x8480] =	vst v63  }
.LBB2_9:
0x1b1: {  	_ =	sfence.sel $0x180000  }
0x1b2: {  	[bflag:$0x0] =	sbarrier.arrive $0xFFFF  }
0x1b3: {  	p0 =	sne.s32 s3, $0x0;
	_ =	strace $0x90000047  }
0x1b4: {  	s0 =	sadd.s32 @!p0 $0x100000, s0;
	[bflag:$0x2] =	sbarrier.arrive $0xFFFF  }
0x1b5: {  	[sflag:s0] =	ssyncadd.tile.s32 @!p0 $0x1;
	_ =	shalt  }
.Lfunc_end2:
_tile_overlayer_lowered:
.L_overlay_start_2:
0x1b6: {  	(tag) =	ssettag $0x2  }
0x1b7: {  	s0 =	rddreg [dreg:$0x0];
	s2 =	stileid.u32  }
0x1b8: {  	s1 =	rddreg [dreg:$0x1];
	p0 =	sne.s32 s2, $0x0  }
0x1b9: {  	s3 =	rddreg [dreg:$0x2];
	[bflag:$0x3] =	sbarrier.arrive $0xFFFF;
	s2 =	simm.s32 @!p0 $0x1C04  }
0x1ba: {  	[timem:s3], [sflag:s2] =	dma.local @!p0 [hbm:s0], s1  }
0x1bb: {  	s0 =	simm.s32 @!p0 $0x4  }
0x1bc: {  	_ =	swait.ge @!p0 [sflag:s0], s1  }
0x1bd: {  	s1 =	ssub.s32 @!p0 $0x0, s1;
	[sflag:s0] =	ssyncset.done @!p0 $0x0  }
0x1be: {  	[sflag:s0] =	ssyncadd.s32 @!p0 s1  }
0x1bf: {  	[bflag:$0x3] =	sbarrier.arrive $0xFFFF  }
0x1c0: {  	_ =	shalt  }

</sc_bundles>
